<compile_context>
chip_gen: v7x
topology: tpu7x:2x2x1
jax: 0.10.2.dev20260603
libtpu: 0.0.44.dev20260713+nightly
codegen_flags: <defaults>
</compile_context>

<pallas_src>
import functools

import jax
import jax.numpy as jnp
from jax import lax
from jax.experimental import pallas as pl
from jax.experimental.pallas import tpu as pltpu
from jax.experimental.pallas import tpu_sc as plsc

N_NODES = 10000
N_PAD = 10240
N_EDGES = 160000
NS = 16
EPT = N_EDGES // NS
ECH = 2000
NCHK = EPT // ECH
CV = ECH // 16
EBUF = 2048
NCH = N_PAD // NS
NV = NCH // 16


def _rsqrt(a, iters=3):
    i = lax.bitcast_convert_type(a, jnp.int32)
    i = jnp.int32(0x5F3759DF) - lax.shift_right_arithmetic(i, 1)
    y = lax.bitcast_convert_type(i, jnp.float32)
    h = a * 0.5
    for _ in range(iters):
        y = y * (1.5 - h * y * y)
    return y


def _loss_body(vr_h, vi_h, pld_h, qld_h, src_h, dst_h, ep_h, r_h, x_h, out_h,
               vr_v, vi_v, net_v, pacc_v, qacc_v,
               srcb0, srcb1, dstb0, dstb1, epb0, epb1, rb0, rb1, xb0, xb1,
               tnet, tpac, tqac, snet, spac, sqac, plc, qlc,
               scal_v, tscal, res_v, sem0, sem1,
               sh_net, sh_pacc, sh_qacc, sh_scal):
    sid = lax.axis_index("s")
    cid = lax.axis_index("c")
    zer = jnp.zeros((16,), jnp.float32)
    lane = lax.iota(jnp.int32, 16)
    bufs = ((srcb0, dstb0, epb0, rb0, xb0), (srcb1, dstb1, epb1, rb1, xb1))
    sems = (sem0, sem1)
    srcs = (src_h, dst_h, ep_h, r_h, x_h)
    ebase = sid * EPT

    def chunk_copies(c):
        par = c % 2
        lo = ebase + c * ECH
        return [
            pltpu.make_async_copy(srcs[k].at[pl.ds(lo, ECH)],
                                  bufs[par][k].at[pl.ds(0, ECH)], sems[par])
            for k in range(5)
        ]

    for cp in chunk_copies(0):
        cp.start()
    pltpu.sync_copy(vr_h, vr_v.at[pl.ds(0, N_NODES)])
    pltpu.sync_copy(vi_h, vi_v.at[pl.ds(0, N_NODES)])

    @plsc.parallel_loop(0, (N_PAD - N_NODES) // 16, 1, unroll=5)
    def _(i):
        sl_ = pl.ds(N_NODES + i * 16, 16)
        vr_v[sl_] = zer
        vi_v[sl_] = zer

    @plsc.parallel_loop(0, N_PAD // 16, 1, unroll=8)
    def _(i):
        sl_ = pl.ds(i * 16, 16)
        net_v[sl_] = zer
        pacc_v[sl_] = zer
        qacc_v[sl_] = zer

    carry = (zer,) * 7

    for c in range(NCHK):
        if c + 1 < NCHK:
            for cp in chunk_copies(c + 1):
                cp.start()
        for cp in chunk_copies(c):
            cp.wait()
        srcb, dstb, epb, rb, xb = bufs[c % 2]

        @plsc.parallel_loop(0, CV, 1, unroll=5, carry=carry)
        def ebody(i, carry):
            a_d, a_d2, a_w, a_wr, a_wx, a_wr2, a_wx2 = carry
            sl_ = pl.ds(i * 16, 16)
            sidx = srcb[sl_]
            didx = dstb[sl_]
            p = epb[sl_]
            r = rb[sl_]
            x = xb[sl_]
            vrs = plsc.load_gather(vr_v, [sidx])
            vis = plsc.load_gather(vi_v, [sidx])
            vrd = plsc.load_gather(vr_v, [didx])
            vid = plsc.load_gather(vi_v, [didx])
            dre = vrs - vrd
            dim = vis - vid
            a = dre * dre + dim * dim
            rp = r + 1e-6
            b = rp * rp + x * x
            num_mag = a * _rsqrt(a, iters=2)
            cur = num_mag * _rsqrt(b, iters=2)
            flow = cur * p
            drops = num_mag * p
            a_d = a_d + drops
            a_d2 = a_d2 + drops * drops
            wr = p * r
            wx = p * x
            a_w = a_w + p
            a_wr = a_wr + wr
            a_wx = a_wx + wx
            a_wr2 = a_wr2 + wr * r
            a_wx2 = a_wx2 + wx * x
            vm2 = vrs * vrs + vis * vis
            t = vm2 * p
            pf = t / rp
            qf = t / (x + 1e-6)
            not_self = sidx != didx
            plsc.addupdate_scatter(net_v, [didx], flow)
            plsc.addupdate_scatter(net_v, [sidx], -flow)
            plsc.addupdate_scatter(pacc_v, [sidx], pf)
            plsc.addupdate_scatter(pacc_v, [didx], pf, mask=not_self)
            plsc.addupdate_scatter(qacc_v, [sidx], qf)
            plsc.addupdate_scatter(qacc_v, [didx], qf, mask=not_self)
            return (a_d, a_d2, a_w, a_wr, a_wx, a_wr2, a_wx2)

        carry = ebody

    for k in range(7):
        scal_v[pl.ds(k * 16, 16)] = carry[k]

    pltpu.sync_copy(net_v, sh_net.at[sid])
    pltpu.sync_copy(pacc_v, sh_pacc.at[sid])
    pltpu.sync_copy(qacc_v, sh_qacc.at[sid])
    nbase = sid * NCH

    @pl.when(sid < NS - 1)
    def _():
        pltpu.sync_copy(pld_h.at[pl.ds(nbase, NCH)], plc)
        pltpu.sync_copy(qld_h.at[pl.ds(nbase, NCH)], qlc)

    @pl.when(sid == NS - 1)
    def _():
        tail = N_NODES - (NS - 1) * NCH
        pltpu.sync_copy(pld_h.at[pl.ds(N_NODES - tail, tail)],
                        plc.at[pl.ds(0, tail)])
        pltpu.sync_copy(qld_h.at[pl.ds(N_NODES - tail, tail)],
                        qlc.at[pl.ds(0, tail)])
        for i in range((NCH - tail) // 16):
            plc[pl.ds(tail + i * 16, 16)] = zer
            qlc[pl.ds(tail + i * 16, 16)] = zer

    plsc.subcore_barrier()

    pltpu.sync_copy(sh_net.at[0, pl.ds(nbase, NCH)], snet)
    pltpu.sync_copy(sh_pacc.at[0, pl.ds(nbase, NCH)], spac)
    pltpu.sync_copy(sh_qacc.at[0, pl.ds(nbase, NCH)], sqac)

    def tbody(t, c):
        pltpu.sync_copy(sh_net.at[t, pl.ds(nbase, NCH)], tnet)
        pltpu.sync_copy(sh_pacc.at[t, pl.ds(nbase, NCH)], tpac)
        pltpu.sync_copy(sh_qacc.at[t, pl.ds(nbase, NCH)], tqac)

        @plsc.parallel_loop(0, NV, 1, unroll=8)
        def _(v):
            s2 = pl.ds(v * 16, 16)
            snet[s2] = snet[s2] + tnet[s2]
            spac[s2] = spac[s2] + tpac[s2]
            sqac[s2] = sqac[s2] + tqac[s2]
        return c
    lax.fori_loop(1, NS, tbody, 0)

    @plsc.parallel_loop(0, NV, 1, unroll=4, carry=(zer, zer, zer))
    def nres(v, carry):
        a_n2, a_pb, a_vv = carry
        s2 = pl.ds(v * 16, 16)
        net = snet[s2]
        pa = spac[s2]
        qa = sqac[s2]
        a_n2 = a_n2 + net * net
        gidx = nbase + v * 16 + lane
        valid = jnp.where(gidx < N_NODES, 1.0, 0.0)
        off = nbase + v * 16
        vrn = vr_v[pl.ds(off, 16)]
        vin = vi_v[pl.ds(off, 16)]
        pbal = plc[s2] + pa
        qbal = qlc[s2] + qa
        a_pb = a_pb + pbal * pbal + qbal * qbal
        am = vrn * vrn + vin * vin
        vm = am * _rsqrt(am)
        lo = jnp.maximum(0.95 - vm, 0.0)
        hi = jnp.maximum(vm - 1.05, 0.0)
        a_vv = a_vv + (lo * lo + hi * hi) * valid
        return (a_n2, a_pb, a_vv)

    n2s, pbs, vvs = nres
    scal_v[pl.ds(7 * 16, 16)] = n2s
    scal_v[pl.ds(8 * 16, 16)] = pbs
    scal_v[pl.ds(9 * 16, 16)] = vvs
    pltpu.sync_copy(scal_v.at[pl.ds(0, 160)], sh_scal.at[pl.ds(sid * 160, 160)])
    plsc.subcore_barrier()

    @pl.when(jnp.logical_and(sid == 0, cid == 0))
    def _():
        def sbody(t, carry):
            pltpu.sync_copy(sh_scal.at[pl.ds(t * 160, 160)], tscal)
            return tuple(
                carry[k] + tscal[pl.ds(k * 16, 16)] for k in range(10)
            )
        tots = lax.fori_loop(0, NS, sbody, (zer,) * 10)

        def tot(k):
            return jnp.full((16,), jnp.sum(tots[k]), jnp.float32)
        sd, sd2, sw, swr, swx, swr2, swx2, sn2, spb, svv = (
            tot(k) for k in range(10))

        kcl = sn2 * (1.0 / N_NODES)
        denom = sw + 1e-6
        mr = swr / denom
        mx = swx / denom
        varr = swr2 - 2.0 * mr * swr + mr * mr * sw
        varx = swx2 - 2.0 * mx * swx + mx * mx * sw
        param_c = 0.5 * (varr + varx)
        volt_c = (sd2 - sd * sd * (1.0 / N_EDGES)) * (1.0 / (N_EDGES - 1))
        power = (spb + svv) * (1.0 / N_NODES)
        ssub = sw - jnp.float32(N_NODES - 1)
        radial = ssub * ssub + 0.1 * (sw * (1.0 / N_EDGES))
        total = kcl + param_c + volt_c + power + radial
        res_v[...] = total
        pltpu.sync_copy(res_v, out_h)


@functools.cache
def _build():
    mesh = plsc.VectorSubcoreMesh(core_axis_name="c", subcore_axis_name="s",
                                  num_cores=1)
    f32 = jnp.float32
    i32 = jnp.int32
    return functools.partial(
        pl.kernel,
        out_type=jax.ShapeDtypeStruct((16,), f32),
        mesh=mesh,
        compiler_params=pltpu.CompilerParams(needs_layout_passes=False),
        scratch_types=[
            pltpu.VMEM((N_PAD,), f32),
            pltpu.VMEM((N_PAD,), f32),
            pltpu.VMEM((N_PAD,), f32),
            pltpu.VMEM((N_PAD,), f32),
            pltpu.VMEM((N_PAD,), f32),
            pltpu.VMEM((EBUF,), i32),
            pltpu.VMEM((EBUF,), i32),
            pltpu.VMEM((EBUF,), i32),
            pltpu.VMEM((EBUF,), i32),
            pltpu.VMEM((EBUF,), f32),
            pltpu.VMEM((EBUF,), f32),
            pltpu.VMEM((EBUF,), f32),
            pltpu.VMEM((EBUF,), f32),
            pltpu.VMEM((EBUF,), f32),
            pltpu.VMEM((EBUF,), f32),
            pltpu.VMEM((NCH,), f32),
            pltpu.VMEM((NCH,), f32),
            pltpu.VMEM((NCH,), f32),
            pltpu.VMEM((NCH,), f32),
            pltpu.VMEM((NCH,), f32),
            pltpu.VMEM((NCH,), f32),
            pltpu.VMEM((NCH,), f32),
            pltpu.VMEM((NCH,), f32),
            pltpu.VMEM((160,), f32),
            pltpu.VMEM((160,), f32),
            pltpu.VMEM((16,), f32),
            pltpu.SemaphoreType.DMA,
            pltpu.SemaphoreType.DMA,
            pltpu.VMEM_SHARED((NS, N_PAD), f32),
            pltpu.VMEM_SHARED((NS, N_PAD), f32),
            pltpu.VMEM_SHARED((NS, N_PAD), f32),
            pltpu.VMEM_SHARED((NS * 160,), f32),
        ],
    )(_loss_body)


def kernel(node_features, edge_index, edge_probs, edge_params):
    vr = node_features[:, 0]
    vi = node_features[:, 1]
    pld = node_features[:, 2]
    qld = node_features[:, 3]
    src = edge_index[0]
    dst = edge_index[1]
    r = edge_params[:, 0]
    x = edge_params[:, 1]
    out = _build()(vr, vi, pld, qld, src, dst, edge_probs, r, x)
    return out[0]

# --- scband reference (transcript-rebuilt; emitter-appended) ---
"""Pipeline reference for scband-physics-constrained-loss-38010460570140 (READ-ONLY COPY).

The authoritative reference and input builder live on the scoring server;
editing this copy changes nothing except your own understanding.
"""

import jax, jax.numpy as jnp
import numpy as np

N_NODES = 10000
N_EDGES = 160000


def setup_inputs(seed: int = 0) -> dict:
    key = jax.random.key(seed)
    k1, k2, k3, k4 = jax.random.split(key, 4)
    node_features = jax.random.normal(k1, (N_NODES, 4), dtype=jnp.float32)
    # int32 used for portability on CPU jax without x64; values in [0, N_NODES)
    edge_index = jax.random.randint(k2, (2, N_EDGES), 0, N_NODES, dtype=jnp.int32)
    edge_probs = jax.random.uniform(k3, (N_EDGES,), dtype=jnp.float32)
    edge_params = jax.random.uniform(k4, (N_EDGES, 2), dtype=jnp.float32)
    return {"node_features": node_features, "edge_index": edge_index, "edge_probs": edge_probs, "edge_params": edge_params}


def _physics_loss(node_features, edge_index, edge_probs, edge_params):
    n_nodes = node_features.shape[0]
    src = edge_index[0]
    dst = edge_index[1]
    vr = node_features[:, 0]
    vi = node_features[:, 1]
    R = edge_params[:, 0]
    X = edge_params[:, 1]

    # ---- Kirchhoff Current Law ----
    # current per edge: |(V_src - V_dst) / (Z + 1e-6)| where Z = R + jX, 1e-6 added to real part
    dre = vr[src] - vr[dst]
    dim_ = vi[src] - vi[dst]
    num_mag = jnp.sqrt(dre ** 2 + dim_ ** 2)
    den_mag = jnp.sqrt((R + 1e-6) ** 2 + X ** 2)
    cur = num_mag / den_mag
    flow = cur * edge_probs
    # node gets +flow for each incoming edge (node==dst), -flow for each outgoing (node==src)
    net = jnp.zeros((n_nodes,), dtype=node_features.dtype)
    net = net.at[dst].add(flow)
    net = net.at[src].add(-flow)
    kcl_loss = jnp.mean(net ** 2)

    # ---- Kirchhoff Voltage Law (parameter + voltage-drop consistency) ----
    w = edge_probs[:, None]
    mean_params = (edge_params * w).sum(axis=0) / (w.sum() + 1e-6)
    param_variance = (((edge_params - mean_params) ** 2) * w).sum(axis=0)
    param_consistency = param_variance.mean()
    drops = num_mag * edge_probs
    voltage_consistency = jnp.var(drops, ddof=1)  # torch.var unbiased default
    kvl_loss = param_consistency + voltage_consistency

    # ---- Power flow consistency ----
    vmag_src = jnp.sqrt(vr[src] ** 2 + vi[src] ** 2)
    pf = (vmag_src ** 2 / (R + 1e-6)) * edge_probs
    qf = (vmag_src ** 2 / (X + 1e-6)) * edge_probs
    # each node connected as src OR dst accumulates the edge flow; self-loop counted once
    self_loop = (src == dst)
    pf_dst = jnp.where(self_loop, 0.0, pf)
    qf_dst = jnp.where(self_loop, 0.0, qf)
    pacc = jnp.zeros((n_nodes,), dtype=node_features.dtype).at[src].add(pf).at[dst].add(pf_dst)
    qacc = jnp.zeros((n_nodes,), dtype=node_features.dtype).at[src].add(qf).at[dst].add(qf_dst)
    p_load = node_features[:, 2]
    q_load = node_features[:, 3]
    power_balance = jnp.mean((p_load + pacc) ** 2 + (q_load + qacc) ** 2)
    vmag = jnp.sqrt(vr ** 2 + vi ** 2)
    lower_viol = jax.nn.relu(0.95 - vmag)
    upper_viol = jax.nn.relu(vmag - 1.05)
    vmag_loss = jnp.mean(lower_viol ** 2 + upper_viol ** 2)
    power_loss = power_balance + vmag_loss

    # ---- Radiality constraint ----
    expected_edges = n_nodes - 1
    edge_count_loss = (edge_probs.sum() - expected_edges) ** 2
    sparsity_loss = edge_probs.mean()
    radial_loss = 1.0 * edge_count_loss + 0.1 * sparsity_loss

    return kcl_loss + kvl_loss + power_loss + radial_loss


def reference(node_features, edge_index, edge_probs, edge_params):
    return _physics_loss(node_features, edge_index, edge_probs, edge_params)

if __name__ == "__main__":
    import jax
    _d = setup_inputs()
    print(jax.jit(kernel)(*tuple(_d.values())))

</pallas_src>

<mosaic_0001>
#map = affine_map<(d0, d1) -> (0)>
module attributes {stable_mosaic.version = 14 : i64} {
  func.func @_loss_body(%arg0: i32, %arg1: i32, %arg2: memref<10000xf32, #tpu.memory_space<hbm>>, %arg3: memref<10000xf32, #tpu.memory_space<hbm>>, %arg4: memref<10000xf32, #tpu.memory_space<hbm>>, %arg5: memref<10000xf32, #tpu.memory_space<hbm>>, %arg6: memref<160000xi32, #tpu.memory_space<hbm>>, %arg7: memref<160000xi32, #tpu.memory_space<hbm>>, %arg8: memref<160000xf32, #tpu.memory_space<hbm>>, %arg9: memref<160000xf32, #tpu.memory_space<hbm>>, %arg10: memref<160000xf32, #tpu.memory_space<hbm>>, %arg11: memref<16xf32, #tpu.memory_space<hbm>>, %arg12: memref<10240xf32, #tpu.memory_space<vmem>>, %arg13: memref<10240xf32, #tpu.memory_space<vmem>>, %arg14: memref<10240xf32, #tpu.memory_space<vmem>>, %arg15: memref<10240xf32, #tpu.memory_space<vmem>>, %arg16: memref<10240xf32, #tpu.memory_space<vmem>>, %arg17: memref<2048xi32, #tpu.memory_space<vmem>>, %arg18: memref<2048xi32, #tpu.memory_space<vmem>>, %arg19: memref<2048xi32, #tpu.memory_space<vmem>>, %arg20: memref<2048xi32, #tpu.memory_space<vmem>>, %arg21: memref<2048xf32, #tpu.memory_space<vmem>>, %arg22: memref<2048xf32, #tpu.memory_space<vmem>>, %arg23: memref<2048xf32, #tpu.memory_space<vmem>>, %arg24: memref<2048xf32, #tpu.memory_space<vmem>>, %arg25: memref<2048xf32, #tpu.memory_space<vmem>>, %arg26: memref<2048xf32, #tpu.memory_space<vmem>>, %arg27: memref<640xf32, #tpu.memory_space<vmem>>, %arg28: memref<640xf32, #tpu.memory_space<vmem>>, %arg29: memref<640xf32, #tpu.memory_space<vmem>>, %arg30: memref<640xf32, #tpu.memory_space<vmem>>, %arg31: memref<640xf32, #tpu.memory_space<vmem>>, %arg32: memref<640xf32, #tpu.memory_space<vmem>>, %arg33: memref<640xf32, #tpu.memory_space<vmem>>, %arg34: memref<640xf32, #tpu.memory_space<vmem>>, %arg35: memref<160xf32, #tpu.memory_space<vmem>>, %arg36: memref<160xf32, #tpu.memory_space<vmem>>, %arg37: memref<16xf32, #tpu.memory_space<vmem>>, %arg38: memref<!tpu.dma_semaphore, #tpu.memory_space<semaphore_mem>>, %arg39: memref<!tpu.dma_semaphore, #tpu.memory_space<semaphore_mem>>, %arg40: memref<16x10240xf32, #tpu.memory_space<vmem_shared>>, %arg41: memref<16x10240xf32, #tpu.memory_space<vmem_shared>>, %arg42: memref<16x10240xf32, #tpu.memory_space<vmem_shared>>, %arg43: memref<2560xf32, #tpu.memory_space<vmem_shared>>) attributes {dimension_semantics = [#tpu.dimension_semantics<core_parallel>, #tpu.dimension_semantics<subcore_parallel>], iteration_bounds = array<i64: 1, 16>, scalar_prefetch = 0 : i64, scratch_operands = 32 : i64, tpu.core_type = #tpu.core_type<sc_vector_subcore>, window_params = [{transform_indices = #map}, {transform_indices = #map}, {transform_indices = #map}, {transform_indices = #map}, {transform_indices = #map}, {transform_indices = #map}, {transform_indices = #map}, {transform_indices = #map}, {transform_indices = #map}, {transform_indices = #map}]} {
    %broadcast_in_dim3A = arith.constant 0.000000e+00 : f32
    %broadcast_in_dim3A_0 = vector.broadcast %broadcast_in_dim3A : f32 to vector<16xf32>
    %iota3A = tpu.iota {dimensions = array<i32: 0>} : vector<16xi32>
    %mul3A = arith.constant 10000 : i32
    %mul3A_1 = arith.muli %arg1, %mul3A : i32
    %add3A = arith.constant 0 : i32
    %add3A_2 = arith.addi %mul3A_1, %add3A : i32
    %dma_start3A = arith.constant 0 : i32
    %dma_start3A_3 = tpu.memref_slice %arg17[%dma_start3A] : memref<2048xi32, #tpu.memory_space<vmem>> -> memref<2000xi32, #tpu.memory_space<vmem>>
    %dma_start3A_4 = tpu.memref_slice %arg6[%add3A_2] : memref<160000xi32, #tpu.memory_space<hbm>> -> memref<2000xi32, #tpu.memory_space<hbm>>
    %dma_start3A_5 = arith.constant 0 : i32
    %dma_start3A_6 = tpu.memref_slice %arg17[%dma_start3A_5] : memref<2048xi32, #tpu.memory_space<vmem>> -> memref<2000xi32, #tpu.memory_space<vmem>>
    %dma_start3A_7 = tpu.memref_slice %arg6[%add3A_2] : memref<160000xi32, #tpu.memory_space<hbm>> -> memref<2000xi32, #tpu.memory_space<hbm>>
    tpu.enqueue_dma source(%dma_start3A_7 : memref<2000xi32, #tpu.memory_space<hbm>>) target(%dma_start3A_6 : memref<2000xi32, #tpu.memory_space<vmem>>) target_semaphore(%arg38 : memref<!tpu.dma_semaphore, #tpu.memory_space<semaphore_mem>>)
    %dma_start3A_8 = arith.constant 0 : i32
    %dma_start3A_9 = tpu.memref_slice %arg19[%dma_start3A_8] : memref<2048xi32, #tpu.memory_space<vmem>> -> memref<2000xi32, #tpu.memory_space<vmem>>
    %dma_start3A_10 = tpu.memref_slice %arg7[%add3A_2] : memref<160000xi32, #tpu.memory_space<hbm>> -> memref<2000xi32, #tpu.memory_space<hbm>>
    %dma_start3A_11 = arith.constant 0 : i32
    %dma_start3A_12 = tpu.memref_slice %arg19[%dma_start3A_11] : memref<2048xi32, #tpu.memory_space<vmem>> -> memref<2000xi32, #tpu.memory_space<vmem>>
    %dma_start3A_13 = tpu.memref_slice %arg7[%add3A_2] : memref<160000xi32, #tpu.memory_space<hbm>> -> memref<2000xi32, #tpu.memory_space<hbm>>
    tpu.enqueue_dma source(%dma_start3A_13 : memref<2000xi32, #tpu.memory_space<hbm>>) target(%dma_start3A_12 : memref<2000xi32, #tpu.memory_space<vmem>>) target_semaphore(%arg38 : memref<!tpu.dma_semaphore, #tpu.memory_space<semaphore_mem>>)
    %dma_start3A_14 = arith.constant 0 : i32
    %dma_start3A_15 = tpu.memref_slice %arg21[%dma_start3A_14] : memref<2048xf32, #tpu.memory_space<vmem>> -> memref<2000xf32, #tpu.memory_space<vmem>>
    %dma_start3A_16 = tpu.memref_slice %arg8[%add3A_2] : memref<160000xf32, #tpu.memory_space<hbm>> -> memref<2000xf32, #tpu.memory_space<hbm>>
    %dma_start3A_17 = arith.constant 0 : i32
    %dma_start3A_18 = tpu.memref_slice %arg21[%dma_start3A_17] : memref<2048xf32, #tpu.memory_space<vmem>> -> memref<2000xf32, #tpu.memory_space<vmem>>
    %dma_start3A_19 = tpu.memref_slice %arg8[%add3A_2] : memref<160000xf32, #tpu.memory_space<hbm>> -> memref<2000xf32, #tpu.memory_space<hbm>>
    tpu.enqueue_dma source(%dma_start3A_19 : memref<2000xf32, #tpu.memory_space<hbm>>) target(%dma_start3A_18 : memref<2000xf32, #tpu.memory_space<vmem>>) target_semaphore(%arg38 : memref<!tpu.dma_semaphore, #tpu.memory_space<semaphore_mem>>)
    %dma_start3A_20 = arith.constant 0 : i32
    %dma_start3A_21 = tpu.memref_slice %arg23[%dma_start3A_20] : memref<2048xf32, #tpu.memory_space<vmem>> -> memref<2000xf32, #tpu.memory_space<vmem>>
    %dma_start3A_22 = tpu.memref_slice %arg9[%add3A_2] : memref<160000xf32, #tpu.memory_space<hbm>> -> memref<2000xf32, #tpu.memory_space<hbm>>
    %dma_start3A_23 = arith.constant 0 : i32
    %dma_start3A_24 = tpu.memref_slice %arg23[%dma_start3A_23] : memref<2048xf32, #tpu.memory_space<vmem>> -> memref<2000xf32, #tpu.memory_space<vmem>>
    %dma_start3A_25 = tpu.memref_slice %arg9[%add3A_2] : memref<160000xf32, #tpu.memory_space<hbm>> -> memref<2000xf32, #tpu.memory_space<hbm>>
    tpu.enqueue_dma source(%dma_start3A_25 : memref<2000xf32, #tpu.memory_space<hbm>>) target(%dma_start3A_24 : memref<2000xf32, #tpu.memory_space<vmem>>) target_semaphore(%arg38 : memref<!tpu.dma_semaphore, #tpu.memory_space<semaphore_mem>>)
    %dma_start3A_26 = arith.constant 0 : i32
    %dma_start3A_27 = tpu.memref_slice %arg25[%dma_start3A_26] : memref<2048xf32, #tpu.memory_space<vmem>> -> memref<2000xf32, #tpu.memory_space<vmem>>
    %dma_start3A_28 = tpu.memref_slice %arg10[%add3A_2] : memref<160000xf32, #tpu.memory_space<hbm>> -> memref<2000xf32, #tpu.memory_space<hbm>>
    %dma_start3A_29 = arith.constant 0 : i32
    %dma_start3A_30 = tpu.memref_slice %arg25[%dma_start3A_29] : memref<2048xf32, #tpu.memory_space<vmem>> -> memref<2000xf32, #tpu.memory_space<vmem>>
    %dma_start3A_31 = tpu.memref_slice %arg10[%add3A_2] : memref<160000xf32, #tpu.memory_space<hbm>> -> memref<2000xf32, #tpu.memory_space<hbm>>
    tpu.enqueue_dma source(%dma_start3A_31 : memref<2000xf32, #tpu.memory_space<hbm>>) target(%dma_start3A_30 : memref<2000xf32, #tpu.memory_space<vmem>>) target_semaphore(%arg38 : memref<!tpu.dma_semaphore, #tpu.memory_space<semaphore_mem>>)
    "tpu.region"() ({
      %run_scoped3A_392 = tpu.sem_alloc : memref<!tpu.dma_semaphore, #tpu.memory_space<semaphore_mem>>
      %dma_start3A_393 = arith.constant 0 : i32
      %dma_start3A_394 = tpu.memref_slice %arg12[%dma_start3A_393] : memref<10240xf32, #tpu.memory_space<vmem>> -> memref<10000xf32, #tpu.memory_space<vmem>>
      %dma_start3A_395 = arith.constant 0 : i32
      %dma_start3A_396 = tpu.memref_slice %arg12[%dma_start3A_395] : memref<10240xf32, #tpu.memory_space<vmem>> -> memref<10000xf32, #tpu.memory_space<vmem>>
      tpu.enqueue_dma source(%arg2 : memref<10000xf32, #tpu.memory_space<hbm>>) target(%dma_start3A_396 : memref<10000xf32, #tpu.memory_space<vmem>>) target_semaphore(%run_scoped3A_392 : memref<!tpu.dma_semaphore, #tpu.memory_space<semaphore_mem>>)
      %dma_wait3A_397 = arith.constant 0 : i32
      %dma_wait3A_398 = tpu.memref_slice %arg12[%dma_wait3A_397] : memref<10240xf32, #tpu.memory_space<vmem>> -> memref<10000xf32, #tpu.memory_space<vmem>>
      %dma_wait3A_399 = arith.constant 0 : i32
      %dma_wait3A_400 = tpu.memref_slice %arg12[%dma_wait3A_399] : memref<10240xf32, #tpu.memory_space<vmem>> -> memref<10000xf32, #tpu.memory_space<vmem>>
      tpu.wait_dma2 semaphore(%run_scoped3A_392 : memref<!tpu.dma_semaphore, #tpu.memory_space<semaphore_mem>>) src(%arg2 : memref<10000xf32, #tpu.memory_space<hbm>>) dst(%dma_wait3A_400 : memref<10000xf32, #tpu.memory_space<vmem>>)
      tpu.yield
    }) : () -> ()
    "tpu.region"() ({
      %run_scoped3A_392 = tpu.sem_alloc : memref<!tpu.dma_semaphore, #tpu.memory_space<semaphore_mem>>
      %dma_start3A_393 = arith.constant 0 : i32
      %dma_start3A_394 = tpu.memref_slice %arg13[%dma_start3A_393] : memref<10240xf32, #tpu.memory_space<vmem>> -> memref<10000xf32, #tpu.memory_space<vmem>>
      %dma_start3A_395 = arith.constant 0 : i32
      %dma_start3A_396 = tpu.memref_slice %arg13[%dma_start3A_395] : memref<10240xf32, #tpu.memory_space<vmem>> -> memref<10000xf32, #tpu.memory_space<vmem>>
      tpu.enqueue_dma source(%arg3 : memref<10000xf32, #tpu.memory_space<hbm>>) target(%dma_start3A_396 : memref<10000xf32, #tpu.memory_space<vmem>>) target_semaphore(%run_scoped3A_392 : memref<!tpu.dma_semaphore, #tpu.memory_space<semaphore_mem>>)
      %dma_wait3A_397 = arith.constant 0 : i32
      %dma_wait3A_398 = tpu.memref_slice %arg13[%dma_wait3A_397] : memref<10240xf32, #tpu.memory_space<vmem>> -> memref<10000xf32, #tpu.memory_space<vmem>>
      %dma_wait3A_399 = arith.constant 0 : i32
      %dma_wait3A_400 = tpu.memref_slice %arg13[%dma_wait3A_399] : memref<10240xf32, #tpu.memory_space<vmem>> -> memref<10000xf32, #tpu.memory_space<vmem>>
      tpu.wait_dma2 semaphore(%run_scoped3A_392 : memref<!tpu.dma_semaphore, #tpu.memory_space<semaphore_mem>>) src(%arg3 : memref<10000xf32, #tpu.memory_space<hbm>>) dst(%dma_wait3A_400 : memref<10000xf32, #tpu.memory_space<vmem>>)
      tpu.yield
    }) : () -> ()
    %parallel_loop3A = arith.constant 0 : i32
    %parallel_loop3A_32 = arith.constant 15 : i32
    %parallel_loop3A_33 = arith.constant 1 : i32
    scf.for %parallel_loop3A_392 = %parallel_loop3A to %parallel_loop3A_32 step %parallel_loop3A_33  : i32 {
      %parallel_loop3A_393 = arith.constant 16 : i32
      %parallel_loop3A_394 = arith.muli %parallel_loop3A_392, %parallel_loop3A_393 : i32
      %parallel_loop3A_395 = arith.constant 10000 : i32
      %parallel_loop3A_396 = arith.addi %parallel_loop3A_395, %parallel_loop3A_394 : i32
      %parallel_loop3A_397 = arith.index_cast %parallel_loop3A_396 : i32 to index
      %parallel_loop3A_398 = tpu.vector_load %arg12[%parallel_loop3A_397] {strides = array<i32>} : memref<10240xf32, #tpu.memory_space<vmem>>, vector<16xf32>,
      tpu.vector_store %arg12[%parallel_loop3A_397], %broadcast_in_dim3A_0 {strides = array<i32>} : memref<10240xf32, #tpu.memory_space<vmem>>, vector<16xf32>,
      %parallel_loop3A_399 = arith.index_cast %parallel_loop3A_396 : i32 to index
      %parallel_loop3A_400 = tpu.vector_load %arg13[%parallel_loop3A_399] {strides = array<i32>} : memref<10240xf32, #tpu.memory_space<vmem>>, vector<16xf32>,
      tpu.vector_store %arg13[%parallel_loop3A_399], %broadcast_in_dim3A_0 {strides = array<i32>} : memref<10240xf32, #tpu.memory_space<vmem>>, vector<16xf32>,
    } {sc.loop_unroll_factor = 5 : i64, sc.parallel_access}
    %parallel_loop3A_34 = arith.constant 0 : i32
    %parallel_loop3A_35 = arith.constant 640 : i32
    %parallel_loop3A_36 = arith.constant 1 : i32
    scf.for %parallel_loop3A_392 = %parallel_loop3A_34 to %parallel_loop3A_35 step %parallel_loop3A_36  : i32 {
      %parallel_loop3A_393 = arith.constant 16 : i32
      %parallel_loop3A_394 = arith.muli %parallel_loop3A_392, %parallel_loop3A_393 : i32
      %parallel_loop3A_395 = arith.index_cast %parallel_loop3A_394 : i32 to index
      %parallel_loop3A_396 = tpu.vector_load %arg14[%parallel_loop3A_395] {strides = array<i32>} : memref<10240xf32, #tpu.memory_space<vmem>>, vector<16xf32>,
      tpu.vector_store %arg14[%parallel_loop3A_395], %broadcast_in_dim3A_0 {strides = array<i32>} : memref<10240xf32, #tpu.memory_space<vmem>>, vector<16xf32>,
      %parallel_loop3A_397 = arith.index_cast %parallel_loop3A_394 : i32 to index
      %parallel_loop3A_398 = tpu.vector_load %arg15[%parallel_loop3A_397] {strides = array<i32>} : memref<10240xf32, #tpu.memory_space<vmem>>, vector<16xf32>,
      tpu.vector_store %arg15[%parallel_loop3A_397], %broadcast_in_dim3A_0 {strides = array<i32>} : memref<10240xf32, #tpu.memory_space<vmem>>, vector<16xf32>,
      %parallel_loop3A_399 = arith.index_cast %parallel_loop3A_394 : i32 to index
      %parallel_loop3A_400 = tpu.vector_load %arg16[%parallel_loop3A_399] {strides = array<i32>} : memref<10240xf32, #tpu.memory_space<vmem>>, vector<16xf32>,
      tpu.vector_store %arg16[%parallel_loop3A_399], %broadcast_in_dim3A_0 {strides = array<i32>} : memref<10240xf32, #tpu.memory_space<vmem>>, vector<16xf32>,
    } {sc.loop_unroll_factor = 8 : i64, sc.parallel_access}
    %add3A_37 = arith.constant 2000 : i32
    %add3A_38 = arith.addi %mul3A_1, %add3A_37 : i32
    %dma_start3A_39 = arith.constant 0 : i32
    %dma_start3A_40 = tpu.memref_slice %arg18[%dma_start3A_39] : memref<2048xi32, #tpu.memory_space<vmem>> -> memref<2000xi32, #tpu.memory_space<vmem>>
    %dma_start3A_41 = tpu.memref_slice %arg6[%add3A_38] : memref<160000xi32, #tpu.memory_space<hbm>> -> memref<2000xi32, #tpu.memory_space<hbm>>
    %dma_start3A_42 = arith.constant 0 : i32
    %dma_start3A_43 = tpu.memref_slice %arg18[%dma_start3A_42] : memref<2048xi32, #tpu.memory_space<vmem>> -> memref<2000xi32, #tpu.memory_space<vmem>>
    %dma_start3A_44 = tpu.memref_slice %arg6[%add3A_38] : memref<160000xi32, #tpu.memory_space<hbm>> -> memref<2000xi32, #tpu.memory_space<hbm>>
    tpu.enqueue_dma source(%dma_start3A_44 : memref<2000xi32, #tpu.memory_space<hbm>>) target(%dma_start3A_43 : memref<2000xi32, #tpu.memory_space<vmem>>) target_semaphore(%arg39 : memref<!tpu.dma_semaphore, #tpu.memory_space<semaphore_mem>>)
    %dma_start3A_45 = arith.constant 0 : i32
    %dma_start3A_46 = tpu.memref_slice %arg20[%dma_start3A_45] : memref<2048xi32, #tpu.memory_space<vmem>> -> memref<2000xi32, #tpu.memory_space<vmem>>
    %dma_start3A_47 = tpu.memref_slice %arg7[%add3A_38] : memref<160000xi32, #tpu.memory_space<hbm>> -> memref<2000xi32, #tpu.memory_space<hbm>>
    %dma_start3A_48 = arith.constant 0 : i32
    %dma_start3A_49 = tpu.memref_slice %arg20[%dma_start3A_48] : memref<2048xi32, #tpu.memory_space<vmem>> -> memref<2000xi32, #tpu.memory_space<vmem>>
    %dma_start3A_50 = tpu.memref_slice %arg7[%add3A_38] : memref<160000xi32, #tpu.memory_space<hbm>> -> memref<2000xi32, #tpu.memory_space<hbm>>
    tpu.enqueue_dma source(%dma_start3A_50 : memref<2000xi32, #tpu.memory_space<hbm>>) target(%dma_start3A_49 : memref<2000xi32, #tpu.memory_space<vmem>>) target_semaphore(%arg39 : memref<!tpu.dma_semaphore, #tpu.memory_space<semaphore_mem>>)
    %dma_start3A_51 = arith.constant 0 : i32
    %dma_start3A_52 = tpu.memref_slice %arg22[%dma_start3A_51] : memref<2048xf32, #tpu.memory_space<vmem>> -> memref<2000xf32, #tpu.memory_space<vmem>>
    %dma_start3A_53 = tpu.memref_slice %arg8[%add3A_38] : memref<160000xf32, #tpu.memory_space<hbm>> -> memref<2000xf32, #tpu.memory_space<hbm>>
    %dma_start3A_54 = arith.constant 0 : i32
    %dma_start3A_55 = tpu.memref_slice %arg22[%dma_start3A_54] : memref<2048xf32, #tpu.memory_space<vmem>> -> memref<2000xf32, #tpu.memory_space<vmem>>
    %dma_start3A_56 = tpu.memref_slice %arg8[%add3A_38] : memref<160000xf32, #tpu.memory_space<hbm>> -> memref<2000xf32, #tpu.memory_space<hbm>>
    tpu.enqueue_dma source(%dma_start3A_56 : memref<2000xf32, #tpu.memory_space<hbm>>) target(%dma_start3A_55 : memref<2000xf32, #tpu.memory_space<vmem>>) target_semaphore(%arg39 : memref<!tpu.dma_semaphore, #tpu.memory_space<semaphore_mem>>)
    %dma_start3A_57 = arith.constant 0 : i32
    %dma_start3A_58 = tpu.memref_slice %arg24[%dma_start3A_57] : memref<2048xf32, #tpu.memory_space<vmem>> -> memref<2000xf32, #tpu.memory_space<vmem>>
    %dma_start3A_59 = tpu.memref_slice %arg9[%add3A_38] : memref<160000xf32, #tpu.memory_space<hbm>> -> memref<2000xf32, #tpu.memory_space<hbm>>
    %dma_start3A_60 = arith.constant 0 : i32
    %dma_start3A_61 = tpu.memref_slice %arg24[%dma_start3A_60] : memref<2048xf32, #tpu.memory_space<vmem>> -> memref<2000xf32, #tpu.memory_space<vmem>>
    %dma_start3A_62 = tpu.memref_slice %arg9[%add3A_38] : memref<160000xf32, #tpu.memory_space<hbm>> -> memref<2000xf32, #tpu.memory_space<hbm>>
    tpu.enqueue_dma source(%dma_start3A_62 : memref<2000xf32, #tpu.memory_space<hbm>>) target(%dma_start3A_61 : memref<2000xf32, #tpu.memory_space<vmem>>) target_semaphore(%arg39 : memref<!tpu.dma_semaphore, #tpu.memory_space<semaphore_mem>>)
    %dma_start3A_63 = arith.constant 0 : i32
    %dma_start3A_64 = tpu.memref_slice %arg26[%dma_start3A_63] : memref<2048xf32, #tpu.memory_space<vmem>> -> memref<2000xf32, #tpu.memory_space<vmem>>
    %dma_start3A_65 = tpu.memref_slice %arg10[%add3A_38] : memref<160000xf32, #tpu.memory_space<hbm>> -> memref<2000xf32, #tpu.memory_space<hbm>>
    %dma_start3A_66 = arith.constant 0 : i32
    %dma_start3A_67 = tpu.memref_slice %arg26[%dma_start3A_66] : memref<2048xf32, #tpu.memory_space<vmem>> -> memref<2000xf32, #tpu.memory_space<vmem>>
    %dma_start3A_68 = tpu.memref_slice %arg10[%add3A_38] : memref<160000xf32, #tpu.memory_space<hbm>> -> memref<2000xf32, #tpu.memory_space<hbm>>
    tpu.enqueue_dma source(%dma_start3A_68 : memref<2000xf32, #tpu.memory_space<hbm>>) target(%dma_start3A_67 : memref<2000xf32, #tpu.memory_space<vmem>>) target_semaphore(%arg39 : memref<!tpu.dma_semaphore, #tpu.memory_space<semaphore_mem>>)
    %add3A_69 = arith.constant 0 : i32
    %add3A_70 = arith.addi %mul3A_1, %add3A_69 : i32
    %dma_wait3A = arith.constant 0 : i32
    %dma_wait3A_71 = tpu.memref_slice %arg17[%dma_wait3A] : memref<2048xi32, #tpu.memory_space<vmem>> -> memref<2000xi32, #tpu.memory_space<vmem>>
    %dma_wait3A_72 = tpu.memref_slice %arg6[%add3A_70] : memref<160000xi32, #tpu.memory_space<hbm>> -> memref<2000xi32, #tpu.memory_space<hbm>>
    %dma_wait3A_73 = arith.constant 0 : i32
    %dma_wait3A_74 = tpu.memref_slice %arg17[%dma_wait3A_73] : memref<2048xi32, #tpu.memory_space<vmem>> -> memref<2000xi32, #tpu.memory_space<vmem>>
    %dma_wait3A_75 = tpu.memref_slice %arg6[%add3A_70] : memref<160000xi32, #tpu.memory_space<hbm>> -> memref<2000xi32, #tpu.memory_space<hbm>>
    tpu.wait_dma2 semaphore(%arg38 : memref<!tpu.dma_semaphore, #tpu.memory_space<semaphore_mem>>) src(%dma_wait3A_75 : memref<2000xi32, #tpu.memory_space<hbm>>) dst(%dma_wait3A_74 : memref<2000xi32, #tpu.memory_space<vmem>>)
    %dma_wait3A_76 = arith.constant 0 : i32
    %dma_wait3A_77 = tpu.memref_slice %arg19[%dma_wait3A_76] : memref<2048xi32, #tpu.memory_space<vmem>> -> memref<2000xi32, #tpu.memory_space<vmem>>
    %dma_wait3A_78 = tpu.memref_slice %arg7[%add3A_70] : memref<160000xi32, #tpu.memory_space<hbm>> -> memref<2000xi32, #tpu.memory_space<hbm>>
    %dma_wait3A_79 = arith.constant 0 : i32
    %dma_wait3A_80 = tpu.memref_slice %arg19[%dma_wait3A_79] : memref<2048xi32, #tpu.memory_space<vmem>> -> memref<2000xi32, #tpu.memory_space<vmem>>
    %dma_wait3A_81 = tpu.memref_slice %arg7[%add3A_70] : memref<160000xi32, #tpu.memory_space<hbm>> -> memref<2000xi32, #tpu.memory_space<hbm>>
    tpu.wait_dma2 semaphore(%arg38 : memref<!tpu.dma_semaphore, #tpu.memory_space<semaphore_mem>>) src(%dma_wait3A_81 : memref<2000xi32, #tpu.memory_space<hbm>>) dst(%dma_wait3A_80 : memref<2000xi32, #tpu.memory_space<vmem>>)
    %dma_wait3A_82 = arith.constant 0 : i32
    %dma_wait3A_83 = tpu.memref_slice %arg21[%dma_wait3A_82] : memref<2048xf32, #tpu.memory_space<vmem>> -> memref<2000xf32, #tpu.memory_space<vmem>>
    %dma_wait3A_84 = tpu.memref_slice %arg8[%add3A_70] : memref<160000xf32, #tpu.memory_space<hbm>> -> memref<2000xf32, #tpu.memory_space<hbm>>
    %dma_wait3A_85 = arith.constant 0 : i32
    %dma_wait3A_86 = tpu.memref_slice %arg21[%dma_wait3A_85] : memref<2048xf32, #tpu.memory_space<vmem>> -> memref<2000xf32, #tpu.memory_space<vmem>>
    %dma_wait3A_87 = tpu.memref_slice %arg8[%add3A_70] : memref<160000xf32, #tpu.memory_space<hbm>> -> memref<2000xf32, #tpu.memory_space<hbm>>
    tpu.wait_dma2 semaphore(%arg38 : memref<!tpu.dma_semaphore, #tpu.memory_space<semaphore_mem>>) src(%dma_wait3A_87 : memref<2000xf32, #tpu.memory_space<hbm>>) dst(%dma_wait3A_86 : memref<2000xf32, #tpu.memory_space<vmem>>)
    %dma_wait3A_88 = arith.constant 0 : i32
    %dma_wait3A_89 = tpu.memref_slice %arg23[%dma_wait3A_88] : memref<2048xf32, #tpu.memory_space<vmem>> -> memref<2000xf32, #tpu.memory_space<vmem>>
    %dma_wait3A_90 = tpu.memref_slice %arg9[%add3A_70] : memref<160000xf32, #tpu.memory_space<hbm>> -> memref<2000xf32, #tpu.memory_space<hbm>>
    %dma_wait3A_91 = arith.constant 0 : i32
    %dma_wait3A_92 = tpu.memref_slice %arg23[%dma_wait3A_91] : memref<2048xf32, #tpu.memory_space<vmem>> -> memref<2000xf32, #tpu.memory_space<vmem>>
    %dma_wait3A_93 = tpu.memref_slice %arg9[%add3A_70] : memref<160000xf32, #tpu.memory_space<hbm>> -> memref<2000xf32, #tpu.memory_space<hbm>>
    tpu.wait_dma2 semaphore(%arg38 : memref<!tpu.dma_semaphore, #tpu.memory_space<semaphore_mem>>) src(%dma_wait3A_93 : memref<2000xf32, #tpu.memory_space<hbm>>) dst(%dma_wait3A_92 : memref<2000xf32, #tpu.memory_space<vmem>>)
    %dma_wait3A_94 = arith.constant 0 : i32
    %dma_wait3A_95 = tpu.memref_slice %arg25[%dma_wait3A_94] : memref<2048xf32, #tpu.memory_space<vmem>> -> memref<2000xf32, #tpu.memory_space<vmem>>
    %dma_wait3A_96 = tpu.memref_slice %arg10[%add3A_70] : memref<160000xf32, #tpu.memory_space<hbm>> -> memref<2000xf32, #tpu.memory_space<hbm>>
    %dma_wait3A_97 = arith.constant 0 : i32
    %dma_wait3A_98 = tpu.memref_slice %arg25[%dma_wait3A_97] : memref<2048xf32, #tpu.memory_space<vmem>> -> memref<2000xf32, #tpu.memory_space<vmem>>
    %dma_wait3A_99 = tpu.memref_slice %arg10[%add3A_70] : memref<160000xf32, #tpu.memory_space<hbm>> -> memref<2000xf32, #tpu.memory_space<hbm>>
    tpu.wait_dma2 semaphore(%arg38 : memref<!tpu.dma_semaphore, #tpu.memory_space<semaphore_mem>>) src(%dma_wait3A_99 : memref<2000xf32, #tpu.memory_space<hbm>>) dst(%dma_wait3A_98 : memref<2000xf32, #tpu.memory_space<vmem>>)
    %parallel_loop3A_100 = arith.constant 0 : i32
    %parallel_loop3A_101 = arith.constant 125 : i32
    %parallel_loop3A_102 = arith.constant 1 : i32
    %parallel_loop3A_103:7 = scf.for %parallel_loop3A_392 = %parallel_loop3A_100 to %parallel_loop3A_101 step %parallel_loop3A_102 iter_args(%parallel_loop3A_393 = %broadcast_in_dim3A_0, %parallel_loop3A_394 = %broadcast_in_dim3A_0, %parallel_loop3A_395 = %broadcast_in_dim3A_0, %parallel_loop3A_396 = %broadcast_in_dim3A_0, %parallel_loop3A_397 = %broadcast_in_dim3A_0, %parallel_loop3A_398 = %broadcast_in_dim3A_0, %parallel_loop3A_399 = %broadcast_in_dim3A_0) -> (vector<16xf32>, vector<16xf32>, vector<16xf32>, vector<16xf32>, vector<16xf32>, vector<16xf32>, vector<16xf32>)  : i32 {
      %parallel_loop3A_400 = arith.constant 16 : i32
      %parallel_loop3A_401 = arith.muli %parallel_loop3A_392, %parallel_loop3A_400 : i32
      %parallel_loop3A_402 = arith.index_cast %parallel_loop3A_401 : i32 to index
      %parallel_loop3A_403 = tpu.vector_load %arg17[%parallel_loop3A_402] {strides = array<i32>} : memref<2048xi32, #tpu.memory_space<vmem>>, vector<16xi32>,
      %parallel_loop3A_404 = arith.index_cast %parallel_loop3A_401 : i32 to index
      %parallel_loop3A_405 = tpu.vector_load %arg19[%parallel_loop3A_404] {strides = array<i32>} : memref<2048xi32, #tpu.memory_space<vmem>>, vector<16xi32>,
      %parallel_loop3A_406 = arith.index_cast %parallel_loop3A_401 : i32 to index
      %parallel_loop3A_407 = tpu.vector_load %arg21[%parallel_loop3A_406] {strides = array<i32>} : memref<2048xf32, #tpu.memory_space<vmem>>, vector<16xf32>,
      %parallel_loop3A_408 = arith.index_cast %parallel_loop3A_401 : i32 to index
      %parallel_loop3A_409 = tpu.vector_load %arg23[%parallel_loop3A_408] {strides = array<i32>} : memref<2048xf32, #tpu.memory_space<vmem>>, vector<16xf32>,
      %parallel_loop3A_410 = arith.index_cast %parallel_loop3A_401 : i32 to index
      %parallel_loop3A_411 = tpu.vector_load %arg25[%parallel_loop3A_410] {strides = array<i32>} : memref<2048xf32, #tpu.memory_space<vmem>>, vector<16xf32>,
      %parallel_loop3A_412 = tpu.vector_load_idx %arg12[%parallel_loop3A_403] : memref<10240xf32, #tpu.memory_space<vmem>>[vector<16xi32>], vector<16xf32>,
      %parallel_loop3A_413 = tpu.vector_load_idx %arg13[%parallel_loop3A_403] : memref<10240xf32, #tpu.memory_space<vmem>>[vector<16xi32>], vector<16xf32>,
      %parallel_loop3A_414 = tpu.vector_load_idx %arg12[%parallel_loop3A_405] : memref<10240xf32, #tpu.memory_space<vmem>>[vector<16xi32>], vector<16xf32>,
      %parallel_loop3A_415 = tpu.vector_load_idx %arg13[%parallel_loop3A_405] : memref<10240xf32, #tpu.memory_space<vmem>>[vector<16xi32>], vector<16xf32>,
      %parallel_loop3A_416 = arith.subf %parallel_loop3A_412, %parallel_loop3A_414 : vector<16xf32>
      %parallel_loop3A_417 = arith.subf %parallel_loop3A_413, %parallel_loop3A_415 : vector<16xf32>
      %parallel_loop3A_418 = arith.mulf %parallel_loop3A_416, %parallel_loop3A_416 : vector<16xf32>
      %parallel_loop3A_419 = arith.mulf %parallel_loop3A_417, %parallel_loop3A_417 : vector<16xf32>
      %parallel_loop3A_420 = arith.addf %parallel_loop3A_418, %parallel_loop3A_419 : vector<16xf32>
      %parallel_loop3A_421 = arith.constant 9.99999997E-7 : f32
      %parallel_loop3A_422 = vector.broadcast %parallel_loop3A_421 : f32 to vector<16xf32>
      %parallel_loop3A_423 = arith.addf %parallel_loop3A_409, %parallel_loop3A_422 : vector<16xf32>
      %parallel_loop3A_424 = arith.mulf %parallel_loop3A_423, %parallel_loop3A_423 : vector<16xf32>
      %parallel_loop3A_425 = arith.mulf %parallel_loop3A_411, %parallel_loop3A_411 : vector<16xf32>
      %parallel_loop3A_426 = arith.addf %parallel_loop3A_424, %parallel_loop3A_425 : vector<16xf32>
      %parallel_loop3A_427 = tpu.bitcast %parallel_loop3A_420 : vector<16xf32> -> vector<16xi32>
      %parallel_loop3A_428 = arith.constant 1 : i32
      %parallel_loop3A_429 = vector.broadcast %parallel_loop3A_428 : i32 to vector<16xi32>
      %parallel_loop3A_430 = arith.shrsi %parallel_loop3A_427, %parallel_loop3A_429 : vector<16xi32>
      %parallel_loop3A_431 = arith.constant 1597463007 : i32
      %parallel_loop3A_432 = vector.broadcast %parallel_loop3A_431 : i32 to vector<16xi32>
      %parallel_loop3A_433 = arith.subi %parallel_loop3A_432, %parallel_loop3A_430 : vector<16xi32>
      %parallel_loop3A_434 = tpu.bitcast %parallel_loop3A_433 : vector<16xi32> -> vector<16xf32>
      %parallel_loop3A_435 = arith.constant 5.000000e-01 : f32
      %parallel_loop3A_436 = vector.broadcast %parallel_loop3A_435 : f32 to vector<16xf32>
      %parallel_loop3A_437 = arith.mulf %parallel_loop3A_420, %parallel_loop3A_436 : vector<16xf32>
      %parallel_loop3A_438 = arith.mulf %parallel_loop3A_437, %parallel_loop3A_434 : vector<16xf32>
      %parallel_loop3A_439 = arith.mulf %parallel_loop3A_438, %parallel_loop3A_434 : vector<16xf32>
      %parallel_loop3A_440 = arith.constant 1.500000e+00 : f32
      %parallel_loop3A_441 = vector.broadcast %parallel_loop3A_440 : f32 to vector<16xf32>
      %parallel_loop3A_442 = arith.subf %parallel_loop3A_441, %parallel_loop3A_439 : vector<16xf32>
      %parallel_loop3A_443 = arith.mulf %parallel_loop3A_434, %parallel_loop3A_442 : vector<16xf32>
      %parallel_loop3A_444 = arith.mulf %parallel_loop3A_437, %parallel_loop3A_443 : vector<16xf32>
      %parallel_loop3A_445 = arith.mulf %parallel_loop3A_444, %parallel_loop3A_443 : vector<16xf32>
      %parallel_loop3A_446 = arith.constant 1.500000e+00 : f32
      %parallel_loop3A_447 = vector.broadcast %parallel_loop3A_446 : f32 to vector<16xf32>
      %parallel_loop3A_448 = arith.subf %parallel_loop3A_447, %parallel_loop3A_445 : vector<16xf32>
      %parallel_loop3A_449 = arith.mulf %parallel_loop3A_443, %parallel_loop3A_448 : vector<16xf32>
      %parallel_loop3A_450 = arith.mulf %parallel_loop3A_420, %parallel_loop3A_449 : vector<16xf32>
      %parallel_loop3A_451 = tpu.bitcast %parallel_loop3A_426 : vector<16xf32> -> vector<16xi32>
      %parallel_loop3A_452 = arith.constant 1 : i32
      %parallel_loop3A_453 = vector.broadcast %parallel_loop3A_452 : i32 to vector<16xi32>
      %parallel_loop3A_454 = arith.shrsi %parallel_loop3A_451, %parallel_loop3A_453 : vector<16xi32>
      %parallel_loop3A_455 = arith.constant 1597463007 : i32
      %parallel_loop3A_456 = vector.broadcast %parallel_loop3A_455 : i32 to vector<16xi32>
      %parallel_loop3A_457 = arith.subi %parallel_loop3A_456, %parallel_loop3A_454 : vector<16xi32>
      %parallel_loop3A_458 = tpu.bitcast %parallel_loop3A_457 : vector<16xi32> -> vector<16xf32>
      %parallel_loop3A_459 = arith.constant 5.000000e-01 : f32
      %parallel_loop3A_460 = vector.broadcast %parallel_loop3A_459 : f32 to vector<16xf32>
      %parallel_loop3A_461 = arith.mulf %parallel_loop3A_426, %parallel_loop3A_460 : vector<16xf32>
      %parallel_loop3A_462 = arith.mulf %parallel_loop3A_461, %parallel_loop3A_458 : vector<16xf32>
      %parallel_loop3A_463 = arith.mulf %parallel_loop3A_462, %parallel_loop3A_458 : vector<16xf32>
      %parallel_loop3A_464 = arith.constant 1.500000e+00 : f32
      %parallel_loop3A_465 = vector.broadcast %parallel_loop3A_464 : f32 to vector<16xf32>
      %parallel_loop3A_466 = arith.subf %parallel_loop3A_465, %parallel_loop3A_463 : vector<16xf32>
      %parallel_loop3A_467 = arith.mulf %parallel_loop3A_458, %parallel_loop3A_466 : vector<16xf32>
      %parallel_loop3A_468 = arith.mulf %parallel_loop3A_461, %parallel_loop3A_467 : vector<16xf32>
      %parallel_loop3A_469 = arith.mulf %parallel_loop3A_468, %parallel_loop3A_467 : vector<16xf32>
      %parallel_loop3A_470 = arith.constant 1.500000e+00 : f32
      %parallel_loop3A_471 = vector.broadcast %parallel_loop3A_470 : f32 to vector<16xf32>
      %parallel_loop3A_472 = arith.subf %parallel_loop3A_471, %parallel_loop3A_469 : vector<16xf32>
      %parallel_loop3A_473 = arith.mulf %parallel_loop3A_467, %parallel_loop3A_472 : vector<16xf32>
      %parallel_loop3A_474 = arith.mulf %parallel_loop3A_450, %parallel_loop3A_473 : vector<16xf32>
      %parallel_loop3A_475 = arith.mulf %parallel_loop3A_474, %parallel_loop3A_407 : vector<16xf32>
      %parallel_loop3A_476 = arith.mulf %parallel_loop3A_450, %parallel_loop3A_407 : vector<16xf32>
      %parallel_loop3A_477 = arith.addf %parallel_loop3A_393, %parallel_loop3A_476 : vector<16xf32>
      %parallel_loop3A_478 = arith.mulf %parallel_loop3A_476, %parallel_loop3A_476 : vector<16xf32>
      %parallel_loop3A_479 = arith.addf %parallel_loop3A_394, %parallel_loop3A_478 : vector<16xf32>
      %parallel_loop3A_480 = arith.mulf %parallel_loop3A_407, %parallel_loop3A_409 : vector<16xf32>
      %parallel_loop3A_481 = arith.mulf %parallel_loop3A_407, %parallel_loop3A_411 : vector<16xf32>
      %parallel_loop3A_482 = arith.addf %parallel_loop3A_395, %parallel_loop3A_407 : vector<16xf32>
      %parallel_loop3A_483 = arith.addf %parallel_loop3A_396, %parallel_loop3A_480 : vector<16xf32>
      %parallel_loop3A_484 = arith.addf %parallel_loop3A_397, %parallel_loop3A_481 : vector<16xf32>
      %parallel_loop3A_485 = arith.mulf %parallel_loop3A_480, %parallel_loop3A_409 : vector<16xf32>
      %parallel_loop3A_486 = arith.addf %parallel_loop3A_398, %parallel_loop3A_485 : vector<16xf32>
      %parallel_loop3A_487 = arith.mulf %parallel_loop3A_481, %parallel_loop3A_411 : vector<16xf32>
      %parallel_loop3A_488 = arith.addf %parallel_loop3A_399, %parallel_loop3A_487 : vector<16xf32>
      %parallel_loop3A_489 = arith.mulf %parallel_loop3A_412, %parallel_loop3A_412 : vector<16xf32>
      %parallel_loop3A_490 = arith.mulf %parallel_loop3A_413, %parallel_loop3A_413 : vector<16xf32>
      %parallel_loop3A_491 = arith.addf %parallel_loop3A_489, %parallel_loop3A_490 : vector<16xf32>
      %parallel_loop3A_492 = arith.mulf %parallel_loop3A_491, %parallel_loop3A_407 : vector<16xf32>
      %parallel_loop3A_493 = arith.divf %parallel_loop3A_492, %parallel_loop3A_423 : vector<16xf32>
      %parallel_loop3A_494 = arith.constant 9.99999997E-7 : f32
      %parallel_loop3A_495 = vector.broadcast %parallel_loop3A_494 : f32 to vector<16xf32>
      %parallel_loop3A_496 = arith.addf %parallel_loop3A_411, %parallel_loop3A_495 : vector<16xf32>
      %parallel_loop3A_497 = arith.divf %parallel_loop3A_492, %parallel_loop3A_496 : vector<16xf32>
      %parallel_loop3A_498 = arith.cmpi ne, %parallel_loop3A_403, %parallel_loop3A_405 : vector<16xi32>
      tpu.vector_store_idx %arg14[%parallel_loop3A_405], %parallel_loop3A_475 {add = true} : memref<10240xf32, #tpu.memory_space<vmem>>[vector<16xi32>], vector<16xf32>,
      %parallel_loop3A_499 = arith.constant 0.000000e+00 : f32
      %parallel_loop3A_500 = vector.broadcast %parallel_loop3A_499 : f32 to vector<16xf32>
      %parallel_loop3A_501 = arith.subf %parallel_loop3A_500, %parallel_loop3A_475 : vector<16xf32>
      tpu.vector_store_idx %arg14[%parallel_loop3A_403], %parallel_loop3A_501 {add = true} : memref<10240xf32, #tpu.memory_space<vmem>>[vector<16xi32>], vector<16xf32>,
      tpu.vector_store_idx %arg15[%parallel_loop3A_403], %parallel_loop3A_493 {add = true} : memref<10240xf32, #tpu.memory_space<vmem>>[vector<16xi32>], vector<16xf32>,
      tpu.vector_store_idx %arg15[%parallel_loop3A_405], %parallel_loop3A_493 masked %parallel_loop3A_498 {add = true} : memref<10240xf32, #tpu.memory_space<vmem>>[vector<16xi32>], vector<16xf32>, vector<16xi1>
      tpu.vector_store_idx %arg16[%parallel_loop3A_403], %parallel_loop3A_497 {add = true} : memref<10240xf32, #tpu.memory_space<vmem>>[vector<16xi32>], vector<16xf32>,
      tpu.vector_store_idx %arg16[%parallel_loop3A_405], %parallel_loop3A_497 masked %parallel_loop3A_498 {add = true} : memref<10240xf32, #tpu.memory_space<vmem>>[vector<16xi32>], vector<16xf32>, vector<16xi1>
      scf.yield %parallel_loop3A_477, %parallel_loop3A_479, %parallel_loop3A_482, %parallel_loop3A_483, %parallel_loop3A_484, %parallel_loop3A_486, %parallel_loop3A_488 : vector<16xf32>, vector<16xf32>, vector<16xf32>, vector<16xf32>, vector<16xf32>, vector<16xf32>, vector<16xf32>
    } {sc.loop_unroll_factor = 5 : i64, sc.parallel_access}
    %add3A_104 = arith.constant 4000 : i32
    %add3A_105 = arith.addi %mul3A_1, %add3A_104 : i32
    %dma_start3A_106 = arith.constant 0 : i32
    %dma_start3A_107 = tpu.memref_slice %arg17[%dma_start3A_106] : memref<2048xi32, #tpu.memory_space<vmem>> -> memref<2000xi32, #tpu.memory_space<vmem>>
    %dma_start3A_108 = tpu.memref_slice %arg6[%add3A_105] : memref<160000xi32, #tpu.memory_space<hbm>> -> memref<2000xi32, #tpu.memory_space<hbm>>
    %dma_start3A_109 = arith.constant 0 : i32
    %dma_start3A_110 = tpu.memref_slice %arg17[%dma_start3A_109] : memref<2048xi32, #tpu.memory_space<vmem>> -> memref<2000xi32, #tpu.memory_space<vmem>>
    %dma_start3A_111 = tpu.memref_slice %arg6[%add3A_105] : memref<160000xi32, #tpu.memory_space<hbm>> -> memref<2000xi32, #tpu.memory_space<hbm>>
    tpu.enqueue_dma source(%dma_start3A_111 : memref<2000xi32, #tpu.memory_space<hbm>>) target(%dma_start3A_110 : memref<2000xi32, #tpu.memory_space<vmem>>) target_semaphore(%arg38 : memref<!tpu.dma_semaphore, #tpu.memory_space<semaphore_mem>>)
    %dma_start3A_112 = arith.constant 0 : i32
    %dma_start3A_113 = tpu.memref_slice %arg19[%dma_start3A_112] : memref<2048xi32, #tpu.memory_space<vmem>> -> memref<2000xi32, #tpu.memory_space<vmem>>
    %dma_start3A_114 = tpu.memref_slice %arg7[%add3A_105] : memref<160000xi32, #tpu.memory_space<hbm>> -> memref<2000xi32, #tpu.memory_space<hbm>>
    %dma_start3A_115 = arith.constant 0 : i32
    %dma_start3A_116 = tpu.memref_slice %arg19[%dma_start3A_115] : memref<2048xi32, #tpu.memory_space<vmem>> -> memref<2000xi32, #tpu.memory_space<vmem>>
    %dma_start3A_117 = tpu.memref_slice %arg7[%add3A_105] : memref<160000xi32, #tpu.memory_space<hbm>> -> memref<2000xi32, #tpu.memory_space<hbm>>
    tpu.enqueue_dma source(%dma_start3A_117 : memref<2000xi32, #tpu.memory_space<hbm>>) target(%dma_start3A_116 : memref<2000xi32, #tpu.memory_space<vmem>>) target_semaphore(%arg38 : memref<!tpu.dma_semaphore, #tpu.memory_space<semaphore_mem>>)
    %dma_start3A_118 = arith.constant 0 : i32
    %dma_start3A_119 = tpu.memref_slice %arg21[%dma_start3A_118] : memref<2048xf32, #tpu.memory_space<vmem>> -> memref<2000xf32, #tpu.memory_space<vmem>>
    %dma_start3A_120 = tpu.memref_slice %arg8[%add3A_105] : memref<160000xf32, #tpu.memory_space<hbm>> -> memref<2000xf32, #tpu.memory_space<hbm>>
    %dma_start3A_121 = arith.constant 0 : i32
    %dma_start3A_122 = tpu.memref_slice %arg21[%dma_start3A_121] : memref<2048xf32, #tpu.memory_space<vmem>> -> memref<2000xf32, #tpu.memory_space<vmem>>
    %dma_start3A_123 = tpu.memref_slice %arg8[%add3A_105] : memref<160000xf32, #tpu.memory_space<hbm>> -> memref<2000xf32, #tpu.memory_space<hbm>>
    tpu.enqueue_dma source(%dma_start3A_123 : memref<2000xf32, #tpu.memory_space<hbm>>) target(%dma_start3A_122 : memref<2000xf32, #tpu.memory_space<vmem>>) target_semaphore(%arg38 : memref<!tpu.dma_semaphore, #tpu.memory_space<semaphore_mem>>)
    %dma_start3A_124 = arith.constant 0 : i32
    %dma_start3A_125 = tpu.memref_slice %arg23[%dma_start3A_124] : memref<2048xf32, #tpu.memory_space<vmem>> -> memref<2000xf32, #tpu.memory_space<vmem>>
    %dma_start3A_126 = tpu.memref_slice %arg9[%add3A_105] : memref<160000xf32, #tpu.memory_space<hbm>> -> memref<2000xf32, #tpu.memory_space<hbm>>
    %dma_start3A_127 = arith.constant 0 : i32
    %dma_start3A_128 = tpu.memref_slice %arg23[%dma_start3A_127] : memref<2048xf32, #tpu.memory_space<vmem>> -> memref<2000xf32, #tpu.memory_space<vmem>>
    %dma_start3A_129 = tpu.memref_slice %arg9[%add3A_105] : memref<160000xf32, #tpu.memory_space<hbm>> -> memref<2000xf32, #tpu.memory_space<hbm>>
    tpu.enqueue_dma source(%dma_start3A_129 : memref<2000xf32, #tpu.memory_space<hbm>>) target(%dma_start3A_128 : memref<2000xf32, #tpu.memory_space<vmem>>) target_semaphore(%arg38 : memref<!tpu.dma_semaphore, #tpu.memory_space<semaphore_mem>>)
    %dma_start3A_130 = arith.constant 0 : i32
    %dma_start3A_131 = tpu.memref_slice %arg25[%dma_start3A_130] : memref<2048xf32, #tpu.memory_space<vmem>> -> memref<2000xf32, #tpu.memory_space<vmem>>
    %dma_start3A_132 = tpu.memref_slice %arg10[%add3A_105] : memref<160000xf32, #tpu.memory_space<hbm>> -> memref<2000xf32, #tpu.memory_space<hbm>>
    %dma_start3A_133 = arith.constant 0 : i32
    %dma_start3A_134 = tpu.memref_slice %arg25[%dma_start3A_133] : memref<2048xf32, #tpu.memory_space<vmem>> -> memref<2000xf32, #tpu.memory_space<vmem>>
    %dma_start3A_135 = tpu.memref_slice %arg10[%add3A_105] : memref<160000xf32, #tpu.memory_space<hbm>> -> memref<2000xf32, #tpu.memory_space<hbm>>
    tpu.enqueue_dma source(%dma_start3A_135 : memref<2000xf32, #tpu.memory_space<hbm>>) target(%dma_start3A_134 : memref<2000xf32, #tpu.memory_space<vmem>>) target_semaphore(%arg38 : memref<!tpu.dma_semaphore, #tpu.memory_space<semaphore_mem>>)
    %add3A_136 = arith.constant 2000 : i32
    %add3A_137 = arith.addi %mul3A_1, %add3A_136 : i32
    %dma_wait3A_138 = arith.constant 0 : i32
    %dma_wait3A_139 = tpu.memref_slice %arg18[%dma_wait3A_138] : memref<2048xi32, #tpu.memory_space<vmem>> -> memref<2000xi32, #tpu.memory_space<vmem>>
    %dma_wait3A_140 = tpu.memref_slice %arg6[%add3A_137] : memref<160000xi32, #tpu.memory_space<hbm>> -> memref<2000xi32, #tpu.memory_space<hbm>>
    %dma_wait3A_141 = arith.constant 0 : i32
    %dma_wait3A_142 = tpu.memref_slice %arg18[%dma_wait3A_141] : memref<2048xi32, #tpu.memory_space<vmem>> -> memref<2000xi32, #tpu.memory_space<vmem>>
    %dma_wait3A_143 = tpu.memref_slice %arg6[%add3A_137] : memref<160000xi32, #tpu.memory_space<hbm>> -> memref<2000xi32, #tpu.memory_space<hbm>>
    tpu.wait_dma2 semaphore(%arg39 : memref<!tpu.dma_semaphore, #tpu.memory_space<semaphore_mem>>) src(%dma_wait3A_143 : memref<2000xi32, #tpu.memory_space<hbm>>) dst(%dma_wait3A_142 : memref<2000xi32, #tpu.memory_space<vmem>>)
    %dma_wait3A_144 = arith.constant 0 : i32
    %dma_wait3A_145 = tpu.memref_slice %arg20[%dma_wait3A_144] : memref<2048xi32, #tpu.memory_space<vmem>> -> memref<2000xi32, #tpu.memory_space<vmem>>
    %dma_wait3A_146 = tpu.memref_slice %arg7[%add3A_137] : memref<160000xi32, #tpu.memory_space<hbm>> -> memref<2000xi32, #tpu.memory_space<hbm>>
    %dma_wait3A_147 = arith.constant 0 : i32
    %dma_wait3A_148 = tpu.memref_slice %arg20[%dma_wait3A_147] : memref<2048xi32, #tpu.memory_space<vmem>> -> memref<2000xi32, #tpu.memory_space<vmem>>
    %dma_wait3A_149 = tpu.memref_slice %arg7[%add3A_137] : memref<160000xi32, #tpu.memory_space<hbm>> -> memref<2000xi32, #tpu.memory_space<hbm>>
    tpu.wait_dma2 semaphore(%arg39 : memref<!tpu.dma_semaphore, #tpu.memory_space<semaphore_mem>>) src(%dma_wait3A_149 : memref<2000xi32, #tpu.memory_space<hbm>>) dst(%dma_wait3A_148 : memref<2000xi32, #tpu.memory_space<vmem>>)
    %dma_wait3A_150 = arith.constant 0 : i32
    %dma_wait3A_151 = tpu.memref_slice %arg22[%dma_wait3A_150] : memref<2048xf32, #tpu.memory_space<vmem>> -> memref<2000xf32, #tpu.memory_space<vmem>>
    %dma_wait3A_152 = tpu.memref_slice %arg8[%add3A_137] : memref<160000xf32, #tpu.memory_space<hbm>> -> memref<2000xf32, #tpu.memory_space<hbm>>
    %dma_wait3A_153 = arith.constant 0 : i32
    %dma_wait3A_154 = tpu.memref_slice %arg22[%dma_wait3A_153] : memref<2048xf32, #tpu.memory_space<vmem>> -> memref<2000xf32, #tpu.memory_space<vmem>>
    %dma_wait3A_155 = tpu.memref_slice %arg8[%add3A_137] : memref<160000xf32, #tpu.memory_space<hbm>> -> memref<2000xf32, #tpu.memory_space<hbm>>
    tpu.wait_dma2 semaphore(%arg39 : memref<!tpu.dma_semaphore, #tpu.memory_space<semaphore_mem>>) src(%dma_wait3A_155 : memref<2000xf32, #tpu.memory_space<hbm>>) dst(%dma_wait3A_154 : memref<2000xf32, #tpu.memory_space<vmem>>)
    %dma_wait3A_156 = arith.constant 0 : i32
    %dma_wait3A_157 = tpu.memref_slice %arg24[%dma_wait3A_156] : memref<2048xf32, #tpu.memory_space<vmem>> -> memref<2000xf32, #tpu.memory_space<vmem>>
    %dma_wait3A_158 = tpu.memref_slice %arg9[%add3A_137] : memref<160000xf32, #tpu.memory_space<hbm>> -> memref<2000xf32, #tpu.memory_space<hbm>>
    %dma_wait3A_159 = arith.constant 0 : i32
    %dma_wait3A_160 = tpu.memref_slice %arg24[%dma_wait3A_159] : memref<2048xf32, #tpu.memory_space<vmem>> -> memref<2000xf32, #tpu.memory_space<vmem>>
    %dma_wait3A_161 = tpu.memref_slice %arg9[%add3A_137] : memref<160000xf32, #tpu.memory_space<hbm>> -> memref<2000xf32, #tpu.memory_space<hbm>>
    tpu.wait_dma2 semaphore(%arg39 : memref<!tpu.dma_semaphore, #tpu.memory_space<semaphore_mem>>) src(%dma_wait3A_161 : memref<2000xf32, #tpu.memory_space<hbm>>) dst(%dma_wait3A_160 : memref<2000xf32, #tpu.memory_space<vmem>>)
    %dma_wait3A_162 = arith.constant 0 : i32
    %dma_wait3A_163 = tpu.memref_slice %arg26[%dma_wait3A_162] : memref<2048xf32, #tpu.memory_space<vmem>> -> memref<2000xf32, #tpu.memory_space<vmem>>
    %dma_wait3A_164 = tpu.memref_slice %arg10[%add3A_137] : memref<160000xf32, #tpu.memory_space<hbm>> -> memref<2000xf32, #tpu.memory_space<hbm>>
    %dma_wait3A_165 = arith.constant 0 : i32
    %dma_wait3A_166 = tpu.memref_slice %arg26[%dma_wait3A_165] : memref<2048xf32, #tpu.memory_space<vmem>> -> memref<2000xf32, #tpu.memory_space<vmem>>
    %dma_wait3A_167 = tpu.memref_slice %arg10[%add3A_137] : memref<160000xf32, #tpu.memory_space<hbm>> -> memref<2000xf32, #tpu.memory_space<hbm>>
    tpu.wait_dma2 semaphore(%arg39 : memref<!tpu.dma_semaphore, #tpu.memory_space<semaphore_mem>>) src(%dma_wait3A_167 : memref<2000xf32, #tpu.memory_space<hbm>>) dst(%dma_wait3A_166 : memref<2000xf32, #tpu.memory_space<vmem>>)
    %parallel_loop3A_168 = arith.constant 0 : i32
    %parallel_loop3A_169 = arith.constant 125 : i32
    %parallel_loop3A_170 = arith.constant 1 : i32
    %parallel_loop3A_171:7 = scf.for %parallel_loop3A_392 = %parallel_loop3A_168 to %parallel_loop3A_169 step %parallel_loop3A_170 iter_args(%parallel_loop3A_393 = %parallel_loop3A_103#0, %parallel_loop3A_394 = %parallel_loop3A_103#1, %parallel_loop3A_395 = %parallel_loop3A_103#2, %parallel_loop3A_396 = %parallel_loop3A_103#3, %parallel_loop3A_397 = %parallel_loop3A_103#4, %parallel_loop3A_398 = %parallel_loop3A_103#5, %parallel_loop3A_399 = %parallel_loop3A_103#6) -> (vector<16xf32>, vector<16xf32>, vector<16xf32>, vector<16xf32>, vector<16xf32>, vector<16xf32>, vector<16xf32>)  : i32 {
      %parallel_loop3A_400 = arith.constant 16 : i32
      %parallel_loop3A_401 = arith.muli %parallel_loop3A_392, %parallel_loop3A_400 : i32
      %parallel_loop3A_402 = arith.index_cast %parallel_loop3A_401 : i32 to index
      %parallel_loop3A_403 = tpu.vector_load %arg18[%parallel_loop3A_402] {strides = array<i32>} : memref<2048xi32, #tpu.memory_space<vmem>>, vector<16xi32>,
      %parallel_loop3A_404 = arith.index_cast %parallel_loop3A_401 : i32 to index
      %parallel_loop3A_405 = tpu.vector_load %arg20[%parallel_loop3A_404] {strides = array<i32>} : memref<2048xi32, #tpu.memory_space<vmem>>, vector<16xi32>,
      %parallel_loop3A_406 = arith.index_cast %parallel_loop3A_401 : i32 to index
      %parallel_loop3A_407 = tpu.vector_load %arg22[%parallel_loop3A_406] {strides = array<i32>} : memref<2048xf32, #tpu.memory_space<vmem>>, vector<16xf32>,
      %parallel_loop3A_408 = arith.index_cast %parallel_loop3A_401 : i32 to index
      %parallel_loop3A_409 = tpu.vector_load %arg24[%parallel_loop3A_408] {strides = array<i32>} : memref<2048xf32, #tpu.memory_space<vmem>>, vector<16xf32>,
      %parallel_loop3A_410 = arith.index_cast %parallel_loop3A_401 : i32 to index
      %parallel_loop3A_411 = tpu.vector_load %arg26[%parallel_loop3A_410] {strides = array<i32>} : memref<2048xf32, #tpu.memory_space<vmem>>, vector<16xf32>,
      %parallel_loop3A_412 = tpu.vector_load_idx %arg12[%parallel_loop3A_403] : memref<10240xf32, #tpu.memory_space<vmem>>[vector<16xi32>], vector<16xf32>,
      %parallel_loop3A_413 = tpu.vector_load_idx %arg13[%parallel_loop3A_403] : memref<10240xf32, #tpu.memory_space<vmem>>[vector<16xi32>], vector<16xf32>,
      %parallel_loop3A_414 = tpu.vector_load_idx %arg12[%parallel_loop3A_405] : memref<10240xf32, #tpu.memory_space<vmem>>[vector<16xi32>], vector<16xf32>,
      %parallel_loop3A_415 = tpu.vector_load_idx %arg13[%parallel_loop3A_405] : memref<10240xf32, #tpu.memory_space<vmem>>[vector<16xi32>], vector<16xf32>,
      %parallel_loop3A_416 = arith.subf %parallel_loop3A_412, %parallel_loop3A_414 : vector<16xf32>
      %parallel_loop3A_417 = arith.subf %parallel_loop3A_413, %parallel_loop3A_415 : vector<16xf32>
      %parallel_loop3A_418 = arith.mulf %parallel_loop3A_416, %parallel_loop3A_416 : vector<16xf32>
      %parallel_loop3A_419 = arith.mulf %parallel_loop3A_417, %parallel_loop3A_417 : vector<16xf32>
      %parallel_loop3A_420 = arith.addf %parallel_loop3A_418, %parallel_loop3A_419 : vector<16xf32>
      %parallel_loop3A_421 = arith.constant 9.99999997E-7 : f32
      %parallel_loop3A_422 = vector.broadcast %parallel_loop3A_421 : f32 to vector<16xf32>
      %parallel_loop3A_423 = arith.addf %parallel_loop3A_409, %parallel_loop3A_422 : vector<16xf32>
      %parallel_loop3A_424 = arith.mulf %parallel_loop3A_423, %parallel_loop3A_423 : vector<16xf32>
      %parallel_loop3A_425 = arith.mulf %parallel_loop3A_411, %parallel_loop3A_411 : vector<16xf32>
      %parallel_loop3A_426 = arith.addf %parallel_loop3A_424, %parallel_loop3A_425 : vector<16xf32>
      %parallel_loop3A_427 = tpu.bitcast %parallel_loop3A_420 : vector<16xf32> -> vector<16xi32>
      %parallel_loop3A_428 = arith.constant 1 : i32
      %parallel_loop3A_429 = vector.broadcast %parallel_loop3A_428 : i32 to vector<16xi32>
      %parallel_loop3A_430 = arith.shrsi %parallel_loop3A_427, %parallel_loop3A_429 : vector<16xi32>
      %parallel_loop3A_431 = arith.constant 1597463007 : i32
      %parallel_loop3A_432 = vector.broadcast %parallel_loop3A_431 : i32 to vector<16xi32>
      %parallel_loop3A_433 = arith.subi %parallel_loop3A_432, %parallel_loop3A_430 : vector<16xi32>
      %parallel_loop3A_434 = tpu.bitcast %parallel_loop3A_433 : vector<16xi32> -> vector<16xf32>
      %parallel_loop3A_435 = arith.constant 5.000000e-01 : f32
      %parallel_loop3A_436 = vector.broadcast %parallel_loop3A_435 : f32 to vector<16xf32>
      %parallel_loop3A_437 = arith.mulf %parallel_loop3A_420, %parallel_loop3A_436 : vector<16xf32>
      %parallel_loop3A_438 = arith.mulf %parallel_loop3A_437, %parallel_loop3A_434 : vector<16xf32>
      %parallel_loop3A_439 = arith.mulf %parallel_loop3A_438, %parallel_loop3A_434 : vector<16xf32>
      %parallel_loop3A_440 = arith.constant 1.500000e+00 : f32
      %parallel_loop3A_441 = vector.broadcast %parallel_loop3A_440 : f32 to vector<16xf32>
      %parallel_loop3A_442 = arith.subf %parallel_loop3A_441, %parallel_loop3A_439 : vector<16xf32>
      %parallel_loop3A_443 = arith.mulf %parallel_loop3A_434, %parallel_loop3A_442 : vector<16xf32>
      %parallel_loop3A_444 = arith.mulf %parallel_loop3A_437, %parallel_loop3A_443 : vector<16xf32>
      %parallel_loop3A_445 = arith.mulf %parallel_loop3A_444, %parallel_loop3A_443 : vector<16xf32>
      %parallel_loop3A_446 = arith.constant 1.500000e+00 : f32
      %parallel_loop3A_447 = vector.broadcast %parallel_loop3A_446 : f32 to vector<16xf32>
      %parallel_loop3A_448 = arith.subf %parallel_loop3A_447, %parallel_loop3A_445 : vector<16xf32>
      %parallel_loop3A_449 = arith.mulf %parallel_loop3A_443, %parallel_loop3A_448 : vector<16xf32>
      %parallel_loop3A_450 = arith.mulf %parallel_loop3A_420, %parallel_loop3A_449 : vector<16xf32>
      %parallel_loop3A_451 = tpu.bitcast %parallel_loop3A_426 : vector<16xf32> -> vector<16xi32>
      %parallel_loop3A_452 = arith.constant 1 : i32
      %parallel_loop3A_453 = vector.broadcast %parallel_loop3A_452 : i32 to vector<16xi32>
      %parallel_loop3A_454 = arith.shrsi %parallel_loop3A_451, %parallel_loop3A_453 : vector<16xi32>
      %parallel_loop3A_455 = arith.constant 1597463007 : i32
      %parallel_loop3A_456 = vector.broadcast %parallel_loop3A_455 : i32 to vector<16xi32>
      %parallel_loop3A_457 = arith.subi %parallel_loop3A_456, %parallel_loop3A_454 : vector<16xi32>
      %parallel_loop3A_458 = tpu.bitcast %parallel_loop3A_457 : vector<16xi32> -> vector<16xf32>
      %parallel_loop3A_459 = arith.constant 5.000000e-01 : f32
      %parallel_loop3A_460 = vector.broadcast %parallel_loop3A_459 : f32 to vector<16xf32>
      %parallel_loop3A_461 = arith.mulf %parallel_loop3A_426, %parallel_loop3A_460 : vector<16xf32>
      %parallel_loop3A_462 = arith.mulf %parallel_loop3A_461, %parallel_loop3A_458 : vector<16xf32>
      %parallel_loop3A_463 = arith.mulf %parallel_loop3A_462, %parallel_loop3A_458 : vector<16xf32>
      %parallel_loop3A_464 = arith.constant 1.500000e+00 : f32
      %parallel_loop3A_465 = vector.broadcast %parallel_loop3A_464 : f32 to vector<16xf32>
      %parallel_loop3A_466 = arith.subf %parallel_loop3A_465, %parallel_loop3A_463 : vector<16xf32>
      %parallel_loop3A_467 = arith.mulf %parallel_loop3A_458, %parallel_loop3A_466 : vector<16xf32>
      %parallel_loop3A_468 = arith.mulf %parallel_loop3A_461, %parallel_loop3A_467 : vector<16xf32>
      %parallel_loop3A_469 = arith.mulf %parallel_loop3A_468, %parallel_loop3A_467 : vector<16xf32>
      %parallel_loop3A_470 = arith.constant 1.500000e+00 : f32
      %parallel_loop3A_471 = vector.broadcast %parallel_loop3A_470 : f32 to vector<16xf32>
      %parallel_loop3A_472 = arith.subf %parallel_loop3A_471, %parallel_loop3A_469 : vector<16xf32>
      %parallel_loop3A_473 = arith.mulf %parallel_loop3A_467, %parallel_loop3A_472 : vector<16xf32>
      %parallel_loop3A_474 = arith.mulf %parallel_loop3A_450, %parallel_loop3A_473 : vector<16xf32>
      %parallel_loop3A_475 = arith.mulf %parallel_loop3A_474, %parallel_loop3A_407 : vector<16xf32>
      %parallel_loop3A_476 = arith.mulf %parallel_loop3A_450, %parallel_loop3A_407 : vector<16xf32>
      %parallel_loop3A_477 = arith.addf %parallel_loop3A_393, %parallel_loop3A_476 : vector<16xf32>
      %parallel_loop3A_478 = arith.mulf %parallel_loop3A_476, %parallel_loop3A_476 : vector<16xf32>
      %parallel_loop3A_479 = arith.addf %parallel_loop3A_394, %parallel_loop3A_478 : vector<16xf32>
      %parallel_loop3A_480 = arith.mulf %parallel_loop3A_407, %parallel_loop3A_409 : vector<16xf32>
      %parallel_loop3A_481 = arith.mulf %parallel_loop3A_407, %parallel_loop3A_411 : vector<16xf32>
      %parallel_loop3A_482 = arith.addf %parallel_loop3A_395, %parallel_loop3A_407 : vector<16xf32>
      %parallel_loop3A_483 = arith.addf %parallel_loop3A_396, %parallel_loop3A_480 : vector<16xf32>
      %parallel_loop3A_484 = arith.addf %parallel_loop3A_397, %parallel_loop3A_481 : vector<16xf32>
      %parallel_loop3A_485 = arith.mulf %parallel_loop3A_480, %parallel_loop3A_409 : vector<16xf32>
      %parallel_loop3A_486 = arith.addf %parallel_loop3A_398, %parallel_loop3A_485 : vector<16xf32>
      %parallel_loop3A_487 = arith.mulf %parallel_loop3A_481, %parallel_loop3A_411 : vector<16xf32>
      %parallel_loop3A_488 = arith.addf %parallel_loop3A_399, %parallel_loop3A_487 : vector<16xf32>
      %parallel_loop3A_489 = arith.mulf %parallel_loop3A_412, %parallel_loop3A_412 : vector<16xf32>
      %parallel_loop3A_490 = arith.mulf %parallel_loop3A_413, %parallel_loop3A_413 : vector<16xf32>
      %parallel_loop3A_491 = arith.addf %parallel_loop3A_489, %parallel_loop3A_490 : vector<16xf32>
      %parallel_loop3A_492 = arith.mulf %parallel_loop3A_491, %parallel_loop3A_407 : vector<16xf32>
      %parallel_loop3A_493 = arith.divf %parallel_loop3A_492, %parallel_loop3A_423 : vector<16xf32>
      %parallel_loop3A_494 = arith.constant 9.99999997E-7 : f32
      %parallel_loop3A_495 = vector.broadcast %parallel_loop3A_494 : f32 to vector<16xf32>
      %parallel_loop3A_496 = arith.addf %parallel_loop3A_411, %parallel_loop3A_495 : vector<16xf32>
      %parallel_loop3A_497 = arith.divf %parallel_loop3A_492, %parallel_loop3A_496 : vector<16xf32>
      %parallel_loop3A_498 = arith.cmpi ne, %parallel_loop3A_403, %parallel_loop3A_405 : vector<16xi32>
      tpu.vector_store_idx %arg14[%parallel_loop3A_405], %parallel_loop3A_475 {add = true} : memref<10240xf32, #tpu.memory_space<vmem>>[vector<16xi32>], vector<16xf32>,
      %parallel_loop3A_499 = arith.constant 0.000000e+00 : f32
      %parallel_loop3A_500 = vector.broadcast %parallel_loop3A_499 : f32 to vector<16xf32>
      %parallel_loop3A_501 = arith.subf %parallel_loop3A_500, %parallel_loop3A_475 : vector<16xf32>
      tpu.vector_store_idx %arg14[%parallel_loop3A_403], %parallel_loop3A_501 {add = true} : memref<10240xf32, #tpu.memory_space<vmem>>[vector<16xi32>], vector<16xf32>,
      tpu.vector_store_idx %arg15[%parallel_loop3A_403], %parallel_loop3A_493 {add = true} : memref<10240xf32, #tpu.memory_space<vmem>>[vector<16xi32>], vector<16xf32>,
      tpu.vector_store_idx %arg15[%parallel_loop3A_405], %parallel_loop3A_493 masked %parallel_loop3A_498 {add = true} : memref<10240xf32, #tpu.memory_space<vmem>>[vector<16xi32>], vector<16xf32>, vector<16xi1>
      tpu.vector_store_idx %arg16[%parallel_loop3A_403], %parallel_loop3A_497 {add = true} : memref<10240xf32, #tpu.memory_space<vmem>>[vector<16xi32>], vector<16xf32>,
      tpu.vector_store_idx %arg16[%parallel_loop3A_405], %parallel_loop3A_497 masked %parallel_loop3A_498 {add = true} : memref<10240xf32, #tpu.memory_space<vmem>>[vector<16xi32>], vector<16xf32>, vector<16xi1>
      scf.yield %parallel_loop3A_477, %parallel_loop3A_479, %parallel_loop3A_482, %parallel_loop3A_483, %parallel_loop3A_484, %parallel_loop3A_486, %parallel_loop3A_488 : vector<16xf32>, vector<16xf32>, vector<16xf32>, vector<16xf32>, vector<16xf32>, vector<16xf32>, vector<16xf32>
    } {sc.loop_unroll_factor = 5 : i64, sc.parallel_access}
    %add3A_172 = arith.constant 6000 : i32
    %add3A_173 = arith.addi %mul3A_1, %add3A_172 : i32
    %dma_start3A_174 = arith.constant 0 : i32
    %dma_start3A_175 = tpu.memref_slice %arg18[%dma_start3A_174] : memref<2048xi32, #tpu.memory_space<vmem>> -> memref<2000xi32, #tpu.memory_space<vmem>>
    %dma_start3A_176 = tpu.memref_slice %arg6[%add3A_173] : memref<160000xi32, #tpu.memory_space<hbm>> -> memref<2000xi32, #tpu.memory_space<hbm>>
    %dma_start3A_177 = arith.constant 0 : i32
    %dma_start3A_178 = tpu.memref_slice %arg18[%dma_start3A_177] : memref<2048xi32, #tpu.memory_space<vmem>> -> memref<2000xi32, #tpu.memory_space<vmem>>
    %dma_start3A_179 = tpu.memref_slice %arg6[%add3A_173] : memref<160000xi32, #tpu.memory_space<hbm>> -> memref<2000xi32, #tpu.memory_space<hbm>>
    tpu.enqueue_dma source(%dma_start3A_179 : memref<2000xi32, #tpu.memory_space<hbm>>) target(%dma_start3A_178 : memref<2000xi32, #tpu.memory_space<vmem>>) target_semaphore(%arg39 : memref<!tpu.dma_semaphore, #tpu.memory_space<semaphore_mem>>)
    %dma_start3A_180 = arith.constant 0 : i32
    %dma_start3A_181 = tpu.memref_slice %arg20[%dma_start3A_180] : memref<2048xi32, #tpu.memory_space<vmem>> -> memref<2000xi32, #tpu.memory_space<vmem>>
    %dma_start3A_182 = tpu.memref_slice %arg7[%add3A_173] : memref<160000xi32, #tpu.memory_space<hbm>> -> memref<2000xi32, #tpu.memory_space<hbm>>
    %dma_start3A_183 = arith.constant 0 : i32
    %dma_start3A_184 = tpu.memref_slice %arg20[%dma_start3A_183] : memref<2048xi32, #tpu.memory_space<vmem>> -> memref<2000xi32, #tpu.memory_space<vmem>>
    %dma_start3A_185 = tpu.memref_slice %arg7[%add3A_173] : memref<160000xi32, #tpu.memory_space<hbm>> -> memref<2000xi32, #tpu.memory_space<hbm>>
    tpu.enqueue_dma source(%dma_start3A_185 : memref<2000xi32, #tpu.memory_space<hbm>>) target(%dma_start3A_184 : memref<2000xi32, #tpu.memory_space<vmem>>) target_semaphore(%arg39 : memref<!tpu.dma_semaphore, #tpu.memory_space<semaphore_mem>>)
    %dma_start3A_186 = arith.constant 0 : i32
    %dma_start3A_187 = tpu.memref_slice %arg22[%dma_start3A_186] : memref<2048xf32, #tpu.memory_space<vmem>> -> memref<2000xf32, #tpu.memory_space<vmem>>
    %dma_start3A_188 = tpu.memref_slice %arg8[%add3A_173] : memref<160000xf32, #tpu.memory_space<hbm>> -> memref<2000xf32, #tpu.memory_space<hbm>>
    %dma_start3A_189 = arith.constant 0 : i32
    %dma_start3A_190 = tpu.memref_slice %arg22[%dma_start3A_189] : memref<2048xf32, #tpu.memory_space<vmem>> -> memref<2000xf32, #tpu.memory_space<vmem>>
    %dma_start3A_191 = tpu.memref_slice %arg8[%add3A_173] : memref<160000xf32, #tpu.memory_space<hbm>> -> memref<2000xf32, #tpu.memory_space<hbm>>
    tpu.enqueue_dma source(%dma_start3A_191 : memref<2000xf32, #tpu.memory_space<hbm>>) target(%dma_start3A_190 : memref<2000xf32, #tpu.memory_space<vmem>>) target_semaphore(%arg39 : memref<!tpu.dma_semaphore, #tpu.memory_space<semaphore_mem>>)
    %dma_start3A_192 = arith.constant 0 : i32
    %dma_start3A_193 = tpu.memref_slice %arg24[%dma_start3A_192] : memref<2048xf32, #tpu.memory_space<vmem>> -> memref<2000xf32, #tpu.memory_space<vmem>>
    %dma_start3A_194 = tpu.memref_slice %arg9[%add3A_173] : memref<160000xf32, #tpu.memory_space<hbm>> -> memref<2000xf32, #tpu.memory_space<hbm>>
    %dma_start3A_195 = arith.constant 0 : i32
    %dma_start3A_196 = tpu.memref_slice %arg24[%dma_start3A_195] : memref<2048xf32, #tpu.memory_space<vmem>> -> memref<2000xf32, #tpu.memory_space<vmem>>
    %dma_start3A_197 = tpu.memref_slice %arg9[%add3A_173] : memref<160000xf32, #tpu.memory_space<hbm>> -> memref<2000xf32, #tpu.memory_space<hbm>>
    tpu.enqueue_dma source(%dma_start3A_197 : memref<2000xf32, #tpu.memory_space<hbm>>) target(%dma_start3A_196 : memref<2000xf32, #tpu.memory_space<vmem>>) target_semaphore(%arg39 : memref<!tpu.dma_semaphore, #tpu.memory_space<semaphore_mem>>)
    %dma_start3A_198 = arith.constant 0 : i32
    %dma_start3A_199 = tpu.memref_slice %arg26[%dma_start3A_198] : memref<2048xf32, #tpu.memory_space<vmem>> -> memref<2000xf32, #tpu.memory_space<vmem>>
    %dma_start3A_200 = tpu.memref_slice %arg10[%add3A_173] : memref<160000xf32, #tpu.memory_space<hbm>> -> memref<2000xf32, #tpu.memory_space<hbm>>
    %dma_start3A_201 = arith.constant 0 : i32
    %dma_start3A_202 = tpu.memref_slice %arg26[%dma_start3A_201] : memref<2048xf32, #tpu.memory_space<vmem>> -> memref<2000xf32, #tpu.memory_space<vmem>>
    %dma_start3A_203 = tpu.memref_slice %arg10[%add3A_173] : memref<160000xf32, #tpu.memory_space<hbm>> -> memref<2000xf32, #tpu.memory_space<hbm>>
    tpu.enqueue_dma source(%dma_start3A_203 : memref<2000xf32, #tpu.memory_space<hbm>>) target(%dma_start3A_202 : memref<2000xf32, #tpu.memory_space<vmem>>) target_semaphore(%arg39 : memref<!tpu.dma_semaphore, #tpu.memory_space<semaphore_mem>>)
    %add3A_204 = arith.constant 4000 : i32
    %add3A_205 = arith.addi %mul3A_1, %add3A_204 : i32
    %dma_wait3A_206 = arith.constant 0 : i32
    %dma_wait3A_207 = tpu.memref_slice %arg17[%dma_wait3A_206] : memref<2048xi32, #tpu.memory_space<vmem>> -> memref<2000xi32, #tpu.memory_space<vmem>>
    %dma_wait3A_208 = tpu.memref_slice %arg6[%add3A_205] : memref<160000xi32, #tpu.memory_space<hbm>> -> memref<2000xi32, #tpu.memory_space<hbm>>
    %dma_wait3A_209 = arith.constant 0 : i32
    %dma_wait3A_210 = tpu.memref_slice %arg17[%dma_wait3A_209] : memref<2048xi32, #tpu.memory_space<vmem>> -> memref<2000xi32, #tpu.memory_space<vmem>>
    %dma_wait3A_211 = tpu.memref_slice %arg6[%add3A_205] : memref<160000xi32, #tpu.memory_space<hbm>> -> memref<2000xi32, #tpu.memory_space<hbm>>
    tpu.wait_dma2 semaphore(%arg38 : memref<!tpu.dma_semaphore, #tpu.memory_space<semaphore_mem>>) src(%dma_wait3A_211 : memref<2000xi32, #tpu.memory_space<hbm>>) dst(%dma_wait3A_210 : memref<2000xi32, #tpu.memory_space<vmem>>)
    %dma_wait3A_212 = arith.constant 0 : i32
    %dma_wait3A_213 = tpu.memref_slice %arg19[%dma_wait3A_212] : memref<2048xi32, #tpu.memory_space<vmem>> -> memref<2000xi32, #tpu.memory_space<vmem>>
    %dma_wait3A_214 = tpu.memref_slice %arg7[%add3A_205] : memref<160000xi32, #tpu.memory_space<hbm>> -> memref<2000xi32, #tpu.memory_space<hbm>>
    %dma_wait3A_215 = arith.constant 0 : i32
    %dma_wait3A_216 = tpu.memref_slice %arg19[%dma_wait3A_215] : memref<2048xi32, #tpu.memory_space<vmem>> -> memref<2000xi32, #tpu.memory_space<vmem>>
    %dma_wait3A_217 = tpu.memref_slice %arg7[%add3A_205] : memref<160000xi32, #tpu.memory_space<hbm>> -> memref<2000xi32, #tpu.memory_space<hbm>>
    tpu.wait_dma2 semaphore(%arg38 : memref<!tpu.dma_semaphore, #tpu.memory_space<semaphore_mem>>) src(%dma_wait3A_217 : memref<2000xi32, #tpu.memory_space<hbm>>) dst(%dma_wait3A_216 : memref<2000xi32, #tpu.memory_space<vmem>>)
    %dma_wait3A_218 = arith.constant 0 : i32
    %dma_wait3A_219 = tpu.memref_slice %arg21[%dma_wait3A_218] : memref<2048xf32, #tpu.memory_space<vmem>> -> memref<2000xf32, #tpu.memory_space<vmem>>
    %dma_wait3A_220 = tpu.memref_slice %arg8[%add3A_205] : memref<160000xf32, #tpu.memory_space<hbm>> -> memref<2000xf32, #tpu.memory_space<hbm>>
    %dma_wait3A_221 = arith.constant 0 : i32
    %dma_wait3A_222 = tpu.memref_slice %arg21[%dma_wait3A_221] : memref<2048xf32, #tpu.memory_space<vmem>> -> memref<2000xf32, #tpu.memory_space<vmem>>
    %dma_wait3A_223 = tpu.memref_slice %arg8[%add3A_205] : memref<160000xf32, #tpu.memory_space<hbm>> -> memref<2000xf32, #tpu.memory_space<hbm>>
    tpu.wait_dma2 semaphore(%arg38 : memref<!tpu.dma_semaphore, #tpu.memory_space<semaphore_mem>>) src(%dma_wait3A_223 : memref<2000xf32, #tpu.memory_space<hbm>>) dst(%dma_wait3A_222 : memref<2000xf32, #tpu.memory_space<vmem>>)
    %dma_wait3A_224 = arith.constant 0 : i32
    %dma_wait3A_225 = tpu.memref_slice %arg23[%dma_wait3A_224] : memref<2048xf32, #tpu.memory_space<vmem>> -> memref<2000xf32, #tpu.memory_space<vmem>>
    %dma_wait3A_226 = tpu.memref_slice %arg9[%add3A_205] : memref<160000xf32, #tpu.memory_space<hbm>> -> memref<2000xf32, #tpu.memory_space<hbm>>
    %dma_wait3A_227 = arith.constant 0 : i32
    %dma_wait3A_228 = tpu.memref_slice %arg23[%dma_wait3A_227] : memref<2048xf32, #tpu.memory_space<vmem>> -> memref<2000xf32, #tpu.memory_space<vmem>>
    %dma_wait3A_229 = tpu.memref_slice %arg9[%add3A_205] : memref<160000xf32, #tpu.memory_space<hbm>> -> memref<2000xf32, #tpu.memory_space<hbm>>
    tpu.wait_dma2 semaphore(%arg38 : memref<!tpu.dma_semaphore, #tpu.memory_space<semaphore_mem>>) src(%dma_wait3A_229 : memref<2000xf32, #tpu.memory_space<hbm>>) dst(%dma_wait3A_228 : memref<2000xf32, #tpu.memory_space<vmem>>)
    %dma_wait3A_230 = arith.constant 0 : i32
    %dma_wait3A_231 = tpu.memref_slice %arg25[%dma_wait3A_230] : memref<2048xf32, #tpu.memory_space<vmem>> -> memref<2000xf32, #tpu.memory_space<vmem>>
    %dma_wait3A_232 = tpu.memref_slice %arg10[%add3A_205] : memref<160000xf32, #tpu.memory_space<hbm>> -> memref<2000xf32, #tpu.memory_space<hbm>>
    %dma_wait3A_233 = arith.constant 0 : i32
    %dma_wait3A_234 = tpu.memref_slice %arg25[%dma_wait3A_233] : memref<2048xf32, #tpu.memory_space<vmem>> -> memref<2000xf32, #tpu.memory_space<vmem>>
    %dma_wait3A_235 = tpu.memref_slice %arg10[%add3A_205] : memref<160000xf32, #tpu.memory_space<hbm>> -> memref<2000xf32, #tpu.memory_space<hbm>>
    tpu.wait_dma2 semaphore(%arg38 : memref<!tpu.dma_semaphore, #tpu.memory_space<semaphore_mem>>) src(%dma_wait3A_235 : memref<2000xf32, #tpu.memory_space<hbm>>) dst(%dma_wait3A_234 : memref<2000xf32, #tpu.memory_space<vmem>>)
    %parallel_loop3A_236 = arith.constant 0 : i32
    %parallel_loop3A_237 = arith.constant 125 : i32
    %parallel_loop3A_238 = arith.constant 1 : i32
    %parallel_loop3A_239:7 = scf.for %parallel_loop3A_392 = %parallel_loop3A_236 to %parallel_loop3A_237 step %parallel_loop3A_238 iter_args(%parallel_loop3A_393 = %parallel_loop3A_171#0, %parallel_loop3A_394 = %parallel_loop3A_171#1, %parallel_loop3A_395 = %parallel_loop3A_171#2, %parallel_loop3A_396 = %parallel_loop3A_171#3, %parallel_loop3A_397 = %parallel_loop3A_171#4, %parallel_loop3A_398 = %parallel_loop3A_171#5, %parallel_loop3A_399 = %parallel_loop3A_171#6) -> (vector<16xf32>, vector<16xf32>, vector<16xf32>, vector<16xf32>, vector<16xf32>, vector<16xf32>, vector<16xf32>)  : i32 {
      %parallel_loop3A_400 = arith.constant 16 : i32
      %parallel_loop3A_401 = arith.muli %parallel_loop3A_392, %parallel_loop3A_400 : i32
      %parallel_loop3A_402 = arith.index_cast %parallel_loop3A_401 : i32 to index
      %parallel_loop3A_403 = tpu.vector_load %arg17[%parallel_loop3A_402] {strides = array<i32>} : memref<2048xi32, #tpu.memory_space<vmem>>, vector<16xi32>,
      %parallel_loop3A_404 = arith.index_cast %parallel_loop3A_401 : i32 to index
      %parallel_loop3A_405 = tpu.vector_load %arg19[%parallel_loop3A_404] {strides = array<i32>} : memref<2048xi32, #tpu.memory_space<vmem>>, vector<16xi32>,
      %parallel_loop3A_406 = arith.index_cast %parallel_loop3A_401 : i32 to index
      %parallel_loop3A_407 = tpu.vector_load %arg21[%parallel_loop3A_406] {strides = array<i32>} : memref<2048xf32, #tpu.memory_space<vmem>>, vector<16xf32>,
      %parallel_loop3A_408 = arith.index_cast %parallel_loop3A_401 : i32 to index
      %parallel_loop3A_409 = tpu.vector_load %arg23[%parallel_loop3A_408] {strides = array<i32>} : memref<2048xf32, #tpu.memory_space<vmem>>, vector<16xf32>,
      %parallel_loop3A_410 = arith.index_cast %parallel_loop3A_401 : i32 to index
      %parallel_loop3A_411 = tpu.vector_load %arg25[%parallel_loop3A_410] {strides = array<i32>} : memref<2048xf32, #tpu.memory_space<vmem>>, vector<16xf32>,
      %parallel_loop3A_412 = tpu.vector_load_idx %arg12[%parallel_loop3A_403] : memref<10240xf32, #tpu.memory_space<vmem>>[vector<16xi32>], vector<16xf32>,
      %parallel_loop3A_413 = tpu.vector_load_idx %arg13[%parallel_loop3A_403] : memref<10240xf32, #tpu.memory_space<vmem>>[vector<16xi32>], vector<16xf32>,
      %parallel_loop3A_414 = tpu.vector_load_idx %arg12[%parallel_loop3A_405] : memref<10240xf32, #tpu.memory_space<vmem>>[vector<16xi32>], vector<16xf32>,
      %parallel_loop3A_415 = tpu.vector_load_idx %arg13[%parallel_loop3A_405] : memref<10240xf32, #tpu.memory_space<vmem>>[vector<16xi32>], vector<16xf32>,
      %parallel_loop3A_416 = arith.subf %parallel_loop3A_412, %parallel_loop3A_414 : vector<16xf32>
      %parallel_loop3A_417 = arith.subf %parallel_loop3A_413, %parallel_loop3A_415 : vector<16xf32>
      %parallel_loop3A_418 = arith.mulf %parallel_loop3A_416, %parallel_loop3A_416 : vector<16xf32>
      %parallel_loop3A_419 = arith.mulf %parallel_loop3A_417, %parallel_loop3A_417 : vector<16xf32>
      %parallel_loop3A_420 = arith.addf %parallel_loop3A_418, %parallel_loop3A_419 : vector<16xf32>
      %parallel_loop3A_421 = arith.constant 9.99999997E-7 : f32
      %parallel_loop3A_422 = vector.broadcast %parallel_loop3A_421 : f32 to vector<16xf32>
      %parallel_loop3A_423 = arith.addf %parallel_loop3A_409, %parallel_loop3A_422 : vector<16xf32>
      %parallel_loop3A_424 = arith.mulf %parallel_loop3A_423, %parallel_loop3A_423 : vector<16xf32>
      %parallel_loop3A_425 = arith.mulf %parallel_loop3A_411, %parallel_loop3A_411 : vector<16xf32>
      %parallel_loop3A_426 = arith.addf %parallel_loop3A_424, %parallel_loop3A_425 : vector<16xf32>
      %parallel_loop3A_427 = tpu.bitcast %parallel_loop3A_420 : vector<16xf32> -> vector<16xi32>
      %parallel_loop3A_428 = arith.constant 1 : i32
      %parallel_loop3A_429 = vector.broadcast %parallel_loop3A_428 : i32 to vector<16xi32>
      %parallel_loop3A_430 = arith.shrsi %parallel_loop3A_427, %parallel_loop3A_429 : vector<16xi32>
      %parallel_loop3A_431 = arith.constant 1597463007 : i32
      %parallel_loop3A_432 = vector.broadcast %parallel_loop3A_431 : i32 to vector<16xi32>
      %parallel_loop3A_433 = arith.subi %parallel_loop3A_432, %parallel_loop3A_430 : vector<16xi32>
      %parallel_loop3A_434 = tpu.bitcast %parallel_loop3A_433 : vector<16xi32> -> vector<16xf32>
      %parallel_loop3A_435 = arith.constant 5.000000e-01 : f32
      %parallel_loop3A_436 = vector.broadcast %parallel_loop3A_435 : f32 to vector<16xf32>
      %parallel_loop3A_437 = arith.mulf %parallel_loop3A_420, %parallel_loop3A_436 : vector<16xf32>
      %parallel_loop3A_438 = arith.mulf %parallel_loop3A_437, %parallel_loop3A_434 : vector<16xf32>
      %parallel_loop3A_439 = arith.mulf %parallel_loop3A_438, %parallel_loop3A_434 : vector<16xf32>
      %parallel_loop3A_440 = arith.constant 1.500000e+00 : f32
      %parallel_loop3A_441 = vector.broadcast %parallel_loop3A_440 : f32 to vector<16xf32>
      %parallel_loop3A_442 = arith.subf %parallel_loop3A_441, %parallel_loop3A_439 : vector<16xf32>
      %parallel_loop3A_443 = arith.mulf %parallel_loop3A_434, %parallel_loop3A_442 : vector<16xf32>
      %parallel_loop3A_444 = arith.mulf %parallel_loop3A_437, %parallel_loop3A_443 : vector<16xf32>
      %parallel_loop3A_445 = arith.mulf %parallel_loop3A_444, %parallel_loop3A_443 : vector<16xf32>
      %parallel_loop3A_446 = arith.constant 1.500000e+00 : f32
      %parallel_loop3A_447 = vector.broadcast %parallel_loop3A_446 : f32 to vector<16xf32>
      %parallel_loop3A_448 = arith.subf %parallel_loop3A_447, %parallel_loop3A_445 : vector<16xf32>
      %parallel_loop3A_449 = arith.mulf %parallel_loop3A_443, %parallel_loop3A_448 : vector<16xf32>
      %parallel_loop3A_450 = arith.mulf %parallel_loop3A_420, %parallel_loop3A_449 : vector<16xf32>
      %parallel_loop3A_451 = tpu.bitcast %parallel_loop3A_426 : vector<16xf32> -> vector<16xi32>
      %parallel_loop3A_452 = arith.constant 1 : i32
      %parallel_loop3A_453 = vector.broadcast %parallel_loop3A_452 : i32 to vector<16xi32>
      %parallel_loop3A_454 = arith.shrsi %parallel_loop3A_451, %parallel_loop3A_453 : vector<16xi32>
      %parallel_loop3A_455 = arith.constant 1597463007 : i32
      %parallel_loop3A_456 = vector.broadcast %parallel_loop3A_455 : i32 to vector<16xi32>
      %parallel_loop3A_457 = arith.subi %parallel_loop3A_456, %parallel_loop3A_454 : vector<16xi32>
      %parallel_loop3A_458 = tpu.bitcast %parallel_loop3A_457 : vector<16xi32> -> vector<16xf32>
      %parallel_loop3A_459 = arith.constant 5.000000e-01 : f32
      %parallel_loop3A_460 = vector.broadcast %parallel_loop3A_459 : f32 to vector<16xf32>
      %parallel_loop3A_461 = arith.mulf %parallel_loop3A_426, %parallel_loop3A_460 : vector<16xf32>
      %parallel_loop3A_462 = arith.mulf %parallel_loop3A_461, %parallel_loop3A_458 : vector<16xf32>
      %parallel_loop3A_463 = arith.mulf %parallel_loop3A_462, %parallel_loop3A_458 : vector<16xf32>
      %parallel_loop3A_464 = arith.constant 1.500000e+00 : f32
      %parallel_loop3A_465 = vector.broadcast %parallel_loop3A_464 : f32 to vector<16xf32>
      %parallel_loop3A_466 = arith.subf %parallel_loop3A_465, %parallel_loop3A_463 : vector<16xf32>
      %parallel_loop3A_467 = arith.mulf %parallel_loop3A_458, %parallel_loop3A_466 : vector<16xf32>
      %parallel_loop3A_468 = arith.mulf %parallel_loop3A_461, %parallel_loop3A_467 : vector<16xf32>
      %parallel_loop3A_469 = arith.mulf %parallel_loop3A_468, %parallel_loop3A_467 : vector<16xf32>
      %parallel_loop3A_470 = arith.constant 1.500000e+00 : f32
      %parallel_loop3A_471 = vector.broadcast %parallel_loop3A_470 : f32 to vector<16xf32>
      %parallel_loop3A_472 = arith.subf %parallel_loop3A_471, %parallel_loop3A_469 : vector<16xf32>
      %parallel_loop3A_473 = arith.mulf %parallel_loop3A_467, %parallel_loop3A_472 : vector<16xf32>
      %parallel_loop3A_474 = arith.mulf %parallel_loop3A_450, %parallel_loop3A_473 : vector<16xf32>
      %parallel_loop3A_475 = arith.mulf %parallel_loop3A_474, %parallel_loop3A_407 : vector<16xf32>
      %parallel_loop3A_476 = arith.mulf %parallel_loop3A_450, %parallel_loop3A_407 : vector<16xf32>
      %parallel_loop3A_477 = arith.addf %parallel_loop3A_393, %parallel_loop3A_476 : vector<16xf32>
      %parallel_loop3A_478 = arith.mulf %parallel_loop3A_476, %parallel_loop3A_476 : vector<16xf32>
      %parallel_loop3A_479 = arith.addf %parallel_loop3A_394, %parallel_loop3A_478 : vector<16xf32>
      %parallel_loop3A_480 = arith.mulf %parallel_loop3A_407, %parallel_loop3A_409 : vector<16xf32>
      %parallel_loop3A_481 = arith.mulf %parallel_loop3A_407, %parallel_loop3A_411 : vector<16xf32>
      %parallel_loop3A_482 = arith.addf %parallel_loop3A_395, %parallel_loop3A_407 : vector<16xf32>
      %parallel_loop3A_483 = arith.addf %parallel_loop3A_396, %parallel_loop3A_480 : vector<16xf32>
      %parallel_loop3A_484 = arith.addf %parallel_loop3A_397, %parallel_loop3A_481 : vector<16xf32>
      %parallel_loop3A_485 = arith.mulf %parallel_loop3A_480, %parallel_loop3A_409 : vector<16xf32>
      %parallel_loop3A_486 = arith.addf %parallel_loop3A_398, %parallel_loop3A_485 : vector<16xf32>
      %parallel_loop3A_487 = arith.mulf %parallel_loop3A_481, %parallel_loop3A_411 : vector<16xf32>
      %parallel_loop3A_488 = arith.addf %parallel_loop3A_399, %parallel_loop3A_487 : vector<16xf32>
      %parallel_loop3A_489 = arith.mulf %parallel_loop3A_412, %parallel_loop3A_412 : vector<16xf32>
      %parallel_loop3A_490 = arith.mulf %parallel_loop3A_413, %parallel_loop3A_413 : vector<16xf32>
      %parallel_loop3A_491 = arith.addf %parallel_loop3A_489, %parallel_loop3A_490 : vector<16xf32>
      %parallel_loop3A_492 = arith.mulf %parallel_loop3A_491, %parallel_loop3A_407 : vector<16xf32>
      %parallel_loop3A_493 = arith.divf %parallel_loop3A_492, %parallel_loop3A_423 : vector<16xf32>
      %parallel_loop3A_494 = arith.constant 9.99999997E-7 : f32
      %parallel_loop3A_495 = vector.broadcast %parallel_loop3A_494 : f32 to vector<16xf32>
      %parallel_loop3A_496 = arith.addf %parallel_loop3A_411, %parallel_loop3A_495 : vector<16xf32>
      %parallel_loop3A_497 = arith.divf %parallel_loop3A_492, %parallel_loop3A_496 : vector<16xf32>
      %parallel_loop3A_498 = arith.cmpi ne, %parallel_loop3A_403, %parallel_loop3A_405 : vector<16xi32>
      tpu.vector_store_idx %arg14[%parallel_loop3A_405], %parallel_loop3A_475 {add = true} : memref<10240xf32, #tpu.memory_space<vmem>>[vector<16xi32>], vector<16xf32>,
      %parallel_loop3A_499 = arith.constant 0.000000e+00 : f32
      %parallel_loop3A_500 = vector.broadcast %parallel_loop3A_499 : f32 to vector<16xf32>
      %parallel_loop3A_501 = arith.subf %parallel_loop3A_500, %parallel_loop3A_475 : vector<16xf32>
      tpu.vector_store_idx %arg14[%parallel_loop3A_403], %parallel_loop3A_501 {add = true} : memref<10240xf32, #tpu.memory_space<vmem>>[vector<16xi32>], vector<16xf32>,
      tpu.vector_store_idx %arg15[%parallel_loop3A_403], %parallel_loop3A_493 {add = true} : memref<10240xf32, #tpu.memory_space<vmem>>[vector<16xi32>], vector<16xf32>,
      tpu.vector_store_idx %arg15[%parallel_loop3A_405], %parallel_loop3A_493 masked %parallel_loop3A_498 {add = true} : memref<10240xf32, #tpu.memory_space<vmem>>[vector<16xi32>], vector<16xf32>, vector<16xi1>
      tpu.vector_store_idx %arg16[%parallel_loop3A_403], %parallel_loop3A_497 {add = true} : memref<10240xf32, #tpu.memory_space<vmem>>[vector<16xi32>], vector<16xf32>,
      tpu.vector_store_idx %arg16[%parallel_loop3A_405], %parallel_loop3A_497 masked %parallel_loop3A_498 {add = true} : memref<10240xf32, #tpu.memory_space<vmem>>[vector<16xi32>], vector<16xf32>, vector<16xi1>
      scf.yield %parallel_loop3A_477, %parallel_loop3A_479, %parallel_loop3A_482, %parallel_loop3A_483, %parallel_loop3A_484, %parallel_loop3A_486, %parallel_loop3A_488 : vector<16xf32>, vector<16xf32>, vector<16xf32>, vector<16xf32>, vector<16xf32>, vector<16xf32>, vector<16xf32>
    } {sc.loop_unroll_factor = 5 : i64, sc.parallel_access}
    %add3A_240 = arith.constant 8000 : i32
    %add3A_241 = arith.addi %mul3A_1, %add3A_240 : i32
    %dma_start3A_242 = arith.constant 0 : i32
    %dma_start3A_243 = tpu.memref_slice %arg17[%dma_start3A_242] : memref<2048xi32, #tpu.memory_space<vmem>> -> memref<2000xi32, #tpu.memory_space<vmem>>
    %dma_start3A_244 = tpu.memref_slice %arg6[%add3A_241] : memref<160000xi32, #tpu.memory_space<hbm>> -> memref<2000xi32, #tpu.memory_space<hbm>>
    %dma_start3A_245 = arith.constant 0 : i32
    %dma_start3A_246 = tpu.memref_slice %arg17[%dma_start3A_245] : memref<2048xi32, #tpu.memory_space<vmem>> -> memref<2000xi32, #tpu.memory_space<vmem>>
    %dma_start3A_247 = tpu.memref_slice %arg6[%add3A_241] : memref<160000xi32, #tpu.memory_space<hbm>> -> memref<2000xi32, #tpu.memory_space<hbm>>
    tpu.enqueue_dma source(%dma_start3A_247 : memref<2000xi32, #tpu.memory_space<hbm>>) target(%dma_start3A_246 : memref<2000xi32, #tpu.memory_space<vmem>>) target_semaphore(%arg38 : memref<!tpu.dma_semaphore, #tpu.memory_space<semaphore_mem>>)
    %dma_start3A_248 = arith.constant 0 : i32
    %dma_start3A_249 = tpu.memref_slice %arg19[%dma_start3A_248] : memref<2048xi32, #tpu.memory_space<vmem>> -> memref<2000xi32, #tpu.memory_space<vmem>>
    %dma_start3A_250 = tpu.memref_slice %arg7[%add3A_241] : memref<160000xi32, #tpu.memory_space<hbm>> -> memref<2000xi32, #tpu.memory_space<hbm>>
    %dma_start3A_251 = arith.constant 0 : i32
    %dma_start3A_252 = tpu.memref_slice %arg19[%dma_start3A_251] : memref<2048xi32, #tpu.memory_space<vmem>> -> memref<2000xi32, #tpu.memory_space<vmem>>
    %dma_start3A_253 = tpu.memref_slice %arg7[%add3A_241] : memref<160000xi32, #tpu.memory_space<hbm>> -> memref<2000xi32, #tpu.memory_space<hbm>>
    tpu.enqueue_dma source(%dma_start3A_253 : memref<2000xi32, #tpu.memory_space<hbm>>) target(%dma_start3A_252 : memref<2000xi32, #tpu.memory_space<vmem>>) target_semaphore(%arg38 : memref<!tpu.dma_semaphore, #tpu.memory_space<semaphore_mem>>)
    %dma_start3A_254 = arith.constant 0 : i32
    %dma_start3A_255 = tpu.memref_slice %arg21[%dma_start3A_254] : memref<2048xf32, #tpu.memory_space<vmem>> -> memref<2000xf32, #tpu.memory_space<vmem>>
    %dma_start3A_256 = tpu.memref_slice %arg8[%add3A_241] : memref<160000xf32, #tpu.memory_space<hbm>> -> memref<2000xf32, #tpu.memory_space<hbm>>
    %dma_start3A_257 = arith.constant 0 : i32
    %dma_start3A_258 = tpu.memref_slice %arg21[%dma_start3A_257] : memref<2048xf32, #tpu.memory_space<vmem>> -> memref<2000xf32, #tpu.memory_space<vmem>>
    %dma_start3A_259 = tpu.memref_slice %arg8[%add3A_241] : memref<160000xf32, #tpu.memory_space<hbm>> -> memref<2000xf32, #tpu.memory_space<hbm>>
    tpu.enqueue_dma source(%dma_start3A_259 : memref<2000xf32, #tpu.memory_space<hbm>>) target(%dma_start3A_258 : memref<2000xf32, #tpu.memory_space<vmem>>) target_semaphore(%arg38 : memref<!tpu.dma_semaphore, #tpu.memory_space<semaphore_mem>>)
    %dma_start3A_260 = arith.constant 0 : i32
    %dma_start3A_261 = tpu.memref_slice %arg23[%dma_start3A_260] : memref<2048xf32, #tpu.memory_space<vmem>> -> memref<2000xf32, #tpu.memory_space<vmem>>
    %dma_start3A_262 = tpu.memref_slice %arg9[%add3A_241] : memref<160000xf32, #tpu.memory_space<hbm>> -> memref<2000xf32, #tpu.memory_space<hbm>>
    %dma_start3A_263 = arith.constant 0 : i32
    %dma_start3A_264 = tpu.memref_slice %arg23[%dma_start3A_263] : memref<2048xf32, #tpu.memory_space<vmem>> -> memref<2000xf32, #tpu.memory_space<vmem>>
    %dma_start3A_265 = tpu.memref_slice %arg9[%add3A_241] : memref<160000xf32, #tpu.memory_space<hbm>> -> memref<2000xf32, #tpu.memory_space<hbm>>
    tpu.enqueue_dma source(%dma_start3A_265 : memref<2000xf32, #tpu.memory_space<hbm>>) target(%dma_start3A_264 : memref<2000xf32, #tpu.memory_space<vmem>>) target_semaphore(%arg38 : memref<!tpu.dma_semaphore, #tpu.memory_space<semaphore_mem>>)
    %dma_start3A_266 = arith.constant 0 : i32
    %dma_start3A_267 = tpu.memref_slice %arg25[%dma_start3A_266] : memref<2048xf32, #tpu.memory_space<vmem>> -> memref<2000xf32, #tpu.memory_space<vmem>>
    %dma_start3A_268 = tpu.memref_slice %arg10[%add3A_241] : memref<160000xf32, #tpu.memory_space<hbm>> -> memref<2000xf32, #tpu.memory_space<hbm>>
    %dma_start3A_269 = arith.constant 0 : i32
    %dma_start3A_270 = tpu.memref_slice %arg25[%dma_start3A_269] : memref<2048xf32, #tpu.memory_space<vmem>> -> memref<2000xf32, #tpu.memory_space<vmem>>
    %dma_start3A_271 = tpu.memref_slice %arg10[%add3A_241] : memref<160000xf32, #tpu.memory_space<hbm>> -> memref<2000xf32, #tpu.memory_space<hbm>>
    tpu.enqueue_dma source(%dma_start3A_271 : memref<2000xf32, #tpu.memory_space<hbm>>) target(%dma_start3A_270 : memref<2000xf32, #tpu.memory_space<vmem>>) target_semaphore(%arg38 : memref<!tpu.dma_semaphore, #tpu.memory_space<semaphore_mem>>)
    %add3A_272 = arith.constant 6000 : i32
    %add3A_273 = arith.addi %mul3A_1, %add3A_272 : i32
    %dma_wait3A_274 = arith.constant 0 : i32
    %dma_wait3A_275 = tpu.memref_slice %arg18[%dma_wait3A_274] : memref<2048xi32, #tpu.memory_space<vmem>> -> memref<2000xi32, #tpu.memory_space<vmem>>
    %dma_wait3A_276 = tpu.memref_slice %arg6[%add3A_273] : memref<160000xi32, #tpu.memory_space<hbm>> -> memref<2000xi32, #tpu.memory_space<hbm>>
    %dma_wait3A_277 = arith.constant 0 : i32
    %dma_wait3A_278 = tpu.memref_slice %arg18[%dma_wait3A_277] : memref<2048xi32, #tpu.memory_space<vmem>> -> memref<2000xi32, #tpu.memory_space<vmem>>
    %dma_wait3A_279 = tpu.memref_slice %arg6[%add3A_273] : memref<160000xi32, #tpu.memory_space<hbm>> -> memref<2000xi32, #tpu.memory_space<hbm>>
    tpu.wait_dma2 semaphore(%arg39 : memref<!tpu.dma_semaphore, #tpu.memory_space<semaphore_mem>>) src(%dma_wait3A_279 : memref<2000xi32, #tpu.memory_space<hbm>>) dst(%dma_wait3A_278 : memref<2000xi32, #tpu.memory_space<vmem>>)
    %dma_wait3A_280 = arith.constant 0 : i32
    %dma_wait3A_281 = tpu.memref_slice %arg20[%dma_wait3A_280] : memref<2048xi32, #tpu.memory_space<vmem>> -> memref<2000xi32, #tpu.memory_space<vmem>>
    %dma_wait3A_282 = tpu.memref_slice %arg7[%add3A_273] : memref<160000xi32, #tpu.memory_space<hbm>> -> memref<2000xi32, #tpu.memory_space<hbm>>
    %dma_wait3A_283 = arith.constant 0 : i32
    %dma_wait3A_284 = tpu.memref_slice %arg20[%dma_wait3A_283] : memref<2048xi32, #tpu.memory_space<vmem>> -> memref<2000xi32, #tpu.memory_space<vmem>>
    %dma_wait3A_285 = tpu.memref_slice %arg7[%add3A_273] : memref<160000xi32, #tpu.memory_space<hbm>> -> memref<2000xi32, #tpu.memory_space<hbm>>
    tpu.wait_dma2 semaphore(%arg39 : memref<!tpu.dma_semaphore, #tpu.memory_space<semaphore_mem>>) src(%dma_wait3A_285 : memref<2000xi32, #tpu.memory_space<hbm>>) dst(%dma_wait3A_284 : memref<2000xi32, #tpu.memory_space<vmem>>)
    %dma_wait3A_286 = arith.constant 0 : i32
    %dma_wait3A_287 = tpu.memref_slice %arg22[%dma_wait3A_286] : memref<2048xf32, #tpu.memory_space<vmem>> -> memref<2000xf32, #tpu.memory_space<vmem>>
    %dma_wait3A_288 = tpu.memref_slice %arg8[%add3A_273] : memref<160000xf32, #tpu.memory_space<hbm>> -> memref<2000xf32, #tpu.memory_space<hbm>>
    %dma_wait3A_289 = arith.constant 0 : i32
    %dma_wait3A_290 = tpu.memref_slice %arg22[%dma_wait3A_289] : memref<2048xf32, #tpu.memory_space<vmem>> -> memref<2000xf32, #tpu.memory_space<vmem>>
    %dma_wait3A_291 = tpu.memref_slice %arg8[%add3A_273] : memref<160000xf32, #tpu.memory_space<hbm>> -> memref<2000xf32, #tpu.memory_space<hbm>>
    tpu.wait_dma2 semaphore(%arg39 : memref<!tpu.dma_semaphore, #tpu.memory_space<semaphore_mem>>) src(%dma_wait3A_291 : memref<2000xf32, #tpu.memory_space<hbm>>) dst(%dma_wait3A_290 : memref<2000xf32, #tpu.memory_space<vmem>>)
    %dma_wait3A_292 = arith.constant 0 : i32
    %dma_wait3A_293 = tpu.memref_slice %arg24[%dma_wait3A_292] : memref<2048xf32, #tpu.memory_space<vmem>> -> memref<2000xf32, #tpu.memory_space<vmem>>
    %dma_wait3A_294 = tpu.memref_slice %arg9[%add3A_273] : memref<160000xf32, #tpu.memory_space<hbm>> -> memref<2000xf32, #tpu.memory_space<hbm>>
    %dma_wait3A_295 = arith.constant 0 : i32
    %dma_wait3A_296 = tpu.memref_slice %arg24[%dma_wait3A_295] : memref<2048xf32, #tpu.memory_space<vmem>> -> memref<2000xf32, #tpu.memory_space<vmem>>
    %dma_wait3A_297 = tpu.memref_slice %arg9[%add3A_273] : memref<160000xf32, #tpu.memory_space<hbm>> -> memref<2000xf32, #tpu.memory_space<hbm>>
    tpu.wait_dma2 semaphore(%arg39 : memref<!tpu.dma_semaphore, #tpu.memory_space<semaphore_mem>>) src(%dma_wait3A_297 : memref<2000xf32, #tpu.memory_space<hbm>>) dst(%dma_wait3A_296 : memref<2000xf32, #tpu.memory_space<vmem>>)
    %dma_wait3A_298 = arith.constant 0 : i32
    %dma_wait3A_299 = tpu.memref_slice %arg26[%dma_wait3A_298] : memref<2048xf32, #tpu.memory_space<vmem>> -> memref<2000xf32, #tpu.memory_space<vmem>>
    %dma_wait3A_300 = tpu.memref_slice %arg10[%add3A_273] : memref<160000xf32, #tpu.memory_space<hbm>> -> memref<2000xf32, #tpu.memory_space<hbm>>
    %dma_wait3A_301 = arith.constant 0 : i32
    %dma_wait3A_302 = tpu.memref_slice %arg26[%dma_wait3A_301] : memref<2048xf32, #tpu.memory_space<vmem>> -> memref<2000xf32, #tpu.memory_space<vmem>>
    %dma_wait3A_303 = tpu.memref_slice %arg10[%add3A_273] : memref<160000xf32, #tpu.memory_space<hbm>> -> memref<2000xf32, #tpu.memory_space<hbm>>
    tpu.wait_dma2 semaphore(%arg39 : memref<!tpu.dma_semaphore, #tpu.memory_space<semaphore_mem>>) src(%dma_wait3A_303 : memref<2000xf32, #tpu.memory_space<hbm>>) dst(%dma_wait3A_302 : memref<2000xf32, #tpu.memory_space<vmem>>)
    %parallel_loop3A_304 = arith.constant 0 : i32
    %parallel_loop3A_305 = arith.constant 125 : i32
    %parallel_loop3A_306 = arith.constant 1 : i32
    %parallel_loop3A_307:7 = scf.for %parallel_loop3A_392 = %parallel_loop3A_304 to %parallel_loop3A_305 step %parallel_loop3A_306 iter_args(%parallel_loop3A_393 = %parallel_loop3A_239#0, %parallel_loop3A_394 = %parallel_loop3A_239#1, %parallel_loop3A_395 = %parallel_loop3A_239#2, %parallel_loop3A_396 = %parallel_loop3A_239#3, %parallel_loop3A_397 = %parallel_loop3A_239#4, %parallel_loop3A_398 = %parallel_loop3A_239#5, %parallel_loop3A_399 = %parallel_loop3A_239#6) -> (vector<16xf32>, vector<16xf32>, vector<16xf32>, vector<16xf32>, vector<16xf32>, vector<16xf32>, vector<16xf32>)  : i32 {
      %parallel_loop3A_400 = arith.constant 16 : i32
      %parallel_loop3A_401 = arith.muli %parallel_loop3A_392, %parallel_loop3A_400 : i32
      %parallel_loop3A_402 = arith.index_cast %parallel_loop3A_401 : i32 to index
      %parallel_loop3A_403 = tpu.vector_load %arg18[%parallel_loop3A_402] {strides = array<i32>} : memref<2048xi32, #tpu.memory_space<vmem>>, vector<16xi32>,
      %parallel_loop3A_404 = arith.index_cast %parallel_loop3A_401 : i32 to index
      %parallel_loop3A_405 = tpu.vector_load %arg20[%parallel_loop3A_404] {strides = array<i32>} : memref<2048xi32, #tpu.memory_space<vmem>>, vector<16xi32>,
      %parallel_loop3A_406 = arith.index_cast %parallel_loop3A_401 : i32 to index
      %parallel_loop3A_407 = tpu.vector_load %arg22[%parallel_loop3A_406] {strides = array<i32>} : memref<2048xf32, #tpu.memory_space<vmem>>, vector<16xf32>,
      %parallel_loop3A_408 = arith.index_cast %parallel_loop3A_401 : i32 to index
      %parallel_loop3A_409 = tpu.vector_load %arg24[%parallel_loop3A_408] {strides = array<i32>} : memref<2048xf32, #tpu.memory_space<vmem>>, vector<16xf32>,
      %parallel_loop3A_410 = arith.index_cast %parallel_loop3A_401 : i32 to index
      %parallel_loop3A_411 = tpu.vector_load %arg26[%parallel_loop3A_410] {strides = array<i32>} : memref<2048xf32, #tpu.memory_space<vmem>>, vector<16xf32>,
      %parallel_loop3A_412 = tpu.vector_load_idx %arg12[%parallel_loop3A_403] : memref<10240xf32, #tpu.memory_space<vmem>>[vector<16xi32>], vector<16xf32>,
      %parallel_loop3A_413 = tpu.vector_load_idx %arg13[%parallel_loop3A_403] : memref<10240xf32, #tpu.memory_space<vmem>>[vector<16xi32>], vector<16xf32>,
      %parallel_loop3A_414 = tpu.vector_load_idx %arg12[%parallel_loop3A_405] : memref<10240xf32, #tpu.memory_space<vmem>>[vector<16xi32>], vector<16xf32>,
      %parallel_loop3A_415 = tpu.vector_load_idx %arg13[%parallel_loop3A_405] : memref<10240xf32, #tpu.memory_space<vmem>>[vector<16xi32>], vector<16xf32>,
      %parallel_loop3A_416 = arith.subf %parallel_loop3A_412, %parallel_loop3A_414 : vector<16xf32>
      %parallel_loop3A_417 = arith.subf %parallel_loop3A_413, %parallel_loop3A_415 : vector<16xf32>
      %parallel_loop3A_418 = arith.mulf %parallel_loop3A_416, %parallel_loop3A_416 : vector<16xf32>
      %parallel_loop3A_419 = arith.mulf %parallel_loop3A_417, %parallel_loop3A_417 : vector<16xf32>
      %parallel_loop3A_420 = arith.addf %parallel_loop3A_418, %parallel_loop3A_419 : vector<16xf32>
      %parallel_loop3A_421 = arith.constant 9.99999997E-7 : f32
      %parallel_loop3A_422 = vector.broadcast %parallel_loop3A_421 : f32 to vector<16xf32>
      %parallel_loop3A_423 = arith.addf %parallel_loop3A_409, %parallel_loop3A_422 : vector<16xf32>
      %parallel_loop3A_424 = arith.mulf %parallel_loop3A_423, %parallel_loop3A_423 : vector<16xf32>
      %parallel_loop3A_425 = arith.mulf %parallel_loop3A_411, %parallel_loop3A_411 : vector<16xf32>
      %parallel_loop3A_426 = arith.addf %parallel_loop3A_424, %parallel_loop3A_425 : vector<16xf32>
      %parallel_loop3A_427 = tpu.bitcast %parallel_loop3A_420 : vector<16xf32> -> vector<16xi32>
      %parallel_loop3A_428 = arith.constant 1 : i32
      %parallel_loop3A_429 = vector.broadcast %parallel_loop3A_428 : i32 to vector<16xi32>
      %parallel_loop3A_430 = arith.shrsi %parallel_loop3A_427, %parallel_loop3A_429 : vector<16xi32>
      %parallel_loop3A_431 = arith.constant 1597463007 : i32
      %parallel_loop3A_432 = vector.broadcast %parallel_loop3A_431 : i32 to vector<16xi32>
      %parallel_loop3A_433 = arith.subi %parallel_loop3A_432, %parallel_loop3A_430 : vector<16xi32>
      %parallel_loop3A_434 = tpu.bitcast %parallel_loop3A_433 : vector<16xi32> -> vector<16xf32>
      %parallel_loop3A_435 = arith.constant 5.000000e-01 : f32
      %parallel_loop3A_436 = vector.broadcast %parallel_loop3A_435 : f32 to vector<16xf32>
      %parallel_loop3A_437 = arith.mulf %parallel_loop3A_420, %parallel_loop3A_436 : vector<16xf32>
      %parallel_loop3A_438 = arith.mulf %parallel_loop3A_437, %parallel_loop3A_434 : vector<16xf32>
      %parallel_loop3A_439 = arith.mulf %parallel_loop3A_438, %parallel_loop3A_434 : vector<16xf32>
      %parallel_loop3A_440 = arith.constant 1.500000e+00 : f32
      %parallel_loop3A_441 = vector.broadcast %parallel_loop3A_440 : f32 to vector<16xf32>
      %parallel_loop3A_442 = arith.subf %parallel_loop3A_441, %parallel_loop3A_439 : vector<16xf32>
      %parallel_loop3A_443 = arith.mulf %parallel_loop3A_434, %parallel_loop3A_442 : vector<16xf32>
      %parallel_loop3A_444 = arith.mulf %parallel_loop3A_437, %parallel_loop3A_443 : vector<16xf32>
      %parallel_loop3A_445 = arith.mulf %parallel_loop3A_444, %parallel_loop3A_443 : vector<16xf32>
      %parallel_loop3A_446 = arith.constant 1.500000e+00 : f32
      %parallel_loop3A_447 = vector.broadcast %parallel_loop3A_446 : f32 to vector<16xf32>
      %parallel_loop3A_448 = arith.subf %parallel_loop3A_447, %parallel_loop3A_445 : vector<16xf32>
      %parallel_loop3A_449 = arith.mulf %parallel_loop3A_443, %parallel_loop3A_448 : vector<16xf32>
      %parallel_loop3A_450 = arith.mulf %parallel_loop3A_420, %parallel_loop3A_449 : vector<16xf32>
      %parallel_loop3A_451 = tpu.bitcast %parallel_loop3A_426 : vector<16xf32> -> vector<16xi32>
      %parallel_loop3A_452 = arith.constant 1 : i32
      %parallel_loop3A_453 = vector.broadcast %parallel_loop3A_452 : i32 to vector<16xi32>
      %parallel_loop3A_454 = arith.shrsi %parallel_loop3A_451, %parallel_loop3A_453 : vector<16xi32>
      %parallel_loop3A_455 = arith.constant 1597463007 : i32
      %parallel_loop3A_456 = vector.broadcast %parallel_loop3A_455 : i32 to vector<16xi32>
      %parallel_loop3A_457 = arith.subi %parallel_loop3A_456, %parallel_loop3A_454 : vector<16xi32>
      %parallel_loop3A_458 = tpu.bitcast %parallel_loop3A_457 : vector<16xi32> -> vector<16xf32>
      %parallel_loop3A_459 = arith.constant 5.000000e-01 : f32
      %parallel_loop3A_460 = vector.broadcast %parallel_loop3A_459 : f32 to vector<16xf32>
      %parallel_loop3A_461 = arith.mulf %parallel_loop3A_426, %parallel_loop3A_460 : vector<16xf32>
      %parallel_loop3A_462 = arith.mulf %parallel_loop3A_461, %parallel_loop3A_458 : vector<16xf32>
      %parallel_loop3A_463 = arith.mulf %parallel_loop3A_462, %parallel_loop3A_458 : vector<16xf32>
      %parallel_loop3A_464 = arith.constant 1.500000e+00 : f32
      %parallel_loop3A_465 = vector.broadcast %parallel_loop3A_464 : f32 to vector<16xf32>
      %parallel_loop3A_466 = arith.subf %parallel_loop3A_465, %parallel_loop3A_463 : vector<16xf32>
      %parallel_loop3A_467 = arith.mulf %parallel_loop3A_458, %parallel_loop3A_466 : vector<16xf32>
      %parallel_loop3A_468 = arith.mulf %parallel_loop3A_461, %parallel_loop3A_467 : vector<16xf32>
      %parallel_loop3A_469 = arith.mulf %parallel_loop3A_468, %parallel_loop3A_467 : vector<16xf32>
      %parallel_loop3A_470 = arith.constant 1.500000e+00 : f32
      %parallel_loop3A_471 = vector.broadcast %parallel_loop3A_470 : f32 to vector<16xf32>
      %parallel_loop3A_472 = arith.subf %parallel_loop3A_471, %parallel_loop3A_469 : vector<16xf32>
      %parallel_loop3A_473 = arith.mulf %parallel_loop3A_467, %parallel_loop3A_472 : vector<16xf32>
      %parallel_loop3A_474 = arith.mulf %parallel_loop3A_450, %parallel_loop3A_473 : vector<16xf32>
      %parallel_loop3A_475 = arith.mulf %parallel_loop3A_474, %parallel_loop3A_407 : vector<16xf32>
      %parallel_loop3A_476 = arith.mulf %parallel_loop3A_450, %parallel_loop3A_407 : vector<16xf32>
      %parallel_loop3A_477 = arith.addf %parallel_loop3A_393, %parallel_loop3A_476 : vector<16xf32>
      %parallel_loop3A_478 = arith.mulf %parallel_loop3A_476, %parallel_loop3A_476 : vector<16xf32>
      %parallel_loop3A_479 = arith.addf %parallel_loop3A_394, %parallel_loop3A_478 : vector<16xf32>
      %parallel_loop3A_480 = arith.mulf %parallel_loop3A_407, %parallel_loop3A_409 : vector<16xf32>
      %parallel_loop3A_481 = arith.mulf %parallel_loop3A_407, %parallel_loop3A_411 : vector<16xf32>
      %parallel_loop3A_482 = arith.addf %parallel_loop3A_395, %parallel_loop3A_407 : vector<16xf32>
      %parallel_loop3A_483 = arith.addf %parallel_loop3A_396, %parallel_loop3A_480 : vector<16xf32>
      %parallel_loop3A_484 = arith.addf %parallel_loop3A_397, %parallel_loop3A_481 : vector<16xf32>
      %parallel_loop3A_485 = arith.mulf %parallel_loop3A_480, %parallel_loop3A_409 : vector<16xf32>
      %parallel_loop3A_486 = arith.addf %parallel_loop3A_398, %parallel_loop3A_485 : vector<16xf32>
      %parallel_loop3A_487 = arith.mulf %parallel_loop3A_481, %parallel_loop3A_411 : vector<16xf32>
      %parallel_loop3A_488 = arith.addf %parallel_loop3A_399, %parallel_loop3A_487 : vector<16xf32>
      %parallel_loop3A_489 = arith.mulf %parallel_loop3A_412, %parallel_loop3A_412 : vector<16xf32>
      %parallel_loop3A_490 = arith.mulf %parallel_loop3A_413, %parallel_loop3A_413 : vector<16xf32>
      %parallel_loop3A_491 = arith.addf %parallel_loop3A_489, %parallel_loop3A_490 : vector<16xf32>
      %parallel_loop3A_492 = arith.mulf %parallel_loop3A_491, %parallel_loop3A_407 : vector<16xf32>
      %parallel_loop3A_493 = arith.divf %parallel_loop3A_492, %parallel_loop3A_423 : vector<16xf32>
      %parallel_loop3A_494 = arith.constant 9.99999997E-7 : f32
      %parallel_loop3A_495 = vector.broadcast %parallel_loop3A_494 : f32 to vector<16xf32>
      %parallel_loop3A_496 = arith.addf %parallel_loop3A_411, %parallel_loop3A_495 : vector<16xf32>
      %parallel_loop3A_497 = arith.divf %parallel_loop3A_492, %parallel_loop3A_496 : vector<16xf32>
      %parallel_loop3A_498 = arith.cmpi ne, %parallel_loop3A_403, %parallel_loop3A_405 : vector<16xi32>
      tpu.vector_store_idx %arg14[%parallel_loop3A_405], %parallel_loop3A_475 {add = true} : memref<10240xf32, #tpu.memory_space<vmem>>[vector<16xi32>], vector<16xf32>,
      %parallel_loop3A_499 = arith.constant 0.000000e+00 : f32
      %parallel_loop3A_500 = vector.broadcast %parallel_loop3A_499 : f32 to vector<16xf32>
      %parallel_loop3A_501 = arith.subf %parallel_loop3A_500, %parallel_loop3A_475 : vector<16xf32>
      tpu.vector_store_idx %arg14[%parallel_loop3A_403], %parallel_loop3A_501 {add = true} : memref<10240xf32, #tpu.memory_space<vmem>>[vector<16xi32>], vector<16xf32>,
      tpu.vector_store_idx %arg15[%parallel_loop3A_403], %parallel_loop3A_493 {add = true} : memref<10240xf32, #tpu.memory_space<vmem>>[vector<16xi32>], vector<16xf32>,
      tpu.vector_store_idx %arg15[%parallel_loop3A_405], %parallel_loop3A_493 masked %parallel_loop3A_498 {add = true} : memref<10240xf32, #tpu.memory_space<vmem>>[vector<16xi32>], vector<16xf32>, vector<16xi1>
      tpu.vector_store_idx %arg16[%parallel_loop3A_403], %parallel_loop3A_497 {add = true} : memref<10240xf32, #tpu.memory_space<vmem>>[vector<16xi32>], vector<16xf32>,
      tpu.vector_store_idx %arg16[%parallel_loop3A_405], %parallel_loop3A_497 masked %parallel_loop3A_498 {add = true} : memref<10240xf32, #tpu.memory_space<vmem>>[vector<16xi32>], vector<16xf32>, vector<16xi1>
      scf.yield %parallel_loop3A_477, %parallel_loop3A_479, %parallel_loop3A_482, %parallel_loop3A_483, %parallel_loop3A_484, %parallel_loop3A_486, %parallel_loop3A_488 : vector<16xf32>, vector<16xf32>, vector<16xf32>, vector<16xf32>, vector<16xf32>, vector<16xf32>, vector<16xf32>
    } {sc.loop_unroll_factor = 5 : i64, sc.parallel_access}
    %add3A_308 = arith.constant 8000 : i32
    %add3A_309 = arith.addi %mul3A_1, %add3A_308 : i32
    %dma_wait3A_310 = arith.constant 0 : i32
    %dma_wait3A_311 = tpu.memref_slice %arg17[%dma_wait3A_310] : memref<2048xi32, #tpu.memory_space<vmem>> -> memref<2000xi32, #tpu.memory_space<vmem>>
    %dma_wait3A_312 = tpu.memref_slice %arg6[%add3A_309] : memref<160000xi32, #tpu.memory_space<hbm>> -> memref<2000xi32, #tpu.memory_space<hbm>>
    %dma_wait3A_313 = arith.constant 0 : i32
    %dma_wait3A_314 = tpu.memref_slice %arg17[%dma_wait3A_313] : memref<2048xi32, #tpu.memory_space<vmem>> -> memref<2000xi32, #tpu.memory_space<vmem>>
    %dma_wait3A_315 = tpu.memref_slice %arg6[%add3A_309] : memref<160000xi32, #tpu.memory_space<hbm>> -> memref<2000xi32, #tpu.memory_space<hbm>>
    tpu.wait_dma2 semaphore(%arg38 : memref<!tpu.dma_semaphore, #tpu.memory_space<semaphore_mem>>) src(%dma_wait3A_315 : memref<2000xi32, #tpu.memory_space<hbm>>) dst(%dma_wait3A_314 : memref<2000xi32, #tpu.memory_space<vmem>>)
    %dma_wait3A_316 = arith.constant 0 : i32
    %dma_wait3A_317 = tpu.memref_slice %arg19[%dma_wait3A_316] : memref<2048xi32, #tpu.memory_space<vmem>> -> memref<2000xi32, #tpu.memory_space<vmem>>
    %dma_wait3A_318 = tpu.memref_slice %arg7[%add3A_309] : memref<160000xi32, #tpu.memory_space<hbm>> -> memref<2000xi32, #tpu.memory_space<hbm>>
    %dma_wait3A_319 = arith.constant 0 : i32
    %dma_wait3A_320 = tpu.memref_slice %arg19[%dma_wait3A_319] : memref<2048xi32, #tpu.memory_space<vmem>> -> memref<2000xi32, #tpu.memory_space<vmem>>
    %dma_wait3A_321 = tpu.memref_slice %arg7[%add3A_309] : memref<160000xi32, #tpu.memory_space<hbm>> -> memref<2000xi32, #tpu.memory_space<hbm>>
    tpu.wait_dma2 semaphore(%arg38 : memref<!tpu.dma_semaphore, #tpu.memory_space<semaphore_mem>>) src(%dma_wait3A_321 : memref<2000xi32, #tpu.memory_space<hbm>>) dst(%dma_wait3A_320 : memref<2000xi32, #tpu.memory_space<vmem>>)
    %dma_wait3A_322 = arith.constant 0 : i32
    %dma_wait3A_323 = tpu.memref_slice %arg21[%dma_wait3A_322] : memref<2048xf32, #tpu.memory_space<vmem>> -> memref<2000xf32, #tpu.memory_space<vmem>>
    %dma_wait3A_324 = tpu.memref_slice %arg8[%add3A_309] : memref<160000xf32, #tpu.memory_space<hbm>> -> memref<2000xf32, #tpu.memory_space<hbm>>
    %dma_wait3A_325 = arith.constant 0 : i32
    %dma_wait3A_326 = tpu.memref_slice %arg21[%dma_wait3A_325] : memref<2048xf32, #tpu.memory_space<vmem>> -> memref<2000xf32, #tpu.memory_space<vmem>>
    %dma_wait3A_327 = tpu.memref_slice %arg8[%add3A_309] : memref<160000xf32, #tpu.memory_space<hbm>> -> memref<2000xf32, #tpu.memory_space<hbm>>
    tpu.wait_dma2 semaphore(%arg38 : memref<!tpu.dma_semaphore, #tpu.memory_space<semaphore_mem>>) src(%dma_wait3A_327 : memref<2000xf32, #tpu.memory_space<hbm>>) dst(%dma_wait3A_326 : memref<2000xf32, #tpu.memory_space<vmem>>)
    %dma_wait3A_328 = arith.constant 0 : i32
    %dma_wait3A_329 = tpu.memref_slice %arg23[%dma_wait3A_328] : memref<2048xf32, #tpu.memory_space<vmem>> -> memref<2000xf32, #tpu.memory_space<vmem>>
    %dma_wait3A_330 = tpu.memref_slice %arg9[%add3A_309] : memref<160000xf32, #tpu.memory_space<hbm>> -> memref<2000xf32, #tpu.memory_space<hbm>>
    %dma_wait3A_331 = arith.constant 0 : i32
    %dma_wait3A_332 = tpu.memref_slice %arg23[%dma_wait3A_331] : memref<2048xf32, #tpu.memory_space<vmem>> -> memref<2000xf32, #tpu.memory_space<vmem>>
    %dma_wait3A_333 = tpu.memref_slice %arg9[%add3A_309] : memref<160000xf32, #tpu.memory_space<hbm>> -> memref<2000xf32, #tpu.memory_space<hbm>>
    tpu.wait_dma2 semaphore(%arg38 : memref<!tpu.dma_semaphore, #tpu.memory_space<semaphore_mem>>) src(%dma_wait3A_333 : memref<2000xf32, #tpu.memory_space<hbm>>) dst(%dma_wait3A_332 : memref<2000xf32, #tpu.memory_space<vmem>>)
    %dma_wait3A_334 = arith.constant 0 : i32
    %dma_wait3A_335 = tpu.memref_slice %arg25[%dma_wait3A_334] : memref<2048xf32, #tpu.memory_space<vmem>> -> memref<2000xf32, #tpu.memory_space<vmem>>
    %dma_wait3A_336 = tpu.memref_slice %arg10[%add3A_309] : memref<160000xf32, #tpu.memory_space<hbm>> -> memref<2000xf32, #tpu.memory_space<hbm>>
    %dma_wait3A_337 = arith.constant 0 : i32
    %dma_wait3A_338 = tpu.memref_slice %arg25[%dma_wait3A_337] : memref<2048xf32, #tpu.memory_space<vmem>> -> memref<2000xf32, #tpu.memory_space<vmem>>
    %dma_wait3A_339 = tpu.memref_slice %arg10[%add3A_309] : memref<160000xf32, #tpu.memory_space<hbm>> -> memref<2000xf32, #tpu.memory_space<hbm>>
    tpu.wait_dma2 semaphore(%arg38 : memref<!tpu.dma_semaphore, #tpu.memory_space<semaphore_mem>>) src(%dma_wait3A_339 : memref<2000xf32, #tpu.memory_space<hbm>>) dst(%dma_wait3A_338 : memref<2000xf32, #tpu.memory_space<vmem>>)
    %parallel_loop3A_340 = arith.constant 0 : i32
    %parallel_loop3A_341 = arith.constant 125 : i32
    %parallel_loop3A_342 = arith.constant 1 : i32
    %parallel_loop3A_343:7 = scf.for %parallel_loop3A_392 = %parallel_loop3A_340 to %parallel_loop3A_341 step %parallel_loop3A_342 iter_args(%parallel_loop3A_393 = %parallel_loop3A_307#0, %parallel_loop3A_394 = %parallel_loop3A_307#1, %parallel_loop3A_395 = %parallel_loop3A_307#2, %parallel_loop3A_396 = %parallel_loop3A_307#3, %parallel_loop3A_397 = %parallel_loop3A_307#4, %parallel_loop3A_398 = %parallel_loop3A_307#5, %parallel_loop3A_399 = %parallel_loop3A_307#6) -> (vector<16xf32>, vector<16xf32>, vector<16xf32>, vector<16xf32>, vector<16xf32>, vector<16xf32>, vector<16xf32>)  : i32 {
      %parallel_loop3A_400 = arith.constant 16 : i32
      %parallel_loop3A_401 = arith.muli %parallel_loop3A_392, %parallel_loop3A_400 : i32
      %parallel_loop3A_402 = arith.index_cast %parallel_loop3A_401 : i32 to index
      %parallel_loop3A_403 = tpu.vector_load %arg17[%parallel_loop3A_402] {strides = array<i32>} : memref<2048xi32, #tpu.memory_space<vmem>>, vector<16xi32>,
      %parallel_loop3A_404 = arith.index_cast %parallel_loop3A_401 : i32 to index
      %parallel_loop3A_405 = tpu.vector_load %arg19[%parallel_loop3A_404] {strides = array<i32>} : memref<2048xi32, #tpu.memory_space<vmem>>, vector<16xi32>,
      %parallel_loop3A_406 = arith.index_cast %parallel_loop3A_401 : i32 to index
      %parallel_loop3A_407 = tpu.vector_load %arg21[%parallel_loop3A_406] {strides = array<i32>} : memref<2048xf32, #tpu.memory_space<vmem>>, vector<16xf32>,
      %parallel_loop3A_408 = arith.index_cast %parallel_loop3A_401 : i32 to index
      %parallel_loop3A_409 = tpu.vector_load %arg23[%parallel_loop3A_408] {strides = array<i32>} : memref<2048xf32, #tpu.memory_space<vmem>>, vector<16xf32>,
      %parallel_loop3A_410 = arith.index_cast %parallel_loop3A_401 : i32 to index
      %parallel_loop3A_411 = tpu.vector_load %arg25[%parallel_loop3A_410] {strides = array<i32>} : memref<2048xf32, #tpu.memory_space<vmem>>, vector<16xf32>,
      %parallel_loop3A_412 = tpu.vector_load_idx %arg12[%parallel_loop3A_403] : memref<10240xf32, #tpu.memory_space<vmem>>[vector<16xi32>], vector<16xf32>,
      %parallel_loop3A_413 = tpu.vector_load_idx %arg13[%parallel_loop3A_403] : memref<10240xf32, #tpu.memory_space<vmem>>[vector<16xi32>], vector<16xf32>,
      %parallel_loop3A_414 = tpu.vector_load_idx %arg12[%parallel_loop3A_405] : memref<10240xf32, #tpu.memory_space<vmem>>[vector<16xi32>], vector<16xf32>,
      %parallel_loop3A_415 = tpu.vector_load_idx %arg13[%parallel_loop3A_405] : memref<10240xf32, #tpu.memory_space<vmem>>[vector<16xi32>], vector<16xf32>,
      %parallel_loop3A_416 = arith.subf %parallel_loop3A_412, %parallel_loop3A_414 : vector<16xf32>
      %parallel_loop3A_417 = arith.subf %parallel_loop3A_413, %parallel_loop3A_415 : vector<16xf32>
      %parallel_loop3A_418 = arith.mulf %parallel_loop3A_416, %parallel_loop3A_416 : vector<16xf32>
      %parallel_loop3A_419 = arith.mulf %parallel_loop3A_417, %parallel_loop3A_417 : vector<16xf32>
      %parallel_loop3A_420 = arith.addf %parallel_loop3A_418, %parallel_loop3A_419 : vector<16xf32>
      %parallel_loop3A_421 = arith.constant 9.99999997E-7 : f32
      %parallel_loop3A_422 = vector.broadcast %parallel_loop3A_421 : f32 to vector<16xf32>
      %parallel_loop3A_423 = arith.addf %parallel_loop3A_409, %parallel_loop3A_422 : vector<16xf32>
      %parallel_loop3A_424 = arith.mulf %parallel_loop3A_423, %parallel_loop3A_423 : vector<16xf32>
      %parallel_loop3A_425 = arith.mulf %parallel_loop3A_411, %parallel_loop3A_411 : vector<16xf32>
      %parallel_loop3A_426 = arith.addf %parallel_loop3A_424, %parallel_loop3A_425 : vector<16xf32>
      %parallel_loop3A_427 = tpu.bitcast %parallel_loop3A_420 : vector<16xf32> -> vector<16xi32>
      %parallel_loop3A_428 = arith.constant 1 : i32
      %parallel_loop3A_429 = vector.broadcast %parallel_loop3A_428 : i32 to vector<16xi32>
      %parallel_loop3A_430 = arith.shrsi %parallel_loop3A_427, %parallel_loop3A_429 : vector<16xi32>
      %parallel_loop3A_431 = arith.constant 1597463007 : i32
      %parallel_loop3A_432 = vector.broadcast %parallel_loop3A_431 : i32 to vector<16xi32>
      %parallel_loop3A_433 = arith.subi %parallel_loop3A_432, %parallel_loop3A_430 : vector<16xi32>
      %parallel_loop3A_434 = tpu.bitcast %parallel_loop3A_433 : vector<16xi32> -> vector<16xf32>
      %parallel_loop3A_435 = arith.constant 5.000000e-01 : f32
      %parallel_loop3A_436 = vector.broadcast %parallel_loop3A_435 : f32 to vector<16xf32>
      %parallel_loop3A_437 = arith.mulf %parallel_loop3A_420, %parallel_loop3A_436 : vector<16xf32>
      %parallel_loop3A_438 = arith.mulf %parallel_loop3A_437, %parallel_loop3A_434 : vector<16xf32>
      %parallel_loop3A_439 = arith.mulf %parallel_loop3A_438, %parallel_loop3A_434 : vector<16xf32>
      %parallel_loop3A_440 = arith.constant 1.500000e+00 : f32
      %parallel_loop3A_441 = vector.broadcast %parallel_loop3A_440 : f32 to vector<16xf32>
      %parallel_loop3A_442 = arith.subf %parallel_loop3A_441, %parallel_loop3A_439 : vector<16xf32>
      %parallel_loop3A_443 = arith.mulf %parallel_loop3A_434, %parallel_loop3A_442 : vector<16xf32>
      %parallel_loop3A_444 = arith.mulf %parallel_loop3A_437, %parallel_loop3A_443 : vector<16xf32>
      %parallel_loop3A_445 = arith.mulf %parallel_loop3A_444, %parallel_loop3A_443 : vector<16xf32>
      %parallel_loop3A_446 = arith.constant 1.500000e+00 : f32
      %parallel_loop3A_447 = vector.broadcast %parallel_loop3A_446 : f32 to vector<16xf32>
      %parallel_loop3A_448 = arith.subf %parallel_loop3A_447, %parallel_loop3A_445 : vector<16xf32>
      %parallel_loop3A_449 = arith.mulf %parallel_loop3A_443, %parallel_loop3A_448 : vector<16xf32>
      %parallel_loop3A_450 = arith.mulf %parallel_loop3A_420, %parallel_loop3A_449 : vector<16xf32>
      %parallel_loop3A_451 = tpu.bitcast %parallel_loop3A_426 : vector<16xf32> -> vector<16xi32>
      %parallel_loop3A_452 = arith.constant 1 : i32
      %parallel_loop3A_453 = vector.broadcast %parallel_loop3A_452 : i32 to vector<16xi32>
      %parallel_loop3A_454 = arith.shrsi %parallel_loop3A_451, %parallel_loop3A_453 : vector<16xi32>
      %parallel_loop3A_455 = arith.constant 1597463007 : i32
      %parallel_loop3A_456 = vector.broadcast %parallel_loop3A_455 : i32 to vector<16xi32>
      %parallel_loop3A_457 = arith.subi %parallel_loop3A_456, %parallel_loop3A_454 : vector<16xi32>
      %parallel_loop3A_458 = tpu.bitcast %parallel_loop3A_457 : vector<16xi32> -> vector<16xf32>
      %parallel_loop3A_459 = arith.constant 5.000000e-01 : f32
      %parallel_loop3A_460 = vector.broadcast %parallel_loop3A_459 : f32 to vector<16xf32>
      %parallel_loop3A_461 = arith.mulf %parallel_loop3A_426, %parallel_loop3A_460 : vector<16xf32>
      %parallel_loop3A_462 = arith.mulf %parallel_loop3A_461, %parallel_loop3A_458 : vector<16xf32>
      %parallel_loop3A_463 = arith.mulf %parallel_loop3A_462, %parallel_loop3A_458 : vector<16xf32>
      %parallel_loop3A_464 = arith.constant 1.500000e+00 : f32
      %parallel_loop3A_465 = vector.broadcast %parallel_loop3A_464 : f32 to vector<16xf32>
      %parallel_loop3A_466 = arith.subf %parallel_loop3A_465, %parallel_loop3A_463 : vector<16xf32>
      %parallel_loop3A_467 = arith.mulf %parallel_loop3A_458, %parallel_loop3A_466 : vector<16xf32>
      %parallel_loop3A_468 = arith.mulf %parallel_loop3A_461, %parallel_loop3A_467 : vector<16xf32>
      %parallel_loop3A_469 = arith.mulf %parallel_loop3A_468, %parallel_loop3A_467 : vector<16xf32>
      %parallel_loop3A_470 = arith.constant 1.500000e+00 : f32
      %parallel_loop3A_471 = vector.broadcast %parallel_loop3A_470 : f32 to vector<16xf32>
      %parallel_loop3A_472 = arith.subf %parallel_loop3A_471, %parallel_loop3A_469 : vector<16xf32>
      %parallel_loop3A_473 = arith.mulf %parallel_loop3A_467, %parallel_loop3A_472 : vector<16xf32>
      %parallel_loop3A_474 = arith.mulf %parallel_loop3A_450, %parallel_loop3A_473 : vector<16xf32>
      %parallel_loop3A_475 = arith.mulf %parallel_loop3A_474, %parallel_loop3A_407 : vector<16xf32>
      %parallel_loop3A_476 = arith.mulf %parallel_loop3A_450, %parallel_loop3A_407 : vector<16xf32>
      %parallel_loop3A_477 = arith.addf %parallel_loop3A_393, %parallel_loop3A_476 : vector<16xf32>
      %parallel_loop3A_478 = arith.mulf %parallel_loop3A_476, %parallel_loop3A_476 : vector<16xf32>
      %parallel_loop3A_479 = arith.addf %parallel_loop3A_394, %parallel_loop3A_478 : vector<16xf32>
      %parallel_loop3A_480 = arith.mulf %parallel_loop3A_407, %parallel_loop3A_409 : vector<16xf32>
      %parallel_loop3A_481 = arith.mulf %parallel_loop3A_407, %parallel_loop3A_411 : vector<16xf32>
      %parallel_loop3A_482 = arith.addf %parallel_loop3A_395, %parallel_loop3A_407 : vector<16xf32>
      %parallel_loop3A_483 = arith.addf %parallel_loop3A_396, %parallel_loop3A_480 : vector<16xf32>
      %parallel_loop3A_484 = arith.addf %parallel_loop3A_397, %parallel_loop3A_481 : vector<16xf32>
      %parallel_loop3A_485 = arith.mulf %parallel_loop3A_480, %parallel_loop3A_409 : vector<16xf32>
      %parallel_loop3A_486 = arith.addf %parallel_loop3A_398, %parallel_loop3A_485 : vector<16xf32>
      %parallel_loop3A_487 = arith.mulf %parallel_loop3A_481, %parallel_loop3A_411 : vector<16xf32>
      %parallel_loop3A_488 = arith.addf %parallel_loop3A_399, %parallel_loop3A_487 : vector<16xf32>
      %parallel_loop3A_489 = arith.mulf %parallel_loop3A_412, %parallel_loop3A_412 : vector<16xf32>
      %parallel_loop3A_490 = arith.mulf %parallel_loop3A_413, %parallel_loop3A_413 : vector<16xf32>
      %parallel_loop3A_491 = arith.addf %parallel_loop3A_489, %parallel_loop3A_490 : vector<16xf32>
      %parallel_loop3A_492 = arith.mulf %parallel_loop3A_491, %parallel_loop3A_407 : vector<16xf32>
      %parallel_loop3A_493 = arith.divf %parallel_loop3A_492, %parallel_loop3A_423 : vector<16xf32>
      %parallel_loop3A_494 = arith.constant 9.99999997E-7 : f32
      %parallel_loop3A_495 = vector.broadcast %parallel_loop3A_494 : f32 to vector<16xf32>
      %parallel_loop3A_496 = arith.addf %parallel_loop3A_411, %parallel_loop3A_495 : vector<16xf32>
      %parallel_loop3A_497 = arith.divf %parallel_loop3A_492, %parallel_loop3A_496 : vector<16xf32>
      %parallel_loop3A_498 = arith.cmpi ne, %parallel_loop3A_403, %parallel_loop3A_405 : vector<16xi32>
      tpu.vector_store_idx %arg14[%parallel_loop3A_405], %parallel_loop3A_475 {add = true} : memref<10240xf32, #tpu.memory_space<vmem>>[vector<16xi32>], vector<16xf32>,
      %parallel_loop3A_499 = arith.constant 0.000000e+00 : f32
      %parallel_loop3A_500 = vector.broadcast %parallel_loop3A_499 : f32 to vector<16xf32>
      %parallel_loop3A_501 = arith.subf %parallel_loop3A_500, %parallel_loop3A_475 : vector<16xf32>
      tpu.vector_store_idx %arg14[%parallel_loop3A_403], %parallel_loop3A_501 {add = true} : memref<10240xf32, #tpu.memory_space<vmem>>[vector<16xi32>], vector<16xf32>,
      tpu.vector_store_idx %arg15[%parallel_loop3A_403], %parallel_loop3A_493 {add = true} : memref<10240xf32, #tpu.memory_space<vmem>>[vector<16xi32>], vector<16xf32>,
      tpu.vector_store_idx %arg15[%parallel_loop3A_405], %parallel_loop3A_493 masked %parallel_loop3A_498 {add = true} : memref<10240xf32, #tpu.memory_space<vmem>>[vector<16xi32>], vector<16xf32>, vector<16xi1>
      tpu.vector_store_idx %arg16[%parallel_loop3A_403], %parallel_loop3A_497 {add = true} : memref<10240xf32, #tpu.memory_space<vmem>>[vector<16xi32>], vector<16xf32>,
      tpu.vector_store_idx %arg16[%parallel_loop3A_405], %parallel_loop3A_497 masked %parallel_loop3A_498 {add = true} : memref<10240xf32, #tpu.memory_space<vmem>>[vector<16xi32>], vector<16xf32>, vector<16xi1>
      scf.yield %parallel_loop3A_477, %parallel_loop3A_479, %parallel_loop3A_482, %parallel_loop3A_483, %parallel_loop3A_484, %parallel_loop3A_486, %parallel_loop3A_488 : vector<16xf32>, vector<16xf32>, vector<16xf32>, vector<16xf32>, vector<16xf32>, vector<16xf32>, vector<16xf32>
    } {sc.loop_unroll_factor = 5 : i64, sc.parallel_access}
    %swap3A = arith.constant 0 : index
    %swap3A_344 = tpu.vector_load %arg35[%swap3A] {strides = array<i32>} : memref<160xf32, #tpu.memory_space<vmem>>, vector<16xf32>,
    tpu.vector_store %arg35[%swap3A], %parallel_loop3A_343#0 {strides = array<i32>} : memref<160xf32, #tpu.memory_space<vmem>>, vector<16xf32>,
    %swap3A_345 = arith.constant 16 : index
    %swap3A_346 = tpu.vector_load %arg35[%swap3A_345] {strides = array<i32>} : memref<160xf32, #tpu.memory_space<vmem>>, vector<16xf32>,
    tpu.vector_store %arg35[%swap3A_345], %parallel_loop3A_343#1 {strides = array<i32>} : memref<160xf32, #tpu.memory_space<vmem>>, vector<16xf32>,
    %swap3A_347 = arith.constant 32 : index
    %swap3A_348 = tpu.vector_load %arg35[%swap3A_347] {strides = array<i32>} : memref<160xf32, #tpu.memory_space<vmem>>, vector<16xf32>,
    tpu.vector_store %arg35[%swap3A_347], %parallel_loop3A_343#2 {strides = array<i32>} : memref<160xf32, #tpu.memory_space<vmem>>, vector<16xf32>,
    %swap3A_349 = arith.constant 48 : index
    %swap3A_350 = tpu.vector_load %arg35[%swap3A_349] {strides = array<i32>} : memref<160xf32, #tpu.memory_space<vmem>>, vector<16xf32>,
    tpu.vector_store %arg35[%swap3A_349], %parallel_loop3A_343#3 {strides = array<i32>} : memref<160xf32, #tpu.memory_space<vmem>>, vector<16xf32>,
    %swap3A_351 = arith.constant 64 : index
    %swap3A_352 = tpu.vector_load %arg35[%swap3A_351] {strides = array<i32>} : memref<160xf32, #tpu.memory_space<vmem>>, vector<16xf32>,
    tpu.vector_store %arg35[%swap3A_351], %parallel_loop3A_343#4 {strides = array<i32>} : memref<160xf32, #tpu.memory_space<vmem>>, vector<16xf32>,
    %swap3A_353 = arith.constant 80 : index
    %swap3A_354 = tpu.vector_load %arg35[%swap3A_353] {strides = array<i32>} : memref<160xf32, #tpu.memory_space<vmem>>, vector<16xf32>,
    tpu.vector_store %arg35[%swap3A_353], %parallel_loop3A_343#5 {strides = array<i32>} : memref<160xf32, #tpu.memory_space<vmem>>, vector<16xf32>,
    %swap3A_355 = arith.constant 96 : index
    %swap3A_356 = tpu.vector_load %arg35[%swap3A_355] {strides = array<i32>} : memref<160xf32, #tpu.memory_space<vmem>>, vector<16xf32>,
    tpu.vector_store %arg35[%swap3A_355], %parallel_loop3A_343#6 {strides = array<i32>} : memref<160xf32, #tpu.memory_space<vmem>>, vector<16xf32>,
    "tpu.region"() ({
      %run_scoped3A_392 = tpu.sem_alloc : memref<!tpu.dma_semaphore, #tpu.memory_space<semaphore_mem>>
      %dma_start3A_393 = arith.constant 0 : i32
      %dma_start3A_394 = tpu.memref_slice %arg40[%arg1, %dma_start3A_393] : memref<16x10240xf32, #tpu.memory_space<vmem_shared>> -> memref<1x10240xf32, #tpu.memory_space<vmem_shared>>
      %dma_start3A_395 = tpu.memref_squeeze %dma_start3A_394 : memref<1x10240xf32, #tpu.memory_space<vmem_shared>> -> memref<10240xf32, #tpu.memory_space<vmem_shared>>
      %dma_start3A_396 = arith.constant 0 : i32
      %dma_start3A_397 = tpu.memref_slice %arg40[%arg1, %dma_start3A_396] : memref<16x10240xf32, #tpu.memory_space<vmem_shared>> -> memref<1x10240xf32, #tpu.memory_space<vmem_shared>>
      %dma_start3A_398 = tpu.memref_squeeze %dma_start3A_397 : memref<1x10240xf32, #tpu.memory_space<vmem_shared>> -> memref<10240xf32, #tpu.memory_space<vmem_shared>>
      tpu.enqueue_dma source(%arg14 : memref<10240xf32, #tpu.memory_space<vmem>>) target(%dma_start3A_398 : memref<10240xf32, #tpu.memory_space<vmem_shared>>) target_semaphore(%run_scoped3A_392 : memref<!tpu.dma_semaphore, #tpu.memory_space<semaphore_mem>>)
      %dma_wait3A_399 = arith.constant 0 : i32
      %dma_wait3A_400 = tpu.memref_slice %arg40[%arg1, %dma_wait3A_399] : memref<16x10240xf32, #tpu.memory_space<vmem_shared>> -> memref<1x10240xf32, #tpu.memory_space<vmem_shared>>
      %dma_wait3A_401 = tpu.memref_squeeze %dma_wait3A_400 : memref<1x10240xf32, #tpu.memory_space<vmem_shared>> -> memref<10240xf32, #tpu.memory_space<vmem_shared>>
      %dma_wait3A_402 = arith.constant 0 : i32
      %dma_wait3A_403 = tpu.memref_slice %arg40[%arg1, %dma_wait3A_402] : memref<16x10240xf32, #tpu.memory_space<vmem_shared>> -> memref<1x10240xf32, #tpu.memory_space<vmem_shared>>
      %dma_wait3A_404 = tpu.memref_squeeze %dma_wait3A_403 : memref<1x10240xf32, #tpu.memory_space<vmem_shared>> -> memref<10240xf32, #tpu.memory_space<vmem_shared>>
      tpu.wait_dma2 semaphore(%run_scoped3A_392 : memref<!tpu.dma_semaphore, #tpu.memory_space<semaphore_mem>>) src(%arg14 : memref<10240xf32, #tpu.memory_space<vmem>>) dst(%dma_wait3A_404 : memref<10240xf32, #tpu.memory_space<vmem_shared>>)
      tpu.yield
    }) : () -> ()
    "tpu.region"() ({
      %run_scoped3A_392 = tpu.sem_alloc : memref<!tpu.dma_semaphore, #tpu.memory_space<semaphore_mem>>
      %dma_start3A_393 = arith.constant 0 : i32
      %dma_start3A_394 = tpu.memref_slice %arg41[%arg1, %dma_start3A_393] : memref<16x10240xf32, #tpu.memory_space<vmem_shared>> -> memref<1x10240xf32, #tpu.memory_space<vmem_shared>>
      %dma_start3A_395 = tpu.memref_squeeze %dma_start3A_394 : memref<1x10240xf32, #tpu.memory_space<vmem_shared>> -> memref<10240xf32, #tpu.memory_space<vmem_shared>>
      %dma_start3A_396 = arith.constant 0 : i32
      %dma_start3A_397 = tpu.memref_slice %arg41[%arg1, %dma_start3A_396] : memref<16x10240xf32, #tpu.memory_space<vmem_shared>> -> memref<1x10240xf32, #tpu.memory_space<vmem_shared>>
      %dma_start3A_398 = tpu.memref_squeeze %dma_start3A_397 : memref<1x10240xf32, #tpu.memory_space<vmem_shared>> -> memref<10240xf32, #tpu.memory_space<vmem_shared>>
      tpu.enqueue_dma source(%arg15 : memref<10240xf32, #tpu.memory_space<vmem>>) target(%dma_start3A_398 : memref<10240xf32, #tpu.memory_space<vmem_shared>>) target_semaphore(%run_scoped3A_392 : memref<!tpu.dma_semaphore, #tpu.memory_space<semaphore_mem>>)
      %dma_wait3A_399 = arith.constant 0 : i32
      %dma_wait3A_400 = tpu.memref_slice %arg41[%arg1, %dma_wait3A_399] : memref<16x10240xf32, #tpu.memory_space<vmem_shared>> -> memref<1x10240xf32, #tpu.memory_space<vmem_shared>>
      %dma_wait3A_401 = tpu.memref_squeeze %dma_wait3A_400 : memref<1x10240xf32, #tpu.memory_space<vmem_shared>> -> memref<10240xf32, #tpu.memory_space<vmem_shared>>
      %dma_wait3A_402 = arith.constant 0 : i32
      %dma_wait3A_403 = tpu.memref_slice %arg41[%arg1, %dma_wait3A_402] : memref<16x10240xf32, #tpu.memory_space<vmem_shared>> -> memref<1x10240xf32, #tpu.memory_space<vmem_shared>>
      %dma_wait3A_404 = tpu.memref_squeeze %dma_wait3A_403 : memref<1x10240xf32, #tpu.memory_space<vmem_shared>> -> memref<10240xf32, #tpu.memory_space<vmem_shared>>
      tpu.wait_dma2 semaphore(%run_scoped3A_392 : memref<!tpu.dma_semaphore, #tpu.memory_space<semaphore_mem>>) src(%arg15 : memref<10240xf32, #tpu.memory_space<vmem>>) dst(%dma_wait3A_404 : memref<10240xf32, #tpu.memory_space<vmem_shared>>)
      tpu.yield
    }) : () -> ()
    "tpu.region"() ({
      %run_scoped3A_392 = tpu.sem_alloc : memref<!tpu.dma_semaphore, #tpu.memory_space<semaphore_mem>>
      %dma_start3A_393 = arith.constant 0 : i32
      %dma_start3A_394 = tpu.memref_slice %arg42[%arg1, %dma_start3A_393] : memref<16x10240xf32, #tpu.memory_space<vmem_shared>> -> memref<1x10240xf32, #tpu.memory_space<vmem_shared>>
      %dma_start3A_395 = tpu.memref_squeeze %dma_start3A_394 : memref<1x10240xf32, #tpu.memory_space<vmem_shared>> -> memref<10240xf32, #tpu.memory_space<vmem_shared>>
      %dma_start3A_396 = arith.constant 0 : i32
      %dma_start3A_397 = tpu.memref_slice %arg42[%arg1, %dma_start3A_396] : memref<16x10240xf32, #tpu.memory_space<vmem_shared>> -> memref<1x10240xf32, #tpu.memory_space<vmem_shared>>
      %dma_start3A_398 = tpu.memref_squeeze %dma_start3A_397 : memref<1x10240xf32, #tpu.memory_space<vmem_shared>> -> memref<10240xf32, #tpu.memory_space<vmem_shared>>
      tpu.enqueue_dma source(%arg16 : memref<10240xf32, #tpu.memory_space<vmem>>) target(%dma_start3A_398 : memref<10240xf32, #tpu.memory_space<vmem_shared>>) target_semaphore(%run_scoped3A_392 : memref<!tpu.dma_semaphore, #tpu.memory_space<semaphore_mem>>)
      %dma_wait3A_399 = arith.constant 0 : i32
      %dma_wait3A_400 = tpu.memref_slice %arg42[%arg1, %dma_wait3A_399] : memref<16x10240xf32, #tpu.memory_space<vmem_shared>> -> memref<1x10240xf32, #tpu.memory_space<vmem_shared>>
      %dma_wait3A_401 = tpu.memref_squeeze %dma_wait3A_400 : memref<1x10240xf32, #tpu.memory_space<vmem_shared>> -> memref<10240xf32, #tpu.memory_space<vmem_shared>>
      %dma_wait3A_402 = arith.constant 0 : i32
      %dma_wait3A_403 = tpu.memref_slice %arg42[%arg1, %dma_wait3A_402] : memref<16x10240xf32, #tpu.memory_space<vmem_shared>> -> memref<1x10240xf32, #tpu.memory_space<vmem_shared>>
      %dma_wait3A_404 = tpu.memref_squeeze %dma_wait3A_403 : memref<1x10240xf32, #tpu.memory_space<vmem_shared>> -> memref<10240xf32, #tpu.memory_space<vmem_shared>>
      tpu.wait_dma2 semaphore(%run_scoped3A_392 : memref<!tpu.dma_semaphore, #tpu.memory_space<semaphore_mem>>) src(%arg16 : memref<10240xf32, #tpu.memory_space<vmem>>) dst(%dma_wait3A_404 : memref<10240xf32, #tpu.memory_space<vmem_shared>>)
      tpu.yield
    }) : () -> ()
    %mul3A_357 = arith.constant 640 : i32
    %mul3A_358 = arith.muli %arg1, %mul3A_357 : i32
    %lt3A = arith.constant 15 : i32
    %lt3A_359 = arith.cmpi slt, %arg1, %lt3A : i32
    %convert_element_type3A = arith.extui %lt3A_359 : i1 to i32
    %cond3A = arith.constant 0 : i32
    %cond3A_360 = arith.cmpi ne, %convert_element_type3A, %cond3A : i32
    scf.if %cond3A_360 {
      "tpu.region"() ({
        %run_scoped3A_392 = tpu.sem_alloc : memref<!tpu.dma_semaphore, #tpu.memory_space<semaphore_mem>>
        %dma_start3A_393 = tpu.memref_slice %arg4[%mul3A_358] : memref<10000xf32, #tpu.memory_space<hbm>> -> memref<640xf32, #tpu.memory_space<hbm>>
        %dma_start3A_394 = tpu.memref_slice %arg4[%mul3A_358] : memref<10000xf32, #tpu.memory_space<hbm>> -> memref<640xf32, #tpu.memory_space<hbm>>
        tpu.enqueue_dma source(%dma_start3A_394 : memref<640xf32, #tpu.memory_space<hbm>>) target(%arg33 : memref<640xf32, #tpu.memory_space<vmem>>) target_semaphore(%run_scoped3A_392 : memref<!tpu.dma_semaphore, #tpu.memory_space<semaphore_mem>>)
        %dma_wait3A_395 = tpu.memref_slice %arg4[%mul3A_358] : memref<10000xf32, #tpu.memory_space<hbm>> -> memref<640xf32, #tpu.memory_space<hbm>>
        %dma_wait3A_396 = tpu.memref_slice %arg4[%mul3A_358] : memref<10000xf32, #tpu.memory_space<hbm>> -> memref<640xf32, #tpu.memory_space<hbm>>
        tpu.wait_dma2 semaphore(%run_scoped3A_392 : memref<!tpu.dma_semaphore, #tpu.memory_space<semaphore_mem>>) src(%dma_wait3A_396 : memref<640xf32, #tpu.memory_space<hbm>>) dst(%arg33 : memref<640xf32, #tpu.memory_space<vmem>>)
        tpu.yield
      }) : () -> ()
      "tpu.region"() ({
        %run_scoped3A_392 = tpu.sem_alloc : memref<!tpu.dma_semaphore, #tpu.memory_space<semaphore_mem>>
        %dma_start3A_393 = tpu.memref_slice %arg5[%mul3A_358] : memref<10000xf32, #tpu.memory_space<hbm>> -> memref<640xf32, #tpu.memory_space<hbm>>
        %dma_start3A_394 = tpu.memref_slice %arg5[%mul3A_358] : memref<10000xf32, #tpu.memory_space<hbm>> -> memref<640xf32, #tpu.memory_space<hbm>>
        tpu.enqueue_dma source(%dma_start3A_394 : memref<640xf32, #tpu.memory_space<hbm>>) target(%arg34 : memref<640xf32, #tpu.memory_space<vmem>>) target_semaphore(%run_scoped3A_392 : memref<!tpu.dma_semaphore, #tpu.memory_space<semaphore_mem>>)
        %dma_wait3A_395 = tpu.memref_slice %arg5[%mul3A_358] : memref<10000xf32, #tpu.memory_space<hbm>> -> memref<640xf32, #tpu.memory_space<hbm>>
        %dma_wait3A_396 = tpu.memref_slice %arg5[%mul3A_358] : memref<10000xf32, #tpu.memory_space<hbm>> -> memref<640xf32, #tpu.memory_space<hbm>>
        tpu.wait_dma2 semaphore(%run_scoped3A_392 : memref<!tpu.dma_semaphore, #tpu.memory_space<semaphore_mem>>) src(%dma_wait3A_396 : memref<640xf32, #tpu.memory_space<hbm>>) dst(%arg34 : memref<640xf32, #tpu.memory_space<vmem>>)
        tpu.yield
      }) : () -> ()
    } else {
    }
    %eq3A = arith.constant 15 : i32
    %eq3A_361 = arith.cmpi eq, %arg1, %eq3A : i32
    %convert_element_type3A_362 = arith.extui %eq3A_361 : i1 to i32
    %cond3A_363 = arith.constant 0 : i32
    %cond3A_364 = arith.cmpi ne, %convert_element_type3A_362, %cond3A_363 : i32
    scf.if %cond3A_364 {
      "tpu.region"() ({
        %run_scoped3A_452 = tpu.sem_alloc : memref<!tpu.dma_semaphore, #tpu.memory_space<semaphore_mem>>
        %dma_start3A_453 = arith.constant 0 : i32
        %dma_start3A_454 = tpu.memref_slice %arg33[%dma_start3A_453] : memref<640xf32, #tpu.memory_space<vmem>> -> memref<400xf32, #tpu.memory_space<vmem>>
        %dma_start3A_455 = arith.constant 9600 : i32
        %dma_start3A_456 = tpu.memref_slice %arg4[%dma_start3A_455] : memref<10000xf32, #tpu.memory_space<hbm>> -> memref<400xf32, #tpu.memory_space<hbm>>
        %dma_start3A_457 = arith.constant 0 : i32
        %dma_start3A_458 = tpu.memref_slice %arg33[%dma_start3A_457] : memref<640xf32, #tpu.memory_space<vmem>> -> memref<400xf32, #tpu.memory_space<vmem>>
        %dma_start3A_459 = arith.constant 9600 : i32
        %dma_start3A_460 = tpu.memref_slice %arg4[%dma_start3A_459] : memref<10000xf32, #tpu.memory_space<hbm>> -> memref<400xf32, #tpu.memory_space<hbm>>
        tpu.enqueue_dma source(%dma_start3A_460 : memref<400xf32, #tpu.memory_space<hbm>>) target(%dma_start3A_458 : memref<400xf32, #tpu.memory_space<vmem>>) target_semaphore(%run_scoped3A_452 : memref<!tpu.dma_semaphore, #tpu.memory_space<semaphore_mem>>)
        %dma_wait3A_461 = arith.constant 0 : i32
        %dma_wait3A_462 = tpu.memref_slice %arg33[%dma_wait3A_461] : memref<640xf32, #tpu.memory_space<vmem>> -> memref<400xf32, #tpu.memory_space<vmem>>
        %dma_wait3A_463 = arith.constant 9600 : i32
        %dma_wait3A_464 = tpu.memref_slice %arg4[%dma_wait3A_463] : memref<10000xf32, #tpu.memory_space<hbm>> -> memref<400xf32, #tpu.memory_space<hbm>>
        %dma_wait3A_465 = arith.constant 0 : i32
        %dma_wait3A_466 = tpu.memref_slice %arg33[%dma_wait3A_465] : memref<640xf32, #tpu.memory_space<vmem>> -> memref<400xf32, #tpu.memory_space<vmem>>
        %dma_wait3A_467 = arith.constant 9600 : i32
        %dma_wait3A_468 = tpu.memref_slice %arg4[%dma_wait3A_467] : memref<10000xf32, #tpu.memory_space<hbm>> -> memref<400xf32, #tpu.memory_space<hbm>>
        tpu.wait_dma2 semaphore(%run_scoped3A_452 : memref<!tpu.dma_semaphore, #tpu.memory_space<semaphore_mem>>) src(%dma_wait3A_468 : memref<400xf32, #tpu.memory_space<hbm>>) dst(%dma_wait3A_466 : memref<400xf32, #tpu.memory_space<vmem>>)
        tpu.yield
      }) : () -> ()
      "tpu.region"() ({
        %run_scoped3A_452 = tpu.sem_alloc : memref<!tpu.dma_semaphore, #tpu.memory_space<semaphore_mem>>
        %dma_start3A_453 = arith.constant 0 : i32
        %dma_start3A_454 = tpu.memref_slice %arg34[%dma_start3A_453] : memref<640xf32, #tpu.memory_space<vmem>> -> memref<400xf32, #tpu.memory_space<vmem>>
        %dma_start3A_455 = arith.constant 9600 : i32
        %dma_start3A_456 = tpu.memref_slice %arg5[%dma_start3A_455] : memref<10000xf32, #tpu.memory_space<hbm>> -> memref<400xf32, #tpu.memory_space<hbm>>
        %dma_start3A_457 = arith.constant 0 : i32
        %dma_start3A_458 = tpu.memref_slice %arg34[%dma_start3A_457] : memref<640xf32, #tpu.memory_space<vmem>> -> memref<400xf32, #tpu.memory_space<vmem>>
        %dma_start3A_459 = arith.constant 9600 : i32
        %dma_start3A_460 = tpu.memref_slice %arg5[%dma_start3A_459] : memref<10000xf32, #tpu.memory_space<hbm>> -> memref<400xf32, #tpu.memory_space<hbm>>
        tpu.enqueue_dma source(%dma_start3A_460 : memref<400xf32, #tpu.memory_space<hbm>>) target(%dma_start3A_458 : memref<400xf32, #tpu.memory_space<vmem>>) target_semaphore(%run_scoped3A_452 : memref<!tpu.dma_semaphore, #tpu.memory_space<semaphore_mem>>)
        %dma_wait3A_461 = arith.constant 0 : i32
        %dma_wait3A_462 = tpu.memref_slice %arg34[%dma_wait3A_461] : memref<640xf32, #tpu.memory_space<vmem>> -> memref<400xf32, #tpu.memory_space<vmem>>
        %dma_wait3A_463 = arith.constant 9600 : i32
        %dma_wait3A_464 = tpu.memref_slice %arg5[%dma_wait3A_463] : memref<10000xf32, #tpu.memory_space<hbm>> -> memref<400xf32, #tpu.memory_space<hbm>>
        %dma_wait3A_465 = arith.constant 0 : i32
        %dma_wait3A_466 = tpu.memref_slice %arg34[%dma_wait3A_465] : memref<640xf32, #tpu.memory_space<vmem>> -> memref<400xf32, #tpu.memory_space<vmem>>
        %dma_wait3A_467 = arith.constant 9600 : i32
        %dma_wait3A_468 = tpu.memref_slice %arg5[%dma_wait3A_467] : memref<10000xf32, #tpu.memory_space<hbm>> -> memref<400xf32, #tpu.memory_space<hbm>>
        tpu.wait_dma2 semaphore(%run_scoped3A_452 : memref<!tpu.dma_semaphore, #tpu.memory_space<semaphore_mem>>) src(%dma_wait3A_468 : memref<400xf32, #tpu.memory_space<hbm>>) dst(%dma_wait3A_466 : memref<400xf32, #tpu.memory_space<vmem>>)
        tpu.yield
      }) : () -> ()
      %swap3A_392 = arith.constant 400 : index
      %swap3A_393 = tpu.vector_load %arg33[%swap3A_392] {strides = array<i32>} : memref<640xf32, #tpu.memory_space<vmem>>, vector<16xf32>,
      tpu.vector_store %arg33[%swap3A_392], %broadcast_in_dim3A_0 {strides = array<i32>} : memref<640xf32, #tpu.memory_space<vmem>>, vector<16xf32>,
      %swap3A_394 = arith.constant 400 : index
      %swap3A_395 = tpu.vector_load %arg34[%swap3A_394] {strides = array<i32>} : memref<640xf32, #tpu.memory_space<vmem>>, vector<16xf32>,
      tpu.vector_store %arg34[%swap3A_394], %broadcast_in_dim3A_0 {strides = array<i32>} : memref<640xf32, #tpu.memory_space<vmem>>, vector<16xf32>,
      %swap3A_396 = arith.constant 416 : index
      %swap3A_397 = tpu.vector_load %arg33[%swap3A_396] {strides = array<i32>} : memref<640xf32, #tpu.memory_space<vmem>>, vector<16xf32>,
      tpu.vector_store %arg33[%swap3A_396], %broadcast_in_dim3A_0 {strides = array<i32>} : memref<640xf32, #tpu.memory_space<vmem>>, vector<16xf32>,
      %swap3A_398 = arith.constant 416 : index
      %swap3A_399 = tpu.vector_load %arg34[%swap3A_398] {strides = array<i32>} : memref<640xf32, #tpu.memory_space<vmem>>, vector<16xf32>,
      tpu.vector_store %arg34[%swap3A_398], %broadcast_in_dim3A_0 {strides = array<i32>} : memref<640xf32, #tpu.memory_space<vmem>>, vector<16xf32>,
      %swap3A_400 = arith.constant 432 : index
      %swap3A_401 = tpu.vector_load %arg33[%swap3A_400] {strides = array<i32>} : memref<640xf32, #tpu.memory_space<vmem>>, vector<16xf32>,
      tpu.vector_store %arg33[%swap3A_400], %broadcast_in_dim3A_0 {strides = array<i32>} : memref<640xf32, #tpu.memory_space<vmem>>, vector<16xf32>,
      %swap3A_402 = arith.constant 432 : index
      %swap3A_403 = tpu.vector_load %arg34[%swap3A_402] {strides = array<i32>} : memref<640xf32, #tpu.memory_space<vmem>>, vector<16xf32>,
      tpu.vector_store %arg34[%swap3A_402], %broadcast_in_dim3A_0 {strides = array<i32>} : memref<640xf32, #tpu.memory_space<vmem>>, vector<16xf32>,
      %swap3A_404 = arith.constant 448 : index
      %swap3A_405 = tpu.vector_load %arg33[%swap3A_404] {strides = array<i32>} : memref<640xf32, #tpu.memory_space<vmem>>, vector<16xf32>,
      tpu.vector_store %arg33[%swap3A_404], %broadcast_in_dim3A_0 {strides = array<i32>} : memref<640xf32, #tpu.memory_space<vmem>>, vector<16xf32>,
      %swap3A_406 = arith.constant 448 : index
      %swap3A_407 = tpu.vector_load %arg34[%swap3A_406] {strides = array<i32>} : memref<640xf32, #tpu.memory_space<vmem>>, vector<16xf32>,
      tpu.vector_store %arg34[%swap3A_406], %broadcast_in_dim3A_0 {strides = array<i32>} : memref<640xf32, #tpu.memory_space<vmem>>, vector<16xf32>,
      %swap3A_408 = arith.constant 464 : index
      %swap3A_409 = tpu.vector_load %arg33[%swap3A_408] {strides = array<i32>} : memref<640xf32, #tpu.memory_space<vmem>>, vector<16xf32>,
      tpu.vector_store %arg33[%swap3A_408], %broadcast_in_dim3A_0 {strides = array<i32>} : memref<640xf32, #tpu.memory_space<vmem>>, vector<16xf32>,
      %swap3A_410 = arith.constant 464 : index
      %swap3A_411 = tpu.vector_load %arg34[%swap3A_410] {strides = array<i32>} : memref<640xf32, #tpu.memory_space<vmem>>, vector<16xf32>,
      tpu.vector_store %arg34[%swap3A_410], %broadcast_in_dim3A_0 {strides = array<i32>} : memref<640xf32, #tpu.memory_space<vmem>>, vector<16xf32>,
      %swap3A_412 = arith.constant 480 : index
      %swap3A_413 = tpu.vector_load %arg33[%swap3A_412] {strides = array<i32>} : memref<640xf32, #tpu.memory_space<vmem>>, vector<16xf32>,
      tpu.vector_store %arg33[%swap3A_412], %broadcast_in_dim3A_0 {strides = array<i32>} : memref<640xf32, #tpu.memory_space<vmem>>, vector<16xf32>,
      %swap3A_414 = arith.constant 480 : index
      %swap3A_415 = tpu.vector_load %arg34[%swap3A_414] {strides = array<i32>} : memref<640xf32, #tpu.memory_space<vmem>>, vector<16xf32>,
      tpu.vector_store %arg34[%swap3A_414], %broadcast_in_dim3A_0 {strides = array<i32>} : memref<640xf32, #tpu.memory_space<vmem>>, vector<16xf32>,
      %swap3A_416 = arith.constant 496 : index
      %swap3A_417 = tpu.vector_load %arg33[%swap3A_416] {strides = array<i32>} : memref<640xf32, #tpu.memory_space<vmem>>, vector<16xf32>,
      tpu.vector_store %arg33[%swap3A_416], %broadcast_in_dim3A_0 {strides = array<i32>} : memref<640xf32, #tpu.memory_space<vmem>>, vector<16xf32>,
      %swap3A_418 = arith.constant 496 : index
      %swap3A_419 = tpu.vector_load %arg34[%swap3A_418] {strides = array<i32>} : memref<640xf32, #tpu.memory_space<vmem>>, vector<16xf32>,
      tpu.vector_store %arg34[%swap3A_418], %broadcast_in_dim3A_0 {strides = array<i32>} : memref<640xf32, #tpu.memory_space<vmem>>, vector<16xf32>,
      %swap3A_420 = arith.constant 512 : index
      %swap3A_421 = tpu.vector_load %arg33[%swap3A_420] {strides = array<i32>} : memref<640xf32, #tpu.memory_space<vmem>>, vector<16xf32>,
      tpu.vector_store %arg33[%swap3A_420], %broadcast_in_dim3A_0 {strides = array<i32>} : memref<640xf32, #tpu.memory_space<vmem>>, vector<16xf32>,
      %swap3A_422 = arith.constant 512 : index
      %swap3A_423 = tpu.vector_load %arg34[%swap3A_422] {strides = array<i32>} : memref<640xf32, #tpu.memory_space<vmem>>, vector<16xf32>,
      tpu.vector_store %arg34[%swap3A_422], %broadcast_in_dim3A_0 {strides = array<i32>} : memref<640xf32, #tpu.memory_space<vmem>>, vector<16xf32>,
      %swap3A_424 = arith.constant 528 : index
      %swap3A_425 = tpu.vector_load %arg33[%swap3A_424] {strides = array<i32>} : memref<640xf32, #tpu.memory_space<vmem>>, vector<16xf32>,
      tpu.vector_store %arg33[%swap3A_424], %broadcast_in_dim3A_0 {strides = array<i32>} : memref<640xf32, #tpu.memory_space<vmem>>, vector<16xf32>,
      %swap3A_426 = arith.constant 528 : index
      %swap3A_427 = tpu.vector_load %arg34[%swap3A_426] {strides = array<i32>} : memref<640xf32, #tpu.memory_space<vmem>>, vector<16xf32>,
      tpu.vector_store %arg34[%swap3A_426], %broadcast_in_dim3A_0 {strides = array<i32>} : memref<640xf32, #tpu.memory_space<vmem>>, vector<16xf32>,
      %swap3A_428 = arith.constant 544 : index
      %swap3A_429 = tpu.vector_load %arg33[%swap3A_428] {strides = array<i32>} : memref<640xf32, #tpu.memory_space<vmem>>, vector<16xf32>,
      tpu.vector_store %arg33[%swap3A_428], %broadcast_in_dim3A_0 {strides = array<i32>} : memref<640xf32, #tpu.memory_space<vmem>>, vector<16xf32>,
      %swap3A_430 = arith.constant 544 : index
      %swap3A_431 = tpu.vector_load %arg34[%swap3A_430] {strides = array<i32>} : memref<640xf32, #tpu.memory_space<vmem>>, vector<16xf32>,
      tpu.vector_store %arg34[%swap3A_430], %broadcast_in_dim3A_0 {strides = array<i32>} : memref<640xf32, #tpu.memory_space<vmem>>, vector<16xf32>,
      %swap3A_432 = arith.constant 560 : index
      %swap3A_433 = tpu.vector_load %arg33[%swap3A_432] {strides = array<i32>} : memref<640xf32, #tpu.memory_space<vmem>>, vector<16xf32>,
      tpu.vector_store %arg33[%swap3A_432], %broadcast_in_dim3A_0 {strides = array<i32>} : memref<640xf32, #tpu.memory_space<vmem>>, vector<16xf32>,
      %swap3A_434 = arith.constant 560 : index
      %swap3A_435 = tpu.vector_load %arg34[%swap3A_434] {strides = array<i32>} : memref<640xf32, #tpu.memory_space<vmem>>, vector<16xf32>,
      tpu.vector_store %arg34[%swap3A_434], %broadcast_in_dim3A_0 {strides = array<i32>} : memref<640xf32, #tpu.memory_space<vmem>>, vector<16xf32>,
      %swap3A_436 = arith.constant 576 : index
      %swap3A_437 = tpu.vector_load %arg33[%swap3A_436] {strides = array<i32>} : memref<640xf32, #tpu.memory_space<vmem>>, vector<16xf32>,
      tpu.vector_store %arg33[%swap3A_436], %broadcast_in_dim3A_0 {strides = array<i32>} : memref<640xf32, #tpu.memory_space<vmem>>, vector<16xf32>,
      %swap3A_438 = arith.constant 576 : index
      %swap3A_439 = tpu.vector_load %arg34[%swap3A_438] {strides = array<i32>} : memref<640xf32, #tpu.memory_space<vmem>>, vector<16xf32>,
      tpu.vector_store %arg34[%swap3A_438], %broadcast_in_dim3A_0 {strides = array<i32>} : memref<640xf32, #tpu.memory_space<vmem>>, vector<16xf32>,
      %swap3A_440 = arith.constant 592 : index
      %swap3A_441 = tpu.vector_load %arg33[%swap3A_440] {strides = array<i32>} : memref<640xf32, #tpu.memory_space<vmem>>, vector<16xf32>,
      tpu.vector_store %arg33[%swap3A_440], %broadcast_in_dim3A_0 {strides = array<i32>} : memref<640xf32, #tpu.memory_space<vmem>>, vector<16xf32>,
      %swap3A_442 = arith.constant 592 : index
      %swap3A_443 = tpu.vector_load %arg34[%swap3A_442] {strides = array<i32>} : memref<640xf32, #tpu.memory_space<vmem>>, vector<16xf32>,
      tpu.vector_store %arg34[%swap3A_442], %broadcast_in_dim3A_0 {strides = array<i32>} : memref<640xf32, #tpu.memory_space<vmem>>, vector<16xf32>,
      %swap3A_444 = arith.constant 608 : index
      %swap3A_445 = tpu.vector_load %arg33[%swap3A_444] {strides = array<i32>} : memref<640xf32, #tpu.memory_space<vmem>>, vector<16xf32>,
      tpu.vector_store %arg33[%swap3A_444], %broadcast_in_dim3A_0 {strides = array<i32>} : memref<640xf32, #tpu.memory_space<vmem>>, vector<16xf32>,
      %swap3A_446 = arith.constant 608 : index
      %swap3A_447 = tpu.vector_load %arg34[%swap3A_446] {strides = array<i32>} : memref<640xf32, #tpu.memory_space<vmem>>, vector<16xf32>,
      tpu.vector_store %arg34[%swap3A_446], %broadcast_in_dim3A_0 {strides = array<i32>} : memref<640xf32, #tpu.memory_space<vmem>>, vector<16xf32>,
      %swap3A_448 = arith.constant 624 : index
      %swap3A_449 = tpu.vector_load %arg33[%swap3A_448] {strides = array<i32>} : memref<640xf32, #tpu.memory_space<vmem>>, vector<16xf32>,
      tpu.vector_store %arg33[%swap3A_448], %broadcast_in_dim3A_0 {strides = array<i32>} : memref<640xf32, #tpu.memory_space<vmem>>, vector<16xf32>,
      %swap3A_450 = arith.constant 624 : index
      %swap3A_451 = tpu.vector_load %arg34[%swap3A_450] {strides = array<i32>} : memref<640xf32, #tpu.memory_space<vmem>>, vector<16xf32>,
      tpu.vector_store %arg34[%swap3A_450], %broadcast_in_dim3A_0 {strides = array<i32>} : memref<640xf32, #tpu.memory_space<vmem>>, vector<16xf32>,
    } else {
    }
    %barrier3A = arith.constant 0 : index
    tpu.barrier barrier_id(%barrier3A)
    %run_scoped3A = arith.constant 0 : i32
    "tpu.region"() ({
      %run_scoped3A_392 = tpu.sem_alloc : memref<!tpu.dma_semaphore, #tpu.memory_space<semaphore_mem>>
      %dma_start3A_393 = tpu.memref_slice %arg40[%run_scoped3A, %mul3A_358] : memref<16x10240xf32, #tpu.memory_space<vmem_shared>> -> memref<1x640xf32, #tpu.memory_space<vmem_shared>>
      %dma_start3A_394 = tpu.memref_squeeze %dma_start3A_393 : memref<1x640xf32, #tpu.memory_space<vmem_shared>> -> memref<640xf32, #tpu.memory_space<vmem_shared>>
      %dma_start3A_395 = tpu.memref_slice %arg40[%run_scoped3A, %mul3A_358] : memref<16x10240xf32, #tpu.memory_space<vmem_shared>> -> memref<1x640xf32, #tpu.memory_space<vmem_shared>>
      %dma_start3A_396 = tpu.memref_squeeze %dma_start3A_395 : memref<1x640xf32, #tpu.memory_space<vmem_shared>> -> memref<640xf32, #tpu.memory_space<vmem_shared>>
      tpu.enqueue_dma source(%dma_start3A_396 : memref<640xf32, #tpu.memory_space<vmem_shared>>) target(%arg30 : memref<640xf32, #tpu.memory_space<vmem>>) target_semaphore(%run_scoped3A_392 : memref<!tpu.dma_semaphore, #tpu.memory_space<semaphore_mem>>)
      %dma_wait3A_397 = tpu.memref_slice %arg40[%run_scoped3A, %mul3A_358] : memref<16x10240xf32, #tpu.memory_space<vmem_shared>> -> memref<1x640xf32, #tpu.memory_space<vmem_shared>>
      %dma_wait3A_398 = tpu.memref_squeeze %dma_wait3A_397 : memref<1x640xf32, #tpu.memory_space<vmem_shared>> -> memref<640xf32, #tpu.memory_space<vmem_shared>>
      %dma_wait3A_399 = tpu.memref_slice %arg40[%run_scoped3A, %mul3A_358] : memref<16x10240xf32, #tpu.memory_space<vmem_shared>> -> memref<1x640xf32, #tpu.memory_space<vmem_shared>>
      %dma_wait3A_400 = tpu.memref_squeeze %dma_wait3A_399 : memref<1x640xf32, #tpu.memory_space<vmem_shared>> -> memref<640xf32, #tpu.memory_space<vmem_shared>>
      tpu.wait_dma2 semaphore(%run_scoped3A_392 : memref<!tpu.dma_semaphore, #tpu.memory_space<semaphore_mem>>) src(%dma_wait3A_400 : memref<640xf32, #tpu.memory_space<vmem_shared>>) dst(%arg30 : memref<640xf32, #tpu.memory_space<vmem>>)
      tpu.yield
    }) : () -> ()
    %run_scoped3A_365 = arith.constant 0 : i32
    "tpu.region"() ({
      %run_scoped3A_392 = tpu.sem_alloc : memref<!tpu.dma_semaphore, #tpu.memory_space<semaphore_mem>>
      %dma_start3A_393 = tpu.memref_slice %arg41[%run_scoped3A_365, %mul3A_358] : memref<16x10240xf32, #tpu.memory_space<vmem_shared>> -> memref<1x640xf32, #tpu.memory_space<vmem_shared>>
      %dma_start3A_394 = tpu.memref_squeeze %dma_start3A_393 : memref<1x640xf32, #tpu.memory_space<vmem_shared>> -> memref<640xf32, #tpu.memory_space<vmem_shared>>
      %dma_start3A_395 = tpu.memref_slice %arg41[%run_scoped3A_365, %mul3A_358] : memref<16x10240xf32, #tpu.memory_space<vmem_shared>> -> memref<1x640xf32, #tpu.memory_space<vmem_shared>>
      %dma_start3A_396 = tpu.memref_squeeze %dma_start3A_395 : memref<1x640xf32, #tpu.memory_space<vmem_shared>> -> memref<640xf32, #tpu.memory_space<vmem_shared>>
      tpu.enqueue_dma source(%dma_start3A_396 : memref<640xf32, #tpu.memory_space<vmem_shared>>) target(%arg31 : memref<640xf32, #tpu.memory_space<vmem>>) target_semaphore(%run_scoped3A_392 : memref<!tpu.dma_semaphore, #tpu.memory_space<semaphore_mem>>)
      %dma_wait3A_397 = tpu.memref_slice %arg41[%run_scoped3A_365, %mul3A_358] : memref<16x10240xf32, #tpu.memory_space<vmem_shared>> -> memref<1x640xf32, #tpu.memory_space<vmem_shared>>
      %dma_wait3A_398 = tpu.memref_squeeze %dma_wait3A_397 : memref<1x640xf32, #tpu.memory_space<vmem_shared>> -> memref<640xf32, #tpu.memory_space<vmem_shared>>
      %dma_wait3A_399 = tpu.memref_slice %arg41[%run_scoped3A_365, %mul3A_358] : memref<16x10240xf32, #tpu.memory_space<vmem_shared>> -> memref<1x640xf32, #tpu.memory_space<vmem_shared>>
      %dma_wait3A_400 = tpu.memref_squeeze %dma_wait3A_399 : memref<1x640xf32, #tpu.memory_space<vmem_shared>> -> memref<640xf32, #tpu.memory_space<vmem_shared>>
      tpu.wait_dma2 semaphore(%run_scoped3A_392 : memref<!tpu.dma_semaphore, #tpu.memory_space<semaphore_mem>>) src(%dma_wait3A_400 : memref<640xf32, #tpu.memory_space<vmem_shared>>) dst(%arg31 : memref<640xf32, #tpu.memory_space<vmem>>)
      tpu.yield
    }) : () -> ()
    %run_scoped3A_366 = arith.constant 0 : i32
    "tpu.region"() ({
      %run_scoped3A_392 = tpu.sem_alloc : memref<!tpu.dma_semaphore, #tpu.memory_space<semaphore_mem>>
      %dma_start3A_393 = tpu.memref_slice %arg42[%run_scoped3A_366, %mul3A_358] : memref<16x10240xf32, #tpu.memory_space<vmem_shared>> -> memref<1x640xf32, #tpu.memory_space<vmem_shared>>
      %dma_start3A_394 = tpu.memref_squeeze %dma_start3A_393 : memref<1x640xf32, #tpu.memory_space<vmem_shared>> -> memref<640xf32, #tpu.memory_space<vmem_shared>>
      %dma_start3A_395 = tpu.memref_slice %arg42[%run_scoped3A_366, %mul3A_358] : memref<16x10240xf32, #tpu.memory_space<vmem_shared>> -> memref<1x640xf32, #tpu.memory_space<vmem_shared>>
      %dma_start3A_396 = tpu.memref_squeeze %dma_start3A_395 : memref<1x640xf32, #tpu.memory_space<vmem_shared>> -> memref<640xf32, #tpu.memory_space<vmem_shared>>
      tpu.enqueue_dma source(%dma_start3A_396 : memref<640xf32, #tpu.memory_space<vmem_shared>>) target(%arg32 : memref<640xf32, #tpu.memory_space<vmem>>) target_semaphore(%run_scoped3A_392 : memref<!tpu.dma_semaphore, #tpu.memory_space<semaphore_mem>>)
      %dma_wait3A_397 = tpu.memref_slice %arg42[%run_scoped3A_366, %mul3A_358] : memref<16x10240xf32, #tpu.memory_space<vmem_shared>> -> memref<1x640xf32, #tpu.memory_space<vmem_shared>>
      %dma_wait3A_398 = tpu.memref_squeeze %dma_wait3A_397 : memref<1x640xf32, #tpu.memory_space<vmem_shared>> -> memref<640xf32, #tpu.memory_space<vmem_shared>>
      %dma_wait3A_399 = tpu.memref_slice %arg42[%run_scoped3A_366, %mul3A_358] : memref<16x10240xf32, #tpu.memory_space<vmem_shared>> -> memref<1x640xf32, #tpu.memory_space<vmem_shared>>
      %dma_wait3A_400 = tpu.memref_squeeze %dma_wait3A_399 : memref<1x640xf32, #tpu.memory_space<vmem_shared>> -> memref<640xf32, #tpu.memory_space<vmem_shared>>
      tpu.wait_dma2 semaphore(%run_scoped3A_392 : memref<!tpu.dma_semaphore, #tpu.memory_space<semaphore_mem>>) src(%dma_wait3A_400 : memref<640xf32, #tpu.memory_space<vmem_shared>>) dst(%arg32 : memref<640xf32, #tpu.memory_space<vmem>>)
      tpu.yield
    }) : () -> ()
    %scan3A = arith.constant 0 : i32
    %scan3A_367 = arith.constant 1 : i32
    %scan3A_368 = arith.constant 15 : i32
    %scan3A_369 = arith.addi %scan3A_367, %scan3A_368 : i32
    %scan3A_370 = arith.constant 1 : i32
    scf.for %scan3A_392 = %scan3A_367 to %scan3A_369 step %scan3A_370  : i32 {
      "tpu.region"() ({
        %run_scoped3A_396 = tpu.sem_alloc : memref<!tpu.dma_semaphore, #tpu.memory_space<semaphore_mem>>
        %dma_start3A_397 = tpu.memref_slice %arg40[%scan3A_392, %mul3A_358] : memref<16x10240xf32, #tpu.memory_space<vmem_shared>> -> memref<1x640xf32, #tpu.memory_space<vmem_shared>>
        %dma_start3A_398 = tpu.memref_squeeze %dma_start3A_397 : memref<1x640xf32, #tpu.memory_space<vmem_shared>> -> memref<640xf32, #tpu.memory_space<vmem_shared>>
        %dma_start3A_399 = tpu.memref_slice %arg40[%scan3A_392, %mul3A_358] : memref<16x10240xf32, #tpu.memory_space<vmem_shared>> -> memref<1x640xf32, #tpu.memory_space<vmem_shared>>
        %dma_start3A_400 = tpu.memref_squeeze %dma_start3A_399 : memref<1x640xf32, #tpu.memory_space<vmem_shared>> -> memref<640xf32, #tpu.memory_space<vmem_shared>>
        tpu.enqueue_dma source(%dma_start3A_400 : memref<640xf32, #tpu.memory_space<vmem_shared>>) target(%arg27 : memref<640xf32, #tpu.memory_space<vmem>>) target_semaphore(%run_scoped3A_396 : memref<!tpu.dma_semaphore, #tpu.memory_space<semaphore_mem>>)
        %dma_wait3A_401 = tpu.memref_slice %arg40[%scan3A_392, %mul3A_358] : memref<16x10240xf32, #tpu.memory_space<vmem_shared>> -> memref<1x640xf32, #tpu.memory_space<vmem_shared>>
        %dma_wait3A_402 = tpu.memref_squeeze %dma_wait3A_401 : memref<1x640xf32, #tpu.memory_space<vmem_shared>> -> memref<640xf32, #tpu.memory_space<vmem_shared>>
        %dma_wait3A_403 = tpu.memref_slice %arg40[%scan3A_392, %mul3A_358] : memref<16x10240xf32, #tpu.memory_space<vmem_shared>> -> memref<1x640xf32, #tpu.memory_space<vmem_shared>>
        %dma_wait3A_404 = tpu.memref_squeeze %dma_wait3A_403 : memref<1x640xf32, #tpu.memory_space<vmem_shared>> -> memref<640xf32, #tpu.memory_space<vmem_shared>>
        tpu.wait_dma2 semaphore(%run_scoped3A_396 : memref<!tpu.dma_semaphore, #tpu.memory_space<semaphore_mem>>) src(%dma_wait3A_404 : memref<640xf32, #tpu.memory_space<vmem_shared>>) dst(%arg27 : memref<640xf32, #tpu.memory_space<vmem>>)
        tpu.yield
      }) : () -> ()
      "tpu.region"() ({
        %run_scoped3A_396 = tpu.sem_alloc : memref<!tpu.dma_semaphore, #tpu.memory_space<semaphore_mem>>
        %dma_start3A_397 = tpu.memref_slice %arg41[%scan3A_392, %mul3A_358] : memref<16x10240xf32, #tpu.memory_space<vmem_shared>> -> memref<1x640xf32, #tpu.memory_space<vmem_shared>>
        %dma_start3A_398 = tpu.memref_squeeze %dma_start3A_397 : memref<1x640xf32, #tpu.memory_space<vmem_shared>> -> memref<640xf32, #tpu.memory_space<vmem_shared>>
        %dma_start3A_399 = tpu.memref_slice %arg41[%scan3A_392, %mul3A_358] : memref<16x10240xf32, #tpu.memory_space<vmem_shared>> -> memref<1x640xf32, #tpu.memory_space<vmem_shared>>
        %dma_start3A_400 = tpu.memref_squeeze %dma_start3A_399 : memref<1x640xf32, #tpu.memory_space<vmem_shared>> -> memref<640xf32, #tpu.memory_space<vmem_shared>>
        tpu.enqueue_dma source(%dma_start3A_400 : memref<640xf32, #tpu.memory_space<vmem_shared>>) target(%arg28 : memref<640xf32, #tpu.memory_space<vmem>>) target_semaphore(%run_scoped3A_396 : memref<!tpu.dma_semaphore, #tpu.memory_space<semaphore_mem>>)
        %dma_wait3A_401 = tpu.memref_slice %arg41[%scan3A_392, %mul3A_358] : memref<16x10240xf32, #tpu.memory_space<vmem_shared>> -> memref<1x640xf32, #tpu.memory_space<vmem_shared>>
        %dma_wait3A_402 = tpu.memref_squeeze %dma_wait3A_401 : memref<1x640xf32, #tpu.memory_space<vmem_shared>> -> memref<640xf32, #tpu.memory_space<vmem_shared>>
        %dma_wait3A_403 = tpu.memref_slice %arg41[%scan3A_392, %mul3A_358] : memref<16x10240xf32, #tpu.memory_space<vmem_shared>> -> memref<1x640xf32, #tpu.memory_space<vmem_shared>>
        %dma_wait3A_404 = tpu.memref_squeeze %dma_wait3A_403 : memref<1x640xf32, #tpu.memory_space<vmem_shared>> -> memref<640xf32, #tpu.memory_space<vmem_shared>>
        tpu.wait_dma2 semaphore(%run_scoped3A_396 : memref<!tpu.dma_semaphore, #tpu.memory_space<semaphore_mem>>) src(%dma_wait3A_404 : memref<640xf32, #tpu.memory_space<vmem_shared>>) dst(%arg28 : memref<640xf32, #tpu.memory_space<vmem>>)
        tpu.yield
      }) : () -> ()
      "tpu.region"() ({
        %run_scoped3A_396 = tpu.sem_alloc : memref<!tpu.dma_semaphore, #tpu.memory_space<semaphore_mem>>
        %dma_start3A_397 = tpu.memref_slice %arg42[%scan3A_392, %mul3A_358] : memref<16x10240xf32, #tpu.memory_space<vmem_shared>> -> memref<1x640xf32, #tpu.memory_space<vmem_shared>>
        %dma_start3A_398 = tpu.memref_squeeze %dma_start3A_397 : memref<1x640xf32, #tpu.memory_space<vmem_shared>> -> memref<640xf32, #tpu.memory_space<vmem_shared>>
        %dma_start3A_399 = tpu.memref_slice %arg42[%scan3A_392, %mul3A_358] : memref<16x10240xf32, #tpu.memory_space<vmem_shared>> -> memref<1x640xf32, #tpu.memory_space<vmem_shared>>
        %dma_start3A_400 = tpu.memref_squeeze %dma_start3A_399 : memref<1x640xf32, #tpu.memory_space<vmem_shared>> -> memref<640xf32, #tpu.memory_space<vmem_shared>>
        tpu.enqueue_dma source(%dma_start3A_400 : memref<640xf32, #tpu.memory_space<vmem_shared>>) target(%arg29 : memref<640xf32, #tpu.memory_space<vmem>>) target_semaphore(%run_scoped3A_396 : memref<!tpu.dma_semaphore, #tpu.memory_space<semaphore_mem>>)
        %dma_wait3A_401 = tpu.memref_slice %arg42[%scan3A_392, %mul3A_358] : memref<16x10240xf32, #tpu.memory_space<vmem_shared>> -> memref<1x640xf32, #tpu.memory_space<vmem_shared>>
        %dma_wait3A_402 = tpu.memref_squeeze %dma_wait3A_401 : memref<1x640xf32, #tpu.memory_space<vmem_shared>> -> memref<640xf32, #tpu.memory_space<vmem_shared>>
        %dma_wait3A_403 = tpu.memref_slice %arg42[%scan3A_392, %mul3A_358] : memref<16x10240xf32, #tpu.memory_space<vmem_shared>> -> memref<1x640xf32, #tpu.memory_space<vmem_shared>>
        %dma_wait3A_404 = tpu.memref_squeeze %dma_wait3A_403 : memref<1x640xf32, #tpu.memory_space<vmem_shared>> -> memref<640xf32, #tpu.memory_space<vmem_shared>>
        tpu.wait_dma2 semaphore(%run_scoped3A_396 : memref<!tpu.dma_semaphore, #tpu.memory_space<semaphore_mem>>) src(%dma_wait3A_404 : memref<640xf32, #tpu.memory_space<vmem_shared>>) dst(%arg29 : memref<640xf32, #tpu.memory_space<vmem>>)
        tpu.yield
      }) : () -> ()
      %parallel_loop3A_393 = arith.constant 0 : i32
      %parallel_loop3A_394 = arith.constant 40 : i32
      %parallel_loop3A_395 = arith.constant 1 : i32
      scf.for %parallel_loop3A_396 = %parallel_loop3A_393 to %parallel_loop3A_394 step %parallel_loop3A_395  : i32 {
        %parallel_loop3A_397 = arith.constant 16 : i32
        %parallel_loop3A_398 = arith.muli %parallel_loop3A_396, %parallel_loop3A_397 : i32
        %parallel_loop3A_399 = arith.index_cast %parallel_loop3A_398 : i32 to index
        %parallel_loop3A_400 = tpu.vector_load %arg30[%parallel_loop3A_399] {strides = array<i32>} : memref<640xf32, #tpu.memory_space<vmem>>, vector<16xf32>,
        %parallel_loop3A_401 = arith.index_cast %parallel_loop3A_398 : i32 to index
        %parallel_loop3A_402 = tpu.vector_load %arg27[%parallel_loop3A_401] {strides = array<i32>} : memref<640xf32, #tpu.memory_space<vmem>>, vector<16xf32>,
        %parallel_loop3A_403 = arith.addf %parallel_loop3A_400, %parallel_loop3A_402 : vector<16xf32>
        %parallel_loop3A_404 = arith.index_cast %parallel_loop3A_398 : i32 to index
        %parallel_loop3A_405 = tpu.vector_load %arg30[%parallel_loop3A_404] {strides = array<i32>} : memref<640xf32, #tpu.memory_space<vmem>>, vector<16xf32>,
        tpu.vector_store %arg30[%parallel_loop3A_404], %parallel_loop3A_403 {strides = array<i32>} : memref<640xf32, #tpu.memory_space<vmem>>, vector<16xf32>,
        %parallel_loop3A_406 = arith.index_cast %parallel_loop3A_398 : i32 to index
        %parallel_loop3A_407 = tpu.vector_load %arg31[%parallel_loop3A_406] {strides = array<i32>} : memref<640xf32, #tpu.memory_space<vmem>>, vector<16xf32>,
        %parallel_loop3A_408 = arith.index_cast %parallel_loop3A_398 : i32 to index
        %parallel_loop3A_409 = tpu.vector_load %arg28[%parallel_loop3A_408] {strides = array<i32>} : memref<640xf32, #tpu.memory_space<vmem>>, vector<16xf32>,
        %parallel_loop3A_410 = arith.addf %parallel_loop3A_407, %parallel_loop3A_409 : vector<16xf32>
        %parallel_loop3A_411 = arith.index_cast %parallel_loop3A_398 : i32 to index
        %parallel_loop3A_412 = tpu.vector_load %arg31[%parallel_loop3A_411] {strides = array<i32>} : memref<640xf32, #tpu.memory_space<vmem>>, vector<16xf32>,
        tpu.vector_store %arg31[%parallel_loop3A_411], %parallel_loop3A_410 {strides = array<i32>} : memref<640xf32, #tpu.memory_space<vmem>>, vector<16xf32>,
        %parallel_loop3A_413 = arith.index_cast %parallel_loop3A_398 : i32 to index
        %parallel_loop3A_414 = tpu.vector_load %arg32[%parallel_loop3A_413] {strides = array<i32>} : memref<640xf32, #tpu.memory_space<vmem>>, vector<16xf32>,
        %parallel_loop3A_415 = arith.index_cast %parallel_loop3A_398 : i32 to index
        %parallel_loop3A_416 = tpu.vector_load %arg29[%parallel_loop3A_415] {strides = array<i32>} : memref<640xf32, #tpu.memory_space<vmem>>, vector<16xf32>,
        %parallel_loop3A_417 = arith.addf %parallel_loop3A_414, %parallel_loop3A_416 : vector<16xf32>
        %parallel_loop3A_418 = arith.index_cast %parallel_loop3A_398 : i32 to index
        %parallel_loop3A_419 = tpu.vector_load %arg32[%parallel_loop3A_418] {strides = array<i32>} : memref<640xf32, #tpu.memory_space<vmem>>, vector<16xf32>,
        tpu.vector_store %arg32[%parallel_loop3A_418], %parallel_loop3A_417 {strides = array<i32>} : memref<640xf32, #tpu.memory_space<vmem>>, vector<16xf32>,
      } {sc.loop_unroll_factor = 8 : i64, sc.parallel_access}
    }
    %scan3A_371 = arith.constant 15 : i32
    %parallel_loop3A_372 = arith.constant 0 : i32
    %parallel_loop3A_373 = arith.constant 40 : i32
    %parallel_loop3A_374 = arith.constant 1 : i32
    %parallel_loop3A_375:3 = scf.for %parallel_loop3A_392 = %parallel_loop3A_372 to %parallel_loop3A_373 step %parallel_loop3A_374 iter_args(%parallel_loop3A_393 = %broadcast_in_dim3A_0, %parallel_loop3A_394 = %broadcast_in_dim3A_0, %parallel_loop3A_395 = %broadcast_in_dim3A_0) -> (vector<16xf32>, vector<16xf32>, vector<16xf32>)  : i32 {
      %parallel_loop3A_396 = arith.constant 16 : i32
      %parallel_loop3A_397 = arith.muli %parallel_loop3A_392, %parallel_loop3A_396 : i32
      %parallel_loop3A_398 = arith.index_cast %parallel_loop3A_397 : i32 to index
      %parallel_loop3A_399 = tpu.vector_load %arg30[%parallel_loop3A_398] {strides = array<i32>} : memref<640xf32, #tpu.memory_space<vmem>>, vector<16xf32>,
      %parallel_loop3A_400 = arith.index_cast %parallel_loop3A_397 : i32 to index
      %parallel_loop3A_401 = tpu.vector_load %arg31[%parallel_loop3A_400] {strides = array<i32>} : memref<640xf32, #tpu.memory_space<vmem>>, vector<16xf32>,
      %parallel_loop3A_402 = arith.index_cast %parallel_loop3A_397 : i32 to index
      %parallel_loop3A_403 = tpu.vector_load %arg32[%parallel_loop3A_402] {strides = array<i32>} : memref<640xf32, #tpu.memory_space<vmem>>, vector<16xf32>,
      %parallel_loop3A_404 = arith.mulf %parallel_loop3A_399, %parallel_loop3A_399 : vector<16xf32>
      %parallel_loop3A_405 = arith.addf %parallel_loop3A_393, %parallel_loop3A_404 : vector<16xf32>
      %parallel_loop3A_406 = arith.constant 16 : i32
      %parallel_loop3A_407 = arith.muli %parallel_loop3A_392, %parallel_loop3A_406 : i32
      %parallel_loop3A_408 = arith.addi %mul3A_358, %parallel_loop3A_407 : i32
      %parallel_loop3A_409 = vector.broadcast %parallel_loop3A_408 : i32 to vector<16xi32>
      %parallel_loop3A_410 = arith.addi %parallel_loop3A_409, %iota3A : vector<16xi32>
      %parallel_loop3A_411 = arith.constant 10000 : i32
      %parallel_loop3A_412 = vector.broadcast %parallel_loop3A_411 : i32 to vector<16xi32>
      %parallel_loop3A_413 = arith.cmpi slt, %parallel_loop3A_410, %parallel_loop3A_412 : vector<16xi32>
      %parallel_loop3A_414 = arith.constant 1.000000e+00 : f32
      %parallel_loop3A_415 = arith.constant 0.000000e+00 : f32
      %parallel_loop3A_416 = vector.broadcast %parallel_loop3A_414 : f32 to vector<16xf32>
      %parallel_loop3A_417 = vector.broadcast %parallel_loop3A_415 : f32 to vector<16xf32>
      %parallel_loop3A_418 = arith.select %parallel_loop3A_413, %parallel_loop3A_416, %parallel_loop3A_417 : vector<16xi1>, vector<16xf32>
      %parallel_loop3A_419 = arith.constant 16 : i32
      %parallel_loop3A_420 = arith.muli %parallel_loop3A_392, %parallel_loop3A_419 : i32
      %parallel_loop3A_421 = arith.addi %mul3A_358, %parallel_loop3A_420 : i32
      %parallel_loop3A_422 = arith.index_cast %parallel_loop3A_421 : i32 to index
      %parallel_loop3A_423 = tpu.vector_load %arg12[%parallel_loop3A_422] {strides = array<i32>} : memref<10240xf32, #tpu.memory_space<vmem>>, vector<16xf32>,
      %parallel_loop3A_424 = arith.index_cast %parallel_loop3A_421 : i32 to index
      %parallel_loop3A_425 = tpu.vector_load %arg13[%parallel_loop3A_424] {strides = array<i32>} : memref<10240xf32, #tpu.memory_space<vmem>>, vector<16xf32>,
      %parallel_loop3A_426 = arith.index_cast %parallel_loop3A_397 : i32 to index
      %parallel_loop3A_427 = tpu.vector_load %arg33[%parallel_loop3A_426] {strides = array<i32>} : memref<640xf32, #tpu.memory_space<vmem>>, vector<16xf32>,
      %parallel_loop3A_428 = arith.addf %parallel_loop3A_427, %parallel_loop3A_401 : vector<16xf32>
      %parallel_loop3A_429 = arith.index_cast %parallel_loop3A_397 : i32 to index
      %parallel_loop3A_430 = tpu.vector_load %arg34[%parallel_loop3A_429] {strides = array<i32>} : memref<640xf32, #tpu.memory_space<vmem>>, vector<16xf32>,
      %parallel_loop3A_431 = arith.addf %parallel_loop3A_430, %parallel_loop3A_403 : vector<16xf32>
      %parallel_loop3A_432 = arith.mulf %parallel_loop3A_428, %parallel_loop3A_428 : vector<16xf32>
      %parallel_loop3A_433 = arith.addf %parallel_loop3A_394, %parallel_loop3A_432 : vector<16xf32>
      %parallel_loop3A_434 = arith.mulf %parallel_loop3A_431, %parallel_loop3A_431 : vector<16xf32>
      %parallel_loop3A_435 = arith.addf %parallel_loop3A_433, %parallel_loop3A_434 : vector<16xf32>
      %parallel_loop3A_436 = arith.mulf %parallel_loop3A_423, %parallel_loop3A_423 : vector<16xf32>
      %parallel_loop3A_437 = arith.mulf %parallel_loop3A_425, %parallel_loop3A_425 : vector<16xf32>
      %parallel_loop3A_438 = arith.addf %parallel_loop3A_436, %parallel_loop3A_437 : vector<16xf32>
      %parallel_loop3A_439 = tpu.bitcast %parallel_loop3A_438 : vector<16xf32> -> vector<16xi32>
      %parallel_loop3A_440 = arith.constant 1 : i32
      %parallel_loop3A_441 = vector.broadcast %parallel_loop3A_440 : i32 to vector<16xi32>
      %parallel_loop3A_442 = arith.shrsi %parallel_loop3A_439, %parallel_loop3A_441 : vector<16xi32>
      %parallel_loop3A_443 = arith.constant 1597463007 : i32
      %parallel_loop3A_444 = vector.broadcast %parallel_loop3A_443 : i32 to vector<16xi32>
      %parallel_loop3A_445 = arith.subi %parallel_loop3A_444, %parallel_loop3A_442 : vector<16xi32>
      %parallel_loop3A_446 = tpu.bitcast %parallel_loop3A_445 : vector<16xi32> -> vector<16xf32>
      %parallel_loop3A_447 = arith.constant 5.000000e-01 : f32
      %parallel_loop3A_448 = vector.broadcast %parallel_loop3A_447 : f32 to vector<16xf32>
      %parallel_loop3A_449 = arith.mulf %parallel_loop3A_438, %parallel_loop3A_448 : vector<16xf32>
      %parallel_loop3A_450 = arith.mulf %parallel_loop3A_449, %parallel_loop3A_446 : vector<16xf32>
      %parallel_loop3A_451 = arith.mulf %parallel_loop3A_450, %parallel_loop3A_446 : vector<16xf32>
      %parallel_loop3A_452 = arith.constant 1.500000e+00 : f32
      %parallel_loop3A_453 = vector.broadcast %parallel_loop3A_452 : f32 to vector<16xf32>
      %parallel_loop3A_454 = arith.subf %parallel_loop3A_453, %parallel_loop3A_451 : vector<16xf32>
      %parallel_loop3A_455 = arith.mulf %parallel_loop3A_446, %parallel_loop3A_454 : vector<16xf32>
      %parallel_loop3A_456 = arith.mulf %parallel_loop3A_449, %parallel_loop3A_455 : vector<16xf32>
      %parallel_loop3A_457 = arith.mulf %parallel_loop3A_456, %parallel_loop3A_455 : vector<16xf32>
      %parallel_loop3A_458 = arith.constant 1.500000e+00 : f32
      %parallel_loop3A_459 = vector.broadcast %parallel_loop3A_458 : f32 to vector<16xf32>
      %parallel_loop3A_460 = arith.subf %parallel_loop3A_459, %parallel_loop3A_457 : vector<16xf32>
      %parallel_loop3A_461 = arith.mulf %parallel_loop3A_455, %parallel_loop3A_460 : vector<16xf32>
      %parallel_loop3A_462 = arith.mulf %parallel_loop3A_449, %parallel_loop3A_461 : vector<16xf32>
      %parallel_loop3A_463 = arith.mulf %parallel_loop3A_462, %parallel_loop3A_461 : vector<16xf32>
      %parallel_loop3A_464 = arith.constant 1.500000e+00 : f32
      %parallel_loop3A_465 = vector.broadcast %parallel_loop3A_464 : f32 to vector<16xf32>
      %parallel_loop3A_466 = arith.subf %parallel_loop3A_465, %parallel_loop3A_463 : vector<16xf32>
      %parallel_loop3A_467 = arith.mulf %parallel_loop3A_461, %parallel_loop3A_466 : vector<16xf32>
      %parallel_loop3A_468 = arith.mulf %parallel_loop3A_438, %parallel_loop3A_467 : vector<16xf32>
      %parallel_loop3A_469 = arith.constant 0.949999988 : f32
      %parallel_loop3A_470 = vector.broadcast %parallel_loop3A_469 : f32 to vector<16xf32>
      %parallel_loop3A_471 = arith.subf %parallel_loop3A_470, %parallel_loop3A_468 : vector<16xf32>
      %parallel_loop3A_472 = arith.constant 0.000000e+00 : f32
      %parallel_loop3A_473 = vector.broadcast %parallel_loop3A_472 : f32 to vector<16xf32>
      %parallel_loop3A_474 = arith.maximumf %parallel_loop3A_471, %parallel_loop3A_473 : vector<16xf32>
      %parallel_loop3A_475 = arith.constant 1.050000e+00 : f32
      %parallel_loop3A_476 = vector.broadcast %parallel_loop3A_475 : f32 to vector<16xf32>
      %parallel_loop3A_477 = arith.subf %parallel_loop3A_468, %parallel_loop3A_476 : vector<16xf32>
      %parallel_loop3A_478 = arith.constant 0.000000e+00 : f32
      %parallel_loop3A_479 = vector.broadcast %parallel_loop3A_478 : f32 to vector<16xf32>
      %parallel_loop3A_480 = arith.maximumf %parallel_loop3A_477, %parallel_loop3A_479 : vector<16xf32>
      %parallel_loop3A_481 = arith.mulf %parallel_loop3A_474, %parallel_loop3A_474 : vector<16xf32>
      %parallel_loop3A_482 = arith.mulf %parallel_loop3A_480, %parallel_loop3A_480 : vector<16xf32>
      %parallel_loop3A_483 = arith.addf %parallel_loop3A_481, %parallel_loop3A_482 : vector<16xf32>
      %parallel_loop3A_484 = arith.mulf %parallel_loop3A_483, %parallel_loop3A_418 : vector<16xf32>
      %parallel_loop3A_485 = arith.addf %parallel_loop3A_395, %parallel_loop3A_484 : vector<16xf32>
      scf.yield %parallel_loop3A_405, %parallel_loop3A_435, %parallel_loop3A_485 : vector<16xf32>, vector<16xf32>, vector<16xf32>
    } {sc.loop_unroll_factor = 4 : i64, sc.parallel_access}
    %swap3A_376 = arith.constant 112 : index
    %swap3A_377 = tpu.vector_load %arg35[%swap3A_376] {strides = array<i32>} : memref<160xf32, #tpu.memory_space<vmem>>, vector<16xf32>,
    tpu.vector_store %arg35[%swap3A_376], %parallel_loop3A_375#0 {strides = array<i32>} : memref<160xf32, #tpu.memory_space<vmem>>, vector<16xf32>,
    %swap3A_378 = arith.constant 128 : index
    %swap3A_379 = tpu.vector_load %arg35[%swap3A_378] {strides = array<i32>} : memref<160xf32, #tpu.memory_space<vmem>>, vector<16xf32>,
    tpu.vector_store %arg35[%swap3A_378], %parallel_loop3A_375#1 {strides = array<i32>} : memref<160xf32, #tpu.memory_space<vmem>>, vector<16xf32>,
    %swap3A_380 = arith.constant 144 : index
    %swap3A_381 = tpu.vector_load %arg35[%swap3A_380] {strides = array<i32>} : memref<160xf32, #tpu.memory_space<vmem>>, vector<16xf32>,
    tpu.vector_store %arg35[%swap3A_380], %parallel_loop3A_375#2 {strides = array<i32>} : memref<160xf32, #tpu.memory_space<vmem>>, vector<16xf32>,
    %mul3A_382 = arith.constant 160 : i32
    %mul3A_383 = arith.muli %arg1, %mul3A_382 : i32
    "tpu.region"() ({
      %run_scoped3A_392 = tpu.sem_alloc : memref<!tpu.dma_semaphore, #tpu.memory_space<semaphore_mem>>
      %dma_start3A_393 = arith.constant 0 : i32
      %dma_start3A_394 = tpu.memref_slice %arg35[%dma_start3A_393] : memref<160xf32, #tpu.memory_space<vmem>> -> memref<160xf32, #tpu.memory_space<vmem>>
      %dma_start3A_395 = tpu.memref_slice %arg43[%mul3A_383] : memref<2560xf32, #tpu.memory_space<vmem_shared>> -> memref<160xf32, #tpu.memory_space<vmem_shared>>
      %dma_start3A_396 = tpu.memref_slice %arg43[%mul3A_383] : memref<2560xf32, #tpu.memory_space<vmem_shared>> -> memref<160xf32, #tpu.memory_space<vmem_shared>>
      %dma_start3A_397 = arith.constant 0 : i32
      %dma_start3A_398 = tpu.memref_slice %arg35[%dma_start3A_397] : memref<160xf32, #tpu.memory_space<vmem>> -> memref<160xf32, #tpu.memory_space<vmem>>
      tpu.enqueue_dma source(%dma_start3A_398 : memref<160xf32, #tpu.memory_space<vmem>>) target(%dma_start3A_396 : memref<160xf32, #tpu.memory_space<vmem_shared>>) target_semaphore(%run_scoped3A_392 : memref<!tpu.dma_semaphore, #tpu.memory_space<semaphore_mem>>)
      %dma_wait3A_399 = arith.constant 0 : i32
      %dma_wait3A_400 = tpu.memref_slice %arg35[%dma_wait3A_399] : memref<160xf32, #tpu.memory_space<vmem>> -> memref<160xf32, #tpu.memory_space<vmem>>
      %dma_wait3A_401 = tpu.memref_slice %arg43[%mul3A_383] : memref<2560xf32, #tpu.memory_space<vmem_shared>> -> memref<160xf32, #tpu.memory_space<vmem_shared>>
      %dma_wait3A_402 = tpu.memref_slice %arg43[%mul3A_383] : memref<2560xf32, #tpu.memory_space<vmem_shared>> -> memref<160xf32, #tpu.memory_space<vmem_shared>>
      %dma_wait3A_403 = arith.constant 0 : i32
      %dma_wait3A_404 = tpu.memref_slice %arg35[%dma_wait3A_403] : memref<160xf32, #tpu.memory_space<vmem>> -> memref<160xf32, #tpu.memory_space<vmem>>
      tpu.wait_dma2 semaphore(%run_scoped3A_392 : memref<!tpu.dma_semaphore, #tpu.memory_space<semaphore_mem>>) src(%dma_wait3A_404 : memref<160xf32, #tpu.memory_space<vmem>>) dst(%dma_wait3A_402 : memref<160xf32, #tpu.memory_space<vmem_shared>>)
      tpu.yield
    }) : () -> ()
    %barrier3A_384 = arith.constant 0 : index
    tpu.barrier barrier_id(%barrier3A_384)
    %eq3A_385 = arith.constant 0 : i32
    %eq3A_386 = arith.cmpi eq, %arg1, %eq3A_385 : i32
    %eq3A_387 = arith.constant 0 : i32
    %eq3A_388 = arith.cmpi eq, %arg0, %eq3A_387 : i32
    %and3A = arith.andi %eq3A_386, %eq3A_388 : i1
    %convert_element_type3A_389 = arith.extui %and3A : i1 to i32
    %cond3A_390 = arith.constant 0 : i32
    %cond3A_391 = arith.cmpi ne, %convert_element_type3A_389, %cond3A_390 : i32
    scf.if %cond3A_391 {
      %scan3A_392 = arith.constant 0 : i32
      %scan3A_393 = arith.constant 16 : i32
      %scan3A_394 = arith.addi %scan3A_392, %scan3A_393 : i32
      %scan3A_395 = arith.constant 1 : i32
      %scan3A_396:10 = scf.for %scan3A_502 = %scan3A_392 to %scan3A_394 step %scan3A_395 iter_args(%scan3A_503 = %broadcast_in_dim3A_0, %scan3A_504 = %broadcast_in_dim3A_0, %scan3A_505 = %broadcast_in_dim3A_0, %scan3A_506 = %broadcast_in_dim3A_0, %scan3A_507 = %broadcast_in_dim3A_0, %scan3A_508 = %broadcast_in_dim3A_0, %scan3A_509 = %broadcast_in_dim3A_0, %scan3A_510 = %broadcast_in_dim3A_0, %scan3A_511 = %broadcast_in_dim3A_0, %scan3A_512 = %broadcast_in_dim3A_0) -> (vector<16xf32>, vector<16xf32>, vector<16xf32>, vector<16xf32>, vector<16xf32>, vector<16xf32>, vector<16xf32>, vector<16xf32>, vector<16xf32>, vector<16xf32>)  : i32 {
        %mul3A_513 = arith.constant 160 : i32
        %mul3A_514 = arith.muli %scan3A_502, %mul3A_513 : i32
        "tpu.region"() ({
          %run_scoped3A_544 = tpu.sem_alloc : memref<!tpu.dma_semaphore, #tpu.memory_space<semaphore_mem>>
          %dma_start3A_545 = tpu.memref_slice %arg43[%mul3A_514] : memref<2560xf32, #tpu.memory_space<vmem_shared>> -> memref<160xf32, #tpu.memory_space<vmem_shared>>
          %dma_start3A_546 = tpu.memref_slice %arg43[%mul3A_514] : memref<2560xf32, #tpu.memory_space<vmem_shared>> -> memref<160xf32, #tpu.memory_space<vmem_shared>>
          tpu.enqueue_dma source(%dma_start3A_546 : memref<160xf32, #tpu.memory_space<vmem_shared>>) target(%arg36 : memref<160xf32, #tpu.memory_space<vmem>>) target_semaphore(%run_scoped3A_544 : memref<!tpu.dma_semaphore, #tpu.memory_space<semaphore_mem>>)
          %dma_wait3A_547 = tpu.memref_slice %arg43[%mul3A_514] : memref<2560xf32, #tpu.memory_space<vmem_shared>> -> memref<160xf32, #tpu.memory_space<vmem_shared>>
          %dma_wait3A_548 = tpu.memref_slice %arg43[%mul3A_514] : memref<2560xf32, #tpu.memory_space<vmem_shared>> -> memref<160xf32, #tpu.memory_space<vmem_shared>>
          tpu.wait_dma2 semaphore(%run_scoped3A_544 : memref<!tpu.dma_semaphore, #tpu.memory_space<semaphore_mem>>) src(%dma_wait3A_548 : memref<160xf32, #tpu.memory_space<vmem_shared>>) dst(%arg36 : memref<160xf32, #tpu.memory_space<vmem>>)
          tpu.yield
        }) : () -> ()
        %get3A = arith.constant 0 : index
        %get3A_515 = tpu.vector_load %arg36[%get3A] {strides = array<i32>} : memref<160xf32, #tpu.memory_space<vmem>>, vector<16xf32>,
        %add3A_516 = arith.addf %scan3A_503, %get3A_515 : vector<16xf32>
        %get3A_517 = arith.constant 16 : index
        %get3A_518 = tpu.vector_load %arg36[%get3A_517] {strides = array<i32>} : memref<160xf32, #tpu.memory_space<vmem>>, vector<16xf32>,
        %add3A_519 = arith.addf %scan3A_504, %get3A_518 : vector<16xf32>
        %get3A_520 = arith.constant 32 : index
        %get3A_521 = tpu.vector_load %arg36[%get3A_520] {strides = array<i32>} : memref<160xf32, #tpu.memory_space<vmem>>, vector<16xf32>,
        %add3A_522 = arith.addf %scan3A_505, %get3A_521 : vector<16xf32>
        %get3A_523 = arith.constant 48 : index
        %get3A_524 = tpu.vector_load %arg36[%get3A_523] {strides = array<i32>} : memref<160xf32, #tpu.memory_space<vmem>>, vector<16xf32>,
        %add3A_525 = arith.addf %scan3A_506, %get3A_524 : vector<16xf32>
        %get3A_526 = arith.constant 64 : index
        %get3A_527 = tpu.vector_load %arg36[%get3A_526] {strides = array<i32>} : memref<160xf32, #tpu.memory_space<vmem>>, vector<16xf32>,
        %add3A_528 = arith.addf %scan3A_507, %get3A_527 : vector<16xf32>
        %get3A_529 = arith.constant 80 : index
        %get3A_530 = tpu.vector_load %arg36[%get3A_529] {strides = array<i32>} : memref<160xf32, #tpu.memory_space<vmem>>, vector<16xf32>,
        %add3A_531 = arith.addf %scan3A_508, %get3A_530 : vector<16xf32>
        %get3A_532 = arith.constant 96 : index
        %get3A_533 = tpu.vector_load %arg36[%get3A_532] {strides = array<i32>} : memref<160xf32, #tpu.memory_space<vmem>>, vector<16xf32>,
        %add3A_534 = arith.addf %scan3A_509, %get3A_533 : vector<16xf32>
        %get3A_535 = arith.constant 112 : index
        %get3A_536 = tpu.vector_load %arg36[%get3A_535] {strides = array<i32>} : memref<160xf32, #tpu.memory_space<vmem>>, vector<16xf32>,
        %add3A_537 = arith.addf %scan3A_510, %get3A_536 : vector<16xf32>
        %get3A_538 = arith.constant 128 : index
        %get3A_539 = tpu.vector_load %arg36[%get3A_538] {strides = array<i32>} : memref<160xf32, #tpu.memory_space<vmem>>, vector<16xf32>,
        %add3A_540 = arith.addf %scan3A_511, %get3A_539 : vector<16xf32>
        %get3A_541 = arith.constant 144 : index
        %get3A_542 = tpu.vector_load %arg36[%get3A_541] {strides = array<i32>} : memref<160xf32, #tpu.memory_space<vmem>>, vector<16xf32>,
        %add3A_543 = arith.addf %scan3A_512, %get3A_542 : vector<16xf32>
        scf.yield %add3A_516, %add3A_519, %add3A_522, %add3A_525, %add3A_528, %add3A_531, %add3A_534, %add3A_537, %add3A_540, %add3A_543 : vector<16xf32>, vector<16xf32>, vector<16xf32>, vector<16xf32>, vector<16xf32>, vector<16xf32>, vector<16xf32>, vector<16xf32>, vector<16xf32>, vector<16xf32>
      }
      %scan3A_397 = arith.constant 16 : i32
      %reduce_sum3A = arith.constant true
      %reduce_sum3A_398 = vector.broadcast %reduce_sum3A : i1 to vector<16xi1>
      %reduce_sum3A_399 = tpu.scan <sum>, %scan3A_396#0 masked %reduce_sum3A_398 : vector<16xf32>, vector<16xi1> -> vector<16xf32>
      %reduce_sum3A_400 = vector.extract %reduce_sum3A_399[15] : f32 from vector<16xf32>
      %broadcast_in_dim3A_401 = vector.broadcast %reduce_sum3A_400 : f32 to vector<16xf32>
      %reduce_sum3A_402 = arith.constant true
      %reduce_sum3A_403 = vector.broadcast %reduce_sum3A_402 : i1 to vector<16xi1>
      %reduce_sum3A_404 = tpu.scan <sum>, %scan3A_396#1 masked %reduce_sum3A_403 : vector<16xf32>, vector<16xi1> -> vector<16xf32>
      %reduce_sum3A_405 = vector.extract %reduce_sum3A_404[15] : f32 from vector<16xf32>
      %broadcast_in_dim3A_406 = vector.broadcast %reduce_sum3A_405 : f32 to vector<16xf32>
      %reduce_sum3A_407 = arith.constant true
      %reduce_sum3A_408 = vector.broadcast %reduce_sum3A_407 : i1 to vector<16xi1>
      %reduce_sum3A_409 = tpu.scan <sum>, %scan3A_396#2 masked %reduce_sum3A_408 : vector<16xf32>, vector<16xi1> -> vector<16xf32>
      %reduce_sum3A_410 = vector.extract %reduce_sum3A_409[15] : f32 from vector<16xf32>
      %broadcast_in_dim3A_411 = vector.broadcast %reduce_sum3A_410 : f32 to vector<16xf32>
      %reduce_sum3A_412 = arith.constant true
      %reduce_sum3A_413 = vector.broadcast %reduce_sum3A_412 : i1 to vector<16xi1>
      %reduce_sum3A_414 = tpu.scan <sum>, %scan3A_396#3 masked %reduce_sum3A_413 : vector<16xf32>, vector<16xi1> -> vector<16xf32>
      %reduce_sum3A_415 = vector.extract %reduce_sum3A_414[15] : f32 from vector<16xf32>
      %broadcast_in_dim3A_416 = vector.broadcast %reduce_sum3A_415 : f32 to vector<16xf32>
      %reduce_sum3A_417 = arith.constant true
      %reduce_sum3A_418 = vector.broadcast %reduce_sum3A_417 : i1 to vector<16xi1>
      %reduce_sum3A_419 = tpu.scan <sum>, %scan3A_396#4 masked %reduce_sum3A_418 : vector<16xf32>, vector<16xi1> -> vector<16xf32>
      %reduce_sum3A_420 = vector.extract %reduce_sum3A_419[15] : f32 from vector<16xf32>
      %broadcast_in_dim3A_421 = vector.broadcast %reduce_sum3A_420 : f32 to vector<16xf32>
      %reduce_sum3A_422 = arith.constant true
      %reduce_sum3A_423 = vector.broadcast %reduce_sum3A_422 : i1 to vector<16xi1>
      %reduce_sum3A_424 = tpu.scan <sum>, %scan3A_396#5 masked %reduce_sum3A_423 : vector<16xf32>, vector<16xi1> -> vector<16xf32>
      %reduce_sum3A_425 = vector.extract %reduce_sum3A_424[15] : f32 from vector<16xf32>
      %broadcast_in_dim3A_426 = vector.broadcast %reduce_sum3A_425 : f32 to vector<16xf32>
      %reduce_sum3A_427 = arith.constant true
      %reduce_sum3A_428 = vector.broadcast %reduce_sum3A_427 : i1 to vector<16xi1>
      %reduce_sum3A_429 = tpu.scan <sum>, %scan3A_396#6 masked %reduce_sum3A_428 : vector<16xf32>, vector<16xi1> -> vector<16xf32>
      %reduce_sum3A_430 = vector.extract %reduce_sum3A_429[15] : f32 from vector<16xf32>
      %broadcast_in_dim3A_431 = vector.broadcast %reduce_sum3A_430 : f32 to vector<16xf32>
      %reduce_sum3A_432 = arith.constant true
      %reduce_sum3A_433 = vector.broadcast %reduce_sum3A_432 : i1 to vector<16xi1>
      %reduce_sum3A_434 = tpu.scan <sum>, %scan3A_396#7 masked %reduce_sum3A_433 : vector<16xf32>, vector<16xi1> -> vector<16xf32>
      %reduce_sum3A_435 = vector.extract %reduce_sum3A_434[15] : f32 from vector<16xf32>
      %broadcast_in_dim3A_436 = vector.broadcast %reduce_sum3A_435 : f32 to vector<16xf32>
      %reduce_sum3A_437 = arith.constant true
      %reduce_sum3A_438 = vector.broadcast %reduce_sum3A_437 : i1 to vector<16xi1>
      %reduce_sum3A_439 = tpu.scan <sum>, %scan3A_396#8 masked %reduce_sum3A_438 : vector<16xf32>, vector<16xi1> -> vector<16xf32>
      %reduce_sum3A_440 = vector.extract %reduce_sum3A_439[15] : f32 from vector<16xf32>
      %broadcast_in_dim3A_441 = vector.broadcast %reduce_sum3A_440 : f32 to vector<16xf32>
      %reduce_sum3A_442 = arith.constant true
      %reduce_sum3A_443 = vector.broadcast %reduce_sum3A_442 : i1 to vector<16xi1>
      %reduce_sum3A_444 = tpu.scan <sum>, %scan3A_396#9 masked %reduce_sum3A_443 : vector<16xf32>, vector<16xi1> -> vector<16xf32>
      %reduce_sum3A_445 = vector.extract %reduce_sum3A_444[15] : f32 from vector<16xf32>
      %broadcast_in_dim3A_446 = vector.broadcast %reduce_sum3A_445 : f32 to vector<16xf32>
      %mul3A_447 = arith.constant 9.99999974E-5 : f32
      %mul3A_448 = vector.broadcast %mul3A_447 : f32 to vector<16xf32>
      %mul3A_449 = arith.mulf %broadcast_in_dim3A_436, %mul3A_448 : vector<16xf32>
      %add3A_450 = arith.constant 9.99999997E-7 : f32
      %add3A_451 = vector.broadcast %add3A_450 : f32 to vector<16xf32>
      %add3A_452 = arith.addf %broadcast_in_dim3A_411, %add3A_451 : vector<16xf32>
      %div3A = arith.divf %broadcast_in_dim3A_416, %add3A_452 : vector<16xf32>
      %div3A_453 = arith.divf %broadcast_in_dim3A_421, %add3A_452 : vector<16xf32>
      %mul3A_454 = arith.constant 2.000000e+00 : f32
      %mul3A_455 = vector.broadcast %mul3A_454 : f32 to vector<16xf32>
      %mul3A_456 = arith.mulf %mul3A_455, %div3A : vector<16xf32>
      %mul3A_457 = arith.mulf %mul3A_456, %broadcast_in_dim3A_416 : vector<16xf32>
      %sub3A = arith.subf %broadcast_in_dim3A_426, %mul3A_457 : vector<16xf32>
      %mul3A_458 = arith.mulf %div3A, %div3A : vector<16xf32>
      %mul3A_459 = arith.mulf %mul3A_458, %broadcast_in_dim3A_411 : vector<16xf32>
      %add3A_460 = arith.addf %sub3A, %mul3A_459 : vector<16xf32>
      %mul3A_461 = arith.constant 2.000000e+00 : f32
      %mul3A_462 = vector.broadcast %mul3A_461 : f32 to vector<16xf32>
      %mul3A_463 = arith.mulf %mul3A_462, %div3A_453 : vector<16xf32>
      %mul3A_464 = arith.mulf %mul3A_463, %broadcast_in_dim3A_421 : vector<16xf32>
      %sub3A_465 = arith.subf %broadcast_in_dim3A_431, %mul3A_464 : vector<16xf32>
      %mul3A_466 = arith.mulf %div3A_453, %div3A_453 : vector<16xf32>
      %mul3A_467 = arith.mulf %mul3A_466, %broadcast_in_dim3A_411 : vector<16xf32>
      %add3A_468 = arith.addf %sub3A_465, %mul3A_467 : vector<16xf32>
      %add3A_469 = arith.addf %add3A_460, %add3A_468 : vector<16xf32>
      %mul3A_470 = arith.constant 5.000000e-01 : f32
      %mul3A_471 = vector.broadcast %mul3A_470 : f32 to vector<16xf32>
      %mul3A_472 = arith.mulf %mul3A_471, %add3A_469 : vector<16xf32>
      %mul3A_473 = arith.mulf %broadcast_in_dim3A_401, %broadcast_in_dim3A_401 : vector<16xf32>
      %mul3A_474 = arith.constant 6.250000e-06 : f32
      %mul3A_475 = vector.broadcast %mul3A_474 : f32 to vector<16xf32>
      %mul3A_476 = arith.mulf %mul3A_473, %mul3A_475 : vector<16xf32>
      %sub3A_477 = arith.subf %broadcast_in_dim3A_406, %mul3A_476 : vector<16xf32>
      %mul3A_478 = arith.constant 6.25003895E-6 : f32
      %mul3A_479 = vector.broadcast %mul3A_478 : f32 to vector<16xf32>
      %mul3A_480 = arith.mulf %sub3A_477, %mul3A_479 : vector<16xf32>
      %add3A_481 = arith.addf %broadcast_in_dim3A_441, %broadcast_in_dim3A_446 : vector<16xf32>
      %mul3A_482 = arith.constant 9.99999974E-5 : f32
      %mul3A_483 = vector.broadcast %mul3A_482 : f32 to vector<16xf32>
      %mul3A_484 = arith.mulf %add3A_481, %mul3A_483 : vector<16xf32>
      %sub3A_485 = arith.constant 9.999000e+03 : f32
      %sub3A_486 = vector.broadcast %sub3A_485 : f32 to vector<16xf32>
      %sub3A_487 = arith.subf %broadcast_in_dim3A_411, %sub3A_486 : vector<16xf32>
      %mul3A_488 = arith.mulf %sub3A_487, %sub3A_487 : vector<16xf32>
      %mul3A_489 = arith.constant 6.250000e-06 : f32
      %mul3A_490 = vector.broadcast %mul3A_489 : f32 to vector<16xf32>
      %mul3A_491 = arith.mulf %broadcast_in_dim3A_411, %mul3A_490 : vector<16xf32>
      %mul3A_492 = arith.constant 1.000000e-01 : f32
      %mul3A_493 = vector.broadcast %mul3A_492 : f32 to vector<16xf32>
      %mul3A_494 = arith.mulf %mul3A_493, %mul3A_491 : vector<16xf32>
      %add3A_495 = arith.addf %mul3A_488, %mul3A_494 : vector<16xf32>
      %add3A_496 = arith.addf %mul3A_449, %mul3A_472 : vector<16xf32>
      %add3A_497 = arith.addf %add3A_496, %mul3A_480 : vector<16xf32>
      %add3A_498 = arith.addf %add3A_497, %mul3A_484 : vector<16xf32>
      %add3A_499 = arith.addf %add3A_498, %add3A_495 : vector<16xf32>
      %swap3A_500 = arith.constant 0 : index
      %swap3A_501 = tpu.vector_load %arg37[%swap3A_500] {strides = array<i32>} : memref<16xf32, #tpu.memory_space<vmem>>, vector<16xf32>,
      tpu.vector_store %arg37[%swap3A_500], %add3A_499 {strides = array<i32>} : memref<16xf32, #tpu.memory_space<vmem>>, vector<16xf32>,
      "tpu.region"() ({
        %run_scoped3A_502 = tpu.sem_alloc : memref<!tpu.dma_semaphore, #tpu.memory_space<semaphore_mem>>
        tpu.enqueue_dma source(%arg37 : memref<16xf32, #tpu.memory_space<vmem>>) target(%arg11 : memref<16xf32, #tpu.memory_space<hbm>>) target_semaphore(%run_scoped3A_502 : memref<!tpu.dma_semaphore, #tpu.memory_space<semaphore_mem>>)
        tpu.wait_dma2 semaphore(%run_scoped3A_502 : memref<!tpu.dma_semaphore, #tpu.memory_space<semaphore_mem>>) src(%arg37 : memref<16xf32, #tpu.memory_space<vmem>>) dst(%arg11 : memref<16xf32, #tpu.memory_space<hbm>>)
        tpu.yield
      }) : () -> ()
    } else {
    }
    return
  }
}

</mosaic_0001>

<sc_bundles>
// kernel: kernel.3.cloned.1.call-start
scs
__scs_entry_jumppad:
0x0: {  	(pc) =	sbr.rel $0x88, $3  }
0x1: {  	(tag) =	ssettag $0x0;
	lr =	simm.s32 $0x1  }
0x2: {  	[smem:$0x3F9D] =	sst lr;
	_ =	strace $0xD0000000  }
0x3: {  	_ = 	snop  }
0x4: {  	_ = 	snop  }
0x5: {  	_ = 	snop  }
0x6: {  	_ = 	snop  }
0x7: {  	_ = 	snop  }
__scs_overlays_trampoline_lowered:
0x8: {  	[smem:$0x3FAC] =	sst s0  }
0x9: {  	[smem:$0x3FAD] =	sst s1  }
0xa: {  	[smem:$0x3FAE] =	sst s2  }
0xb: {  	[smem:$0x3FAF] =	sst s3  }
0xc: {  	[smem:$0x3FB0] =	sst s4  }
0xd: {  	[smem:$0x3FB1] =	sst s5  }
0xe: {  	[smem:$0x3FB2] =	sst s6  }
0xf: {  	[smem:$0x3FB3] =	sst s7  }
0x10: {  	[smem:$0x3FB4] =	sst s8  }
0x11: {  	[smem:$0x3FB5] =	sst s9;
	s0 =	simm.s32 @!p0 $0x0  }
0x12: {  	s1 =	sld [smem:$0x3F9B];
	s0 =	simm.s32 @p0 $0x1  }
0x13: {  	[smem:$0x3FB6] =	sst s0;
	s0 =	simm.s32 @!p1 $0x0  }
0x14: {  	s2 =	sld [smem:$0x3F9A];
	s0 =	simm.s32 @p1 $0x1  }
0x15: {  	[smem:$0x3FB7] =	sst s0;
	s0 =	simm.s32 @!p2 $0x0  }
0x16: {  	s3 =	sld [smem:$0x3FDB];
	s0 =	simm.s32 @p2 $0x1  }
0x17: {  	s4 =	simm.s32 $0x1BF5;
	[smem:$0x3FB9] =	sst s0  }
0x18: {  	s0 =	sld [smem:$0x3F9C];
	_ =	swait.ge [sflag:s4], $0x0  }
0x19: {  	s7 =	sld [smem:$0x3F9D]  }
0x1a: {  	s8 =	sadd.s32 $0xFFFFE003, lr  }
0x1b: {  	s9 =	sadd.s32 $0xFFFFFEF7, lr;
	s5 =	simm.s32 $0xFFFFFFFF;
	p2 =	slt.u32 s8, $0xFFFFF086  }
0x1c: {  	p1 =	slt.u32 s9, $0xF7A;
	s5 =	simm.s32 @!p2 $0x0  }
0x1d: {  	s5 =	simm.s32 @p1 $0x1;
	p0 =	seq.s32 s7, s2  }
0x1e: {  	s7 =	smul.u32 @!p0 $0xF7A, s2;
	p2 =	seq.s32 @!p0 s5, $0x0  }
0x1f: {  	s9 =	smul.u32 $0xF7A, s1;
	s8 =	simm.s32 @!p0 $0x1BF5;
	p2 =	por !p2, p0  }
0x20: {  	[sflag:s8] =	ssyncset.s32 @!p0 $0xFFFFF086;
	s6 =	sadd.s32 @!p0 s3, s7;
	s7 =	simm.s32 @!p0 $0x108  }
0x21: {  	s3 =	sadd.s32 s3, s9;
	s6 =	sadd.s32 @!p0 $0x88, s6;
	s7 =	simm.s32 @p2 $0x1082  }
0x22: {  	[simem:s7], [sflag:s8] =	dma.local @!p0 [hbm:s6], $0xF7A  }
0x23: {  	s9 =	sor.u32 $0xD0000000, s2;
	s6 =	simm.s32 $0x108;
	_ =	swait.ge @!p0 [sflag:s8], $0x0  }
0x24: {  	s3 =	sadd.s32 $0x88, s3;
	s6 =	simm.s32 @!p1 $0x1082;
	[sflag:s4] =	ssyncset.s32 $0xFFFFF086  }
0x25: {  	[simem:s6], [sflag:s4] =	dma.local [hbm:s3], $0xF7A  }
0x26: {  	[smem:$0x3F9D] =	sst s1;
	(tag) =	ssettag s2;
	_ =	strace s9  }
0x27: {  	s1 =	sld [smem:$0x3FAD]  }
0x28: {  	s2 =	sld [smem:$0x3FAE]  }
0x29: {  	s4 =	sld [smem:$0x3FB0]  }
0x2a: {  	p0 =	seq.s32 s5, $0x0;
	s5 =	sld [smem:$0x3FB1]  }
0x2b: {  	s6 =	sld [smem:$0x3FB2]  }
0x2c: {  	s7 =	sld [smem:$0x3FB3]  }
0x2d: {  	s3 =	simm.s32 $0x108;
	s8 =	sld [smem:$0x3FB4]  }
0x2e: {  	s3 =	simm.s32 @!p0 $0x1082;
	s9 =	sld [smem:$0x3FB5]  }
0x2f: {  	lr =	sadd.s32 s0, s3;
	s0 =	sld [smem:$0x3FAC]  }
0x30: {  	s3 =	sld [smem:$0x3FAF]  }
0x31: {  	[smem:$0x3FB8] =	sst s10  }
0x32: {  	s10 =	sld [smem:$0x3FB6];
	_ =	sdelay $0x3  }
0x33: {  	p0 =	seq.s32 s10, $0x1;
	s10 =	sld [smem:$0x3FB8];
	_ =	sdelay $0x3  }
0x34: {  	[smem:$0x3FB8] =	sst s10  }
0x35: {  	s10 =	sld [smem:$0x3FB7];
	_ =	sdelay $0x3  }
0x36: {  	p1 =	seq.s32 s10, $0x1;
	s10 =	sld [smem:$0x3FB8];
	_ =	sdelay $0x3  }
0x37: {  	[smem:$0x3FB8] =	sst s10  }
0x38: {  	s10 =	sld [smem:$0x3FB9]  }
0x39: {  	_ = 	snop;
	(pc) =	sbr.ind lr, $3  }
0x3a: {  	_ = 	snop  }
0x3b: {  	_ = 	snop  }
0x3c: {  	p2 =	seq.s32 s10, $0x1;
	s10 =	sld [smem:$0x3FB8]  }
0x3d: {  	_ =	shalt  }
0x3e: {  	_ =	shalt  }
0x3f: {  	_ =	shalt  }
0x40: {  	_ =	shalt  }
0x41: {  	_ =	shalt  }
0x42: {  	_ =	shalt  }
0x43: {  	_ =	shalt  }
0x44: {  	_ =	shalt  }
0x45: {  	_ =	shalt  }
0x46: {  	_ =	shalt  }
0x47: {  	_ =	shalt  }
0x48: {  	_ =	shalt  }
0x49: {  	_ =	shalt  }
0x4a: {  	_ =	shalt  }
0x4b: {  	_ =	shalt  }
0x4c: {  	_ =	shalt  }
0x4d: {  	_ =	shalt  }
0x4e: {  	_ =	shalt  }
0x4f: {  	_ =	shalt  }
0x50: {  	_ =	shalt  }
0x51: {  	_ =	shalt  }
0x52: {  	_ =	shalt  }
0x53: {  	_ =	shalt  }
0x54: {  	_ =	shalt  }
0x55: {  	_ =	shalt  }
0x56: {  	_ =	shalt  }
0x57: {  	_ =	shalt  }
0x58: {  	_ =	shalt  }
0x59: {  	_ =	shalt  }
0x5a: {  	_ =	shalt  }
0x5b: {  	_ =	shalt  }
0x5c: {  	_ =	shalt  }
0x5d: {  	_ =	shalt  }
0x5e: {  	_ =	shalt  }
0x5f: {  	_ =	shalt  }
0x60: {  	_ =	shalt  }
0x61: {  	_ =	shalt  }
0x62: {  	_ =	shalt  }
0x63: {  	_ =	shalt  }
0x64: {  	_ =	shalt  }
0x65: {  	_ =	shalt  }
0x66: {  	_ =	shalt  }
0x67: {  	_ =	shalt  }
0x68: {  	_ =	shalt  }
0x69: {  	_ =	shalt  }
0x6a: {  	_ =	shalt  }
0x6b: {  	_ =	shalt  }
0x6c: {  	_ =	shalt  }
0x6d: {  	_ =	shalt  }
0x6e: {  	_ =	shalt  }
0x6f: {  	_ =	shalt  }
0x70: {  	_ =	shalt  }
0x71: {  	_ =	shalt  }
0x72: {  	_ =	shalt  }
0x73: {  	_ =	shalt  }
0x74: {  	_ =	shalt  }
0x75: {  	_ =	shalt  }
0x76: {  	_ =	shalt  }
0x77: {  	_ =	shalt  }
0x78: {  	_ =	shalt  }
0x79: {  	_ =	shalt  }
0x7a: {  	_ =	shalt  }
0x7b: {  	_ =	shalt  }
0x7c: {  	_ =	shalt  }
0x7d: {  	_ =	shalt  }
0x7e: {  	_ =	shalt  }
0x7f: {  	_ =	shalt  }
0x80: {  	_ =	shalt  }
0x81: {  	_ =	shalt  }
0x82: {  	_ =	shalt  }
0x83: {  	_ =	shalt  }
0x84: {  	_ =	shalt  }
0x85: {  	_ =	shalt  }
0x86: {  	_ =	shalt  }
0x87: {  	_ =	shalt  }
.Lfunc_end0:
.L_simem_size_0:
called_computation_lowered:
.L_overlay_start_0:
0x88: {  	s0 =	sld [smem:$0x3FD9]  }
0x89: {  	s1 =	sld [smem:$0x3FFE];
	_ =	sdelay $0x3  }
0x8a: {  	s0 =	sadd.s32 s1, s0  }
0x8b: {  	[smem:$0x3FC4] =	sst s0  }
0x8c: {  	_ = 	snop  }
0x8d: {  	s0 =	sld [smem:$0x3FC7]  }
0x8e: {  	s16 =	sld [smem:$0x3FD0];
	(tm) =	ssettm $0x1  }
0x8f: {  	s2 =	sld [smem:$0x3FFB];
	_ =	sdelay $0x3  }
0x90: {  	_ =	strace s2  }
0x91: {  	s2 =	sld [smem:$0x3FFC];
	_ =	sdelay $0x3  }
0x92: {  	_ =	strace s2  }
0x93: {  	s2 =	sld [smem:$0x3FFD];
	_ =	sdelay $0x3  }
0x94: {  	_ =	strace s2  }
0x95: {  	_ =	strace $0x8FFFFFFF  }
0x96: {  	s17 =	sld [smem:$0x3FDB];
	_ =	sdelay $0x1  }
0x97: {  	s3 =	simm.s32 $_scs_section_size  }
0x98: {  	s4 =	simm.s32 $_size__tile_overlayer_lowered;
	s5 =	simm.s32 $_tile_overlayer_lowered  }
0x99: {  	s20 =	simm.s32 $0x1BFF;
	s19 =	sshll.u32 s5, $0x1;
	s2 =	sadd.s32 s3, s17  }
0x9a: {  	s6 =	simm.s32 $0x0;
	s18 =	sshll.u32 s4, $0x1;
	s4 =	sadd.s32 s19, s2  }
0x9b: {  	[timem:s6], [sflag:s20] =	dma.local [hbm:s4], s18  }
0x9c: {  	_ =	swait.ge [sflag:s20], s18  }
0x9d: {  	s3 =	ssub.s32 $0x0, s18;
	[sflag:s20] =	ssyncset.done $0x0  }
0x9e: {  	[sflag:s20] =	ssyncadd.s32 s3;
	_ =	sdelay $0x1  }
0x9f: {  	s21 =	simm.s32 $0x1B8B  }
0xa0: {  	_ =	swait.ge [sflag:s21], $0x1  }
0xa1: {  	[sflag:s21] =	ssyncset.done $0x0  }
0xa2: {  	s23 =	simm.s32 $0x1B8E;
	s22 =	sld [smem:$0x3FFE];
	[sflag:s21] =	ssyncadd.s32 $0xFFFFFFFF  }
0xa3: {  	s24 =	simm.s32 $execute0_lowered;
	[smem:$0x3FD2] =	sst s23  }
0xa4: {  	s4 =	sshll.u32 s24, $0x1;
	_ =	strace $0x80000046;
	[dreg:$0x1] =	wrdreg $0xFFFFFFFF  }
0xa5: {  	s25 =	simm.s32 $_size_execute0_lowered;
	s2 =	sadd.s32 s2, s4;
	[dreg:$0x0] =	wrdreg $0x0  }
0xa6: {  	s4 =	sshll.u32 s25, $0x1;
	[dreg:$0x2] =	wrdreg s2  }
0xa7: {  	[dreg:$0x3] =	wrdreg s4  }
0xa8: {  	[dreg:$0x4] =	wrdreg $0xC0  }
0xa9: {  	_ =	task [dreg:s6], $0x5FFFF  }
0xaa: {  	[dreg:$0x1] =	wrdreg $0xFFFFFFFF  }
0xab: {  	[dreg:$0x0] =	wrdreg $0x60  }
0xac: {  	[dreg:$0x2] =	wrdreg s22  }
0xad: {  	[dreg:$0x3] =	wrdreg s0  }
0xae: {  	[dreg:$0x4] =	wrdreg s16  }
0xaf: {  	[dreg:$0x5] =	wrdreg $0x12E800  }
0xb0: {  	[dreg:$0x6] =	wrdreg $0x156800  }
0xb1: {  	[dreg:$0x7] =	wrdreg $0x17E800  }
0xb2: {  	[dreg:$0x8] =	wrdreg $0x1A6800  }
0xb3: {  	[dreg:$0x9] =	wrdreg $0x9  }
0xb4: {  	_ =	task.clear_ibuf [dreg:s6], $0xAFFFF;
	_ =	strace $0x90000046  }
0xb5: {  	s26 =	simm.s32 $0x9;
	_ =	strace $0x80000048  }
0xb6: {  	_ =	swait.ge [sflag:s26], $0x1  }
0xb7: {  	[sflag:s26] =	ssyncadd.s32 $0xFFFFFFFF  }
0xb8: {  	_ =	strace $0x90000048  }
0xb9: {  	_ =	sfence  }
0xba: {  	s28 =	sld [smem:$0x0];
	_ =	sdelay $0x1  }
0xbb: {  	s29 =	srdreg.scid  }
0xbc: {  	s30 =	sshll.u32 s29, $0xD;
	s31 =	sshrl.u32 s29, $0x2  }
0xbd: {  	s1 =	sand.u32 $0x1, s29;
	s2 =	sand.u32 $0x4000, s30;
	s0 =	sadd.s32 s31, s28  }
0xbe: {  	s1 =	sor.u32 s2, s1;
	s0 =	sshll.u32 s0, $0x11  }
0xbf: {  	s0 =	sor.u32 s0, s1  }
0xc0: {  	s0 =	sadd.s32 $0x8F2B, s0  }
0xc1: {  	[sflag:s0] =	ssyncadd.remote.s32 $0x1  }
0xc2: {  	_ =	sfence.sel $0xFFFF  }
0xc3: {  	[dreg:$0x0] =	wrdreg $0xFFFFFFFF;
	(pc) =	sbr.abs _section_cstart, $3  }
0xc4: {  	[dreg:$0x1] =	wrdreg $0xFFFFFFFF  }
0xc5: {  	_ =	task.clear_ibuf [dreg:s6], $0x2FFFF;
	_ =	strace $0x9FFFFFFF  }
0xc6: {  	(tm) =	ssettm $0x7FFFFFFF  }
0xc7: {  	_ =	shalt  }
tec
execute0_lowered:
.L_overlay_start_1:
0x0: {  	(tag) =	ssettag $0x1  }
0x1: {  	s7 =	rddreg [dreg:$0x0]  }
0x2: {  	s9 =	rddreg [dreg:$0x1]  }
0x3: {  	s1 =	rddreg [dreg:$0x2]  }
0x4: {  	s4 =	rddreg [dreg:$0x3]  }
0x5: {  	s5 =	rddreg [dreg:$0x4]  }
0x6: {  	s6 =	rddreg [dreg:$0x5];
	s3 =	stileid.u32  }
0x7: {  	s2 =	rddreg [dreg:$0x6];
	s10 =	smul.u32 $0x2710, s3  }
0x8: {  	s0 =	rddreg [dreg:$0x7];
	s8 =	simm.s32 $0x0;
	s13 =	simm.s32 $0xC800  }
0x9: {  	[smem:$0x7FF] =	sst s8;
	s12 =	sadd.s32 $0x6800, s7;
	s14 =	sshrl.u32 s10, $0x3  }
0xa: {  	_ =	strace $0x80000047;
	s10 =	sadd.s32 $0x1800, s7;
	s11 =	sadd.s32 s12, s14  }
0xb: {  	[tilespmem:s13], [sflag:$0x1] =	stream.linear.gather [hbm4b:s11+s8], $0x7D0, $0x38;
	[tilespmem:$0x1A720] =	vst v63  }
0xc: {  	s23 =	simm.s32 $0xD800;
	s22 =	sadd.s32 s10, s14  }
0xd: {  	[tilespmem:s23], [sflag:$0x1] =	stream.linear.gather [hbm4b:s22+s8], $0x7D0, $0x38;
	[tilespmem:$0x1A720] =	vst v63  }
0xe: {  	s15 =	simm.s32 $0xE800;
	s24 =	sadd.s32 s9, s14;
	s11 =	sadd.s32 $0x10800, s7  }
0xf: {  	[tilespmem:s15], [sflag:$0x1] =	stream.linear.gather [hbm4b:s24+s8], $0x7D0, $0x38;
	[tilespmem:$0x1A720] =	vst v63  }
0x10: {  	s16 =	simm.s32 $0xF800;
	s13 =	sadd.s32 $0xB800, s7;
	s25 =	sadd.s32 s11, s14  }
0x11: {  	[tilespmem:s16], [sflag:$0x1] =	stream.linear.gather [hbm4b:s25+s8], $0x7D0, $0x38;
	[tilespmem:$0x1A720] =	vst v63  }
0x12: {  	s28 =	simm.s32 $0x10800;
	s26 =	sadd.s32 s13, s14  }
0x13: {  	[tilespmem:s28], [sflag:$0x1] =	stream.linear.gather [hbm4b:s26+s8], $0x7D0, $0x38;
	[tilespmem:$0x1A720] =	vst v63  }
0x14: {  	s30 =	simm.s32 $0x3;
	s29 =	sadd.s32 $0x1200, s7  }
0x15: {  	[tilespmem:s8], [sflag:$0x3] =	stream.linear.gather [hbm4b:s29+s8], $0x2710, $0x38;
	[tilespmem:$0x1A720] =	vst v63  }
0x16: {  	_ =	swait.ge [sflag:s30], $0x2710  }
0x17: {  	[sflag:s30] =	ssyncset.done $0x0  }
0x18: {  	s17 =	simm.s32 $0x2800;
	s31 =	sadd.s32 $0xC00, s7;
	[sflag:s30] =	ssyncadd.s32 $0xFFFFD8F0  }
0x19: {  	[tilespmem:s17], [sflag:$0x3] =	stream.linear.gather [hbm4b:s31+s8], $0x2710, $0x38;
	[tilespmem:$0x1A720] =	vst v63  }
0x1a: {  	_ =	swait.ge [sflag:s30], $0x2710  }
0x1b: {  	[sflag:s30] =	ssyncset.done $0x0  }
0x1c: {  	v0 =	vimm.f32 $0.0e+00;
	s15 =	simm.s32 $0x2750;
	[sflag:s30] =	ssyncadd.s32 $0xFFFFD8F0  }
0x1d: {  	[tilespmem:s15+$0xFFFFFFD0] =	vst v0  }
0x1e: {  	[tilespmem:s15+$0xFFFFFFC0] =	vst v0  }
0x1f: {  	[tilespmem:s15+$0xFFFFFFE0] =	vst v0  }
0x20: {  	[tilespmem:s15+$0xFFFFFFF0] =	vst v0  }
0x21: {  	s16 =	simm.s32 $0x4F50;
	[tilespmem:s15+$0x0] =	vst v0  }
0x22: {  	[tilespmem:s16+$0xFFFFFFC0] =	vst v0  }
0x23: {  	[tilespmem:s16+$0x0] =	vst v0  }
0x24: {  	[tilespmem:s16+$0xFFFFFFF0] =	vst v0  }
0x25: {  	s8 =	sadd.s32 $0x600, s7;
	s17 =	simm.s32 $0x0;
	[tilespmem:s16+$0xFFFFFFE0] =	vst v0  }
.LBB2_1:
0x26: {  	s17 =	sadd.s32 $0x5, s17;
	[tilespmem:s16+$0xFFFFFFD0] =	vst v0;
	s15 =	sadd.s32 $0x50, s15;
	s16 =	sadd.s32 $0x50, s16  }
0x27: {  	[tilespmem:s15+$0xFFFFFFD0] =	vst v0;
	p0 =	slt.u32 s17, $0xA  }
0x28: {  	[tilespmem:s15+$0xFFFFFFC0] =	vst v0  }
0x29: {  	[tilespmem:s16+$0xFFFFFFC0] =	vst v0  }
0x2a: {  	[tilespmem:s15+$0xFFFFFFE0] =	vst v0  }
.Ltmp0:
0x2b: {  	[tilespmem:s15+$0xFFFFFFF0] =	vst v0;
	(pc) =	sbr.rel @p0 .LBB2_1-.Ltmp0, $4  }
0x2c: {  	[tilespmem:s15+$0x0] =	vst v0  }
0x2d: {  	[tilespmem:s16+$0x0] =	vst v0  }
0x2e: {  	[tilespmem:s16+$0xFFFFFFF0] =	vst v0  }
0x2f: {  	[tilespmem:s16+$0xFFFFFFE0] =	vst v0  }
0x30: {  	[tilespmem:s16+$0xFFFFFFD0] =	vst v0;
	s15 =	simm.s32 $0x5040;
	v0 =	vimm.f32 $0.0e+00  }
0x31: {  	[tilespmem:s15+$0xFFFFFFD0] =	vst v0  }
0x32: {  	[tilespmem:s15+$0x0] =	vst v0  }
0x33: {  	[tilespmem:s15+$0xFFFFFFC0] =	vst v0  }
0x34: {  	[tilespmem:s15+$0x30] =	vst v0  }
0x35: {  	[tilespmem:s15+$0xFFFFFFF0] =	vst v0  }
0x36: {  	[tilespmem:s15+$0xFFFFFFE0] =	vst v0  }
0x37: {  	[tilespmem:s15+$0x10] =	vst v0  }
0x38: {  	s17 =	simm.s32 $0x7840;
	[tilespmem:s15+$0x20] =	vst v0  }
0x39: {  	[tilespmem:s17+$0xFFFFFFC0] =	vst v0  }
0x3a: {  	[tilespmem:s17+$0x30] =	vst v0  }
0x3b: {  	[tilespmem:s17+$0x0] =	vst v0  }
0x3c: {  	[tilespmem:s17+$0x20] =	vst v0  }
0x3d: {  	[tilespmem:s17+$0x10] =	vst v0  }
0x3e: {  	[tilespmem:s17+$0xFFFFFFD0] =	vst v0  }
0x3f: {  	[tilespmem:s17+$0xFFFFFFE0] =	vst v0  }
0x40: {  	s16 =	simm.s32 $0xA040;
	[tilespmem:s17+$0xFFFFFFF0] =	vst v0  }
0x41: {  	[tilespmem:s16+$0xFFFFFFC0] =	vst v0  }
0x42: {  	[tilespmem:s16+$0x30] =	vst v0  }
0x43: {  	[tilespmem:s16+$0x20] =	vst v0  }
0x44: {  	[tilespmem:s16+$0x10] =	vst v0  }
0x45: {  	s18 =	simm.s32 $0x0;
	s19 =	simm.s32 $0xA0C0;
	[tilespmem:s16+$0xFFFFFFD0] =	vst v0  }
.LBB2_3:
0x46: {  	s18 =	sadd.s32 $0x8, s18;
	[tilespmem:s16+$0xFFFFFFE0] =	vst v0;
	s15 =	sadd.s32 $0x80, s15;
	s17 =	sadd.s32 $0x80, s17  }
0x47: {  	p0 =	slt.u32 s18, $0x278;
	[tilespmem:s16+$0x0] =	vst v0  }
0x48: {  	[tilespmem:s16+$0xFFFFFFF0] =	vst v0;
	s16 =	smov.u32 s19  }
0x49: {  	[tilespmem:s15+$0xFFFFFFD0] =	vst v0  }
0x4a: {  	[tilespmem:s15+$0x0] =	vst v0  }
0x4b: {  	[tilespmem:s15+$0xFFFFFFC0] =	vst v0  }
0x4c: {  	[tilespmem:s17+$0xFFFFFFC0] =	vst v0  }
0x4d: {  	[tilespmem:s19+$0xFFFFFFC0] =	vst v0  }
0x4e: {  	[tilespmem:s15+$0x30] =	vst v0  }
0x4f: {  	[tilespmem:s17+$0x30] =	vst v0  }
0x50: {  	[tilespmem:s19+$0x30] =	vst v0  }
0x51: {  	[tilespmem:s17+$0x0] =	vst v0  }
0x52: {  	[tilespmem:s15+$0xFFFFFFF0] =	vst v0  }
0x53: {  	[tilespmem:s15+$0xFFFFFFE0] =	vst v0  }
0x54: {  	[tilespmem:s15+$0x10] =	vst v0  }
0x55: {  	[tilespmem:s15+$0x20] =	vst v0  }
0x56: {  	[tilespmem:s17+$0x20] =	vst v0  }
0x57: {  	[tilespmem:s19+$0x20] =	vst v0  }
0x58: {  	[tilespmem:s17+$0x10] =	vst v0  }
.Ltmp1:
0x59: {  	[tilespmem:s19+$0x10] =	vst v0;
	(pc) =	sbr.rel @p0 .LBB2_3-.Ltmp1, $4  }
0x5a: {  	[tilespmem:s17+$0xFFFFFFD0] =	vst v0  }
0x5b: {  	[tilespmem:s17+$0xFFFFFFE0] =	vst v0  }
0x5c: {  	[tilespmem:s19+$0xFFFFFFD0] =	vst v0  }
0x5d: {  	s19 =	sadd.s32 $0x80, s19;
	[tilespmem:s17+$0xFFFFFFF0] =	vst v0  }
0x5e: {  	[tilespmem:s16+$0xFFFFFFE0] =	vst v0  }
0x5f: {  	[tilespmem:s16+$0x0] =	vst v0;
	s17 =	sadd.s32 $0xFA, s14  }
0x60: {  	[tilespmem:s16+$0xFFFFFFF0] =	vst v0;
	s15 =	simm.s32 $0x0;
	s18 =	simm.s32 $0xD000;
	s21 =	sadd.s32 s12, s17  }
0x61: {  	[tilespmem:s18], [sflag:$0x2] =	stream.linear.gather [hbm4b:s21+s15], $0x7D0, $0x38;
	[tilespmem:$0x1A720] =	vst v63  }
0x62: {  	s23 =	simm.s32 $0xE000;
	s22 =	sadd.s32 s10, s17  }
0x63: {  	[tilespmem:s23], [sflag:$0x2] =	stream.linear.gather [hbm4b:s22+s15], $0x7D0, $0x38;
	[tilespmem:$0x1A720] =	vst v63  }
0x64: {  	s25 =	simm.s32 $0xF000;
	s24 =	sadd.s32 s9, s17  }
0x65: {  	[tilespmem:s25], [sflag:$0x2] =	stream.linear.gather [hbm4b:s24+s15], $0x7D0, $0x38;
	[tilespmem:$0x1A720] =	vst v63  }
0x66: {  	s28 =	simm.s32 $0x10000;
	s26 =	sadd.s32 s11, s17  }
0x67: {  	[tilespmem:s28], [sflag:$0x2] =	stream.linear.gather [hbm4b:s26+s15], $0x7D0, $0x38;
	[tilespmem:$0x1A720] =	vst v63  }
0x68: {  	s30 =	simm.s32 $0x11000;
	s31 =	simm.s32 $0x1;
	s29 =	sadd.s32 s13, s17  }
0x69: {  	[tilespmem:s30], [sflag:$0x2] =	stream.linear.gather [hbm4b:s29+s15], $0x7D0, $0x38;
	[tilespmem:$0x1A720] =	vst v63  }
0x6a: {  	_ =	swait.ge [sflag:s31], $0x7D0  }
0x6b: {  	[sflag:s31] =	ssyncset.done $0x0  }
0x6c: {  	[sflag:s31] =	ssyncadd.s32 $0xFFFFF830  }
0x6d: {  	_ =	swait.ge [sflag:s31], $0x7D0  }
0x6e: {  	[sflag:s31] =	ssyncset.done $0x0  }
0x6f: {  	[sflag:s31] =	ssyncadd.s32 $0xFFFFF830  }
0x70: {  	_ =	swait.ge [sflag:s31], $0x7D0  }
0x71: {  	[sflag:s31] =	ssyncset.done $0x0  }
0x72: {  	[sflag:s31] =	ssyncadd.s32 $0xFFFFF830  }
0x73: {  	_ =	swait.ge [sflag:s31], $0x7D0  }
0x74: {  	s16 =	simm.s32 $0xFFFFFFFB;
	s19 =	simm.s32 $0xE820;
	[sflag:s31] =	ssyncset.done $0x0  }
0x75: {  	s20 =	simm.s32 $0xF820;
	s17 =	simm.s32 $0xC820;
	[sflag:s31] =	ssyncadd.s32 $0xFFFFF830  }
0x76: {  	v0 =	vimm.f32 $0.0e+00;
	s18 =	simm.s32 $0xD820;
	s21 =	simm.s32 $0x10820;
	_ =	swait.ge [sflag:s31], $0x7D0  }
0x77: {  	v2 =	vimm.f32 $0.0e+00;
	v1 =	vimm.f32 $0.0e+00;
	v6 =	vimm.f32 $0.0e+00;
	s22 =	simm.s32 $0x2800;
	s23 =	simm.s32 $0x5000;
	[sflag:s31] =	ssyncset.done $0x0  }
0x78: {  	v4 =	vimm.f32 $0.0e+00;
	v3 =	vimm.f32 $0.0e+00;
	v5 =	vimm.f32 $0.0e+00;
	s24 =	simm.s32 $0x7800;
	s25 =	simm.s32 $0xA000;
	[sflag:s31] =	ssyncadd.s32 $0xFFFFF830  }
.LBB2_5:
0x79: {  	v12 =	vld [tilespmem:s17+$0xFFFFFFE0];
	_ =	sdelay $0x1  }
0x7a: {  	v11 =	vld [tilespmem:s18+$0xFFFFFFE0];
	_ =	sdelay $0x5  }
0x7b: {  	v14 =	vld.idx.msk [tilespmem:v12+s15+$0x0], $0xffff  }
0x7c: {  	v17 =	vld.idx.msk [tilespmem:v12+s22+$0x0], $0xffff  }
0x7d: {  	v7 =	vld.idx.msk [tilespmem:v11+s15+$0x0], $0xffff  }
0x7e: {  	v8 =	vld.idx.msk [tilespmem:v11+s22+$0x0], $0xffff;
	_ =	sdelay $0x1  }
0x7f: {  	v19 =	vld [tilespmem:s20+$0xFFFFFFE0];
	_ =	sdelay $0x1  }
0x80: {  	v20 =	vld [tilespmem:s21+$0xFFFFFFE0]  }
0x81: {  	v7 =	vsub.f32 v14, v7;
	v8 =	vsub.f32 v17, v8;
	_ =	sdelay $0x1  }
0x82: {  	v15 =	vadd.f32 $9.999999970e-07, v19;
	v7 =	vmul.f32 v7, v7;
	v8 =	vmul.f32 v8, v8;
	_ =	sdelay $0x1  }
0x83: {  	v9 =	vmul.f32 v20, v20;
	v7 =	vadd.f32 v8, v7;
	v8 =	vmul.f32 v15, v15;
	_ =	sdelay $0x1  }
0x84: {  	v8 =	vadd.f32 v9, v8;
	v58 =	vshra.s32 v7, $0x1;
	v13 =	vmul.f32 $5.000000000e-01, v7  }
0x85: {  	v9 =	vld [tilespmem:s17+$0xFFFFFFF0];
	v16 =	vsub.s32 $0x5F3759DF, v58  }
0x86: {  	v18 =	vmul.f32 v16, v13;
	v10 =	vshra.s32 v8, $0x1;
	v8 =	vmul.f32 $5.000000000e-01, v8  }
0x87: {  	v21 =	vsub.s32 $0x5F3759DF, v10;
	v10 =	vld [tilespmem:s18+$0xFFFFFFF0]  }
0x88: {  	v18 =	vmul.f32 v16, v18;
	v22 =	vmul.f32 v21, v8;
	_ =	sdelay $0x1  }
0x89: {  	v18 =	vsub.f32 $1.500000000e+00, v18;
	v22 =	vmul.f32 v21, v22;
	_ =	sdelay $0x1  }
0x8a: {  	v16 =	vmul.f32 v16, v18;
	v59 =	vsub.f32 $1.500000000e+00, v22  }
0x8b: {  	v22 =	vld.idx.msk [tilespmem:v9+s15+$0x0], $0xffff  }
0x8c: {  	v23 =	vld.idx.msk [tilespmem:v9+s22+$0x0], $0xffff;
	v13 =	vmul.f32 v16, v13;
	v21 =	vmul.f32 v21, v59  }
0x8d: {  	v24 =	vld.idx.msk [tilespmem:v10+s15+$0x0], $0xffff  }
0x8e: {  	v25 =	vld.idx.msk [tilespmem:v10+s22+$0x0], $0xffff;
	v13 =	vmul.f32 v13, v16;
	v8 =	vmul.f32 v21, v8;
	_ =	sdelay $0x1  }
0x8f: {  	v60 =	vsub.f32 $1.500000000e+00, v13;
	v8 =	vmul.f32 v8, v21;
	v13 =	vld [tilespmem:s20+$0xFFFFFFF0]  }
0x90: {  	v26 =	vld [tilespmem:s19+$0xFFFFFFE0]  }
0x91: {  	v18 =	vld [tilespmem:s21+$0xFFFFFFF0];
	v16 =	vmul.f32 v60, v16;
	v8 =	vsub.f32 $1.500000000e+00, v8  }
0x92: {  	v24 =	vsub.f32 v22, v24;
	v25 =	vsub.f32 v23, v25  }
0x93: {  	v39 =	vadd.f32 $9.999999970e-07, v20;
	v16 =	vmul.f32 v16, v7;
	v8 =	vmul.f32 v8, v21;
	v7 =	vld [tilespmem:s17+$0x0]  }
0x94: {  	v61 =	vmul.f32 v24, v24;
	v62 =	vmul.f32 v25, v25;
	v63 =	vadd.f32 $9.999999970e-07, v13  }
0x95: {  	v33 =	vmul.f32 v19, v26;
	v35 =	vadd.f32 v26, v4;
	v27 =	vmul.f32 v16, v8;
	v8 =	vld [tilespmem:s18+$0x0]  }
0x96: {  	v28 =	vmul.f32 v18, v18;
	v21 =	vadd.f32 v62, v61;
	v37 =	vmul.f32 v63, v63  }
0x97: {  	v36 =	vmul.f32 v20, v26;
	vm0 =	vne.s32 v12, v11;
	(erf) = vrcp.f32 v15  }
0x98: {  	v38 =	vshra.s32 v21, $0x1;
	v30 =	vmul.f32 $5.000000000e-01, v21;
	v24 =	vadd.f32 v28, v37  }
0x99: {  	v6 =	vadd.f32 v33, v6;
	v16 =	vmul.f32 v16, v26;
	v28 =	vsub.s32 $0x5F3759DF, v38  }
0x9a: {  	v31 =	vmul.f32 v28, v30;
	v32 =	vshra.s32 v24, $0x1;
	v24 =	vmul.f32 $5.000000000e-01, v24  }
0x9b: {  	(erf) = vrcp.f32 v39;
	v29 =	vmul.f32 v16, v16;
	v32 =	vsub.s32 $0x5F3759DF, v32;
	v15 =	vld.idx.msk [tilespmem:v7+s15+$0x0], $0xffff  }
0x9c: {  	v34 =	vadd.f32 v16, v5;
	v5 =	vmul.f32 v28, v31;
	v16 =	vld.idx.msk [tilespmem:v7+s22+$0x0], $0xffff;
	v40 =	vmul.f32 v32, v24  }
0x9d: {  	v41 =	vmul.f32 v17, v17;
	v29 =	vadd.f32 v29, v3;
	v3 =	vmul.f32 v14, v14;
	v42 =	vld.idx.msk [tilespmem:v8+s15+$0x0], $0xffff  }
0x9e: {  	v44 =	vmul.f32 v33, v19;
	v4 =	vsub.f32 $1.500000000e+00, v5;
	v43 =	vld.idx.msk [tilespmem:v8+s22+$0x0], $0xffff;
	v5 =	vmul.f32 v32, v40  }
0x9f: {  	v46 =	vadd.f32 v36, v1;
	v1 =	vmul.f32 v36, v20;
	v3 =	vadd.f32 v41, v3  }
0xa0: {  	v50 =	vld [tilespmem:s19+$0xFFFFFFF0];
	v22 =	vmul.f32 v22, v22;
	v4 =	vmul.f32 v28, v4;
	v45 =	vsub.f32 $1.500000000e+00, v5  }
0xa1: {  	v20 =	vadd.f32 v44, v2;
	v27 =	vmul.f32 v27, v26;
	v3 =	vmul.f32 v3, v26  }
0xa2: {  	v2 =	vpop (erf);
	vm1 =	vne.s32 v9, v10;
	v5 =	vld [tilespmem:s20+$0x0];
	v47 =	vmul.f32 v4, v30;
	v19 =	vmul.f32 v32, v45  }
0xa3: {  	v14 =	vld [tilespmem:s21+$0x0];
	v30 =	vmul.f32 v3, v2;
	v2 =	vsub.f32 v15, v42;
	v48 =	vsub.f32 v16, v43  }
0xa4: {  	v31 =	vadd.f32 v1, v0;
	v0 =	vld [tilespmem:s17+$0x10];
	v1 =	vmul.f32 v47, v4;
	v24 =	vmul.f32 v19, v24  }
0xa5: {  	v49 =	vpop (erf);
	v25 =	vadd.f32 v50, v35;
	v2 =	vmul.f32 v2, v2;
	v17 =	vmul.f32 v48, v48  }
0xa6: {  	v26 =	vmul.f32 v3, v49;
	v3 =	vsub.f32 $1.500000000e+00, v1;
	v1 =	vld [tilespmem:s18+$0x10];
	v24 =	vmul.f32 v24, v19  }
0xa7: {  	v23 =	vmul.f32 v23, v23;
	v32 =	vadd.f32 $9.999999970e-07, v5;
	v51 =	vadd.f32 v17, v2  }
0xa8: {  	v52 =	vmul.f32 v14, v14;
	v3 =	vmul.f32 v3, v4;
	v4 =	vsub.f32 $1.500000000e+00, v24  }
0xa9: {  	v2 =	vmul.f32 v32, v32;
	v53 =	vshra.s32 v51, $0x1;
	v54 =	vmul.f32 $5.000000000e-01, v51  }
0xaa: {  	v3 =	vmul.f32 v3, v21;
	v17 =	vsub.s32 $0x5F3759DF, v53;
	v4 =	vmul.f32 v4, v19  }
0xab: {  	v59 =	vmul.f32 v13, v50;
	v2 =	vadd.f32 v52, v2;
	v55 =	vmul.f32 v17, v54  }
0xac: {  	v22 =	vadd.f32 v23, v22;
	v38 =	vmul.f32 v3, v50;
	v37 =	vmul.f32 v3, v4;
	v3 =	vld.idx.msk [tilespmem:v0+s15+$0x0], $0xffff  }
0xad: {  	v56 =	vshra.s32 v2, $0x1;
	v2 =	vmul.f32 $5.000000000e-01, v2;
	v19 =	vmul.f32 v17, v55;
	v4 =	vld.idx.msk [tilespmem:v0+s22+$0x0], $0xffff  }
0xae: {  	v61 =	vmul.f32 v18, v50;
	v22 =	vmul.f32 v22, v50;
	v21 =	vsub.s32 $0x5F3759DF, v56;
	v41 =	vld.idx.msk [tilespmem:v1+s15+$0x0], $0xffff  }
0xaf: {  	(erf) = vrcp.f32 v63;
	v40 =	vmul.f32 v21, v2;
	v58 =	vld.idx.msk [tilespmem:v1+s22+$0x0], $0xffff;
	v19 =	vsub.f32 $1.500000000e+00, v19  }
0xb0: {  	v42 =	vadd.f32 $9.999999970e-07, v18;
	v18 =	vmul.f32 v61, v18;
	v15 =	vmul.f32 v15, v15  }
0xb1: {  	v39 =	vsub.f32 $0.0e+00, v27;
	v57 =	vmul.f32 v21, v40;
	v19 =	vmul.f32 v17, v19  }
0xb2: {  	[tilespmem:v11+s23+$0x0] =	vst.idx.add.f32.msk $0xffff, v27;
	v27 =	vadd.f32 v59, v6;
	v16 =	vmul.f32 v16, v16;
	(erf) = vrcp.f32 v42  }
0xb3: {  	v34 =	vadd.f32 v38, v34;
	v60 =	vsub.f32 $1.500000000e+00, v57;
	v6 =	vmul.f32 v19, v54  }
0xb4: {  	v38 =	vmul.f32 v38, v38;
	v17 =	vld [tilespmem:s20+$0x10];
	v62 =	vsub.f32 v3, v41;
	v40 =	vsub.f32 v4, v58  }
0xb5: {  	vm13 =	vne.s32 v7, v8;
	v21 =	vmul.f32 v21, v60;
	v63 =	vmul.f32 v6, v19  }
0xb6: {  	v28 =	vadd.f32 v61, v46;
	v6 =	vld [tilespmem:s21+$0x10];
	v35 =	vmul.f32 v62, v62;
	v40 =	vmul.f32 v40, v40  }
0xb7: {  	v18 =	vadd.f32 v18, v31;
	v24 =	vld [tilespmem:s19+$0x0];
	v29 =	vadd.f32 v38, v29;
	v2 =	vmul.f32 v21, v2  }
0xb8: {  	v45 =	vpop (erf);
	v38 =	vmul.f32 v59, v13;
	v13 =	vld [tilespmem:s18+$0x20];
	v44 =	vsub.f32 $1.500000000e+00, v63;
	v35 =	vadd.f32 v40, v35  }
0xb9: {  	[tilespmem:v12+s23+$0x0] =	vst.idx.add.f32.msk $0xffff, v39;
	v23 =	vmul.f32 v22, v45;
	v39 =	vadd.f32 $9.999999970e-07, v17;
	v46 =	vmul.f32 v2, v21  }
0xba: {  	v2 =	vld [tilespmem:s17+$0x20];
	v19 =	vmul.f32 v44, v19;
	v47 =	vshra.s32 v35, $0x1;
	v40 =	vmul.f32 $5.000000000e-01, v35  }
0xbb: {  	v48 =	vmul.f32 v39, v39;
	v49 =	vmul.f32 v6, v6;
	v43 =	vsub.s32 $0x5F3759DF, v47  }
0xbc: {  	[tilespmem:v12+s24+$0x0] =	vst.idx.add.f32.msk $0xffff, v30;
	v33 =	vsub.f32 $1.500000000e+00, v46;
	v19 =	vmul.f32 v19, v51;
	v51 =	vmul.f32 v43, v40  }
0xbd: {  	[tilespmem:v11+s24+$0x0] =	vst.idx.add.f32.msk vm0, v30;
	(erf) = vrcp.f32 v32;
	v45 =	vmul.f32 v5, v24;
	v52 =	vadd.f32 v49, v48  }
0xbe: {  	v15 =	vadd.f32 v16, v15;
	v21 =	vmul.f32 v33, v21;
	v36 =	vmul.f32 v43, v51  }
0xbf: {  	[tilespmem:v12+s25+$0x0] =	vst.idx.add.f32.msk $0xffff, v26;
	v53 =	vmul.f32 v19, v24;
	v54 =	vshra.s32 v52, $0x1;
	v55 =	vmul.f32 $5.000000000e-01, v52  }
0xc0: {  	v62 =	vld.idx.msk [tilespmem:v13+s15+$0x0], $0xffff;
	v19 =	vmul.f32 v19, v21;
	v57 =	vsub.f32 $1.500000000e+00, v36;
	v21 =	vsub.s32 $0x5F3759DF, v54  }
0xc1: {  	vm14 =	vne.s32 v0, v1;
	v15 =	vmul.f32 v15, v24;
	v44 =	vld.idx.msk [tilespmem:v13+s22+$0x0], $0xffff;
	v58 =	vmul.f32 v21, v55  }
0xc2: {  	v37 =	vmul.f32 v37, v50;
	v50 =	vpop (erf);
	v20 =	vadd.f32 v38, v20;
	v38 =	vld.idx.msk [tilespmem:v2+s15+$0x0], $0xffff;
	v33 =	vmul.f32 v43, v57  }
0xc3: {  	v22 =	vmul.f32 v22, v50;
	v59 =	vadd.f32 $9.999999970e-07, v14;
	v42 =	vld.idx.msk [tilespmem:v2+s22+$0x0], $0xffff;
	v61 =	vmul.f32 v21, v58  }
0xc4: {  	v25 =	vadd.f32 v24, v25;
	v5 =	vmul.f32 v45, v5;
	v63 =	vmul.f32 v33, v40  }
0xc5: {  	v12 =	vld [tilespmem:s20+$0x20];
	(erf) = vrcp.f32 v59;
	v3 =	vmul.f32 v3, v3;
	v32 =	vsub.f32 $1.500000000e+00, v61  }
0xc6: {  	v46 =	vmul.f32 v14, v24;
	v31 =	vadd.f32 v53, v34;
	v34 =	vmul.f32 v63, v33  }
0xc7: {  	v4 =	vmul.f32 v4, v4;
	v49 =	vsub.f32 v38, v62;
	v21 =	vmul.f32 v21, v32;
	v32 =	vld [tilespmem:s21+$0x20]  }
0xc8: {  	v47 =	vmul.f32 v46, v14;
	v50 =	vsub.f32 v42, v44;
	v48 =	vsub.f32 $1.500000000e+00, v34  }
0xc9: {  	v27 =	vadd.f32 v45, v27;
	v19 =	vmul.f32 v19, v24;
	v24 =	vmul.f32 v49, v49  }
0xca: {  	[tilespmem:v11+s25+$0x0] =	vst.idx.add.f32.msk vm0, v26;
	v26 =	vmul.f32 v50, v50;
	v14 =	vmul.f32 v48, v33;
	v33 =	vadd.f32 $9.999999970e-07, v12  }
0xcb: {  	v60 =	vsub.f32 $0.0e+00, v37;
	v5 =	vadd.f32 v5, v20;
	v56 =	vmul.f32 v53, v53  }
0xcc: {  	v24 =	vadd.f32 v26, v24;
	v52 =	vmul.f32 v33, v33;
	v53 =	vmul.f32 v32, v32  }
0xcd: {  	v3 =	vadd.f32 v4, v3;
	(erf) = vrcp.f32 v39;
	v29 =	vadd.f32 v56, v29  }
0xce: {  	v56 =	vshra.s32 v24, $0x1;
	v57 =	vmul.f32 $5.000000000e-01, v24;
	v34 =	vadd.f32 v53, v52  }
0xcf: {  	[tilespmem:v10+s23+$0x0] =	vst.idx.add.f32.msk $0xffff, v37;
	v30 =	vmul.f32 v21, v55;
	v14 =	vmul.f32 v14, v35;
	v35 =	vsub.s32 $0x5F3759DF, v56  }
0xd0: {  	v55 =	vld [tilespmem:s19+$0x10];
	v59 =	vmul.f32 v35, v57;
	v58 =	vshra.s32 v34, $0x1;
	v34 =	vmul.f32 $5.000000000e-01, v34  }
0xd1: {  	[tilespmem:v9+s23+$0x0] =	vst.idx.add.f32.msk $0xffff, v60;
	v16 =	vadd.f32 v46, v28;
	vm15 =	vne.s32 v2, v13;
	v51 =	vpop (erf);
	v60 =	vsub.s32 $0x5F3759DF, v58  }
0xd2: {  	[tilespmem:v9+s24+$0x0] =	vst.idx.add.f32.msk $0xffff, v23;
	v54 =	vpop (erf);
	v44 =	vadd.f32 $9.999999970e-07, v6;
	v62 =	vmul.f32 v35, v59;
	v37 =	vmul.f32 v60, v34  }
0xd3: {  	v11 =	vadd.f32 v47, v18;
	v28 =	vmul.f32 v15, v51;
	v15 =	vmul.f32 v15, v54  }
0xd4: {  	[tilespmem:v10+s24+$0x0] =	vst.idx.add.f32.msk vm1, v23;
	(erf) = vrcp.f32 v44;
	v18 =	vsub.f32 $1.500000000e+00, v62;
	v41 =	vmul.f32 v60, v37  }
0xd5: {  	[tilespmem:v9+s25+$0x0] =	vst.idx.add.f32.msk $0xffff, v22;
	v63 =	vsub.f32 $0.0e+00, v19;
	v30 =	vmul.f32 v30, v21;
	v45 =	vmul.f32 v17, v55  }
0xd6: {  	[tilespmem:v10+s25+$0x0] =	vst.idx.add.f32.msk vm1, v22;
	(erf) = vrcp.f32 v33;
	v48 =	vmul.f32 v35, v18;
	v46 =	vsub.f32 $1.500000000e+00, v41  }
0xd7: {  	[tilespmem:v8+s23+$0x0] =	vst.idx.add.f32.msk $0xffff, v19;
	v30 =	vsub.f32 $1.500000000e+00, v30;
	v61 =	vmul.f32 v14, v55;
	v17 =	vmul.f32 v45, v17  }
0xd8: {  	[tilespmem:v7+s23+$0x0] =	vst.idx.add.f32.msk $0xffff, v63;
	v51 =	vmul.f32 v48, v57;
	v49 =	vmul.f32 v60, v46  }
0xd9: {  	v50 =	vmul.f32 v6, v55;
	v53 =	vadd.f32 v55, v25;
	v21 =	vmul.f32 v30, v21  }
0xda: {  	v17 =	vadd.f32 v17, v5;
	v5 =	vmul.f32 v51, v48;
	v52 =	vmul.f32 v49, v34  }
0xdb: {  	v3 =	vmul.f32 v3, v55;
	v40 =	vadd.f32 v61, v31;
	v14 =	vmul.f32 v14, v21  }
0xdc: {  	[tilespmem:v7+s24+$0x0] =	vst.idx.add.f32.msk $0xffff, v28;
	v43 =	vmul.f32 v61, v61;
	v5 =	vsub.f32 $1.500000000e+00, v5;
	v54 =	vmul.f32 v52, v49  }
0xdd: {  	[tilespmem:v8+s24+$0x0] =	vst.idx.add.f32.msk vm13, v28;
	v6 =	vmul.f32 v50, v6;
	v4 =	vmul.f32 v14, v55;
	v55 =	vadd.f32 $9.999999970e-07, v32  }
0xde: {  	v56 =	vpop (erf);
	v19 =	vadd.f32 v45, v27;
	v57 =	vld [tilespmem:s19+$0x20];
	v5 =	vmul.f32 v5, v48;
	v20 =	vsub.f32 $1.500000000e+00, v54  }
0xdf: {  	[tilespmem:v7+s25+$0x0] =	vst.idx.add.f32.msk $0xffff, v15;
	v7 =	vadd.f32 v6, v11;
	v6 =	vmul.f32 v3, v56;
	(erf) = vrcp.f32 v55  }
0xe0: {  	[tilespmem:v8+s25+$0x0] =	vst.idx.add.f32.msk vm13, v15;
	v8 =	vsub.f32 $0.0e+00, v4;
	v5 =	vmul.f32 v5, v24;
	v58 =	vmul.f32 v20, v49  }
0xe1: {  	v59 =	vpop (erf);
	[tilespmem:v1+s23+$0x0] =	vst.idx.add.f32.msk $0xffff, v4;
	v4 =	vmul.f32 v38, v38;
	v60 =	vmul.f32 v42, v42  }
0xe2: {  	v3 =	vmul.f32 v3, v59;
	[tilespmem:v0+s23+$0x0] =	vst.idx.add.f32.msk $0xffff, v8;
	v8 =	vmul.f32 v5, v58  }
0xe3: {  	[tilespmem:v0+s24+$0x0] =	vst.idx.add.f32.msk $0xffff, v6;
	v4 =	vadd.f32 v60, v4;
	v5 =	vmul.f32 v5, v57  }
0xe4: {  	v47 =	vadd.f32 v43, v29;
	[tilespmem:v1+s24+$0x0] =	vst.idx.add.f32.msk vm14, v6;
	v6 =	vmul.f32 v8, v57  }
0xe5: {  	[tilespmem:v0+s25+$0x0] =	vst.idx.add.f32.msk $0xffff, v3;
	v0 =	vmul.f32 v5, v5;
	v8 =	vmul.f32 v4, v57  }
0xe6: {  	s16 =	sadd.s32 $0x5, s16;
	v16 =	vadd.f32 v50, v16;
	[tilespmem:v1+s25+$0x0] =	vst.idx.add.f32.msk vm14, v3;
	v1 =	vpop (erf);
	v61 =	vmul.f32 v32, v57;
	v4 =	vsub.f32 $0.0e+00, v6  }
0xe7: {  	p0 =	slt.u32 s16, $0x78;
	v3 =	vadd.f32 v0, v47;
	v0 =	vmul.f32 v8, v1;
	[tilespmem:v13+s23+$0x0] =	vst.idx.add.f32.msk $0xffff, v6  }
.Ltmp2:
0xe8: {  	v63 =	vmul.f32 v61, v32;
	v1 =	vmul.f32 v12, v57;
	v6 =	vpop (erf);
	[tilespmem:v2+s23+$0x0] =	vst.idx.add.f32.msk $0xffff, v4;
	(pc) =	sbr.rel @p0 .LBB2_5-.Ltmp2, $4  }
0xe9: {  	v5 =	vadd.f32 v5, v40;
	v8 =	vmul.f32 v8, v6;
	[tilespmem:v2+s24+$0x0] =	vst.idx.add.f32.msk $0xffff, v0  }
0xea: {  	v4 =	vadd.f32 v57, v53;
	v62 =	vmul.f32 v1, v12;
	[tilespmem:v13+s24+$0x0] =	vst.idx.add.f32.msk vm15, v0  }
0xeb: {  	s18 =	sadd.s32 $0x50, s18;
	s20 =	sadd.s32 $0x50, s20;
	v6 =	vadd.f32 v1, v19;
	v1 =	vadd.f32 v61, v16;
	[tilespmem:v2+s25+$0x0] =	vst.idx.add.f32.msk $0xffff, v8  }
0xec: {  	s17 =	sadd.s32 $0x50, s17;
	s21 =	sadd.s32 $0x50, s21;
	s19 =	sadd.s32 $0x50, s19;
	v0 =	vadd.f32 v63, v7;
	v2 =	vadd.f32 v62, v17;
	[tilespmem:v13+s25+$0x0] =	vst.idx.add.f32.msk vm15, v8  }
0xed: {  	s16 =	sadd.s32 $0x1F4, s14  }
0xee: {  	s15 =	simm.s32 $0x0;
	s18 =	simm.s32 $0xC800;
	s17 =	sadd.s32 s12, s16  }
0xef: {  	[tilespmem:s18], [sflag:$0x1] =	stream.linear.gather [hbm4b:s17+s15], $0x7D0, $0x38;
	[tilespmem:$0x1A720] =	vst v63  }
0xf0: {  	s24 =	simm.s32 $0xD800;
	s23 =	sadd.s32 s10, s16  }
0xf1: {  	[tilespmem:s24], [sflag:$0x1] =	stream.linear.gather [hbm4b:s23+s15], $0x7D0, $0x38;
	[tilespmem:$0x1A720] =	vst v63  }
0xf2: {  	s26 =	simm.s32 $0xE800;
	s25 =	sadd.s32 s9, s16  }
0xf3: {  	[tilespmem:s26], [sflag:$0x1] =	stream.linear.gather [hbm4b:s25+s15], $0x7D0, $0x38;
	[tilespmem:$0x1A720] =	vst v63  }
0xf4: {  	s29 =	simm.s32 $0xF800;
	s28 =	sadd.s32 s11, s16  }
0xf5: {  	[tilespmem:s29], [sflag:$0x1] =	stream.linear.gather [hbm4b:s28+s15], $0x7D0, $0x38;
	[tilespmem:$0x1A720] =	vst v63  }
0xf6: {  	s30 =	simm.s32 $0x10800;
	s31 =	simm.s32 $0x2;
	s16 =	sadd.s32 s13, s16  }
0xf7: {  	[tilespmem:s30], [sflag:$0x1] =	stream.linear.gather [hbm4b:s16+s15], $0x7D0, $0x38;
	[tilespmem:$0x1A720] =	vst v63  }
0xf8: {  	_ =	swait.ge [sflag:s31], $0x7D0  }
0xf9: {  	[sflag:s31] =	ssyncset.done $0x0  }
0xfa: {  	[sflag:s31] =	ssyncadd.s32 $0xFFFFF830  }
0xfb: {  	_ =	swait.ge [sflag:s31], $0x7D0  }
0xfc: {  	[sflag:s31] =	ssyncset.done $0x0  }
0xfd: {  	[sflag:s31] =	ssyncadd.s32 $0xFFFFF830  }
0xfe: {  	_ =	swait.ge [sflag:s31], $0x7D0  }
0xff: {  	[sflag:s31] =	ssyncset.done $0x0  }
0x100: {  	[sflag:s31] =	ssyncadd.s32 $0xFFFFF830  }
0x101: {  	_ =	swait.ge [sflag:s31], $0x7D0  }
0x102: {  	s19 =	simm.s32 $0xF020;
	s20 =	simm.s32 $0x10020;
	[sflag:s31] =	ssyncset.done $0x0  }
0x103: {  	s21 =	simm.s32 $0x11020;
	s22 =	simm.s32 $0x2800;
	[sflag:s31] =	ssyncadd.s32 $0xFFFFF830  }
0x104: {  	s17 =	simm.s32 $0xD020;
	s18 =	simm.s32 $0xE020;
	_ =	swait.ge [sflag:s31], $0x7D0  }
0x105: {  	s23 =	simm.s32 $0x5000;
	s24 =	simm.s32 $0x7800;
	[sflag:s31] =	ssyncset.done $0x0  }
0x106: {  	s25 =	simm.s32 $0xA000;
	s16 =	simm.s32 $0xFFFFFFFB;
	[sflag:s31] =	ssyncadd.s32 $0xFFFFF830  }
.LBB2_7:
0x107: {  	v12 =	vld [tilespmem:s17+$0xFFFFFFE0];
	_ =	sdelay $0x1  }
0x108: {  	v11 =	vld [tilespmem:s18+$0xFFFFFFE0];
	_ =	sdelay $0x5  }
0x109: {  	v14 =	vld.idx.msk [tilespmem:v12+s15+$0x0], $0xffff  }
0x10a: {  	v17 =	vld.idx.msk [tilespmem:v12+s22+$0x0], $0xffff  }
0x10b: {  	v7 =	vld.idx.msk [tilespmem:v11+s15+$0x0], $0xffff  }
0x10c: {  	v8 =	vld.idx.msk [tilespmem:v11+s22+$0x0], $0xffff;
	_ =	sdelay $0x1  }
0x10d: {  	v19 =	vld [tilespmem:s20+$0xFFFFFFE0];
	_ =	sdelay $0x1  }
0x10e: {  	v20 =	vld [tilespmem:s21+$0xFFFFFFE0]  }
0x10f: {  	v7 =	vsub.f32 v14, v7;
	v8 =	vsub.f32 v17, v8;
	_ =	sdelay $0x1  }
0x110: {  	v15 =	vadd.f32 $9.999999970e-07, v19;
	v7 =	vmul.f32 v7, v7;
	v8 =	vmul.f32 v8, v8;
	_ =	sdelay $0x1  }
0x111: {  	v9 =	vmul.f32 v20, v20;
	v7 =	vadd.f32 v8, v7;
	v8 =	vmul.f32 v15, v15;
	_ =	sdelay $0x1  }
0x112: {  	v8 =	vadd.f32 v9, v8;
	v58 =	vshra.s32 v7, $0x1;
	v13 =	vmul.f32 $5.000000000e-01, v7  }
0x113: {  	v9 =	vld [tilespmem:s17+$0xFFFFFFF0];
	v16 =	vsub.s32 $0x5F3759DF, v58  }
0x114: {  	v18 =	vmul.f32 v16, v13;
	v10 =	vshra.s32 v8, $0x1;
	v8 =	vmul.f32 $5.000000000e-01, v8  }
0x115: {  	v21 =	vsub.s32 $0x5F3759DF, v10;
	v10 =	vld [tilespmem:s18+$0xFFFFFFF0]  }
0x116: {  	v18 =	vmul.f32 v16, v18;
	v22 =	vmul.f32 v21, v8;
	_ =	sdelay $0x1  }
0x117: {  	v18 =	vsub.f32 $1.500000000e+00, v18;
	v22 =	vmul.f32 v21, v22;
	_ =	sdelay $0x1  }
0x118: {  	v16 =	vmul.f32 v16, v18;
	v59 =	vsub.f32 $1.500000000e+00, v22  }
0x119: {  	v22 =	vld.idx.msk [tilespmem:v9+s15+$0x0], $0xffff  }
0x11a: {  	v23 =	vld.idx.msk [tilespmem:v9+s22+$0x0], $0xffff;
	v13 =	vmul.f32 v16, v13;
	v21 =	vmul.f32 v21, v59  }
0x11b: {  	v24 =	vld.idx.msk [tilespmem:v10+s15+$0x0], $0xffff  }
0x11c: {  	v25 =	vld.idx.msk [tilespmem:v10+s22+$0x0], $0xffff;
	v13 =	vmul.f32 v13, v16;
	v8 =	vmul.f32 v21, v8;
	_ =	sdelay $0x1  }
0x11d: {  	v60 =	vsub.f32 $1.500000000e+00, v13;
	v8 =	vmul.f32 v8, v21;
	v13 =	vld [tilespmem:s20+$0xFFFFFFF0]  }
0x11e: {  	v26 =	vld [tilespmem:s19+$0xFFFFFFE0]  }
0x11f: {  	v18 =	vld [tilespmem:s21+$0xFFFFFFF0];
	v16 =	vmul.f32 v60, v16;
	v8 =	vsub.f32 $1.500000000e+00, v8  }
0x120: {  	v24 =	vsub.f32 v22, v24;
	v25 =	vsub.f32 v23, v25  }
0x121: {  	v39 =	vadd.f32 $9.999999970e-07, v20;
	v16 =	vmul.f32 v16, v7;
	v8 =	vmul.f32 v8, v21;
	v7 =	vld [tilespmem:s17+$0x0]  }
0x122: {  	v61 =	vmul.f32 v24, v24;
	v62 =	vmul.f32 v25, v25;
	v63 =	vadd.f32 $9.999999970e-07, v13  }
0x123: {  	v33 =	vmul.f32 v19, v26;
	v35 =	vadd.f32 v26, v4;
	v27 =	vmul.f32 v16, v8;
	v8 =	vld [tilespmem:s18+$0x0]  }
0x124: {  	v28 =	vmul.f32 v18, v18;
	v21 =	vadd.f32 v62, v61;
	v37 =	vmul.f32 v63, v63  }
0x125: {  	v36 =	vmul.f32 v20, v26;
	vm0 =	vne.s32 v12, v11;
	(erf) = vrcp.f32 v15  }
0x126: {  	v38 =	vshra.s32 v21, $0x1;
	v30 =	vmul.f32 $5.000000000e-01, v21;
	v24 =	vadd.f32 v28, v37  }
0x127: {  	v6 =	vadd.f32 v33, v6;
	v16 =	vmul.f32 v16, v26;
	v28 =	vsub.s32 $0x5F3759DF, v38  }
0x128: {  	v31 =	vmul.f32 v28, v30;
	v32 =	vshra.s32 v24, $0x1;
	v24 =	vmul.f32 $5.000000000e-01, v24  }
0x129: {  	(erf) = vrcp.f32 v39;
	v29 =	vmul.f32 v16, v16;
	v32 =	vsub.s32 $0x5F3759DF, v32;
	v15 =	vld.idx.msk [tilespmem:v7+s15+$0x0], $0xffff  }
0x12a: {  	v34 =	vadd.f32 v16, v5;
	v5 =	vmul.f32 v28, v31;
	v16 =	vld.idx.msk [tilespmem:v7+s22+$0x0], $0xffff;
	v40 =	vmul.f32 v32, v24  }
0x12b: {  	v41 =	vmul.f32 v17, v17;
	v29 =	vadd.f32 v29, v3;
	v3 =	vmul.f32 v14, v14;
	v42 =	vld.idx.msk [tilespmem:v8+s15+$0x0], $0xffff  }
0x12c: {  	v44 =	vmul.f32 v33, v19;
	v4 =	vsub.f32 $1.500000000e+00, v5;
	v43 =	vld.idx.msk [tilespmem:v8+s22+$0x0], $0xffff;
	v5 =	vmul.f32 v32, v40  }
0x12d: {  	v46 =	vadd.f32 v36, v1;
	v1 =	vmul.f32 v36, v20;
	v3 =	vadd.f32 v41, v3  }
0x12e: {  	v50 =	vld [tilespmem:s19+$0xFFFFFFF0];
	v22 =	vmul.f32 v22, v22;
	v4 =	vmul.f32 v28, v4;
	v45 =	vsub.f32 $1.500000000e+00, v5  }
0x12f: {  	v20 =	vadd.f32 v44, v2;
	v27 =	vmul.f32 v27, v26;
	v3 =	vmul.f32 v3, v26  }
0x130: {  	v2 =	vpop (erf);
	vm1 =	vne.s32 v9, v10;
	v5 =	vld [tilespmem:s20+$0x0];
	v47 =	vmul.f32 v4, v30;
	v19 =	vmul.f32 v32, v45  }
0x131: {  	v14 =	vld [tilespmem:s21+$0x0];
	v30 =	vmul.f32 v3, v2;
	v2 =	vsub.f32 v15, v42;
	v48 =	vsub.f32 v16, v43  }
0x132: {  	v31 =	vadd.f32 v1, v0;
	v0 =	vld [tilespmem:s17+$0x10];
	v1 =	vmul.f32 v47, v4;
	v24 =	vmul.f32 v19, v24  }
0x133: {  	v49 =	vpop (erf);
	v25 =	vadd.f32 v50, v35;
	v2 =	vmul.f32 v2, v2;
	v17 =	vmul.f32 v48, v48  }
0x134: {  	v26 =	vmul.f32 v3, v49;
	v3 =	vsub.f32 $1.500000000e+00, v1;
	v1 =	vld [tilespmem:s18+$0x10];
	v24 =	vmul.f32 v24, v19  }
0x135: {  	v23 =	vmul.f32 v23, v23;
	v32 =	vadd.f32 $9.999999970e-07, v5;
	v51 =	vadd.f32 v17, v2  }
0x136: {  	v52 =	vmul.f32 v14, v14;
	v3 =	vmul.f32 v3, v4;
	v4 =	vsub.f32 $1.500000000e+00, v24  }
0x137: {  	v2 =	vmul.f32 v32, v32;
	v53 =	vshra.s32 v51, $0x1;
	v54 =	vmul.f32 $5.000000000e-01, v51  }
0x138: {  	v3 =	vmul.f32 v3, v21;
	v17 =	vsub.s32 $0x5F3759DF, v53;
	v4 =	vmul.f32 v4, v19  }
0x139: {  	v59 =	vmul.f32 v13, v50;
	v2 =	vadd.f32 v52, v2;
	v55 =	vmul.f32 v17, v54  }
0x13a: {  	v22 =	vadd.f32 v23, v22;
	v38 =	vmul.f32 v3, v50;
	v37 =	vmul.f32 v3, v4;
	v3 =	vld.idx.msk [tilespmem:v0+s15+$0x0], $0xffff  }
0x13b: {  	v56 =	vshra.s32 v2, $0x1;
	v2 =	vmul.f32 $5.000000000e-01, v2;
	v19 =	vmul.f32 v17, v55;
	v4 =	vld.idx.msk [tilespmem:v0+s22+$0x0], $0xffff  }
0x13c: {  	v61 =	vmul.f32 v18, v50;
	v22 =	vmul.f32 v22, v50;
	v21 =	vsub.s32 $0x5F3759DF, v56;
	v41 =	vld.idx.msk [tilespmem:v1+s15+$0x0], $0xffff  }
0x13d: {  	(erf) = vrcp.f32 v63;
	v40 =	vmul.f32 v21, v2;
	v58 =	vld.idx.msk [tilespmem:v1+s22+$0x0], $0xffff;
	v19 =	vsub.f32 $1.500000000e+00, v19  }
0x13e: {  	v42 =	vadd.f32 $9.999999970e-07, v18;
	v18 =	vmul.f32 v61, v18;
	v15 =	vmul.f32 v15, v15  }
0x13f: {  	v39 =	vsub.f32 $0.0e+00, v27;
	v57 =	vmul.f32 v21, v40;
	v19 =	vmul.f32 v17, v19  }
0x140: {  	[tilespmem:v11+s23+$0x0] =	vst.idx.add.f32.msk $0xffff, v27;
	v27 =	vadd.f32 v59, v6;
	v16 =	vmul.f32 v16, v16;
	(erf) = vrcp.f32 v42  }
0x141: {  	v34 =	vadd.f32 v38, v34;
	v60 =	vsub.f32 $1.500000000e+00, v57;
	v6 =	vmul.f32 v19, v54  }
0x142: {  	v38 =	vmul.f32 v38, v38;
	v17 =	vld [tilespmem:s20+$0x10];
	v62 =	vsub.f32 v3, v41;
	v40 =	vsub.f32 v4, v58  }
0x143: {  	vm13 =	vne.s32 v7, v8;
	v21 =	vmul.f32 v21, v60;
	v63 =	vmul.f32 v6, v19  }
0x144: {  	v28 =	vadd.f32 v61, v46;
	v6 =	vld [tilespmem:s21+$0x10];
	v35 =	vmul.f32 v62, v62;
	v40 =	vmul.f32 v40, v40  }
0x145: {  	v18 =	vadd.f32 v18, v31;
	v24 =	vld [tilespmem:s19+$0x0];
	v29 =	vadd.f32 v38, v29;
	v2 =	vmul.f32 v21, v2  }
0x146: {  	v45 =	vpop (erf);
	v38 =	vmul.f32 v59, v13;
	v13 =	vld [tilespmem:s18+$0x20];
	v44 =	vsub.f32 $1.500000000e+00, v63;
	v35 =	vadd.f32 v40, v35  }
0x147: {  	[tilespmem:v12+s23+$0x0] =	vst.idx.add.f32.msk $0xffff, v39;
	v23 =	vmul.f32 v22, v45;
	v39 =	vadd.f32 $9.999999970e-07, v17;
	v46 =	vmul.f32 v2, v21  }
0x148: {  	v2 =	vld [tilespmem:s17+$0x20];
	v19 =	vmul.f32 v44, v19;
	v47 =	vshra.s32 v35, $0x1;
	v40 =	vmul.f32 $5.000000000e-01, v35  }
0x149: {  	v48 =	vmul.f32 v39, v39;
	v49 =	vmul.f32 v6, v6;
	v43 =	vsub.s32 $0x5F3759DF, v47  }
0x14a: {  	[tilespmem:v12+s24+$0x0] =	vst.idx.add.f32.msk $0xffff, v30;
	v33 =	vsub.f32 $1.500000000e+00, v46;
	v19 =	vmul.f32 v19, v51;
	v51 =	vmul.f32 v43, v40  }
0x14b: {  	[tilespmem:v11+s24+$0x0] =	vst.idx.add.f32.msk vm0, v30;
	(erf) = vrcp.f32 v32;
	v45 =	vmul.f32 v5, v24;
	v52 =	vadd.f32 v49, v48  }
0x14c: {  	v15 =	vadd.f32 v16, v15;
	v21 =	vmul.f32 v33, v21;
	v36 =	vmul.f32 v43, v51  }
0x14d: {  	[tilespmem:v12+s25+$0x0] =	vst.idx.add.f32.msk $0xffff, v26;
	v53 =	vmul.f32 v19, v24;
	v54 =	vshra.s32 v52, $0x1;
	v55 =	vmul.f32 $5.000000000e-01, v52  }
0x14e: {  	v62 =	vld.idx.msk [tilespmem:v13+s15+$0x0], $0xffff;
	v19 =	vmul.f32 v19, v21;
	v57 =	vsub.f32 $1.500000000e+00, v36;
	v21 =	vsub.s32 $0x5F3759DF, v54  }
0x14f: {  	vm14 =	vne.s32 v0, v1;
	v15 =	vmul.f32 v15, v24;
	v44 =	vld.idx.msk [tilespmem:v13+s22+$0x0], $0xffff;
	v58 =	vmul.f32 v21, v55  }
0x150: {  	v37 =	vmul.f32 v37, v50;
	v50 =	vpop (erf);
	v20 =	vadd.f32 v38, v20;
	v38 =	vld.idx.msk [tilespmem:v2+s15+$0x0], $0xffff;
	v33 =	vmul.f32 v43, v57  }
0x151: {  	v22 =	vmul.f32 v22, v50;
	v59 =	vadd.f32 $9.999999970e-07, v14;
	v42 =	vld.idx.msk [tilespmem:v2+s22+$0x0], $0xffff;
	v61 =	vmul.f32 v21, v58  }
0x152: {  	v25 =	vadd.f32 v24, v25;
	v5 =	vmul.f32 v45, v5;
	v63 =	vmul.f32 v33, v40  }
0x153: {  	v12 =	vld [tilespmem:s20+$0x20];
	(erf) = vrcp.f32 v59;
	v3 =	vmul.f32 v3, v3;
	v32 =	vsub.f32 $1.500000000e+00, v61  }
0x154: {  	v46 =	vmul.f32 v14, v24;
	v31 =	vadd.f32 v53, v34;
	v34 =	vmul.f32 v63, v33  }
0x155: {  	v4 =	vmul.f32 v4, v4;
	v49 =	vsub.f32 v38, v62;
	v21 =	vmul.f32 v21, v32;
	v32 =	vld [tilespmem:s21+$0x20]  }
0x156: {  	v47 =	vmul.f32 v46, v14;
	v50 =	vsub.f32 v42, v44;
	v48 =	vsub.f32 $1.500000000e+00, v34  }
0x157: {  	v27 =	vadd.f32 v45, v27;
	v19 =	vmul.f32 v19, v24;
	v24 =	vmul.f32 v49, v49  }
0x158: {  	[tilespmem:v11+s25+$0x0] =	vst.idx.add.f32.msk vm0, v26;
	v26 =	vmul.f32 v50, v50;
	v14 =	vmul.f32 v48, v33;
	v33 =	vadd.f32 $9.999999970e-07, v12  }
0x159: {  	v60 =	vsub.f32 $0.0e+00, v37;
	v5 =	vadd.f32 v5, v20;
	v56 =	vmul.f32 v53, v53  }
0x15a: {  	v24 =	vadd.f32 v26, v24;
	v52 =	vmul.f32 v33, v33;
	v53 =	vmul.f32 v32, v32  }
0x15b: {  	v3 =	vadd.f32 v4, v3;
	(erf) = vrcp.f32 v39;
	v29 =	vadd.f32 v56, v29  }
0x15c: {  	v56 =	vshra.s32 v24, $0x1;
	v57 =	vmul.f32 $5.000000000e-01, v24;
	v34 =	vadd.f32 v53, v52  }
0x15d: {  	[tilespmem:v10+s23+$0x0] =	vst.idx.add.f32.msk $0xffff, v37;
	v30 =	vmul.f32 v21, v55;
	v14 =	vmul.f32 v14, v35;
	v35 =	vsub.s32 $0x5F3759DF, v56  }
0x15e: {  	v55 =	vld [tilespmem:s19+$0x10];
	v59 =	vmul.f32 v35, v57;
	v58 =	vshra.s32 v34, $0x1;
	v34 =	vmul.f32 $5.000000000e-01, v34  }
0x15f: {  	[tilespmem:v9+s23+$0x0] =	vst.idx.add.f32.msk $0xffff, v60;
	v16 =	vadd.f32 v46, v28;
	vm15 =	vne.s32 v2, v13;
	v51 =	vpop (erf);
	v60 =	vsub.s32 $0x5F3759DF, v58  }
0x160: {  	[tilespmem:v9+s24+$0x0] =	vst.idx.add.f32.msk $0xffff, v23;
	v54 =	vpop (erf);
	v44 =	vadd.f32 $9.999999970e-07, v6;
	v62 =	vmul.f32 v35, v59;
	v37 =	vmul.f32 v60, v34  }
0x161: {  	v11 =	vadd.f32 v47, v18;
	v28 =	vmul.f32 v15, v51;
	v15 =	vmul.f32 v15, v54  }
0x162: {  	[tilespmem:v10+s24+$0x0] =	vst.idx.add.f32.msk vm1, v23;
	(erf) = vrcp.f32 v44;
	v18 =	vsub.f32 $1.500000000e+00, v62;
	v41 =	vmul.f32 v60, v37  }
0x163: {  	[tilespmem:v9+s25+$0x0] =	vst.idx.add.f32.msk $0xffff, v22;
	v63 =	vsub.f32 $0.0e+00, v19;
	v30 =	vmul.f32 v30, v21;
	v45 =	vmul.f32 v17, v55  }
0x164: {  	[tilespmem:v10+s25+$0x0] =	vst.idx.add.f32.msk vm1, v22;
	(erf) = vrcp.f32 v33;
	v48 =	vmul.f32 v35, v18;
	v46 =	vsub.f32 $1.500000000e+00, v41  }
0x165: {  	[tilespmem:v8+s23+$0x0] =	vst.idx.add.f32.msk $0xffff, v19;
	v30 =	vsub.f32 $1.500000000e+00, v30;
	v61 =	vmul.f32 v14, v55;
	v17 =	vmul.f32 v45, v17  }
0x166: {  	[tilespmem:v7+s23+$0x0] =	vst.idx.add.f32.msk $0xffff, v63;
	v51 =	vmul.f32 v48, v57;
	v49 =	vmul.f32 v60, v46  }
0x167: {  	v50 =	vmul.f32 v6, v55;
	v53 =	vadd.f32 v55, v25;
	v21 =	vmul.f32 v30, v21  }
0x168: {  	v17 =	vadd.f32 v17, v5;
	v5 =	vmul.f32 v51, v48;
	v52 =	vmul.f32 v49, v34  }
0x169: {  	v3 =	vmul.f32 v3, v55;
	v40 =	vadd.f32 v61, v31;
	v14 =	vmul.f32 v14, v21  }
0x16a: {  	[tilespmem:v7+s24+$0x0] =	vst.idx.add.f32.msk $0xffff, v28;
	v43 =	vmul.f32 v61, v61;
	v5 =	vsub.f32 $1.500000000e+00, v5;
	v54 =	vmul.f32 v52, v49  }
0x16b: {  	[tilespmem:v8+s24+$0x0] =	vst.idx.add.f32.msk vm13, v28;
	v6 =	vmul.f32 v50, v6;
	v4 =	vmul.f32 v14, v55;
	v55 =	vadd.f32 $9.999999970e-07, v32  }
0x16c: {  	v56 =	vpop (erf);
	v19 =	vadd.f32 v45, v27;
	v57 =	vld [tilespmem:s19+$0x20];
	v5 =	vmul.f32 v5, v48;
	v20 =	vsub.f32 $1.500000000e+00, v54  }
0x16d: {  	[tilespmem:v7+s25+$0x0] =	vst.idx.add.f32.msk $0xffff, v15;
	v7 =	vadd.f32 v6, v11;
	v6 =	vmul.f32 v3, v56;
	(erf) = vrcp.f32 v55  }
0x16e: {  	[tilespmem:v8+s25+$0x0] =	vst.idx.add.f32.msk vm13, v15;
	v8 =	vsub.f32 $0.0e+00, v4;
	v5 =	vmul.f32 v5, v24;
	v58 =	vmul.f32 v20, v49  }
0x16f: {  	v59 =	vpop (erf);
	[tilespmem:v1+s23+$0x0] =	vst.idx.add.f32.msk $0xffff, v4;
	v4 =	vmul.f32 v38, v38;
	v60 =	vmul.f32 v42, v42  }
0x170: {  	v3 =	vmul.f32 v3, v59;
	[tilespmem:v0+s23+$0x0] =	vst.idx.add.f32.msk $0xffff, v8;
	v8 =	vmul.f32 v5, v58  }
0x171: {  	[tilespmem:v0+s24+$0x0] =	vst.idx.add.f32.msk $0xffff, v6;
	v4 =	vadd.f32 v60, v4;
	v5 =	vmul.f32 v5, v57  }
0x172: {  	v47 =	vadd.f32 v43, v29;
	[tilespmem:v1+s24+$0x0] =	vst.idx.add.f32.msk vm14, v6;
	v6 =	vmul.f32 v8, v57  }
0x173: {  	[tilespmem:v0+s25+$0x0] =	vst.idx.add.f32.msk $0xffff, v3;
	v0 =	vmul.f32 v5, v5;
	v8 =	vmul.f32 v4, v57  }
0x174: {  	s16 =	sadd.s32 $0x5, s16;
	v16 =	vadd.f32 v50, v16;
	[tilespmem:v1+s25+$0x0] =	vst.idx.add.f32.msk vm14, v3;
	v1 =	vpop (erf);
	v61 =	vmul.f32 v32, v57;
	v4 =	vsub.f32 $0.0e+00, v6  }
0x175: {  	p0 =	slt.u32 s16, $0x78;
	v3 =	vadd.f32 v0, v47;
	v0 =	vmul.f32 v8, v1;
	[tilespmem:v13+s23+$0x0] =	vst.idx.add.f32.msk $0xffff, v6  }
.Ltmp3:
0x176: {  	v63 =	vmul.f32 v61, v32;
	v1 =	vmul.f32 v12, v57;
	v6 =	vpop (erf);
	[tilespmem:v2+s23+$0x0] =	vst.idx.add.f32.msk $0xffff, v4;
	(pc) =	sbr.rel @p0 .LBB2_7-.Ltmp3, $4  }
0x177: {  	v5 =	vadd.f32 v5, v40;
	v8 =	vmul.f32 v8, v6;
	[tilespmem:v2+s24+$0x0] =	vst.idx.add.f32.msk $0xffff, v0  }
0x178: {  	v4 =	vadd.f32 v57, v53;
	v62 =	vmul.f32 v1, v12;
	[tilespmem:v13+s24+$0x0] =	vst.idx.add.f32.msk vm15, v0  }
0x179: {  	s18 =	sadd.s32 $0x50, s18;
	s20 =	sadd.s32 $0x50, s20;
	v6 =	vadd.f32 v1, v19;
	v1 =	vadd.f32 v61, v16;
	[tilespmem:v2+s25+$0x0] =	vst.idx.add.f32.msk $0xffff, v8  }
0x17a: {  	s17 =	sadd.s32 $0x50, s17;
	s21 =	sadd.s32 $0x50, s21;
	s19 =	sadd.s32 $0x50, s19;
	v0 =	vadd.f32 v63, v7;
	v2 =	vadd.f32 v62, v17;
	[tilespmem:v13+s25+$0x0] =	vst.idx.add.f32.msk vm15, v8  }
0x17b: {  	s16 =	sadd.s32 $0x2EE, s14  }
0x17c: {  	s15 =	simm.s32 $0x0;
	s18 =	simm.s32 $0xD000;
	s17 =	sadd.s32 s12, s16  }
0x17d: {  	[tilespmem:s18], [sflag:$0x2] =	stream.linear.gather [hbm4b:s17+s15], $0x7D0, $0x38;
	[tilespmem:$0x1A720] =	vst v63  }
0x17e: {  	s24 =	simm.s32 $0xE000;
	s23 =	sadd.s32 s10, s16  }
0x17f: {  	[tilespmem:s24], [sflag:$0x2] =	stream.linear.gather [hbm4b:s23+s15], $0x7D0, $0x38;
	[tilespmem:$0x1A720] =	vst v63  }
0x180: {  	s26 =	simm.s32 $0xF000;
	s25 =	sadd.s32 s9, s16  }
0x181: {  	[tilespmem:s26], [sflag:$0x2] =	stream.linear.gather [hbm4b:s25+s15], $0x7D0, $0x38;
	[tilespmem:$0x1A720] =	vst v63  }
0x182: {  	s29 =	simm.s32 $0x10000;
	s28 =	sadd.s32 s11, s16  }
0x183: {  	[tilespmem:s29], [sflag:$0x2] =	stream.linear.gather [hbm4b:s28+s15], $0x7D0, $0x38;
	[tilespmem:$0x1A720] =	vst v63  }
0x184: {  	s30 =	simm.s32 $0x11000;
	s31 =	simm.s32 $0x1;
	s16 =	sadd.s32 s13, s16  }
0x185: {  	[tilespmem:s30], [sflag:$0x2] =	stream.linear.gather [hbm4b:s16+s15], $0x7D0, $0x38;
	[tilespmem:$0x1A720] =	vst v63  }
0x186: {  	_ =	swait.ge [sflag:s31], $0x7D0  }
0x187: {  	[sflag:s31] =	ssyncset.done $0x0  }
0x188: {  	[sflag:s31] =	ssyncadd.s32 $0xFFFFF830  }
0x189: {  	_ =	swait.ge [sflag:s31], $0x7D0  }
0x18a: {  	[sflag:s31] =	ssyncset.done $0x0  }
0x18b: {  	[sflag:s31] =	ssyncadd.s32 $0xFFFFF830  }
0x18c: {  	_ =	swait.ge [sflag:s31], $0x7D0  }
0x18d: {  	[sflag:s31] =	ssyncset.done $0x0  }
0x18e: {  	[sflag:s31] =	ssyncadd.s32 $0xFFFFF830  }
0x18f: {  	_ =	swait.ge [sflag:s31], $0x7D0  }
0x190: {  	s19 =	simm.s32 $0xE820;
	s20 =	simm.s32 $0xF820;
	[sflag:s31] =	ssyncset.done $0x0  }
0x191: {  	s21 =	simm.s32 $0x10820;
	s22 =	simm.s32 $0x2800;
	[sflag:s31] =	ssyncadd.s32 $0xFFFFF830  }
0x192: {  	s17 =	simm.s32 $0xC820;
	s18 =	simm.s32 $0xD820;
	_ =	swait.ge [sflag:s31], $0x7D0  }
0x193: {  	s23 =	simm.s32 $0x5000;
	s24 =	simm.s32 $0x7800;
	[sflag:s31] =	ssyncset.done $0x0  }
0x194: {  	s25 =	simm.s32 $0xA000;
	s16 =	simm.s32 $0xFFFFFFFB;
	[sflag:s31] =	ssyncadd.s32 $0xFFFFF830  }
.LBB2_9:
0x195: {  	v12 =	vld [tilespmem:s17+$0xFFFFFFE0];
	_ =	sdelay $0x1  }
0x196: {  	v11 =	vld [tilespmem:s18+$0xFFFFFFE0];
	_ =	sdelay $0x5  }
0x197: {  	v14 =	vld.idx.msk [tilespmem:v12+s15+$0x0], $0xffff  }
0x198: {  	v17 =	vld.idx.msk [tilespmem:v12+s22+$0x0], $0xffff  }
0x199: {  	v7 =	vld.idx.msk [tilespmem:v11+s15+$0x0], $0xffff  }
0x19a: {  	v8 =	vld.idx.msk [tilespmem:v11+s22+$0x0], $0xffff;
	_ =	sdelay $0x1  }
0x19b: {  	v19 =	vld [tilespmem:s20+$0xFFFFFFE0];
	_ =	sdelay $0x1  }
0x19c: {  	v20 =	vld [tilespmem:s21+$0xFFFFFFE0]  }
0x19d: {  	v7 =	vsub.f32 v14, v7;
	v8 =	vsub.f32 v17, v8;
	_ =	sdelay $0x1  }
0x19e: {  	v15 =	vadd.f32 $9.999999970e-07, v19;
	v7 =	vmul.f32 v7, v7;
	v8 =	vmul.f32 v8, v8;
	_ =	sdelay $0x1  }
0x19f: {  	v9 =	vmul.f32 v20, v20;
	v7 =	vadd.f32 v8, v7;
	v8 =	vmul.f32 v15, v15;
	_ =	sdelay $0x1  }
0x1a0: {  	v8 =	vadd.f32 v9, v8;
	v58 =	vshra.s32 v7, $0x1;
	v13 =	vmul.f32 $5.000000000e-01, v7  }
0x1a1: {  	v9 =	vld [tilespmem:s17+$0xFFFFFFF0];
	v16 =	vsub.s32 $0x5F3759DF, v58  }
0x1a2: {  	v18 =	vmul.f32 v16, v13;
	v10 =	vshra.s32 v8, $0x1;
	v8 =	vmul.f32 $5.000000000e-01, v8  }
0x1a3: {  	v21 =	vsub.s32 $0x5F3759DF, v10;
	v10 =	vld [tilespmem:s18+$0xFFFFFFF0]  }
0x1a4: {  	v18 =	vmul.f32 v16, v18;
	v22 =	vmul.f32 v21, v8;
	_ =	sdelay $0x1  }
0x1a5: {  	v18 =	vsub.f32 $1.500000000e+00, v18;
	v22 =	vmul.f32 v21, v22;
	_ =	sdelay $0x1  }
0x1a6: {  	v16 =	vmul.f32 v16, v18;
	v59 =	vsub.f32 $1.500000000e+00, v22  }
0x1a7: {  	v22 =	vld.idx.msk [tilespmem:v9+s15+$0x0], $0xffff  }
0x1a8: {  	v23 =	vld.idx.msk [tilespmem:v9+s22+$0x0], $0xffff;
	v13 =	vmul.f32 v16, v13;
	v21 =	vmul.f32 v21, v59  }
0x1a9: {  	v24 =	vld.idx.msk [tilespmem:v10+s15+$0x0], $0xffff  }
0x1aa: {  	v25 =	vld.idx.msk [tilespmem:v10+s22+$0x0], $0xffff;
	v13 =	vmul.f32 v13, v16;
	v8 =	vmul.f32 v21, v8;
	_ =	sdelay $0x1  }
0x1ab: {  	v60 =	vsub.f32 $1.500000000e+00, v13;
	v8 =	vmul.f32 v8, v21;
	v13 =	vld [tilespmem:s20+$0xFFFFFFF0]  }
0x1ac: {  	v26 =	vld [tilespmem:s19+$0xFFFFFFE0]  }
0x1ad: {  	v18 =	vld [tilespmem:s21+$0xFFFFFFF0];
	v16 =	vmul.f32 v60, v16;
	v8 =	vsub.f32 $1.500000000e+00, v8  }
0x1ae: {  	v24 =	vsub.f32 v22, v24;
	v25 =	vsub.f32 v23, v25  }
0x1af: {  	v39 =	vadd.f32 $9.999999970e-07, v20;
	v16 =	vmul.f32 v16, v7;
	v8 =	vmul.f32 v8, v21;
	v7 =	vld [tilespmem:s17+$0x0]  }
0x1b0: {  	v61 =	vmul.f32 v24, v24;
	v62 =	vmul.f32 v25, v25;
	v63 =	vadd.f32 $9.999999970e-07, v13  }
0x1b1: {  	v33 =	vmul.f32 v19, v26;
	v35 =	vadd.f32 v26, v4;
	v27 =	vmul.f32 v16, v8;
	v8 =	vld [tilespmem:s18+$0x0]  }
0x1b2: {  	v28 =	vmul.f32 v18, v18;
	v21 =	vadd.f32 v62, v61;
	v37 =	vmul.f32 v63, v63  }
0x1b3: {  	v36 =	vmul.f32 v20, v26;
	vm0 =	vne.s32 v12, v11;
	(erf) = vrcp.f32 v15  }
0x1b4: {  	v38 =	vshra.s32 v21, $0x1;
	v30 =	vmul.f32 $5.000000000e-01, v21;
	v24 =	vadd.f32 v28, v37  }
0x1b5: {  	v6 =	vadd.f32 v33, v6;
	v16 =	vmul.f32 v16, v26;
	v28 =	vsub.s32 $0x5F3759DF, v38  }
0x1b6: {  	v31 =	vmul.f32 v28, v30;
	v32 =	vshra.s32 v24, $0x1;
	v24 =	vmul.f32 $5.000000000e-01, v24  }
0x1b7: {  	(erf) = vrcp.f32 v39;
	v29 =	vmul.f32 v16, v16;
	v32 =	vsub.s32 $0x5F3759DF, v32;
	v15 =	vld.idx.msk [tilespmem:v7+s15+$0x0], $0xffff  }
0x1b8: {  	v34 =	vadd.f32 v16, v5;
	v5 =	vmul.f32 v28, v31;
	v16 =	vld.idx.msk [tilespmem:v7+s22+$0x0], $0xffff;
	v40 =	vmul.f32 v32, v24  }
0x1b9: {  	v41 =	vmul.f32 v17, v17;
	v29 =	vadd.f32 v29, v3;
	v3 =	vmul.f32 v14, v14;
	v42 =	vld.idx.msk [tilespmem:v8+s15+$0x0], $0xffff  }
0x1ba: {  	v44 =	vmul.f32 v33, v19;
	v4 =	vsub.f32 $1.500000000e+00, v5;
	v43 =	vld.idx.msk [tilespmem:v8+s22+$0x0], $0xffff;
	v5 =	vmul.f32 v32, v40  }
0x1bb: {  	v46 =	vadd.f32 v36, v1;
	v1 =	vmul.f32 v36, v20;
	v3 =	vadd.f32 v41, v3  }
0x1bc: {  	v50 =	vld [tilespmem:s19+$0xFFFFFFF0];
	v22 =	vmul.f32 v22, v22;
	v4 =	vmul.f32 v28, v4;
	v45 =	vsub.f32 $1.500000000e+00, v5  }
0x1bd: {  	v20 =	vadd.f32 v44, v2;
	v27 =	vmul.f32 v27, v26;
	v3 =	vmul.f32 v3, v26  }
0x1be: {  	v2 =	vpop (erf);
	vm1 =	vne.s32 v9, v10;
	v5 =	vld [tilespmem:s20+$0x0];
	v47 =	vmul.f32 v4, v30;
	v19 =	vmul.f32 v32, v45  }
0x1bf: {  	v14 =	vld [tilespmem:s21+$0x0];
	v30 =	vmul.f32 v3, v2;
	v2 =	vsub.f32 v15, v42;
	v48 =	vsub.f32 v16, v43  }
0x1c0: {  	v31 =	vadd.f32 v1, v0;
	v0 =	vld [tilespmem:s17+$0x10];
	v1 =	vmul.f32 v47, v4;
	v24 =	vmul.f32 v19, v24  }
0x1c1: {  	v49 =	vpop (erf);
	v25 =	vadd.f32 v50, v35;
	v2 =	vmul.f32 v2, v2;
	v17 =	vmul.f32 v48, v48  }
0x1c2: {  	v26 =	vmul.f32 v3, v49;
	v3 =	vsub.f32 $1.500000000e+00, v1;
	v1 =	vld [tilespmem:s18+$0x10];
	v24 =	vmul.f32 v24, v19  }
0x1c3: {  	v23 =	vmul.f32 v23, v23;
	v32 =	vadd.f32 $9.999999970e-07, v5;
	v51 =	vadd.f32 v17, v2  }
0x1c4: {  	v52 =	vmul.f32 v14, v14;
	v3 =	vmul.f32 v3, v4;
	v4 =	vsub.f32 $1.500000000e+00, v24  }
0x1c5: {  	v2 =	vmul.f32 v32, v32;
	v53 =	vshra.s32 v51, $0x1;
	v54 =	vmul.f32 $5.000000000e-01, v51  }
0x1c6: {  	v3 =	vmul.f32 v3, v21;
	v17 =	vsub.s32 $0x5F3759DF, v53;
	v4 =	vmul.f32 v4, v19  }
0x1c7: {  	v59 =	vmul.f32 v13, v50;
	v2 =	vadd.f32 v52, v2;
	v55 =	vmul.f32 v17, v54  }
0x1c8: {  	v22 =	vadd.f32 v23, v22;
	v38 =	vmul.f32 v3, v50;
	v37 =	vmul.f32 v3, v4;
	v3 =	vld.idx.msk [tilespmem:v0+s15+$0x0], $0xffff  }
0x1c9: {  	v56 =	vshra.s32 v2, $0x1;
	v2 =	vmul.f32 $5.000000000e-01, v2;
	v19 =	vmul.f32 v17, v55;
	v4 =	vld.idx.msk [tilespmem:v0+s22+$0x0], $0xffff  }
0x1ca: {  	v61 =	vmul.f32 v18, v50;
	v22 =	vmul.f32 v22, v50;
	v21 =	vsub.s32 $0x5F3759DF, v56;
	v41 =	vld.idx.msk [tilespmem:v1+s15+$0x0], $0xffff  }
0x1cb: {  	(erf) = vrcp.f32 v63;
	v40 =	vmul.f32 v21, v2;
	v58 =	vld.idx.msk [tilespmem:v1+s22+$0x0], $0xffff;
	v19 =	vsub.f32 $1.500000000e+00, v19  }
0x1cc: {  	v42 =	vadd.f32 $9.999999970e-07, v18;
	v18 =	vmul.f32 v61, v18;
	v15 =	vmul.f32 v15, v15  }
0x1cd: {  	v39 =	vsub.f32 $0.0e+00, v27;
	v57 =	vmul.f32 v21, v40;
	v19 =	vmul.f32 v17, v19  }
0x1ce: {  	[tilespmem:v11+s23+$0x0] =	vst.idx.add.f32.msk $0xffff, v27;
	v27 =	vadd.f32 v59, v6;
	v16 =	vmul.f32 v16, v16;
	(erf) = vrcp.f32 v42  }
0x1cf: {  	v34 =	vadd.f32 v38, v34;
	v60 =	vsub.f32 $1.500000000e+00, v57;
	v6 =	vmul.f32 v19, v54  }
0x1d0: {  	v38 =	vmul.f32 v38, v38;
	v17 =	vld [tilespmem:s20+$0x10];
	v62 =	vsub.f32 v3, v41;
	v40 =	vsub.f32 v4, v58  }
0x1d1: {  	vm13 =	vne.s32 v7, v8;
	v21 =	vmul.f32 v21, v60;
	v63 =	vmul.f32 v6, v19  }
0x1d2: {  	v28 =	vadd.f32 v61, v46;
	v6 =	vld [tilespmem:s21+$0x10];
	v35 =	vmul.f32 v62, v62;
	v40 =	vmul.f32 v40, v40  }
0x1d3: {  	v18 =	vadd.f32 v18, v31;
	v24 =	vld [tilespmem:s19+$0x0];
	v29 =	vadd.f32 v38, v29;
	v2 =	vmul.f32 v21, v2  }
0x1d4: {  	v45 =	vpop (erf);
	v38 =	vmul.f32 v59, v13;
	v13 =	vld [tilespmem:s18+$0x20];
	v44 =	vsub.f32 $1.500000000e+00, v63;
	v35 =	vadd.f32 v40, v35  }
0x1d5: {  	[tilespmem:v12+s23+$0x0] =	vst.idx.add.f32.msk $0xffff, v39;
	v23 =	vmul.f32 v22, v45;
	v39 =	vadd.f32 $9.999999970e-07, v17;
	v46 =	vmul.f32 v2, v21  }
0x1d6: {  	v2 =	vld [tilespmem:s17+$0x20];
	v19 =	vmul.f32 v44, v19;
	v47 =	vshra.s32 v35, $0x1;
	v40 =	vmul.f32 $5.000000000e-01, v35  }
0x1d7: {  	v48 =	vmul.f32 v39, v39;
	v49 =	vmul.f32 v6, v6;
	v43 =	vsub.s32 $0x5F3759DF, v47  }
0x1d8: {  	[tilespmem:v12+s24+$0x0] =	vst.idx.add.f32.msk $0xffff, v30;
	v33 =	vsub.f32 $1.500000000e+00, v46;
	v19 =	vmul.f32 v19, v51;
	v51 =	vmul.f32 v43, v40  }
0x1d9: {  	[tilespmem:v11+s24+$0x0] =	vst.idx.add.f32.msk vm0, v30;
	(erf) = vrcp.f32 v32;
	v45 =	vmul.f32 v5, v24;
	v52 =	vadd.f32 v49, v48  }
0x1da: {  	v15 =	vadd.f32 v16, v15;
	v21 =	vmul.f32 v33, v21;
	v36 =	vmul.f32 v43, v51  }
0x1db: {  	[tilespmem:v12+s25+$0x0] =	vst.idx.add.f32.msk $0xffff, v26;
	v53 =	vmul.f32 v19, v24;
	v54 =	vshra.s32 v52, $0x1;
	v55 =	vmul.f32 $5.000000000e-01, v52  }
0x1dc: {  	v62 =	vld.idx.msk [tilespmem:v13+s15+$0x0], $0xffff;
	v19 =	vmul.f32 v19, v21;
	v57 =	vsub.f32 $1.500000000e+00, v36;
	v21 =	vsub.s32 $0x5F3759DF, v54  }
0x1dd: {  	vm14 =	vne.s32 v0, v1;
	v15 =	vmul.f32 v15, v24;
	v44 =	vld.idx.msk [tilespmem:v13+s22+$0x0], $0xffff;
	v58 =	vmul.f32 v21, v55  }
0x1de: {  	v37 =	vmul.f32 v37, v50;
	v50 =	vpop (erf);
	v20 =	vadd.f32 v38, v20;
	v38 =	vld.idx.msk [tilespmem:v2+s15+$0x0], $0xffff;
	v33 =	vmul.f32 v43, v57  }
0x1df: {  	v22 =	vmul.f32 v22, v50;
	v59 =	vadd.f32 $9.999999970e-07, v14;
	v42 =	vld.idx.msk [tilespmem:v2+s22+$0x0], $0xffff;
	v61 =	vmul.f32 v21, v58  }
0x1e0: {  	v25 =	vadd.f32 v24, v25;
	v5 =	vmul.f32 v45, v5;
	v63 =	vmul.f32 v33, v40  }
0x1e1: {  	v12 =	vld [tilespmem:s20+$0x20];
	(erf) = vrcp.f32 v59;
	v3 =	vmul.f32 v3, v3;
	v32 =	vsub.f32 $1.500000000e+00, v61  }
0x1e2: {  	v46 =	vmul.f32 v14, v24;
	v31 =	vadd.f32 v53, v34;
	v34 =	vmul.f32 v63, v33  }
0x1e3: {  	v4 =	vmul.f32 v4, v4;
	v49 =	vsub.f32 v38, v62;
	v21 =	vmul.f32 v21, v32;
	v32 =	vld [tilespmem:s21+$0x20]  }
0x1e4: {  	v47 =	vmul.f32 v46, v14;
	v50 =	vsub.f32 v42, v44;
	v48 =	vsub.f32 $1.500000000e+00, v34  }
0x1e5: {  	v27 =	vadd.f32 v45, v27;
	v19 =	vmul.f32 v19, v24;
	v24 =	vmul.f32 v49, v49  }
0x1e6: {  	[tilespmem:v11+s25+$0x0] =	vst.idx.add.f32.msk vm0, v26;
	v26 =	vmul.f32 v50, v50;
	v14 =	vmul.f32 v48, v33;
	v33 =	vadd.f32 $9.999999970e-07, v12  }
0x1e7: {  	v60 =	vsub.f32 $0.0e+00, v37;
	v5 =	vadd.f32 v5, v20;
	v56 =	vmul.f32 v53, v53  }
0x1e8: {  	v24 =	vadd.f32 v26, v24;
	v52 =	vmul.f32 v33, v33;
	v53 =	vmul.f32 v32, v32  }
0x1e9: {  	v3 =	vadd.f32 v4, v3;
	(erf) = vrcp.f32 v39;
	v29 =	vadd.f32 v56, v29  }
0x1ea: {  	v56 =	vshra.s32 v24, $0x1;
	v57 =	vmul.f32 $5.000000000e-01, v24;
	v34 =	vadd.f32 v53, v52  }
0x1eb: {  	[tilespmem:v10+s23+$0x0] =	vst.idx.add.f32.msk $0xffff, v37;
	v30 =	vmul.f32 v21, v55;
	v14 =	vmul.f32 v14, v35;
	v35 =	vsub.s32 $0x5F3759DF, v56  }
0x1ec: {  	v55 =	vld [tilespmem:s19+$0x10];
	v59 =	vmul.f32 v35, v57;
	v58 =	vshra.s32 v34, $0x1;
	v34 =	vmul.f32 $5.000000000e-01, v34  }
0x1ed: {  	[tilespmem:v9+s23+$0x0] =	vst.idx.add.f32.msk $0xffff, v60;
	v16 =	vadd.f32 v46, v28;
	vm15 =	vne.s32 v2, v13;
	v51 =	vpop (erf);
	v60 =	vsub.s32 $0x5F3759DF, v58  }
0x1ee: {  	[tilespmem:v9+s24+$0x0] =	vst.idx.add.f32.msk $0xffff, v23;
	v54 =	vpop (erf);
	v44 =	vadd.f32 $9.999999970e-07, v6;
	v62 =	vmul.f32 v35, v59;
	v37 =	vmul.f32 v60, v34  }
0x1ef: {  	v11 =	vadd.f32 v47, v18;
	v28 =	vmul.f32 v15, v51;
	v15 =	vmul.f32 v15, v54  }
0x1f0: {  	[tilespmem:v10+s24+$0x0] =	vst.idx.add.f32.msk vm1, v23;
	(erf) = vrcp.f32 v44;
	v18 =	vsub.f32 $1.500000000e+00, v62;
	v41 =	vmul.f32 v60, v37  }
0x1f1: {  	[tilespmem:v9+s25+$0x0] =	vst.idx.add.f32.msk $0xffff, v22;
	v63 =	vsub.f32 $0.0e+00, v19;
	v30 =	vmul.f32 v30, v21;
	v45 =	vmul.f32 v17, v55  }
0x1f2: {  	[tilespmem:v10+s25+$0x0] =	vst.idx.add.f32.msk vm1, v22;
	(erf) = vrcp.f32 v33;
	v48 =	vmul.f32 v35, v18;
	v46 =	vsub.f32 $1.500000000e+00, v41  }
0x1f3: {  	[tilespmem:v8+s23+$0x0] =	vst.idx.add.f32.msk $0xffff, v19;
	v30 =	vsub.f32 $1.500000000e+00, v30;
	v61 =	vmul.f32 v14, v55;
	v17 =	vmul.f32 v45, v17  }
0x1f4: {  	[tilespmem:v7+s23+$0x0] =	vst.idx.add.f32.msk $0xffff, v63;
	v51 =	vmul.f32 v48, v57;
	v49 =	vmul.f32 v60, v46  }
0x1f5: {  	v50 =	vmul.f32 v6, v55;
	v53 =	vadd.f32 v55, v25;
	v21 =	vmul.f32 v30, v21  }
0x1f6: {  	v17 =	vadd.f32 v17, v5;
	v5 =	vmul.f32 v51, v48;
	v52 =	vmul.f32 v49, v34  }
0x1f7: {  	v3 =	vmul.f32 v3, v55;
	v40 =	vadd.f32 v61, v31;
	v14 =	vmul.f32 v14, v21  }
0x1f8: {  	[tilespmem:v7+s24+$0x0] =	vst.idx.add.f32.msk $0xffff, v28;
	v43 =	vmul.f32 v61, v61;
	v5 =	vsub.f32 $1.500000000e+00, v5;
	v54 =	vmul.f32 v52, v49  }
0x1f9: {  	[tilespmem:v8+s24+$0x0] =	vst.idx.add.f32.msk vm13, v28;
	v6 =	vmul.f32 v50, v6;
	v4 =	vmul.f32 v14, v55;
	v55 =	vadd.f32 $9.999999970e-07, v32  }
0x1fa: {  	v56 =	vpop (erf);
	v19 =	vadd.f32 v45, v27;
	v57 =	vld [tilespmem:s19+$0x20];
	v5 =	vmul.f32 v5, v48;
	v20 =	vsub.f32 $1.500000000e+00, v54  }
0x1fb: {  	[tilespmem:v7+s25+$0x0] =	vst.idx.add.f32.msk $0xffff, v15;
	v7 =	vadd.f32 v6, v11;
	v6 =	vmul.f32 v3, v56;
	(erf) = vrcp.f32 v55  }
0x1fc: {  	[tilespmem:v8+s25+$0x0] =	vst.idx.add.f32.msk vm13, v15;
	v8 =	vsub.f32 $0.0e+00, v4;
	v5 =	vmul.f32 v5, v24;
	v58 =	vmul.f32 v20, v49  }
0x1fd: {  	v59 =	vpop (erf);
	[tilespmem:v1+s23+$0x0] =	vst.idx.add.f32.msk $0xffff, v4;
	v4 =	vmul.f32 v38, v38;
	v60 =	vmul.f32 v42, v42  }
0x1fe: {  	v3 =	vmul.f32 v3, v59;
	[tilespmem:v0+s23+$0x0] =	vst.idx.add.f32.msk $0xffff, v8;
	v8 =	vmul.f32 v5, v58  }
0x1ff: {  	[tilespmem:v0+s24+$0x0] =	vst.idx.add.f32.msk $0xffff, v6;
	v4 =	vadd.f32 v60, v4;
	v5 =	vmul.f32 v5, v57  }
0x200: {  	v47 =	vadd.f32 v43, v29;
	[tilespmem:v1+s24+$0x0] =	vst.idx.add.f32.msk vm14, v6;
	v6 =	vmul.f32 v8, v57  }
0x201: {  	[tilespmem:v0+s25+$0x0] =	vst.idx.add.f32.msk $0xffff, v3;
	v0 =	vmul.f32 v5, v5;
	v8 =	vmul.f32 v4, v57  }
0x202: {  	s16 =	sadd.s32 $0x5, s16;
	v16 =	vadd.f32 v50, v16;
	[tilespmem:v1+s25+$0x0] =	vst.idx.add.f32.msk vm14, v3;
	v1 =	vpop (erf);
	v61 =	vmul.f32 v32, v57;
	v4 =	vsub.f32 $0.0e+00, v6  }
0x203: {  	p0 =	slt.u32 s16, $0x78;
	v3 =	vadd.f32 v0, v47;
	v0 =	vmul.f32 v8, v1;
	[tilespmem:v13+s23+$0x0] =	vst.idx.add.f32.msk $0xffff, v6  }
.Ltmp4:
0x204: {  	v63 =	vmul.f32 v61, v32;
	v1 =	vmul.f32 v12, v57;
	v6 =	vpop (erf);
	[tilespmem:v2+s23+$0x0] =	vst.idx.add.f32.msk $0xffff, v4;
	(pc) =	sbr.rel @p0 .LBB2_9-.Ltmp4, $4  }
0x205: {  	v5 =	vadd.f32 v5, v40;
	v8 =	vmul.f32 v8, v6;
	[tilespmem:v2+s24+$0x0] =	vst.idx.add.f32.msk $0xffff, v0  }
0x206: {  	v4 =	vadd.f32 v57, v53;
	v62 =	vmul.f32 v1, v12;
	[tilespmem:v13+s24+$0x0] =	vst.idx.add.f32.msk vm15, v0  }
0x207: {  	s18 =	sadd.s32 $0x50, s18;
	s20 =	sadd.s32 $0x50, s20;
	v6 =	vadd.f32 v1, v19;
	v1 =	vadd.f32 v61, v16;
	[tilespmem:v2+s25+$0x0] =	vst.idx.add.f32.msk $0xffff, v8  }
0x208: {  	s17 =	sadd.s32 $0x50, s17;
	s21 =	sadd.s32 $0x50, s21;
	s19 =	sadd.s32 $0x50, s19;
	v0 =	vadd.f32 v63, v7;
	v2 =	vadd.f32 v62, v17;
	[tilespmem:v13+s25+$0x0] =	vst.idx.add.f32.msk vm15, v8  }
0x209: {  	s14 =	sadd.s32 $0x3E8, s14  }
0x20a: {  	s16 =	simm.s32 $0xC800;
	s15 =	sadd.s32 s12, s14;
	s12 =	simm.s32 $0x0  }
0x20b: {  	[tilespmem:s16], [sflag:$0x1] =	stream.linear.gather [hbm4b:s15+s12], $0x7D0, $0x38;
	[tilespmem:$0x1A720] =	vst v63  }
0x20c: {  	s24 =	simm.s32 $0xD800;
	s10 =	sadd.s32 s10, s14  }
0x20d: {  	[tilespmem:s24], [sflag:$0x1] =	stream.linear.gather [hbm4b:s10+s12], $0x7D0, $0x38;
	[tilespmem:$0x1A720] =	vst v63  }
0x20e: {  	s25 =	simm.s32 $0xE800;
	s9 =	sadd.s32 s9, s14  }
0x20f: {  	[tilespmem:s25], [sflag:$0x1] =	stream.linear.gather [hbm4b:s9+s12], $0x7D0, $0x38;
	[tilespmem:$0x1A720] =	vst v63  }
0x210: {  	s28 =	simm.s32 $0xF800;
	s26 =	sadd.s32 s11, s14  }
0x211: {  	[tilespmem:s28], [sflag:$0x1] =	stream.linear.gather [hbm4b:s26+s12], $0x7D0, $0x38;
	[tilespmem:$0x1A720] =	vst v63  }
0x212: {  	s30 =	simm.s32 $0x10800;
	s31 =	simm.s32 $0x2;
	s29 =	sadd.s32 s13, s14  }
0x213: {  	[tilespmem:s30], [sflag:$0x1] =	stream.linear.gather [hbm4b:s29+s12], $0x7D0, $0x38;
	[tilespmem:$0x1A720] =	vst v63  }
0x214: {  	_ =	swait.ge [sflag:s31], $0x7D0  }
0x215: {  	[sflag:s31] =	ssyncset.done $0x0  }
0x216: {  	[sflag:s31] =	ssyncadd.s32 $0xFFFFF830  }
0x217: {  	_ =	swait.ge [sflag:s31], $0x7D0  }
0x218: {  	[sflag:s31] =	ssyncset.done $0x0  }
0x219: {  	[sflag:s31] =	ssyncadd.s32 $0xFFFFF830  }
0x21a: {  	_ =	swait.ge [sflag:s31], $0x7D0  }
0x21b: {  	[sflag:s31] =	ssyncset.done $0x0  }
0x21c: {  	[sflag:s31] =	ssyncadd.s32 $0xFFFFF830  }
0x21d: {  	_ =	swait.ge [sflag:s31], $0x7D0  }
0x21e: {  	s17 =	simm.s32 $0x5000;
	s18 =	simm.s32 $0x7800;
	[sflag:s31] =	ssyncset.done $0x0  }
0x21f: {  	s19 =	simm.s32 $0xA000;
	s11 =	simm.s32 $0xE020;
	[sflag:s31] =	ssyncadd.s32 $0xFFFFF830  }
0x220: {  	s13 =	simm.s32 $0xF020;
	s14 =	simm.s32 $0x10020;
	_ =	swait.ge [sflag:s31], $0x7D0  }
0x221: {  	s15 =	simm.s32 $0x11020;
	s16 =	simm.s32 $0x2800;
	[sflag:s31] =	ssyncset.done $0x0  }
0x222: {  	s10 =	simm.s32 $0xD020;
	s9 =	simm.s32 $0xFFFFFFFB;
	[sflag:s31] =	ssyncadd.s32 $0xFFFFF830  }
.LBB2_11:
0x223: {  	v12 =	vld [tilespmem:s10+$0xFFFFFFE0];
	_ =	sdelay $0x1  }
0x224: {  	v11 =	vld [tilespmem:s11+$0xFFFFFFE0];
	_ =	sdelay $0x5  }
0x225: {  	v14 =	vld.idx.msk [tilespmem:v12+s12+$0x0], $0xffff  }
0x226: {  	v17 =	vld.idx.msk [tilespmem:v12+s16+$0x0], $0xffff  }
0x227: {  	v7 =	vld.idx.msk [tilespmem:v11+s12+$0x0], $0xffff  }
0x228: {  	v8 =	vld.idx.msk [tilespmem:v11+s16+$0x0], $0xffff;
	_ =	sdelay $0x1  }
0x229: {  	v19 =	vld [tilespmem:s14+$0xFFFFFFE0];
	_ =	sdelay $0x1  }
0x22a: {  	v20 =	vld [tilespmem:s15+$0xFFFFFFE0]  }
0x22b: {  	v7 =	vsub.f32 v14, v7;
	v8 =	vsub.f32 v17, v8;
	_ =	sdelay $0x1  }
0x22c: {  	v15 =	vadd.f32 $9.999999970e-07, v19;
	v7 =	vmul.f32 v7, v7;
	v8 =	vmul.f32 v8, v8;
	_ =	sdelay $0x1  }
0x22d: {  	v9 =	vmul.f32 v20, v20;
	v7 =	vadd.f32 v8, v7;
	v8 =	vmul.f32 v15, v15;
	_ =	sdelay $0x1  }
0x22e: {  	v8 =	vadd.f32 v9, v8;
	v58 =	vshra.s32 v7, $0x1;
	v13 =	vmul.f32 $5.000000000e-01, v7  }
0x22f: {  	v9 =	vld [tilespmem:s10+$0xFFFFFFF0];
	v16 =	vsub.s32 $0x5F3759DF, v58  }
0x230: {  	v18 =	vmul.f32 v16, v13;
	v10 =	vshra.s32 v8, $0x1;
	v8 =	vmul.f32 $5.000000000e-01, v8  }
0x231: {  	v21 =	vsub.s32 $0x5F3759DF, v10;
	v10 =	vld [tilespmem:s11+$0xFFFFFFF0]  }
0x232: {  	v18 =	vmul.f32 v16, v18;
	v22 =	vmul.f32 v21, v8;
	_ =	sdelay $0x1  }
0x233: {  	v18 =	vsub.f32 $1.500000000e+00, v18;
	v22 =	vmul.f32 v21, v22;
	_ =	sdelay $0x1  }
0x234: {  	v16 =	vmul.f32 v16, v18;
	v59 =	vsub.f32 $1.500000000e+00, v22  }
0x235: {  	v22 =	vld.idx.msk [tilespmem:v9+s12+$0x0], $0xffff  }
0x236: {  	v23 =	vld.idx.msk [tilespmem:v9+s16+$0x0], $0xffff;
	v13 =	vmul.f32 v16, v13;
	v21 =	vmul.f32 v21, v59  }
0x237: {  	v24 =	vld.idx.msk [tilespmem:v10+s12+$0x0], $0xffff  }
0x238: {  	v25 =	vld.idx.msk [tilespmem:v10+s16+$0x0], $0xffff;
	v13 =	vmul.f32 v13, v16;
	v8 =	vmul.f32 v21, v8;
	_ =	sdelay $0x1  }
0x239: {  	v60 =	vsub.f32 $1.500000000e+00, v13;
	v8 =	vmul.f32 v8, v21;
	v13 =	vld [tilespmem:s14+$0xFFFFFFF0]  }
0x23a: {  	v26 =	vld [tilespmem:s13+$0xFFFFFFE0]  }
0x23b: {  	v18 =	vld [tilespmem:s15+$0xFFFFFFF0];
	v16 =	vmul.f32 v60, v16;
	v8 =	vsub.f32 $1.500000000e+00, v8  }
0x23c: {  	v24 =	vsub.f32 v22, v24;
	v25 =	vsub.f32 v23, v25  }
0x23d: {  	v39 =	vadd.f32 $9.999999970e-07, v20;
	v16 =	vmul.f32 v16, v7;
	v8 =	vmul.f32 v8, v21;
	v7 =	vld [tilespmem:s10+$0x0]  }
0x23e: {  	v61 =	vmul.f32 v24, v24;
	v62 =	vmul.f32 v25, v25;
	v63 =	vadd.f32 $9.999999970e-07, v13  }
0x23f: {  	v33 =	vmul.f32 v19, v26;
	v35 =	vadd.f32 v26, v4;
	v27 =	vmul.f32 v16, v8;
	v8 =	vld [tilespmem:s11+$0x0]  }
0x240: {  	v28 =	vmul.f32 v18, v18;
	v21 =	vadd.f32 v62, v61;
	v37 =	vmul.f32 v63, v63  }
0x241: {  	v36 =	vmul.f32 v20, v26;
	vm0 =	vne.s32 v12, v11;
	(erf) = vrcp.f32 v15  }
0x242: {  	v38 =	vshra.s32 v21, $0x1;
	v30 =	vmul.f32 $5.000000000e-01, v21;
	v24 =	vadd.f32 v28, v37  }
0x243: {  	v6 =	vadd.f32 v33, v6;
	v16 =	vmul.f32 v16, v26;
	v28 =	vsub.s32 $0x5F3759DF, v38  }
0x244: {  	v31 =	vmul.f32 v28, v30;
	v32 =	vshra.s32 v24, $0x1;
	v24 =	vmul.f32 $5.000000000e-01, v24  }
0x245: {  	(erf) = vrcp.f32 v39;
	v29 =	vmul.f32 v16, v16;
	v32 =	vsub.s32 $0x5F3759DF, v32;
	v15 =	vld.idx.msk [tilespmem:v7+s12+$0x0], $0xffff  }
0x246: {  	v34 =	vadd.f32 v16, v5;
	v5 =	vmul.f32 v28, v31;
	v16 =	vld.idx.msk [tilespmem:v7+s16+$0x0], $0xffff;
	v40 =	vmul.f32 v32, v24  }
0x247: {  	v41 =	vmul.f32 v17, v17;
	v29 =	vadd.f32 v29, v3;
	v3 =	vmul.f32 v14, v14;
	v42 =	vld.idx.msk [tilespmem:v8+s12+$0x0], $0xffff  }
0x248: {  	v44 =	vmul.f32 v33, v19;
	v4 =	vsub.f32 $1.500000000e+00, v5;
	v43 =	vld.idx.msk [tilespmem:v8+s16+$0x0], $0xffff;
	v5 =	vmul.f32 v32, v40  }
0x249: {  	v46 =	vadd.f32 v36, v1;
	v1 =	vmul.f32 v36, v20;
	v3 =	vadd.f32 v41, v3  }
0x24a: {  	v50 =	vld [tilespmem:s13+$0xFFFFFFF0];
	v22 =	vmul.f32 v22, v22;
	v4 =	vmul.f32 v28, v4;
	v45 =	vsub.f32 $1.500000000e+00, v5  }
0x24b: {  	v20 =	vadd.f32 v44, v2;
	v27 =	vmul.f32 v27, v26;
	v3 =	vmul.f32 v3, v26  }
0x24c: {  	v2 =	vpop (erf);
	vm1 =	vne.s32 v9, v10;
	v5 =	vld [tilespmem:s14+$0x0];
	v47 =	vmul.f32 v4, v30;
	v19 =	vmul.f32 v32, v45  }
0x24d: {  	v14 =	vld [tilespmem:s15+$0x0];
	v30 =	vmul.f32 v3, v2;
	v2 =	vsub.f32 v15, v42;
	v48 =	vsub.f32 v16, v43  }
0x24e: {  	v31 =	vadd.f32 v1, v0;
	v0 =	vld [tilespmem:s10+$0x10];
	v1 =	vmul.f32 v47, v4;
	v24 =	vmul.f32 v19, v24  }
0x24f: {  	v49 =	vpop (erf);
	v25 =	vadd.f32 v50, v35;
	v2 =	vmul.f32 v2, v2;
	v17 =	vmul.f32 v48, v48  }
0x250: {  	v26 =	vmul.f32 v3, v49;
	v3 =	vsub.f32 $1.500000000e+00, v1;
	v1 =	vld [tilespmem:s11+$0x10];
	v24 =	vmul.f32 v24, v19  }
0x251: {  	v23 =	vmul.f32 v23, v23;
	v32 =	vadd.f32 $9.999999970e-07, v5;
	v51 =	vadd.f32 v17, v2  }
0x252: {  	v52 =	vmul.f32 v14, v14;
	v3 =	vmul.f32 v3, v4;
	v4 =	vsub.f32 $1.500000000e+00, v24  }
0x253: {  	v2 =	vmul.f32 v32, v32;
	v53 =	vshra.s32 v51, $0x1;
	v54 =	vmul.f32 $5.000000000e-01, v51  }
0x254: {  	v3 =	vmul.f32 v3, v21;
	v17 =	vsub.s32 $0x5F3759DF, v53;
	v4 =	vmul.f32 v4, v19  }
0x255: {  	v59 =	vmul.f32 v13, v50;
	v2 =	vadd.f32 v52, v2;
	v55 =	vmul.f32 v17, v54  }
0x256: {  	v22 =	vadd.f32 v23, v22;
	v38 =	vmul.f32 v3, v50;
	v37 =	vmul.f32 v3, v4;
	v3 =	vld.idx.msk [tilespmem:v0+s12+$0x0], $0xffff  }
0x257: {  	v56 =	vshra.s32 v2, $0x1;
	v2 =	vmul.f32 $5.000000000e-01, v2;
	v19 =	vmul.f32 v17, v55;
	v4 =	vld.idx.msk [tilespmem:v0+s16+$0x0], $0xffff  }
0x258: {  	v61 =	vmul.f32 v18, v50;
	v22 =	vmul.f32 v22, v50;
	v21 =	vsub.s32 $0x5F3759DF, v56;
	v41 =	vld.idx.msk [tilespmem:v1+s12+$0x0], $0xffff  }
0x259: {  	(erf) = vrcp.f32 v63;
	v40 =	vmul.f32 v21, v2;
	v58 =	vld.idx.msk [tilespmem:v1+s16+$0x0], $0xffff;
	v19 =	vsub.f32 $1.500000000e+00, v19  }
0x25a: {  	v42 =	vadd.f32 $9.999999970e-07, v18;
	v18 =	vmul.f32 v61, v18;
	v15 =	vmul.f32 v15, v15  }
0x25b: {  	v39 =	vsub.f32 $0.0e+00, v27;
	v57 =	vmul.f32 v21, v40;
	v19 =	vmul.f32 v17, v19  }
0x25c: {  	[tilespmem:v11+s17+$0x0] =	vst.idx.add.f32.msk $0xffff, v27;
	v27 =	vadd.f32 v59, v6;
	v16 =	vmul.f32 v16, v16;
	(erf) = vrcp.f32 v42  }
0x25d: {  	v34 =	vadd.f32 v38, v34;
	v60 =	vsub.f32 $1.500000000e+00, v57;
	v6 =	vmul.f32 v19, v54  }
0x25e: {  	v38 =	vmul.f32 v38, v38;
	v17 =	vld [tilespmem:s14+$0x10];
	v62 =	vsub.f32 v3, v41;
	v40 =	vsub.f32 v4, v58  }
0x25f: {  	vm13 =	vne.s32 v7, v8;
	v21 =	vmul.f32 v21, v60;
	v63 =	vmul.f32 v6, v19  }
0x260: {  	v28 =	vadd.f32 v61, v46;
	v6 =	vld [tilespmem:s15+$0x10];
	v35 =	vmul.f32 v62, v62;
	v40 =	vmul.f32 v40, v40  }
0x261: {  	v18 =	vadd.f32 v18, v31;
	v24 =	vld [tilespmem:s13+$0x0];
	v29 =	vadd.f32 v38, v29;
	v2 =	vmul.f32 v21, v2  }
0x262: {  	v45 =	vpop (erf);
	v38 =	vmul.f32 v59, v13;
	v13 =	vld [tilespmem:s11+$0x20];
	v44 =	vsub.f32 $1.500000000e+00, v63;
	v35 =	vadd.f32 v40, v35  }
0x263: {  	[tilespmem:v12+s17+$0x0] =	vst.idx.add.f32.msk $0xffff, v39;
	v23 =	vmul.f32 v22, v45;
	v39 =	vadd.f32 $9.999999970e-07, v17;
	v46 =	vmul.f32 v2, v21  }
0x264: {  	v2 =	vld [tilespmem:s10+$0x20];
	v19 =	vmul.f32 v44, v19;
	v47 =	vshra.s32 v35, $0x1;
	v40 =	vmul.f32 $5.000000000e-01, v35  }
0x265: {  	v48 =	vmul.f32 v39, v39;
	v49 =	vmul.f32 v6, v6;
	v43 =	vsub.s32 $0x5F3759DF, v47  }
0x266: {  	[tilespmem:v12+s18+$0x0] =	vst.idx.add.f32.msk $0xffff, v30;
	v33 =	vsub.f32 $1.500000000e+00, v46;
	v19 =	vmul.f32 v19, v51;
	v51 =	vmul.f32 v43, v40  }
0x267: {  	[tilespmem:v11+s18+$0x0] =	vst.idx.add.f32.msk vm0, v30;
	(erf) = vrcp.f32 v32;
	v45 =	vmul.f32 v5, v24;
	v52 =	vadd.f32 v49, v48  }
0x268: {  	v15 =	vadd.f32 v16, v15;
	v21 =	vmul.f32 v33, v21;
	v36 =	vmul.f32 v43, v51  }
0x269: {  	[tilespmem:v12+s19+$0x0] =	vst.idx.add.f32.msk $0xffff, v26;
	v53 =	vmul.f32 v19, v24;
	v54 =	vshra.s32 v52, $0x1;
	v55 =	vmul.f32 $5.000000000e-01, v52  }
0x26a: {  	v62 =	vld.idx.msk [tilespmem:v13+s12+$0x0], $0xffff;
	v19 =	vmul.f32 v19, v21;
	v57 =	vsub.f32 $1.500000000e+00, v36;
	v21 =	vsub.s32 $0x5F3759DF, v54  }
0x26b: {  	vm14 =	vne.s32 v0, v1;
	v15 =	vmul.f32 v15, v24;
	v44 =	vld.idx.msk [tilespmem:v13+s16+$0x0], $0xffff;
	v58 =	vmul.f32 v21, v55  }
0x26c: {  	v37 =	vmul.f32 v37, v50;
	v50 =	vpop (erf);
	v20 =	vadd.f32 v38, v20;
	v38 =	vld.idx.msk [tilespmem:v2+s12+$0x0], $0xffff;
	v33 =	vmul.f32 v43, v57  }
0x26d: {  	v22 =	vmul.f32 v22, v50;
	v59 =	vadd.f32 $9.999999970e-07, v14;
	v42 =	vld.idx.msk [tilespmem:v2+s16+$0x0], $0xffff;
	v61 =	vmul.f32 v21, v58  }
0x26e: {  	v25 =	vadd.f32 v24, v25;
	v5 =	vmul.f32 v45, v5;
	v63 =	vmul.f32 v33, v40  }
0x26f: {  	v12 =	vld [tilespmem:s14+$0x20];
	(erf) = vrcp.f32 v59;
	v3 =	vmul.f32 v3, v3;
	v32 =	vsub.f32 $1.500000000e+00, v61  }
0x270: {  	v46 =	vmul.f32 v14, v24;
	v31 =	vadd.f32 v53, v34;
	v34 =	vmul.f32 v63, v33  }
0x271: {  	v4 =	vmul.f32 v4, v4;
	v49 =	vsub.f32 v38, v62;
	v21 =	vmul.f32 v21, v32;
	v32 =	vld [tilespmem:s15+$0x20]  }
0x272: {  	v47 =	vmul.f32 v46, v14;
	v50 =	vsub.f32 v42, v44;
	v48 =	vsub.f32 $1.500000000e+00, v34  }
0x273: {  	v27 =	vadd.f32 v45, v27;
	v19 =	vmul.f32 v19, v24;
	v24 =	vmul.f32 v49, v49  }
0x274: {  	[tilespmem:v11+s19+$0x0] =	vst.idx.add.f32.msk vm0, v26;
	v26 =	vmul.f32 v50, v50;
	v14 =	vmul.f32 v48, v33;
	v33 =	vadd.f32 $9.999999970e-07, v12  }
0x275: {  	v60 =	vsub.f32 $0.0e+00, v37;
	v5 =	vadd.f32 v5, v20;
	v56 =	vmul.f32 v53, v53  }
0x276: {  	v24 =	vadd.f32 v26, v24;
	v52 =	vmul.f32 v33, v33;
	v53 =	vmul.f32 v32, v32  }
0x277: {  	v3 =	vadd.f32 v4, v3;
	(erf) = vrcp.f32 v39;
	v29 =	vadd.f32 v56, v29  }
0x278: {  	v56 =	vshra.s32 v24, $0x1;
	v57 =	vmul.f32 $5.000000000e-01, v24;
	v34 =	vadd.f32 v53, v52  }
0x279: {  	[tilespmem:v10+s17+$0x0] =	vst.idx.add.f32.msk $0xffff, v37;
	v30 =	vmul.f32 v21, v55;
	v14 =	vmul.f32 v14, v35;
	v35 =	vsub.s32 $0x5F3759DF, v56  }
0x27a: {  	v55 =	vld [tilespmem:s13+$0x10];
	v59 =	vmul.f32 v35, v57;
	v58 =	vshra.s32 v34, $0x1;
	v34 =	vmul.f32 $5.000000000e-01, v34  }
0x27b: {  	[tilespmem:v9+s17+$0x0] =	vst.idx.add.f32.msk $0xffff, v60;
	v16 =	vadd.f32 v46, v28;
	vm15 =	vne.s32 v2, v13;
	v51 =	vpop (erf);
	v60 =	vsub.s32 $0x5F3759DF, v58  }
0x27c: {  	[tilespmem:v9+s18+$0x0] =	vst.idx.add.f32.msk $0xffff, v23;
	v54 =	vpop (erf);
	v44 =	vadd.f32 $9.999999970e-07, v6;
	v62 =	vmul.f32 v35, v59;
	v37 =	vmul.f32 v60, v34  }
0x27d: {  	v11 =	vadd.f32 v47, v18;
	v28 =	vmul.f32 v15, v51;
	v15 =	vmul.f32 v15, v54  }
0x27e: {  	[tilespmem:v10+s18+$0x0] =	vst.idx.add.f32.msk vm1, v23;
	(erf) = vrcp.f32 v44;
	v18 =	vsub.f32 $1.500000000e+00, v62;
	v41 =	vmul.f32 v60, v37  }
0x27f: {  	[tilespmem:v9+s19+$0x0] =	vst.idx.add.f32.msk $0xffff, v22;
	v63 =	vsub.f32 $0.0e+00, v19;
	v30 =	vmul.f32 v30, v21;
	v45 =	vmul.f32 v17, v55  }
0x280: {  	[tilespmem:v10+s19+$0x0] =	vst.idx.add.f32.msk vm1, v22;
	(erf) = vrcp.f32 v33;
	v48 =	vmul.f32 v35, v18;
	v46 =	vsub.f32 $1.500000000e+00, v41  }
0x281: {  	[tilespmem:v8+s17+$0x0] =	vst.idx.add.f32.msk $0xffff, v19;
	v30 =	vsub.f32 $1.500000000e+00, v30;
	v61 =	vmul.f32 v14, v55;
	v17 =	vmul.f32 v45, v17  }
0x282: {  	[tilespmem:v7+s17+$0x0] =	vst.idx.add.f32.msk $0xffff, v63;
	v51 =	vmul.f32 v48, v57;
	v49 =	vmul.f32 v60, v46  }
0x283: {  	v50 =	vmul.f32 v6, v55;
	v53 =	vadd.f32 v55, v25;
	v21 =	vmul.f32 v30, v21  }
0x284: {  	v17 =	vadd.f32 v17, v5;
	v5 =	vmul.f32 v51, v48;
	v52 =	vmul.f32 v49, v34  }
0x285: {  	v3 =	vmul.f32 v3, v55;
	v40 =	vadd.f32 v61, v31;
	v14 =	vmul.f32 v14, v21  }
0x286: {  	[tilespmem:v7+s18+$0x0] =	vst.idx.add.f32.msk $0xffff, v28;
	v43 =	vmul.f32 v61, v61;
	v5 =	vsub.f32 $1.500000000e+00, v5;
	v54 =	vmul.f32 v52, v49  }
0x287: {  	[tilespmem:v8+s18+$0x0] =	vst.idx.add.f32.msk vm13, v28;
	v6 =	vmul.f32 v50, v6;
	v4 =	vmul.f32 v14, v55;
	v55 =	vadd.f32 $9.999999970e-07, v32  }
0x288: {  	v56 =	vpop (erf);
	v19 =	vadd.f32 v45, v27;
	v57 =	vld [tilespmem:s13+$0x20];
	v5 =	vmul.f32 v5, v48;
	v20 =	vsub.f32 $1.500000000e+00, v54  }
0x289: {  	[tilespmem:v7+s19+$0x0] =	vst.idx.add.f32.msk $0xffff, v15;
	v7 =	vadd.f32 v6, v11;
	v6 =	vmul.f32 v3, v56;
	(erf) = vrcp.f32 v55  }
0x28a: {  	[tilespmem:v8+s19+$0x0] =	vst.idx.add.f32.msk vm13, v15;
	v8 =	vsub.f32 $0.0e+00, v4;
	v5 =	vmul.f32 v5, v24;
	v58 =	vmul.f32 v20, v49  }
0x28b: {  	v59 =	vpop (erf);
	[tilespmem:v1+s17+$0x0] =	vst.idx.add.f32.msk $0xffff, v4;
	v4 =	vmul.f32 v38, v38;
	v60 =	vmul.f32 v42, v42  }
0x28c: {  	v3 =	vmul.f32 v3, v59;
	[tilespmem:v0+s17+$0x0] =	vst.idx.add.f32.msk $0xffff, v8;
	v8 =	vmul.f32 v5, v58  }
0x28d: {  	[tilespmem:v0+s18+$0x0] =	vst.idx.add.f32.msk $0xffff, v6;
	v4 =	vadd.f32 v60, v4;
	v5 =	vmul.f32 v5, v57  }
0x28e: {  	v47 =	vadd.f32 v43, v29;
	[tilespmem:v1+s18+$0x0] =	vst.idx.add.f32.msk vm14, v6;
	v6 =	vmul.f32 v8, v57  }
0x28f: {  	[tilespmem:v0+s19+$0x0] =	vst.idx.add.f32.msk $0xffff, v3;
	v0 =	vmul.f32 v5, v5;
	v8 =	vmul.f32 v4, v57  }
0x290: {  	s9 =	sadd.s32 $0x5, s9;
	v16 =	vadd.f32 v50, v16;
	[tilespmem:v1+s19+$0x0] =	vst.idx.add.f32.msk vm14, v3;
	v1 =	vpop (erf);
	v61 =	vmul.f32 v32, v57;
	v4 =	vsub.f32 $0.0e+00, v6  }
0x291: {  	p0 =	slt.u32 s9, $0x78;
	v3 =	vadd.f32 v0, v47;
	v0 =	vmul.f32 v8, v1;
	[tilespmem:v13+s17+$0x0] =	vst.idx.add.f32.msk $0xffff, v6  }
.Ltmp5:
0x292: {  	v63 =	vmul.f32 v61, v32;
	v1 =	vmul.f32 v12, v57;
	v6 =	vpop (erf);
	[tilespmem:v2+s17+$0x0] =	vst.idx.add.f32.msk $0xffff, v4;
	(pc) =	sbr.rel @p0 .LBB2_11-.Ltmp5, $4  }
0x293: {  	v5 =	vadd.f32 v5, v40;
	v8 =	vmul.f32 v8, v6;
	[tilespmem:v2+s18+$0x0] =	vst.idx.add.f32.msk $0xffff, v0  }
0x294: {  	v4 =	vadd.f32 v57, v53;
	v62 =	vmul.f32 v1, v12;
	[tilespmem:v13+s18+$0x0] =	vst.idx.add.f32.msk vm15, v0  }
0x295: {  	s11 =	sadd.s32 $0x50, s11;
	s14 =	sadd.s32 $0x50, s14;
	v6 =	vadd.f32 v1, v19;
	v1 =	vadd.f32 v61, v16;
	[tilespmem:v2+s19+$0x0] =	vst.idx.add.f32.msk $0xffff, v8  }
0x296: {  	s10 =	sadd.s32 $0x50, s10;
	s15 =	sadd.s32 $0x50, s15;
	s13 =	sadd.s32 $0x50, s13;
	v0 =	vadd.f32 v63, v7;
	v2 =	vadd.f32 v62, v17;
	[tilespmem:v13+s19+$0x0] =	vst.idx.add.f32.msk vm15, v8  }
0x297: {  	s9 =	simm.s32 $0x1  }
0x298: {  	_ =	swait.ge [sflag:s9], $0x7D0  }
0x299: {  	[sflag:s9] =	ssyncset.done $0x0  }
0x29a: {  	[sflag:s9] =	ssyncadd.s32 $0xFFFFF830  }
0x29b: {  	_ =	swait.ge [sflag:s9], $0x7D0  }
0x29c: {  	[sflag:s9] =	ssyncset.done $0x0  }
0x29d: {  	[sflag:s9] =	ssyncadd.s32 $0xFFFFF830  }
0x29e: {  	_ =	swait.ge [sflag:s9], $0x7D0  }
0x29f: {  	[sflag:s9] =	ssyncset.done $0x0  }
0x2a0: {  	[sflag:s9] =	ssyncadd.s32 $0xFFFFF830  }
0x2a1: {  	s10 =	simm.s32 $0xC820;
	_ =	swait.ge [sflag:s9], $0x7D0  }
0x2a2: {  	s11 =	simm.s32 $0xD820;
	s12 =	simm.s32 $0xE820;
	[sflag:s9] =	ssyncset.done $0x0  }
0x2a3: {  	s13 =	simm.s32 $0xF820;
	s14 =	simm.s32 $0x10820;
	[sflag:s9] =	ssyncadd.s32 $0xFFFFF830  }
0x2a4: {  	s15 =	simm.s32 $0x0;
	s16 =	simm.s32 $0x2800;
	_ =	swait.ge [sflag:s9], $0x7D0  }
0x2a5: {  	s17 =	simm.s32 $0x5000;
	s18 =	simm.s32 $0x7800;
	[sflag:s9] =	ssyncset.done $0x0  }
0x2a6: {  	s19 =	simm.s32 $0xA000;
	[sflag:s9] =	ssyncadd.s32 $0xFFFFF830;
	s9 =	simm.s32 $0xFFFFFFFB  }
.LBB2_13:
0x2a7: {  	v12 =	vld [tilespmem:s10+$0xFFFFFFE0];
	_ =	sdelay $0x1  }
0x2a8: {  	v11 =	vld [tilespmem:s11+$0xFFFFFFE0];
	_ =	sdelay $0x5  }
0x2a9: {  	v14 =	vld.idx.msk [tilespmem:v12+s15+$0x0], $0xffff  }
0x2aa: {  	v17 =	vld.idx.msk [tilespmem:v12+s16+$0x0], $0xffff  }
0x2ab: {  	v7 =	vld.idx.msk [tilespmem:v11+s15+$0x0], $0xffff  }
0x2ac: {  	v8 =	vld.idx.msk [tilespmem:v11+s16+$0x0], $0xffff;
	_ =	sdelay $0x1  }
0x2ad: {  	v19 =	vld [tilespmem:s13+$0xFFFFFFE0];
	_ =	sdelay $0x1  }
0x2ae: {  	v20 =	vld [tilespmem:s14+$0xFFFFFFE0]  }
0x2af: {  	v7 =	vsub.f32 v14, v7;
	v8 =	vsub.f32 v17, v8;
	_ =	sdelay $0x1  }
0x2b0: {  	v15 =	vadd.f32 $9.999999970e-07, v19;
	v7 =	vmul.f32 v7, v7;
	v8 =	vmul.f32 v8, v8;
	_ =	sdelay $0x1  }
0x2b1: {  	v9 =	vmul.f32 v20, v20;
	v7 =	vadd.f32 v8, v7;
	v8 =	vmul.f32 v15, v15;
	_ =	sdelay $0x1  }
0x2b2: {  	v8 =	vadd.f32 v9, v8;
	v58 =	vshra.s32 v7, $0x1;
	v13 =	vmul.f32 $5.000000000e-01, v7  }
0x2b3: {  	v9 =	vld [tilespmem:s10+$0xFFFFFFF0];
	v16 =	vsub.s32 $0x5F3759DF, v58  }
0x2b4: {  	v18 =	vmul.f32 v16, v13;
	v10 =	vshra.s32 v8, $0x1;
	v8 =	vmul.f32 $5.000000000e-01, v8  }
0x2b5: {  	v21 =	vsub.s32 $0x5F3759DF, v10;
	v10 =	vld [tilespmem:s11+$0xFFFFFFF0]  }
0x2b6: {  	v18 =	vmul.f32 v16, v18;
	v22 =	vmul.f32 v21, v8;
	_ =	sdelay $0x1  }
0x2b7: {  	v18 =	vsub.f32 $1.500000000e+00, v18;
	v22 =	vmul.f32 v21, v22;
	_ =	sdelay $0x1  }
0x2b8: {  	v16 =	vmul.f32 v16, v18;
	v59 =	vsub.f32 $1.500000000e+00, v22  }
0x2b9: {  	v22 =	vld.idx.msk [tilespmem:v9+s15+$0x0], $0xffff  }
0x2ba: {  	v23 =	vld.idx.msk [tilespmem:v9+s16+$0x0], $0xffff;
	v13 =	vmul.f32 v16, v13;
	v21 =	vmul.f32 v21, v59  }
0x2bb: {  	v24 =	vld.idx.msk [tilespmem:v10+s15+$0x0], $0xffff  }
0x2bc: {  	v25 =	vld.idx.msk [tilespmem:v10+s16+$0x0], $0xffff;
	v13 =	vmul.f32 v13, v16;
	v8 =	vmul.f32 v21, v8;
	_ =	sdelay $0x1  }
0x2bd: {  	v60 =	vsub.f32 $1.500000000e+00, v13;
	v8 =	vmul.f32 v8, v21;
	v13 =	vld [tilespmem:s13+$0xFFFFFFF0]  }
0x2be: {  	v26 =	vld [tilespmem:s12+$0xFFFFFFE0]  }
0x2bf: {  	v18 =	vld [tilespmem:s14+$0xFFFFFFF0];
	v16 =	vmul.f32 v60, v16;
	v8 =	vsub.f32 $1.500000000e+00, v8  }
0x2c0: {  	v24 =	vsub.f32 v22, v24;
	v25 =	vsub.f32 v23, v25  }
0x2c1: {  	v39 =	vadd.f32 $9.999999970e-07, v20;
	v16 =	vmul.f32 v16, v7;
	v8 =	vmul.f32 v8, v21;
	v7 =	vld [tilespmem:s10+$0x0]  }
0x2c2: {  	v61 =	vmul.f32 v24, v24;
	v62 =	vmul.f32 v25, v25;
	v63 =	vadd.f32 $9.999999970e-07, v13  }
0x2c3: {  	v33 =	vmul.f32 v19, v26;
	v35 =	vadd.f32 v26, v4;
	v27 =	vmul.f32 v16, v8;
	v8 =	vld [tilespmem:s11+$0x0]  }
0x2c4: {  	v28 =	vmul.f32 v18, v18;
	v21 =	vadd.f32 v62, v61;
	v37 =	vmul.f32 v63, v63  }
0x2c5: {  	v36 =	vmul.f32 v20, v26;
	vm0 =	vne.s32 v12, v11;
	(erf) = vrcp.f32 v15  }
0x2c6: {  	v38 =	vshra.s32 v21, $0x1;
	v30 =	vmul.f32 $5.000000000e-01, v21;
	v24 =	vadd.f32 v28, v37  }
0x2c7: {  	v6 =	vadd.f32 v33, v6;
	v16 =	vmul.f32 v16, v26;
	v28 =	vsub.s32 $0x5F3759DF, v38  }
0x2c8: {  	v31 =	vmul.f32 v28, v30;
	v32 =	vshra.s32 v24, $0x1;
	v24 =	vmul.f32 $5.000000000e-01, v24  }
0x2c9: {  	(erf) = vrcp.f32 v39;
	v29 =	vmul.f32 v16, v16;
	v32 =	vsub.s32 $0x5F3759DF, v32;
	v15 =	vld.idx.msk [tilespmem:v7+s15+$0x0], $0xffff  }
0x2ca: {  	v34 =	vadd.f32 v16, v5;
	v5 =	vmul.f32 v28, v31;
	v16 =	vld.idx.msk [tilespmem:v7+s16+$0x0], $0xffff;
	v40 =	vmul.f32 v32, v24  }
0x2cb: {  	v41 =	vmul.f32 v17, v17;
	v29 =	vadd.f32 v29, v3;
	v3 =	vmul.f32 v14, v14;
	v42 =	vld.idx.msk [tilespmem:v8+s15+$0x0], $0xffff  }
0x2cc: {  	v44 =	vmul.f32 v33, v19;
	v4 =	vsub.f32 $1.500000000e+00, v5;
	v43 =	vld.idx.msk [tilespmem:v8+s16+$0x0], $0xffff;
	v5 =	vmul.f32 v32, v40  }
0x2cd: {  	v46 =	vadd.f32 v36, v1;
	v1 =	vmul.f32 v36, v20;
	v3 =	vadd.f32 v41, v3  }
0x2ce: {  	v50 =	vld [tilespmem:s12+$0xFFFFFFF0];
	v22 =	vmul.f32 v22, v22;
	v4 =	vmul.f32 v28, v4;
	v45 =	vsub.f32 $1.500000000e+00, v5  }
0x2cf: {  	v20 =	vadd.f32 v44, v2;
	v27 =	vmul.f32 v27, v26;
	v3 =	vmul.f32 v3, v26  }
0x2d0: {  	v2 =	vpop (erf);
	vm1 =	vne.s32 v9, v10;
	v5 =	vld [tilespmem:s13+$0x0];
	v47 =	vmul.f32 v4, v30;
	v19 =	vmul.f32 v32, v45  }
0x2d1: {  	v14 =	vld [tilespmem:s14+$0x0];
	v30 =	vmul.f32 v3, v2;
	v2 =	vsub.f32 v15, v42;
	v48 =	vsub.f32 v16, v43  }
0x2d2: {  	v31 =	vadd.f32 v1, v0;
	v0 =	vld [tilespmem:s10+$0x10];
	v1 =	vmul.f32 v47, v4;
	v24 =	vmul.f32 v19, v24  }
0x2d3: {  	v49 =	vpop (erf);
	v25 =	vadd.f32 v50, v35;
	v2 =	vmul.f32 v2, v2;
	v17 =	vmul.f32 v48, v48  }
0x2d4: {  	v26 =	vmul.f32 v3, v49;
	v3 =	vsub.f32 $1.500000000e+00, v1;
	v1 =	vld [tilespmem:s11+$0x10];
	v24 =	vmul.f32 v24, v19  }
0x2d5: {  	v23 =	vmul.f32 v23, v23;
	v32 =	vadd.f32 $9.999999970e-07, v5;
	v51 =	vadd.f32 v17, v2  }
0x2d6: {  	v52 =	vmul.f32 v14, v14;
	v3 =	vmul.f32 v3, v4;
	v4 =	vsub.f32 $1.500000000e+00, v24  }
0x2d7: {  	v2 =	vmul.f32 v32, v32;
	v53 =	vshra.s32 v51, $0x1;
	v54 =	vmul.f32 $5.000000000e-01, v51  }
0x2d8: {  	v3 =	vmul.f32 v3, v21;
	v17 =	vsub.s32 $0x5F3759DF, v53;
	v4 =	vmul.f32 v4, v19  }
0x2d9: {  	v59 =	vmul.f32 v13, v50;
	v2 =	vadd.f32 v52, v2;
	v55 =	vmul.f32 v17, v54  }
0x2da: {  	v22 =	vadd.f32 v23, v22;
	v38 =	vmul.f32 v3, v50;
	v37 =	vmul.f32 v3, v4;
	v3 =	vld.idx.msk [tilespmem:v0+s15+$0x0], $0xffff  }
0x2db: {  	v56 =	vshra.s32 v2, $0x1;
	v2 =	vmul.f32 $5.000000000e-01, v2;
	v19 =	vmul.f32 v17, v55;
	v4 =	vld.idx.msk [tilespmem:v0+s16+$0x0], $0xffff  }
0x2dc: {  	v61 =	vmul.f32 v18, v50;
	v22 =	vmul.f32 v22, v50;
	v21 =	vsub.s32 $0x5F3759DF, v56;
	v41 =	vld.idx.msk [tilespmem:v1+s15+$0x0], $0xffff  }
0x2dd: {  	(erf) = vrcp.f32 v63;
	v40 =	vmul.f32 v21, v2;
	v58 =	vld.idx.msk [tilespmem:v1+s16+$0x0], $0xffff;
	v19 =	vsub.f32 $1.500000000e+00, v19  }
0x2de: {  	v42 =	vadd.f32 $9.999999970e-07, v18;
	v18 =	vmul.f32 v61, v18;
	v15 =	vmul.f32 v15, v15  }
0x2df: {  	v39 =	vsub.f32 $0.0e+00, v27;
	v57 =	vmul.f32 v21, v40;
	v19 =	vmul.f32 v17, v19  }
0x2e0: {  	[tilespmem:v11+s17+$0x0] =	vst.idx.add.f32.msk $0xffff, v27;
	v27 =	vadd.f32 v59, v6;
	v16 =	vmul.f32 v16, v16;
	(erf) = vrcp.f32 v42  }
0x2e1: {  	v34 =	vadd.f32 v38, v34;
	v60 =	vsub.f32 $1.500000000e+00, v57;
	v6 =	vmul.f32 v19, v54  }
0x2e2: {  	v38 =	vmul.f32 v38, v38;
	v17 =	vld [tilespmem:s13+$0x10];
	v62 =	vsub.f32 v3, v41;
	v40 =	vsub.f32 v4, v58  }
0x2e3: {  	vm13 =	vne.s32 v7, v8;
	v21 =	vmul.f32 v21, v60;
	v63 =	vmul.f32 v6, v19  }
0x2e4: {  	v28 =	vadd.f32 v61, v46;
	v6 =	vld [tilespmem:s14+$0x10];
	v35 =	vmul.f32 v62, v62;
	v40 =	vmul.f32 v40, v40  }
0x2e5: {  	v18 =	vadd.f32 v18, v31;
	v24 =	vld [tilespmem:s12+$0x0];
	v29 =	vadd.f32 v38, v29;
	v2 =	vmul.f32 v21, v2  }
0x2e6: {  	v45 =	vpop (erf);
	v38 =	vmul.f32 v59, v13;
	v13 =	vld [tilespmem:s11+$0x20];
	v44 =	vsub.f32 $1.500000000e+00, v63;
	v35 =	vadd.f32 v40, v35  }
0x2e7: {  	[tilespmem:v12+s17+$0x0] =	vst.idx.add.f32.msk $0xffff, v39;
	v23 =	vmul.f32 v22, v45;
	v39 =	vadd.f32 $9.999999970e-07, v17;
	v46 =	vmul.f32 v2, v21  }
0x2e8: {  	v2 =	vld [tilespmem:s10+$0x20];
	v19 =	vmul.f32 v44, v19;
	v47 =	vshra.s32 v35, $0x1;
	v40 =	vmul.f32 $5.000000000e-01, v35  }
0x2e9: {  	v48 =	vmul.f32 v39, v39;
	v49 =	vmul.f32 v6, v6;
	v43 =	vsub.s32 $0x5F3759DF, v47  }
0x2ea: {  	[tilespmem:v12+s18+$0x0] =	vst.idx.add.f32.msk $0xffff, v30;
	v33 =	vsub.f32 $1.500000000e+00, v46;
	v19 =	vmul.f32 v19, v51;
	v51 =	vmul.f32 v43, v40  }
0x2eb: {  	[tilespmem:v11+s18+$0x0] =	vst.idx.add.f32.msk vm0, v30;
	(erf) = vrcp.f32 v32;
	v45 =	vmul.f32 v5, v24;
	v52 =	vadd.f32 v49, v48  }
0x2ec: {  	v15 =	vadd.f32 v16, v15;
	v21 =	vmul.f32 v33, v21;
	v36 =	vmul.f32 v43, v51  }
0x2ed: {  	[tilespmem:v12+s19+$0x0] =	vst.idx.add.f32.msk $0xffff, v26;
	v53 =	vmul.f32 v19, v24;
	v54 =	vshra.s32 v52, $0x1;
	v55 =	vmul.f32 $5.000000000e-01, v52  }
0x2ee: {  	v62 =	vld.idx.msk [tilespmem:v13+s15+$0x0], $0xffff;
	v19 =	vmul.f32 v19, v21;
	v57 =	vsub.f32 $1.500000000e+00, v36;
	v21 =	vsub.s32 $0x5F3759DF, v54  }
0x2ef: {  	vm14 =	vne.s32 v0, v1;
	v15 =	vmul.f32 v15, v24;
	v44 =	vld.idx.msk [tilespmem:v13+s16+$0x0], $0xffff;
	v58 =	vmul.f32 v21, v55  }
0x2f0: {  	v37 =	vmul.f32 v37, v50;
	v50 =	vpop (erf);
	v20 =	vadd.f32 v38, v20;
	v38 =	vld.idx.msk [tilespmem:v2+s15+$0x0], $0xffff;
	v33 =	vmul.f32 v43, v57  }
0x2f1: {  	v22 =	vmul.f32 v22, v50;
	v59 =	vadd.f32 $9.999999970e-07, v14;
	v42 =	vld.idx.msk [tilespmem:v2+s16+$0x0], $0xffff;
	v61 =	vmul.f32 v21, v58  }
0x2f2: {  	v25 =	vadd.f32 v24, v25;
	v5 =	vmul.f32 v45, v5;
	v63 =	vmul.f32 v33, v40  }
0x2f3: {  	v12 =	vld [tilespmem:s13+$0x20];
	(erf) = vrcp.f32 v59;
	v3 =	vmul.f32 v3, v3;
	v32 =	vsub.f32 $1.500000000e+00, v61  }
0x2f4: {  	v46 =	vmul.f32 v14, v24;
	v31 =	vadd.f32 v53, v34;
	v34 =	vmul.f32 v63, v33  }
0x2f5: {  	v4 =	vmul.f32 v4, v4;
	v49 =	vsub.f32 v38, v62;
	v21 =	vmul.f32 v21, v32;
	v32 =	vld [tilespmem:s14+$0x20]  }
0x2f6: {  	v47 =	vmul.f32 v46, v14;
	v50 =	vsub.f32 v42, v44;
	v48 =	vsub.f32 $1.500000000e+00, v34  }
0x2f7: {  	v27 =	vadd.f32 v45, v27;
	v19 =	vmul.f32 v19, v24;
	v24 =	vmul.f32 v49, v49  }
0x2f8: {  	[tilespmem:v11+s19+$0x0] =	vst.idx.add.f32.msk vm0, v26;
	v26 =	vmul.f32 v50, v50;
	v14 =	vmul.f32 v48, v33;
	v33 =	vadd.f32 $9.999999970e-07, v12  }
0x2f9: {  	v60 =	vsub.f32 $0.0e+00, v37;
	v5 =	vadd.f32 v5, v20;
	v56 =	vmul.f32 v53, v53  }
0x2fa: {  	v24 =	vadd.f32 v26, v24;
	v52 =	vmul.f32 v33, v33;
	v53 =	vmul.f32 v32, v32  }
0x2fb: {  	v3 =	vadd.f32 v4, v3;
	(erf) = vrcp.f32 v39;
	v29 =	vadd.f32 v56, v29  }
0x2fc: {  	v56 =	vshra.s32 v24, $0x1;
	v57 =	vmul.f32 $5.000000000e-01, v24;
	v34 =	vadd.f32 v53, v52  }
0x2fd: {  	[tilespmem:v10+s17+$0x0] =	vst.idx.add.f32.msk $0xffff, v37;
	v30 =	vmul.f32 v21, v55;
	v14 =	vmul.f32 v14, v35;
	v35 =	vsub.s32 $0x5F3759DF, v56  }
0x2fe: {  	v55 =	vld [tilespmem:s12+$0x10];
	v59 =	vmul.f32 v35, v57;
	v58 =	vshra.s32 v34, $0x1;
	v34 =	vmul.f32 $5.000000000e-01, v34  }
0x2ff: {  	[tilespmem:v9+s17+$0x0] =	vst.idx.add.f32.msk $0xffff, v60;
	v16 =	vadd.f32 v46, v28;
	vm15 =	vne.s32 v2, v13;
	v51 =	vpop (erf);
	v60 =	vsub.s32 $0x5F3759DF, v58  }
0x300: {  	[tilespmem:v9+s18+$0x0] =	vst.idx.add.f32.msk $0xffff, v23;
	v54 =	vpop (erf);
	v44 =	vadd.f32 $9.999999970e-07, v6;
	v62 =	vmul.f32 v35, v59;
	v37 =	vmul.f32 v60, v34  }
0x301: {  	v11 =	vadd.f32 v47, v18;
	v28 =	vmul.f32 v15, v51;
	v15 =	vmul.f32 v15, v54  }
0x302: {  	[tilespmem:v10+s18+$0x0] =	vst.idx.add.f32.msk vm1, v23;
	(erf) = vrcp.f32 v44;
	v18 =	vsub.f32 $1.500000000e+00, v62;
	v41 =	vmul.f32 v60, v37  }
0x303: {  	[tilespmem:v9+s19+$0x0] =	vst.idx.add.f32.msk $0xffff, v22;
	v63 =	vsub.f32 $0.0e+00, v19;
	v30 =	vmul.f32 v30, v21;
	v45 =	vmul.f32 v17, v55  }
0x304: {  	[tilespmem:v10+s19+$0x0] =	vst.idx.add.f32.msk vm1, v22;
	(erf) = vrcp.f32 v33;
	v48 =	vmul.f32 v35, v18;
	v46 =	vsub.f32 $1.500000000e+00, v41  }
0x305: {  	[tilespmem:v8+s17+$0x0] =	vst.idx.add.f32.msk $0xffff, v19;
	v30 =	vsub.f32 $1.500000000e+00, v30;
	v61 =	vmul.f32 v14, v55;
	v17 =	vmul.f32 v45, v17  }
0x306: {  	[tilespmem:v7+s17+$0x0] =	vst.idx.add.f32.msk $0xffff, v63;
	v51 =	vmul.f32 v48, v57;
	v49 =	vmul.f32 v60, v46  }
0x307: {  	v50 =	vmul.f32 v6, v55;
	v53 =	vadd.f32 v55, v25;
	v21 =	vmul.f32 v30, v21  }
0x308: {  	v17 =	vadd.f32 v17, v5;
	v5 =	vmul.f32 v51, v48;
	v52 =	vmul.f32 v49, v34  }
0x309: {  	v3 =	vmul.f32 v3, v55;
	v40 =	vadd.f32 v61, v31;
	v14 =	vmul.f32 v14, v21  }
0x30a: {  	[tilespmem:v7+s18+$0x0] =	vst.idx.add.f32.msk $0xffff, v28;
	v43 =	vmul.f32 v61, v61;
	v5 =	vsub.f32 $1.500000000e+00, v5;
	v54 =	vmul.f32 v52, v49  }
0x30b: {  	[tilespmem:v8+s18+$0x0] =	vst.idx.add.f32.msk vm13, v28;
	v6 =	vmul.f32 v50, v6;
	v4 =	vmul.f32 v14, v55;
	v55 =	vadd.f32 $9.999999970e-07, v32  }
0x30c: {  	v56 =	vpop (erf);
	v19 =	vadd.f32 v45, v27;
	v57 =	vld [tilespmem:s12+$0x20];
	v5 =	vmul.f32 v5, v48;
	v20 =	vsub.f32 $1.500000000e+00, v54  }
0x30d: {  	[tilespmem:v7+s19+$0x0] =	vst.idx.add.f32.msk $0xffff, v15;
	v7 =	vadd.f32 v6, v11;
	v6 =	vmul.f32 v3, v56;
	(erf) = vrcp.f32 v55  }
0x30e: {  	[tilespmem:v8+s19+$0x0] =	vst.idx.add.f32.msk vm13, v15;
	v8 =	vsub.f32 $0.0e+00, v4;
	v5 =	vmul.f32 v5, v24;
	v58 =	vmul.f32 v20, v49  }
0x30f: {  	v59 =	vpop (erf);
	[tilespmem:v1+s17+$0x0] =	vst.idx.add.f32.msk $0xffff, v4;
	v4 =	vmul.f32 v38, v38;
	v60 =	vmul.f32 v42, v42  }
0x310: {  	v3 =	vmul.f32 v3, v59;
	[tilespmem:v0+s17+$0x0] =	vst.idx.add.f32.msk $0xffff, v8;
	v8 =	vmul.f32 v5, v58  }
0x311: {  	[tilespmem:v0+s18+$0x0] =	vst.idx.add.f32.msk $0xffff, v6;
	v4 =	vadd.f32 v60, v4;
	v5 =	vmul.f32 v5, v57  }
0x312: {  	v47 =	vadd.f32 v43, v29;
	[tilespmem:v1+s18+$0x0] =	vst.idx.add.f32.msk vm14, v6;
	v6 =	vmul.f32 v8, v57  }
0x313: {  	[tilespmem:v0+s19+$0x0] =	vst.idx.add.f32.msk $0xffff, v3;
	v0 =	vmul.f32 v5, v5;
	v8 =	vmul.f32 v4, v57  }
0x314: {  	s9 =	sadd.s32 $0x5, s9;
	v16 =	vadd.f32 v50, v16;
	[tilespmem:v1+s19+$0x0] =	vst.idx.add.f32.msk vm14, v3;
	v1 =	vpop (erf);
	v61 =	vmul.f32 v32, v57;
	v4 =	vsub.f32 $0.0e+00, v6  }
0x315: {  	p0 =	slt.u32 s9, $0x78;
	v3 =	vadd.f32 v0, v47;
	v0 =	vmul.f32 v8, v1;
	[tilespmem:v13+s17+$0x0] =	vst.idx.add.f32.msk $0xffff, v6  }
.Ltmp6:
0x316: {  	v63 =	vmul.f32 v61, v32;
	v1 =	vmul.f32 v12, v57;
	v6 =	vpop (erf);
	[tilespmem:v2+s17+$0x0] =	vst.idx.add.f32.msk $0xffff, v4;
	(pc) =	sbr.rel @p0 .LBB2_13-.Ltmp6, $4  }
0x317: {  	v5 =	vadd.f32 v5, v40;
	v8 =	vmul.f32 v8, v6;
	[tilespmem:v2+s18+$0x0] =	vst.idx.add.f32.msk $0xffff, v0  }
0x318: {  	v4 =	vadd.f32 v57, v53;
	v62 =	vmul.f32 v1, v12;
	[tilespmem:v13+s18+$0x0] =	vst.idx.add.f32.msk vm15, v0  }
0x319: {  	s11 =	sadd.s32 $0x50, s11;
	s13 =	sadd.s32 $0x50, s13;
	v6 =	vadd.f32 v1, v19;
	v1 =	vadd.f32 v61, v16;
	[tilespmem:v2+s19+$0x0] =	vst.idx.add.f32.msk $0xffff, v8  }
0x31a: {  	s10 =	sadd.s32 $0x50, s10;
	s14 =	sadd.s32 $0x50, s14;
	s12 =	sadd.s32 $0x50, s12;
	v0 =	vadd.f32 v63, v7;
	v2 =	vadd.f32 v62, v17;
	[tilespmem:v13+s19+$0x0] =	vst.idx.add.f32.msk vm15, v8  }
0x31b: {  	[tilespmem:$0x12C00] =	vst v5  }
0x31c: {  	[tilespmem:$0x12C10] =	vst v3  }
0x31d: {  	s9 =	sshrl.u32 s3, $0x3;
	[tilespmem:$0x12C20] =	vst v4  }
0x31e: {  	s10 =	sshll.u32 s3, $0x7;
	[tilespmem:$0x12C30] =	vst v6;
	s9 =	smul.u32 $0x14000, s9  }
0x31f: {  	[tilespmem:$0x12C40] =	vst v1;
	s10 =	sand.u32 $0x380, s10  }
0x320: {  	s11 =	simm.s32 $0x400;
	[tilespmem:$0x12C50] =	vst v2;
	s9 =	sor.u32 s10, s9  }
0x321: {  	s13 =	simm.s32 $0x5000;
	[tilespmem:$0x12C60] =	vst v0;
	s10 =	simm.s32 $0x80;
	s12 =	sadd.s32 s9, s4  }
0x322: {  	[spmem:s12] =	stream.strided.scatter [tilespmem:s13], [sflag:$0x3], $0x2800, s11, s10, $0x38;
	[tilespmem:$0x1A720] =	vst v63  }
0x323: {  	s12 =	simm.s32 $0x3  }
0x324: {  	_ =	swait.ge [sflag:s12], $0x2800  }
0x325: {  	[sflag:s12] =	ssyncset.done $0x0  }
0x326: {  	s14 =	simm.s32 $0x7800;
	s22 =	sadd.s32 s9, s5;
	[sflag:s12] =	ssyncadd.s32 $0xFFFFD800  }
0x327: {  	[spmem:s22] =	stream.strided.scatter [tilespmem:s14], [sflag:$0x3], $0x2800, s11, s10, $0x38;
	[tilespmem:$0x1A720] =	vst v63  }
0x328: {  	_ =	swait.ge [sflag:s12], $0x2800  }
0x329: {  	[sflag:s12] =	ssyncset.done $0x0  }
0x32a: {  	s23 =	simm.s32 $0xA000;
	s9 =	sadd.s32 s9, s6;
	[sflag:s12] =	ssyncadd.s32 $0xFFFFD800  }
0x32b: {  	[spmem:s9] =	stream.strided.scatter [tilespmem:s23], [sflag:$0x3], $0x2800, s11, s10, $0x38;
	[tilespmem:$0x1A720] =	vst v63  }
0x32c: {  	p0 =	seq.s32 s3, $0xF;
	_ =	swait.ge [sflag:s12], $0x2800  }
0x32d: {  	s13 =	simm.s32 @p0 $0x0;
	[sflag:s12] =	ssyncset.done $0x0  }
0x32e: {  	s14 =	simm.s32 @p0 $0x12700;
	s9 =	sadd.s32 @p0 $0x4B0, s8;
	[sflag:s12] =	ssyncadd.s32 $0xFFFFD800  }
0x32f: {  	[tilespmem:s14], [sflag:$0x3] =	stream.linear.gather @p0 [hbm4b:s9+s13], $0x190, $0x38;
	[tilespmem:$0x1A720] =	vst v63  }
0x330: {  	s9 =	simm.s32 @p0 $0x3  }
0x331: {  	_ =	swait.ge @p0 [sflag:s9], $0x190  }
0x332: {  	[sflag:s9] =	ssyncset.done @p0 $0x0  }
0x333: {  	s15 =	simm.s32 @p0 $0x12980;
	s14 =	sadd.s32 @p0 $0x4B0, s7;
	[sflag:s9] =	ssyncadd.s32 @p0 $0xFFFFFE70  }
0x334: {  	[tilespmem:s15], [sflag:$0x3] =	stream.linear.gather @p0 [hbm4b:s14+s13], $0x190, $0x38;
	[tilespmem:$0x1A720] =	vst v63  }
0x335: {  	_ =	swait.ge @p0 [sflag:s9], $0x190  }
0x336: {  	[sflag:s9] =	ssyncset.done @p0 $0x0  }
0x337: {  	v0 =	vimm.f32 @p0 $0.0e+00;
	[sflag:s9] =	ssyncadd.s32 @p0 $0xFFFFFE70  }
0x338: {  	[tilespmem:$0x12890] =	vst @p0 v0  }
0x339: {  	[tilespmem:$0x12B10] =	vst @p0 v0  }
0x33a: {  	[tilespmem:$0x128A0] =	vst @p0 v0  }
0x33b: {  	[tilespmem:$0x12B20] =	vst @p0 v0  }
0x33c: {  	[tilespmem:$0x128B0] =	vst @p0 v0  }
0x33d: {  	[tilespmem:$0x12B30] =	vst @p0 v0  }
0x33e: {  	[tilespmem:$0x128C0] =	vst @p0 v0  }
0x33f: {  	[tilespmem:$0x12B40] =	vst @p0 v0  }
0x340: {  	[tilespmem:$0x128D0] =	vst @p0 v0  }
0x341: {  	[tilespmem:$0x12B50] =	vst @p0 v0  }
0x342: {  	[tilespmem:$0x128E0] =	vst @p0 v0  }
0x343: {  	[tilespmem:$0x12B60] =	vst @p0 v0  }
0x344: {  	[tilespmem:$0x128F0] =	vst @p0 v0  }
0x345: {  	[tilespmem:$0x12B70] =	vst @p0 v0  }
0x346: {  	[tilespmem:$0x12900] =	vst @p0 v0  }
0x347: {  	[tilespmem:$0x12B80] =	vst @p0 v0  }
0x348: {  	[tilespmem:$0x12910] =	vst @p0 v0  }
0x349: {  	[tilespmem:$0x12B90] =	vst @p0 v0  }
0x34a: {  	[tilespmem:$0x12920] =	vst @p0 v0  }
0x34b: {  	[tilespmem:$0x12BA0] =	vst @p0 v0  }
0x34c: {  	[tilespmem:$0x12930] =	vst @p0 v0  }
0x34d: {  	[tilespmem:$0x12BB0] =	vst @p0 v0  }
0x34e: {  	[tilespmem:$0x12940] =	vst @p0 v0  }
0x34f: {  	[tilespmem:$0x12BC0] =	vst @p0 v0  }
0x350: {  	[tilespmem:$0x12950] =	vst @p0 v0  }
0x351: {  	[tilespmem:$0x12BD0] =	vst @p0 v0  }
0x352: {  	s9 =	smul.u32 $0x280, s3;
	[tilespmem:$0x12960] =	vst @p0 v0  }
0x353: {  	[tilespmem:$0x12BE0] =	vst @p0 v0  }
0x354: {  	[tilespmem:$0x12970] =	vst @p0 v0;
	s13 =	sshrl.u32 @!p0 s9, $0x3  }
0x355: {  	s14 =	simm.s32 @!p0 $0x0;
	s15 =	simm.s32 @!p0 $0x12700;
	[tilespmem:$0x12BF0] =	vst @p0 v0;
	s8 =	sadd.s32 @!p0 s8, s13  }
0x356: {  	[tilespmem:s15], [sflag:$0x3] =	stream.linear.gather @!p0 [hbm4b:s8+s14], $0x280, $0x38;
	[tilespmem:$0x1A720] =	vst v63  }
0x357: {  	s15 =	simm.s32 @!p0 $0x3  }
0x358: {  	_ =	swait.ge @!p0 [sflag:s15], $0x280  }
0x359: {  	[sflag:s15] =	ssyncset.done @!p0 $0x0  }
0x35a: {  	s7 =	sadd.s32 @!p0 s7, s13;
	s8 =	simm.s32 @!p0 $0x12980;
	[sflag:s15] =	ssyncadd.s32 @!p0 $0xFFFFFD80  }
0x35b: {  	[tilespmem:s8], [sflag:$0x3] =	stream.linear.gather @!p0 [hbm4b:s7+s14], $0x280, $0x38;
	[tilespmem:$0x1A720] =	vst v63  }
0x35c: {  	_ =	swait.ge @!p0 [sflag:s15], $0x280  }
0x35d: {  	s8 =	smul.u32 $0x1400, s3;
	[sflag:s15] =	ssyncset.done @!p0 $0x0  }
0x35e: {  	[sflag:s15] =	ssyncadd.s32 @!p0 $0xFFFFFD80  }
0x35f: {  	s25 =	simm.s32 $0x11F80;
	s24 =	sadd.s32 s8, s4;
	[bflag:$0x0] =	sbarrier.arrive $0xFFFF  }
0x360: {  	[tilespmem:s25], [sflag:$0x3] =	stream.strided.gather [spmem:s24], $0x280, s11, s10, $0x38;
	[tilespmem:$0x1A720] =	vst v63  }
0x361: {  	_ =	swait.ge [sflag:s12], $0x280  }
0x362: {  	[sflag:s12] =	ssyncset.done $0x0  }
0x363: {  	s28 =	simm.s32 $0x12200;
	s26 =	sadd.s32 s8, s5;
	[sflag:s12] =	ssyncadd.s32 $0xFFFFFD80  }
0x364: {  	[tilespmem:s28], [sflag:$0x3] =	stream.strided.gather [spmem:s26], $0x280, s11, s10, $0x38;
	[tilespmem:$0x1A720] =	vst v63  }
0x365: {  	_ =	swait.ge [sflag:s12], $0x280  }
0x366: {  	[sflag:s12] =	ssyncset.done $0x0  }
0x367: {  	s30 =	simm.s32 $0x12480;
	s29 =	sadd.s32 s8, s6;
	[sflag:s12] =	ssyncadd.s32 $0xFFFFFD80  }
0x368: {  	[tilespmem:s30], [sflag:$0x3] =	stream.strided.gather [spmem:s29], $0x280, s11, s10, $0x38;
	[tilespmem:$0x1A720] =	vst v63  }
0x369: {  	s16 =	simm.s32 $0x11D00;
	s31 =	sshrl.u32 s9, $0x2;
	_ =	swait.ge [sflag:s12], $0x280  }
0x36a: {  	s13 =	simm.s32 $0x1;
	s7 =	sadd.s32 s31, s2;
	[sflag:s12] =	ssyncset.done $0x0  }
0x36b: {  	s14 =	simm.s32 $0x11800;
	s15 =	simm.s32 $0x11A80;
	[sflag:s12] =	ssyncadd.s32 $0xFFFFFD80  }
.LBB2_15:
0x36c: {  	s17 =	sshrl.u32 s13, $0x3  }
0x36d: {  	s17 =	smul.u32 $0x14000, s17  }
0x36e: {  	s18 =	sshll.u32 s13, $0x7  }
0x36f: {  	s18 =	sand.u32 $0x380, s18;
	s17 =	sadd.s32 s8, s17  }
0x370: {  	s17 =	sor.u32 s18, s17  }
0x371: {  	s18 =	sadd.s32 s17, s4  }
0x372: {  	[tilespmem:s14], [sflag:$0x3] =	stream.strided.gather [spmem:s18], $0x280, s11, s10, $0x38;
	[tilespmem:$0x1A720] =	vst v63  }
0x373: {  	_ =	swait.ge [sflag:s12], $0x280  }
0x374: {  	[sflag:s12] =	ssyncset.done $0x0  }
0x375: {  	s31 =	sadd.s32 s17, s5;
	[sflag:s12] =	ssyncadd.s32 $0xFFFFFD80  }
0x376: {  	[tilespmem:s15], [sflag:$0x3] =	stream.strided.gather [spmem:s31], $0x280, s11, s10, $0x38;
	[tilespmem:$0x1A720] =	vst v63  }
0x377: {  	_ =	swait.ge [sflag:s12], $0x280  }
0x378: {  	[sflag:s12] =	ssyncset.done $0x0  }
0x379: {  	s17 =	sadd.s32 s17, s6;
	[sflag:s12] =	ssyncadd.s32 $0xFFFFFD80  }
0x37a: {  	[tilespmem:s16], [sflag:$0x3] =	stream.strided.gather [spmem:s17], $0x280, s11, s10, $0x38;
	[tilespmem:$0x1A720] =	vst v63  }
0x37b: {  	_ =	swait.ge [sflag:s12], $0x280  }
0x37c: {  	[sflag:s12] =	ssyncset.done $0x0  }
0x37d: {  	s22 =	simm.s32 $0x11FC0;
	[sflag:s12] =	ssyncadd.s32 $0xFFFFFD80  }
0x37e: {  	s17 =	simm.s32 $0x11840;
	v0 =	vld [tilespmem:s22+$0x30]  }
0x37f: {  	v1 =	vld [tilespmem:s17+$0x30]  }
0x380: {  	v2 =	vld [tilespmem:s17+$0xFFFFFFC0]  }
0x381: {  	v3 =	vld [tilespmem:s22+$0xFFFFFFD0]  }
0x382: {  	v4 =	vld [tilespmem:s17+$0xFFFFFFD0]  }
0x383: {  	v5 =	vld [tilespmem:s22+$0xFFFFFFE0]  }
0x384: {  	v6 =	vld [tilespmem:s17+$0xFFFFFFE0]  }
0x385: {  	v7 =	vld [tilespmem:s17+$0xFFFFFFF0]  }
0x386: {  	v9 =	vld [tilespmem:s22+$0x0]  }
0x387: {  	v10 =	vld [tilespmem:s17+$0x0]  }
0x388: {  	v11 =	vld [tilespmem:s22+$0x10]  }
0x389: {  	v12 =	vld [tilespmem:s17+$0x10]  }
0x38a: {  	v13 =	vld [tilespmem:s22+$0x20];
	v0 =	vadd.f32 v1, v0  }
0x38b: {  	v1 =	vld [tilespmem:s22+$0xFFFFFFF0]  }
0x38c: {  	s18 =	simm.s32 $0x12240;
	v3 =	vadd.f32 v4, v3;
	v4 =	vld [tilespmem:s22+$0xFFFFFFC0];
	[tilespmem:s22+$0x30] =	vst v0  }
0x38d: {  	s19 =	simm.s32 $0x11AC0;
	v0 =	vld [tilespmem:s18+$0x30]  }
0x38e: {  	[tilespmem:s22+$0xFFFFFFD0] =	vst v3;
	v3 =	vadd.f32 v6, v5;
	v8 =	vld [tilespmem:s19+$0x30]  }
0x38f: {  	v6 =	vld [tilespmem:s18+$0xFFFFFFD0]  }
0x390: {  	[tilespmem:s22+$0xFFFFFFE0] =	vst v3;
	v3 =	vld [tilespmem:s19+$0xFFFFFFD0];
	v1 =	vadd.f32 v7, v1  }
0x391: {  	v2 =	vadd.f32 v2, v4;
	v4 =	vld [tilespmem:s18+$0xFFFFFFE0]  }
0x392: {  	[tilespmem:s22+$0xFFFFFFF0] =	vst v1;
	v1 =	vld [tilespmem:s19+$0xFFFFFFE0]  }
0x393: {  	v0 =	vadd.f32 v8, v0;
	v8 =	vld [tilespmem:s17+$0x20]  }
0x394: {  	v7 =	vadd.f32 v10, v9;
	[tilespmem:s22+$0xFFFFFFC0] =	vst v2;
	v2 =	vld [tilespmem:s18+$0xFFFFFFF0]  }
0x395: {  	v55 =	vld [tilespmem:s18+$0xFFFFFFC0]  }
0x396: {  	[tilespmem:s22+$0x0] =	vst v7;
	v7 =	vadd.f32 v12, v11;
	v56 =	vld [tilespmem:s19+$0xFFFFFFC0]  }
0x397: {  	v57 =	vld [tilespmem:s19+$0xFFFFFFF0]  }
0x398: {  	v58 =	vld [tilespmem:s18+$0x0];
	[tilespmem:s22+$0x10] =	vst v7  }
0x399: {  	v59 =	vld [tilespmem:s18+$0x10]  }
0x39a: {  	s20 =	simm.s32 $0x124C0;
	v3 =	vadd.f32 v3, v6;
	[tilespmem:s18+$0x30] =	vst v0;
	v60 =	vld [tilespmem:s19+$0x10]  }
0x39b: {  	s21 =	simm.s32 $0x11D40;
	v0 =	vld [tilespmem:s20+$0x30]  }
0x39c: {  	v5 =	vld [tilespmem:s21+$0x30];
	[tilespmem:s18+$0xFFFFFFD0] =	vst v3  }
0x39d: {  	v1 =	vadd.f32 v1, v4;
	v4 =	vld [tilespmem:s20+$0xFFFFFFD0]  }
0x39e: {  	v7 =	vadd.f32 v8, v13;
	v8 =	vld [tilespmem:s19+$0x0]  }
0x39f: {  	[tilespmem:s18+$0xFFFFFFE0] =	vst v1;
	v1 =	vadd.f32 v57, v2;
	v2 =	vld [tilespmem:s21+$0xFFFFFFD0]  }
0x3a0: {  	[tilespmem:s22+$0x20] =	vst v7;
	v7 =	vadd.f32 v56, v55;
	v62 =	vld [tilespmem:s20+$0xFFFFFFE0]  }
0x3a1: {  	v61 =	vld [tilespmem:s18+$0x20]  }
0x3a2: {  	v6 =	vld [tilespmem:s19+$0x20];
	[tilespmem:s18+$0xFFFFFFC0] =	vst v7  }
0x3a3: {  	v7 =	vld [tilespmem:s20+$0xFFFFFFC0]  }
0x3a4: {  	v3 =	vld [tilespmem:s21+$0xFFFFFFC0]  }
0x3a5: {  	[tilespmem:s18+$0xFFFFFFF0] =	vst v1;
	v1 =	vadd.f32 v8, v58;
	v8 =	vld [tilespmem:s21+$0xFFFFFFE0]  }
0x3a6: {  	v0 =	vadd.f32 v5, v0;
	v5 =	vld [tilespmem:s20+$0xFFFFFFF0]  }
0x3a7: {  	v63 =	vld [tilespmem:s21+$0xFFFFFFF0];
	[tilespmem:s18+$0x0] =	vst v1;
	v1 =	vadd.f32 v60, v59  }
0x3a8: {  	[tilespmem:s20+$0x30] =	vst v0;
	v6 =	vadd.f32 v6, v61;
	v0 =	vld [tilespmem:s20+$0x0]  }
0x3a9: {  	v2 =	vadd.f32 v2, v4;
	[tilespmem:s18+$0x10] =	vst v1;
	v7 =	vadd.f32 v3, v7;
	v3 =	vld [tilespmem:s21+$0x0]  }
0x3aa: {  	[tilespmem:s18+$0x20] =	vst v6;
	v1 =	vld [tilespmem:s20+$0x10];
	v6 =	vadd.f32 v8, v62  }
0x3ab: {  	[tilespmem:s20+$0xFFFFFFD0] =	vst v2;
	v4 =	vld [tilespmem:s21+$0x10]  }
0x3ac: {  	v2 =	vld [tilespmem:s20+$0x20];
	[tilespmem:s20+$0xFFFFFFE0] =	vst v6;
	v6 =	vadd.f32 v63, v5  }
0x3ad: {  	s23 =	simm.s32 $0x12040;
	s22 =	simm.s32 $0x0;
	[tilespmem:s20+$0xFFFFFFC0] =	vst v7;
	v5 =	vld [tilespmem:s21+$0x20]  }
.LBB2_16:
0x3ae: {  	v7 =	vld [tilespmem:s23+$0x30];
	[tilespmem:s20+$0xFFFFFFF0] =	vst v6;
	v0 =	vadd.f32 v3, v0;
	s17 =	sadd.s32 $0x80, s17  }
0x3af: {  	v3 =	vld [tilespmem:s17+$0x30]  }
0x3b0: {  	v6 =	vld [tilespmem:s17+$0xFFFFFFC0];
	[tilespmem:s20+$0x0] =	vst v0;
	v0 =	vadd.f32 v4, v1  }
0x3b1: {  	s22 =	sadd.s32 $0x8, s22;
	v1 =	vld [tilespmem:s23+$0xFFFFFFD0]  }
0x3b2: {  	p0 =	slt.u32 s22, $0x20;
	v4 =	vld [tilespmem:s17+$0xFFFFFFD0];
	[tilespmem:s20+$0x10] =	vst v0;
	v0 =	vadd.f32 v5, v2  }
0x3b3: {  	v2 =	vld [tilespmem:s23+$0xFFFFFFE0]  }
0x3b4: {  	v5 =	vld [tilespmem:s17+$0xFFFFFFE0];
	v3 =	vadd.f32 v3, v7;
	[tilespmem:s20+$0x20] =	vst v0  }
0x3b5: {  	v0 =	vld [tilespmem:s23+$0xFFFFFFF0]  }
0x3b6: {  	s18 =	sadd.s32 $0x80, s18;
	v7 =	vld [tilespmem:s17+$0xFFFFFFF0];
	[tilespmem:s23+$0x30] =	vst v3  }
0x3b7: {  	s19 =	sadd.s32 $0x80, s19;
	v1 =	vadd.f32 v4, v1;
	v3 =	vld [tilespmem:s18+$0x30]  }
0x3b8: {  	v4 =	vld [tilespmem:s19+$0x30]  }
0x3b9: {  	[tilespmem:s23+$0xFFFFFFD0] =	vst v1;
	v1 =	vadd.f32 v5, v2;
	v2 =	vld [tilespmem:s23+$0x0]  }
0x3ba: {  	v5 =	vld [tilespmem:s17+$0x0]  }
0x3bb: {  	[tilespmem:s23+$0xFFFFFFE0] =	vst v1;
	v0 =	vadd.f32 v7, v0;
	v1 =	vld [tilespmem:s23+$0x10]  }
0x3bc: {  	v7 =	vld [tilespmem:s17+$0x10]  }
0x3bd: {  	[tilespmem:s23+$0xFFFFFFF0] =	vst v0;
	v0 =	vld [tilespmem:s23+$0x20];
	v3 =	vadd.f32 v4, v3  }
0x3be: {  	v4 =	vld [tilespmem:s17+$0x20]  }
0x3bf: {  	s20 =	sadd.s32 $0x80, s20;
	v8 =	vld [tilespmem:s23+$0xFFFFFFC0];
	v2 =	vadd.f32 v5, v2;
	[tilespmem:s18+$0x30] =	vst v3  }
0x3c0: {  	s21 =	sadd.s32 $0x80, s21;
	v3 =	vld [tilespmem:s20+$0x30]  }
0x3c1: {  	[tilespmem:s23+$0x0] =	vst v2;
	v1 =	vadd.f32 v7, v1;
	v2 =	vld [tilespmem:s21+$0x30]  }
0x3c2: {  	v5 =	vld [tilespmem:s18+$0xFFFFFFD0]  }
0x3c3: {  	v7 =	vld [tilespmem:s19+$0xFFFFFFD0];
	[tilespmem:s23+$0x10] =	vst v1;
	v0 =	vadd.f32 v4, v0  }
0x3c4: {  	v1 =	vadd.f32 v6, v8;
	v4 =	vld [tilespmem:s18+$0xFFFFFFE0]  }
0x3c5: {  	v6 =	vld [tilespmem:s19+$0xFFFFFFE0];
	[tilespmem:s23+$0x20] =	vst v0  }
0x3c6: {  	[tilespmem:s23+$0xFFFFFFC0] =	vst v1;
	v0 =	vld [tilespmem:s18+$0xFFFFFFF0];
	v1 =	vadd.f32 v2, v3  }
0x3c7: {  	v2 =	vld [tilespmem:s18+$0xFFFFFFC0]  }
0x3c8: {  	v3 =	vld [tilespmem:s19+$0xFFFFFFC0];
	v5 =	vadd.f32 v7, v5;
	[tilespmem:s20+$0x30] =	vst v1  }
0x3c9: {  	v1 =	vld [tilespmem:s19+$0xFFFFFFF0]  }
0x3ca: {  	[tilespmem:s18+$0xFFFFFFD0] =	vst v5;
	v4 =	vadd.f32 v6, v4;
	v5 =	vld [tilespmem:s18+$0x0]  }
0x3cb: {  	v6 =	vld [tilespmem:s19+$0x0]  }
0x3cc: {  	[tilespmem:s18+$0xFFFFFFE0] =	vst v4;
	v4 =	vld [tilespmem:s18+$0x10]  }
0x3cd: {  	v2 =	vadd.f32 v3, v2;
	v3 =	vld [tilespmem:s19+$0x10]  }
0x3ce: {  	v0 =	vadd.f32 v1, v0;
	v1 =	vld [tilespmem:s18+$0x20]  }
0x3cf: {  	[tilespmem:s18+$0xFFFFFFC0] =	vst v2;
	v2 =	vld [tilespmem:s19+$0x20]  }
0x3d0: {  	v7 =	vld [tilespmem:s20+$0xFFFFFFC0];
	[tilespmem:s18+$0xFFFFFFF0] =	vst v0;
	v0 =	vadd.f32 v6, v5  }
0x3d1: {  	v5 =	vld [tilespmem:s21+$0xFFFFFFC0]  }
0x3d2: {  	v6 =	vld [tilespmem:s20+$0xFFFFFFD0];
	[tilespmem:s18+$0x0] =	vst v0;
	v0 =	vadd.f32 v3, v4  }
0x3d3: {  	v3 =	vld [tilespmem:s21+$0xFFFFFFD0]  }
0x3d4: {  	v4 =	vld [tilespmem:s20+$0xFFFFFFE0];
	[tilespmem:s18+$0x10] =	vst v0;
	v0 =	vadd.f32 v2, v1  }
0x3d5: {  	v1 =	vld [tilespmem:s21+$0xFFFFFFE0]  }
0x3d6: {  	v2 =	vadd.f32 v5, v7;
	v5 =	vld [tilespmem:s20+$0xFFFFFFF0];
	[tilespmem:s18+$0x20] =	vst v0  }
0x3d7: {  	v7 =	vld [tilespmem:s21+$0xFFFFFFF0]  }
0x3d8: {  	[tilespmem:s20+$0xFFFFFFC0] =	vst v2;
	v2 =	vadd.f32 v3, v6;
	v0 =	vld [tilespmem:s20+$0x0]  }
.Ltmp7:
0x3d9: {  	v3 =	vld [tilespmem:s21+$0x0];
	(pc) =	sbr.rel @p0 .LBB2_16-.Ltmp7, $4  }
0x3da: {  	[tilespmem:s20+$0xFFFFFFD0] =	vst v2;
	v2 =	vadd.f32 v1, v4;
	v1 =	vld [tilespmem:s20+$0x10]  }
0x3db: {  	v4 =	vld [tilespmem:s21+$0x10]  }
0x3dc: {  	[tilespmem:s20+$0xFFFFFFE0] =	vst v2;
	v6 =	vadd.f32 v7, v5;
	v2 =	vld [tilespmem:s20+$0x20]  }
0x3dd: {  	s23 =	sadd.s32 $0x80, s23;
	v5 =	vld [tilespmem:s21+$0x20]  }
0x3de: {  	s13 =	sadd.s32 $0x1, s13  }
0x3df: {  	p0 =	sne.s32 s13, $0x10  }
.Ltmp8:
0x3e0: {  	v0 =	vadd.f32 v3, v0;
	(pc) =	sbr.rel @p0 .LBB2_15-.Ltmp8, $4  }
0x3e1: {  	[tilespmem:s20+$0xFFFFFFF0] =	vst v6;
	v1 =	vadd.f32 v4, v1  }
0x3e2: {  	[tilespmem:s20+$0x0] =	vst v0;
	v63 =	vadd.f32 v5, v2  }
0x3e3: {  	[tilespmem:s20+$0x10] =	vst v1  }
0x3e4: {  	[tilespmem:s20+$0x20] =	vst v63  }
0x3e5: {  	s5 =	simm.s32 $0x30;
	s12 =	sadd.s32 $0x30, s9  }
0x3e6: {  	s4 =	simm.s32 $0x11FA0;
	s6 =	sand.u32 $0x7F80, s12;
	s5 =	sand.u32 $0x70, s5  }
0x3e7: {  	s8 =	simm.s32 $0x20;
	s14 =	sadd.s32 $0xFFFFFFF0, s12;
	v0 =	vld [tilespmem:s4+$0x10];
	s5 =	sor.u32 s5, s6  }
0x3e8: {  	s8 =	sand.u32 $0x60, s8;
	s25 =	sand.u32 $0x7F80, s14;
	v1 =	vld [tilespmem:s5+$0x0]  }
0x3e9: {  	s10 =	simm.s32 $0x10;
	s11 =	sadd.s32 $0xFFFFFFE0, s12;
	s6 =	sor.u32 s8, s25;
	v2 =	vld [tilespmem:s5+$0x2800]  }
0x3ea: {  	s28 =	sand.u32 $0x50, s10;
	s26 =	sand.u32 $0x7F80, s11;
	v3 =	vld [tilespmem:s6+$0x0]  }
0x3eb: {  	s29 =	simm.s32 $0x0;
	s13 =	sadd.s32 $0xFFFFFFD0, s12;
	s5 =	sor.u32 s28, s26;
	v4 =	vld [tilespmem:s6+$0x2800]  }
0x3ec: {  	s31 =	sand.u32 $0x40, s29;
	s30 =	sand.u32 $0x7F80, s13;
	v5 =	vld [tilespmem:s5+$0x0]  }
0x3ed: {  	s6 =	sor.u32 s31, s30;
	v6 =	vld [tilespmem:s5+$0x2800]  }
0x3ee: {  	v7 =	vld [tilespmem:s6+$0x0]  }
0x3ef: {  	v8 =	vld [tilespmem:s6+$0x2800]  }
0x3f0: {  	v9 =	vld [tilespmem:s4+$0x0]  }
0x3f1: {  	v1 =	vmul.f32 v1, v1;
	v2 =	vmul.f32 v2, v2  }
0x3f2: {  	v3 =	vmul.f32 v3, v3;
	v5 =	vmul.f32 v5, v5  }
0x3f3: {  	v4 =	vmul.f32 v4, v4;
	v6 =	vmul.f32 v6, v6  }
0x3f4: {  	v10 =	vld [tilespmem:s4+$0xFFFFFFF0];
	s10 =	simm.s32 $0x12720;
	v7 =	vmul.f32 v7, v7;
	v8 =	vmul.f32 v8, v8;
	v14 =	vadd.f32 v2, v1  }
0x3f5: {  	v19 =	vld [tilespmem:s10+$0x10];
	s8 =	simm.s32 $0x12220;
	v0 =	vmul.f32 v0, v0;
	v1 =	vmul.f32 v9, v9;
	v15 =	vadd.f32 v4, v3  }
0x3f6: {  	v11 =	vld [tilespmem:s8+$0x10];
	v7 =	vadd.f32 v8, v7;
	v8 =	vadd.f32 v6, v5;
	v3 =	vshra.s32 v14, $0x1  }
0x3f7: {  	s5 =	simm.s32 $0x124A0;
	v26 =	vld [tilespmem:s8+$0x0];
	v13 =	vmul.f32 $5.000000000e-01, v14;
	v5 =	vshra.s32 v15, $0x1;
	v9 =	vsub.s32 $0x5F3759DF, v3  }
0x3f8: {  	s6 =	simm.s32 $0x129A0;
	v4 =	vld [tilespmem:s5+$0x10];
	v17 =	vmul.f32 $5.000000000e-01, v15;
	v3 =	vshra.s32 v8, $0x1;
	v16 =	vmul.f32 $5.000000000e-01, v8  }
0x3f9: {  	v6 =	vld [tilespmem:s6+$0x10];
	v12 =	vshra.s32 v7, $0x1;
	v18 =	vsub.s32 $0x5F3759DF, v5;
	v5 =	vmul.f32 v9, v13  }
0x3fa: {  	v2 =	vld [tilespmem:s4+$0xFFFFFFE0];
	v20 =	vmul.f32 $5.000000000e-01, v7;
	v21 =	vsub.s32 $0x5F3759DF, v3;
	v3 =	vmul.f32 v18, v17  }
0x3fb: {  	v22 =	vld [tilespmem:s5+$0x0];
	v12 =	vsub.s32 $0x5F3759DF, v12;
	v23 =	vmul.f32 v21, v16;
	v5 =	vmul.f32 v9, v5  }
0x3fc: {  	v29 =	vld [tilespmem:s5+$0xFFFFFFF0];
	v25 =	vmul.f32 v12, v20;
	v27 =	vmul.f32 v18, v3  }
0x3fd: {  	v24 =	vld [tilespmem:s6+$0x0];
	v3 =	vmul.f32 v10, v10;
	v10 =	vmul.f32 v21, v23;
	v28 =	vsub.f32 $1.500000000e+00, v5  }
0x3fe: {  	v4 =	vadd.f32 v6, v4;
	v23 =	vld [tilespmem:s10+$0x0];
	v25 =	vmul.f32 v12, v25;
	v27 =	vsub.f32 $1.500000000e+00, v27  }
0x3ff: {  	v6 =	vld [tilespmem:s6+$0xFFFFFFF0];
	v5 =	vmul.f32 v2, v2;
	v10 =	vsub.f32 $1.500000000e+00, v10;
	v28 =	vmul.f32 v9, v28  }
0x400: {  	v2 =	vmul.f32 v4, v4;
	v9 =	vsub.f32 $1.500000000e+00, v25;
	v18 =	vmul.f32 v18, v27  }
0x401: {  	v4 =	vmul.f32 v21, v10;
	v10 =	vadd.f32 v19, v11;
	v11 =	vmul.f32 v28, v13  }
0x402: {  	v19 =	vmul.f32 v12, v9;
	v9 =	vadd.f32 v24, v22;
	v12 =	vmul.f32 v18, v17  }
0x403: {  	v23 =	vadd.f32 v23, v26;
	v22 =	vmul.f32 v4, v16;
	v11 =	vmul.f32 v11, v28  }
0x404: {  	v27 =	vld [tilespmem:s5+$0xFFFFFFE0];
	v26 =	vadd.f32 v6, v29;
	v25 =	vmul.f32 v19, v20;
	v12 =	vmul.f32 v12, v18  }
0x405: {  	v21 =	vld [tilespmem:s8+$0xFFFFFFF0];
	v6 =	vmul.f32 v10, v10;
	v22 =	vmul.f32 v22, v4;
	v10 =	vsub.f32 $1.500000000e+00, v11  }
0x406: {  	v24 =	vld [tilespmem:s10+$0xFFFFFFF0];
	v9 =	vmul.f32 v9, v9;
	v25 =	vmul.f32 v25, v19;
	v30 =	vsub.f32 $1.500000000e+00, v12  }
0x407: {  	v29 =	vld [tilespmem:s6+$0xFFFFFFE0];
	v11 =	vmul.f32 v23, v23;
	v22 =	vsub.f32 $1.500000000e+00, v22;
	v23 =	vmul.f32 v10, v28  }
0x408: {  	v31 =	vld [tilespmem:s8+$0xFFFFFFE0];
	v12 =	vmul.f32 v26, v26;
	v25 =	vsub.f32 $1.500000000e+00, v25;
	v18 =	vmul.f32 v30, v18  }
0x409: {  	v28 =	vld [tilespmem:s10+$0xFFFFFFE0];
	v10 =	vimm.f32 $0.0e+00;
	v22 =	vmul.f32 v22, v4;
	v13 =	vmul.f32 v23, v13  }
0x40a: {  	v4 =	vimm.f32 $1.000000000e+00;
	v25 =	vmul.f32 v25, v19;
	v17 =	vmul.f32 v18, v17  }
0x40b: {  	v19 =	vadd.f32 v24, v21;
	v16 =	vmul.f32 v22, v16;
	v13 =	vmul.f32 v13, v23  }
0x40c: {  	v21 =	vadd.f32 v29, v27;
	v20 =	vmul.f32 v25, v20;
	v17 =	vmul.f32 v17, v18  }
0x40d: {  	v19 =	vmul.f32 v19, v19;
	v16 =	vmul.f32 v16, v22;
	v13 =	vsub.f32 $1.500000000e+00, v13  }
0x40e: {  	v24 =	vadd.f32 v28, v31;
	v26 =	vmul.f32 v20, v25;
	v17 =	vsub.f32 $1.500000000e+00, v17  }
0x40f: {  	v20 =	vmul.f32 v21, v21;
	v16 =	vsub.f32 $1.500000000e+00, v16;
	v23 =	vmul.f32 v13, v23  }
0x410: {  	p0 =	slt.u32 s12, $0x2710;
	v21 =	vmul.f32 v24, v24;
	v24 =	vsub.f32 $1.500000000e+00, v26;
	v17 =	vmul.f32 v17, v18  }
0x411: {  	p1 =	slt.u32 s14, $0x2710;
	v13 =	vpsel !p0, $0x0, v4;
	v16 =	vmul.f32 v16, v22;
	v18 =	vmul.f32 v23, v14  }
0x412: {  	v14 =	vpsel !p1, $0x0, v4;
	v22 =	vmul.f32 v24, v25;
	v15 =	vmul.f32 v17, v15  }
0x413: {  	v8 =	vmul.f32 v16, v8;
	v27 =	vsub.f32 $9.499999880e-01, v18;
	v16 =	vadd.f32 $-1.049999950e+00, v18  }
0x414: {  	p5 =	slt.u32 s11, $0x2710;
	v7 =	vmul.f32 v22, v7;
	v24 =	vsub.f32 $9.499999880e-01, v15;
	v18 =	vadd.f32 $-1.049999950e+00, v15  }
0x415: {  	p6 =	slt.u32 s13, $0x2710;
	v17 =	vpsel !p5, $0x0, v4;
	v23 =	vsub.f32 $9.499999880e-01, v8;
	v22 =	vadd.f32 $-1.049999950e+00, v8  }
0x416: {  	v15 =	vpsel !p6, $0x0, v4;
	v25 =	vsub.f32 $9.499999880e-01, v7;
	v26 =	vadd.f32 $-1.049999950e+00, v7  }
0x417: {  	s12 =	simm.s32 $0x70;
	s11 =	simm.s32 $0x0;
	v27 =	vmax.f32 v27, $0.0e+00;
	v8 =	vimm.f32 $0.0e+00;
	v7 =	vimm.f32 $0.0e+00  }
.LBB2_19:
0x418: {  	s13 =	sadd.s32 s12, s9;
	v10 =	vadd.f32 v21, v10;
	v21 =	vmax.f32 v24, $0.0e+00;
	v24 =	vmul.f32 v27, v27  }
0x419: {  	s16 =	sand.u32 $0x70, s12;
	v23 =	vmax.f32 v23, $0.0e+00;
	s4 =	sadd.s32 $0x40, s4;
	s15 =	sand.u32 $0x7F80, s13;
	v25 =	vmax.f32 v25, $0.0e+00;
	v26 =	vmax.f32 v26, $0.0e+00  }
0x41a: {  	s17 =	sadd.s32 $0xFFFFFFF0, s12;
	s14 =	sadd.s32 $0xFFFFFFF0, s13;
	v27 =	vld [tilespmem:s4+$0x10];
	s16 =	sor.u32 s16, s15;
	v10 =	vadd.f32 v20, v10;
	v20 =	vmul.f32 v25, v25;
	v25 =	vmul.f32 v26, v26  }
0x41b: {  	v22 =	vmax.f32 v22, $0.0e+00;
	v18 =	vmax.f32 v18, $0.0e+00;
	s17 =	sand.u32 $0x60, s17;
	v23 =	vmul.f32 v23, v23;
	s18 =	sand.u32 $0x7F80, s14;
	v26 =	vld [tilespmem:s16+$0x0]  }
0x41c: {  	s19 =	sadd.s32 $0xFFFFFFE0, s12;
	s15 =	sadd.s32 $0xFFFFFFE0, s13;
	s17 =	sor.u32 s17, s18;
	v28 =	vld [tilespmem:s16+$0x2800];
	v20 =	vadd.f32 v25, v20;
	v10 =	vadd.f32 v19, v10;
	v19 =	vmul.f32 v22, v22  }
0x41d: {  	v16 =	vmax.f32 v16, $0.0e+00;
	s19 =	sand.u32 $0x50, s19;
	v21 =	vmul.f32 v21, v21;
	v18 =	vmul.f32 v18, v18;
	s18 =	sand.u32 $0x7F80, s15;
	v22 =	vld [tilespmem:s17+$0x0]  }
0x41e: {  	s20 =	sadd.s32 $0xFFFFFFD0, s12;
	s16 =	sadd.s32 $0xFFFFFFD0, s13;
	s18 =	sor.u32 s19, s18;
	v25 =	vld [tilespmem:s17+$0x2800];
	v15 =	vmul.f32 v20, v15;
	v10 =	vadd.f32 v12, v10;
	v12 =	vadd.f32 v19, v23  }
0x41f: {  	v5 =	vadd.f32 v5, v8;
	v16 =	vmul.f32 v16, v16;
	v8 =	vadd.f32 v18, v21;
	s19 =	sand.u32 $0x40, s20;
	s17 =	sand.u32 $0x7F80, s16;
	v19 =	vld [tilespmem:s18+$0x0]  }
0x420: {  	s11 =	sadd.s32 $0x4, s11;
	s17 =	sor.u32 s19, s17;
	v18 =	vld [tilespmem:s18+$0x2800];
	v7 =	vadd.f32 v15, v7;
	v12 =	vmul.f32 v12, v17;
	v10 =	vadd.f32 v11, v10  }
0x421: {  	p0 =	slt.u32 s11, $0x24;
	v3 =	vadd.f32 v3, v5;
	v5 =	vadd.f32 v16, v24;
	v15 =	vmul.f32 v26, v26;
	v11 =	vld [tilespmem:s17+$0x0]  }
0x422: {  	v8 =	vmul.f32 v8, v14;
	v16 =	vld [tilespmem:s17+$0x2800];
	v7 =	vadd.f32 v12, v7;
	v9 =	vadd.f32 v9, v10  }
0x423: {  	v1 =	vadd.f32 v1, v3;
	v17 =	vmul.f32 v28, v28;
	v14 =	vmul.f32 v22, v22;
	v12 =	vld [tilespmem:s4+$0x0]  }
0x424: {  	v5 =	vmul.f32 v5, v13;
	v3 =	vadd.f32 v8, v7;
	v6 =	vadd.f32 v6, v9  }
0x425: {  	v13 =	vmul.f32 v25, v25;
	v9 =	vmul.f32 v19, v19;
	v8 =	vadd.f32 v0, v1  }
0x426: {  	v18 =	vmul.f32 v18, v18;
	v10 =	vadd.f32 v2, v6;
	v7 =	vadd.f32 v5, v3  }
0x427: {  	v17 =	vadd.f32 v17, v15;
	v2 =	vmul.f32 v11, v11;
	v3 =	vmul.f32 v16, v16;
	v5 =	vld [tilespmem:s4+$0xFFFFFFF0]  }
0x428: {  	s5 =	sadd.s32 $0x40, s5;
	v0 =	vmul.f32 v27, v27;
	v16 =	vadd.f32 v13, v14;
	v6 =	vld [tilespmem:s4+$0xFFFFFFE0];
	v1 =	vmul.f32 v12, v12  }
0x429: {  	s6 =	sadd.s32 $0x40, s6;
	v18 =	vadd.f32 v18, v9;
	v15 =	vadd.f32 v3, v2;
	v2 =	vld [tilespmem:s5+$0x10];
	v3 =	vshra.s32 v17, $0x1  }
0x42a: {  	s8 =	sadd.s32 $0x40, s8;
	v13 =	vmul.f32 $5.000000000e-01, v17;
	v9 =	vshra.s32 v16, $0x1;
	v11 =	vld [tilespmem:s6+$0x10];
	v12 =	vsub.s32 $0x5F3759DF, v3  }
0x42b: {  	s10 =	sadd.s32 $0x40, s10;
	v14 =	vmul.f32 $5.000000000e-01, v18;
	v19 =	vmul.f32 $5.000000000e-01, v16;
	v3 =	vshra.s32 v18, $0x1;
	v20 =	vld [tilespmem:s8+$0x10]  }
0x42c: {  	v9 =	vsub.s32 $0x5F3759DF, v9;
	v21 =	vshra.s32 v15, $0x1;
	v23 =	vmul.f32 v12, v13;
	v22 =	vld [tilespmem:s10+$0x10]  }
0x42d: {  	v24 =	vmul.f32 $5.000000000e-01, v15;
	v25 =	vsub.s32 $0x5F3759DF, v3;
	v3 =	vmul.f32 v9, v19;
	v26 =	vld [tilespmem:s5+$0x0]  }
0x42e: {  	v21 =	vsub.s32 $0x5F3759DF, v21;
	v27 =	vmul.f32 v25, v14;
	v23 =	vmul.f32 v12, v23;
	v28 =	vld [tilespmem:s6+$0x0]  }
0x42f: {  	v29 =	vmul.f32 v21, v24;
	v31 =	vmul.f32 v9, v3;
	v30 =	vld [tilespmem:s8+$0x0]  }
0x430: {  	v3 =	vmul.f32 v5, v5;
	v27 =	vmul.f32 v25, v27;
	v23 =	vsub.f32 $1.500000000e+00, v23;
	v32 =	vld [tilespmem:s10+$0x0]  }
0x431: {  	v29 =	vmul.f32 v21, v29;
	v31 =	vsub.f32 $1.500000000e+00, v31;
	v2 =	vadd.f32 v11, v2;
	v33 =	vld [tilespmem:s5+$0xFFFFFFF0]  }
0x432: {  	v5 =	vmul.f32 v6, v6;
	v11 =	vsub.f32 $1.500000000e+00, v27;
	v12 =	vmul.f32 v12, v23;
	v6 =	vld [tilespmem:s6+$0xFFFFFFF0]  }
0x433: {  	v23 =	vsub.f32 $1.500000000e+00, v29;
	v27 =	vmul.f32 v9, v31;
	v2 =	vmul.f32 v2, v2  }
0x434: {  	v9 =	vadd.f32 v22, v20;
	v25 =	vmul.f32 v25, v11;
	v11 =	vmul.f32 v12, v13  }
0x435: {  	v20 =	vmul.f32 v21, v23;
	v22 =	vadd.f32 v28, v26;
	v23 =	vmul.f32 v27, v19;
	v21 =	vld [tilespmem:s8+$0xFFFFFFF0]  }
0x436: {  	v28 =	vmul.f32 v25, v14;
	v29 =	vadd.f32 v32, v30;
	v11 =	vmul.f32 v11, v12;
	v26 =	vld [tilespmem:s10+$0xFFFFFFF0]  }
0x437: {  	v31 =	vmul.f32 v20, v24;
	v23 =	vmul.f32 v23, v27;
	v30 =	vld [tilespmem:s5+$0xFFFFFFE0];
	v32 =	vadd.f32 v6, v33  }
0x438: {  	v28 =	vmul.f32 v28, v25;
	v6 =	vmul.f32 v9, v9;
	v34 =	vsub.f32 $1.500000000e+00, v11;
	v33 =	vld [tilespmem:s6+$0xFFFFFFE0]  }
0x439: {  	v31 =	vmul.f32 v31, v20;
	v9 =	vmul.f32 v22, v22;
	v22 =	vsub.f32 $1.500000000e+00, v23;
	v35 =	vld [tilespmem:s8+$0xFFFFFFE0]  }
0x43a: {  	v11 =	vmul.f32 v29, v29;
	v28 =	vsub.f32 $1.500000000e+00, v28;
	v29 =	vmul.f32 v34, v12;
	v23 =	vld [tilespmem:s10+$0xFFFFFFE0]  }
0x43b: {  	v31 =	vsub.f32 $1.500000000e+00, v31;
	v12 =	vmul.f32 v32, v32;
	v22 =	vmul.f32 v22, v27  }
0x43c: {  	v25 =	vmul.f32 v28, v25;
	v13 =	vmul.f32 v29, v13  }
0x43d: {  	v27 =	vmul.f32 v31, v20;
	v20 =	vadd.f32 v26, v21;
	v19 =	vmul.f32 v22, v19  }
0x43e: {  	v14 =	vmul.f32 v25, v14;
	v21 =	vadd.f32 v33, v30;
	v13 =	vmul.f32 v13, v29  }
0x43f: {  	v24 =	vmul.f32 v27, v24;
	v26 =	vmul.f32 v19, v22;
	v23 =	vadd.f32 v23, v35  }
0x440: {  	v19 =	vmul.f32 v20, v20;
	v14 =	vmul.f32 v14, v25;
	v13 =	vsub.f32 $1.500000000e+00, v13  }
0x441: {  	v20 =	vmul.f32 v21, v21;
	v24 =	vmul.f32 v24, v27;
	v26 =	vsub.f32 $1.500000000e+00, v26  }
0x442: {  	p1 =	slt.u32 s13, $0x2710;
	v14 =	vsub.f32 $1.500000000e+00, v14;
	v21 =	vmul.f32 v23, v23;
	v23 =	vmul.f32 v13, v29  }
0x443: {  	p2 =	slt.u32 s14, $0x2710;
	v24 =	vsub.f32 $1.500000000e+00, v24;
	v22 =	vmul.f32 v26, v22;
	v13 =	vpsel !p1, $0x0, v4  }
0x444: {  	p1 =	slt.u32 s15, $0x2710;
	v25 =	vmul.f32 v14, v25;
	v14 =	vpsel !p2, $0x0, v4;
	v23 =	vmul.f32 v23, v17  }
.Ltmp9:
0x445: {  	v24 =	vmul.f32 v24, v27;
	v17 =	vpsel !p1, $0x0, v4;
	v22 =	vmul.f32 v22, v16;
	(pc) =	sbr.rel @p0 .LBB2_19-.Ltmp9, $4  }
0x446: {  	v25 =	vmul.f32 v25, v18;
	v27 =	vsub.f32 $9.499999880e-01, v23;
	v16 =	vadd.f32 $-1.049999950e+00, v23  }
0x447: {  	p1 =	slt.u32 s16, $0x2710;
	v26 =	vmul.f32 v24, v15;
	v24 =	vsub.f32 $9.499999880e-01, v22;
	v18 =	vadd.f32 $-1.049999950e+00, v22  }
0x448: {  	v15 =	vpsel !p1, $0x0, v4;
	v23 =	vsub.f32 $9.499999880e-01, v25;
	v22 =	vadd.f32 $-1.049999950e+00, v25  }
0x449: {  	s12 =	sadd.s32 $0x40, s12;
	v25 =	vsub.f32 $9.499999880e-01, v26;
	v26 =	vadd.f32 $-1.049999950e+00, v26;
	v27 =	vmax.f32 v27, $0.0e+00  }
0x44a: {  	v4 =	vadd.f32 v21, v10  }
0x44b: {  	v46 =	vmax.f32 v24, $0.0e+00;
	v47 =	vmul.f32 v27, v27;
	v23 =	vmax.f32 v23, $0.0e+00  }
0x44c: {  	v48 =	vmax.f32 v25, $0.0e+00;
	v49 =	vmax.f32 v26, $0.0e+00;
	v4 =	vadd.f32 v20, v4  }
0x44d: {  	v22 =	vmax.f32 v22, $0.0e+00;
	v50 =	vmul.f32 v48, v48;
	v51 =	vmul.f32 v49, v49  }
0x44e: {  	v18 =	vmax.f32 v18, $0.0e+00;
	v16 =	vmax.f32 v16, $0.0e+00;
	v4 =	vadd.f32 v19, v4  }
0x44f: {  	v23 =	vmul.f32 v23, v23;
	v53 =	vmul.f32 v22, v22;
	v52 =	vadd.f32 v51, v50  }
0x450: {  	v5 =	vadd.f32 v5, v8;
	v10 =	vmul.f32 v46, v46;
	v4 =	vadd.f32 v12, v4  }
0x451: {  	v18 =	vmul.f32 v18, v18;
	v55 =	vadd.f32 v53, v23;
	v54 =	vmul.f32 v52, v15  }
0x452: {  	v57 =	vmul.f32 v16, v16;
	v3 =	vadd.f32 v3, v5;
	v4 =	vadd.f32 v11, v4  }
0x453: {  	v56 =	vadd.f32 v18, v10;
	v58 =	vmul.f32 v55, v17;
	v7 =	vadd.f32 v54, v7  }
0x454: {  	v59 =	vadd.f32 v57, v47;
	v4 =	vadd.f32 v9, v4  }
0x455: {  	v1 =	vadd.f32 v1, v3;
	v8 =	vmul.f32 v56, v14;
	v7 =	vadd.f32 v58, v7  }
0x456: {  	v60 =	vadd.f32 v6, v4  }
0x457: {  	v5 =	vmul.f32 v59, v13;
	v0 =	vadd.f32 v0, v1;
	v61 =	vadd.f32 v8, v7  }
0x458: {  	v62 =	vadd.f32 v2, v60  }
0x459: {  	[tilespmem:$0x12C70] =	vst v0;
	v63 =	vadd.f32 v5, v61  }
0x45a: {  	[tilespmem:$0x12C80] =	vst v62  }
0x45b: {  	s4 =	simm.s32 $0x12C00;
	[tilespmem:$0x12C90] =	vst v63  }
0x45c: {  	[spmem:s7] =	stream.linear.scatter [tilespmem:s4], [sflag:$0x3], $0xA0, $0x38;
	[tilespmem:$0x1A720] =	vst v63  }
0x45d: {  	s4 =	simm.s32 $0x3  }
0x45e: {  	_ =	swait.ge [sflag:s4], $0xA0  }
0x45f: {  	[sflag:s4] =	ssyncset.done $0x0  }
0x460: {  	[sflag:s4] =	ssyncadd.s32 $0xFFFFFF60  }
0x461: {  	p0 =	sne.s32 s3, $0x0;
	[bflag:$0x0] =	sbarrier.arrive $0xFFFF  }
0x462: {  	_ =	sfence.sel @p0 $0x180000  }
0x463: {  	[bflag:$0x0] =	sbarrier.arrive @p0 $0xFFFF  }
0x464: {  	_ =	strace @p0 $0x90000047  }
0x465: {  	[bflag:$0x2] =	sbarrier.arrive @p0 $0xFFFF  }
0x466: {  	_ =	shalt @p0  }
.LBB2_21:
0x467: {  	s3 =	simm.s32 $0x12D00;
	s5 =	sadd.s32 $0x0, s2  }
0x468: {  	[tilespmem:s3], [sflag:$0x3] =	stream.linear.gather [spmem:s5], $0xA0, $0x38;
	[tilespmem:$0x1A720] =	vst v63  }
0x469: {  	_ =	swait.ge [sflag:s4], $0xA0  }
0x46a: {  	[sflag:s4] =	ssyncset.done $0x0  }
0x46b: {  	[sflag:s4] =	ssyncadd.s32 $0xFFFFFF60  }
0x46c: {  	v6 =	vld [tilespmem:$0x12D90]  }
0x46d: {  	v0 =	vimm.f32 $0.0e+00;
	v9 =	vld [tilespmem:$0x12D80]  }
0x46e: {  	v1 =	vimm.f32 $0.0e+00;
	v8 =	vimm.f32 $0.0e+00;
	v2 =	vimm.f32 $0.0e+00;
	v14 =	vld [tilespmem:$0x12D20]  }
0x46f: {  	v3 =	vimm.f32 $0.0e+00;
	v4 =	vimm.f32 $0.0e+00;
	v5 =	vimm.f32 $0.0e+00;
	v10 =	vld [tilespmem:$0x12D70]  }
0x470: {  	v7 =	vimm.f32 $0.0e+00;
	v11 =	vimm.f32 $0.0e+00;
	v12 =	vimm.f32 $0.0e+00;
	s5 =	simm.s32 $0x280;
	v13 =	vld [tilespmem:$0x12D60]  }
.LBB2_22:
0x471: {  	p0 =	sne.s32 s5, $0x2580;
	v15 =	vld [tilespmem:$0x12D50];
	v0 =	vadd.f32 v6, v0;
	s6 =	smov.u32 s5;
	s5 =	sadd.s32 $0x280, s5  }
0x472: {  	v6 =	vld [tilespmem:$0x12D40];
	v1 =	vadd.f32 v9, v1  }
0x473: {  	v8 =	vadd.f32 v14, v8;
	v9 =	vld [tilespmem:$0x12D30]  }
0x474: {  	s6 =	sshra.s32 s6, $0x2;
	v14 =	vld [tilespmem:$0x12D10];
	v2 =	vadd.f32 v10, v2  }
0x475: {  	s6 =	sadd.s32 s6, s2;
	v10 =	vld [tilespmem:$0x12D00];
	v3 =	vadd.f32 v13, v3  }
0x476: {  	[tilespmem:s3], [sflag:$0x3] =	stream.linear.gather [spmem:s6], $0xA0, $0x38;
	v4 =	vadd.f32 v15, v4;
	[tilespmem:$0x1A720] =	vst v63  }
0x477: {  	_ =	swait.ge [sflag:s4], $0xA0;
	v5 =	vadd.f32 v6, v5  }
0x478: {  	[sflag:s4] =	ssyncset.done $0x0;
	v7 =	vadd.f32 v9, v7  }
0x479: {  	[sflag:s4] =	ssyncadd.s32 $0xFFFFFF60;
	v11 =	vadd.f32 v14, v11  }
.Ltmp10:
0x47a: {  	v6 =	vld [tilespmem:$0x12D90];
	v12 =	vadd.f32 v10, v12;
	(pc) =	sbr.rel @p0 .LBB2_22-.Ltmp10, $4  }
0x47b: {  	v9 =	vld [tilespmem:$0x12D80]  }
0x47c: {  	v14 =	vld [tilespmem:$0x12D20]  }
0x47d: {  	v10 =	vld [tilespmem:$0x12D70]  }
0x47e: {  	v13 =	vld [tilespmem:$0x12D60]  }
0x47f: {  	v15 =	vld [tilespmem:$0x12D00]  }
0x480: {  	v16 =	vld [tilespmem:$0x12D10];
	_ =	sdelay $0x3  }
0x481: {  	v12 =	vadd.f32 v15, v12  }
0x482: {  	v11 =	vadd.f32 v16, v11  }
0x483: {  	v8 =	vadd.f32 v14, v8;
	(xrf2) =	vadd.scan.msk.f32 $0xffff, v12  }
0x484: {  	(xrf2) =	vadd.scan.msk.f32 $0xffff, v11  }
0x485: {  	(xrf2) =	vadd.scan.msk.f32 $0xffff, v8;
	_ =	sdelay $0x3  }
0x486: {  	v36 =	vld [tilespmem:$0x12D30]  }
0x487: {  	v37 =	vld [tilespmem:$0x12D40];
	_ =	sdelay $0x2  }
0x488: {  	v38 =	vld [tilespmem:$0x12D50];
	v12, _, _ =	vpop (xrf2)  }
0x489: {  	v7 =	vadd.f32 v36, v7;
	v39, _, _ =	vpop (xrf2)  }
0x48a: {  	v5 =	vadd.f32 v37, v5;
	v40, _, _ =	vpop (xrf2)  }
0x48b: {  	(xrf2) =	vadd.scan.msk.f32 $0xffff, v7;
	v8 =	vbroadcast v40, $0xF  }
0x48c: {  	(xrf2) =	vadd.scan.msk.f32 $0xffff, v5  }
0x48d: {  	v4 =	vadd.f32 v38, v4;
	v41 =	vadd.f32 $9.999999970e-07, v8  }
0x48e: {  	v3 =	vadd.f32 v13, v3  }
0x48f: {  	(xrf2) =	vadd.scan.msk.f32 $0xffff, v4;
	(erf) = vrcp.f32 v41  }
0x490: {  	(xrf2) =	vadd.scan.msk.f32 $0xffff, v3;
	_ =	sdelay $0x4  }
0x491: {  	v42, _, _ =	vpop (xrf2)  }
0x492: {  	v2 =	vadd.f32 v10, v2;
	v43, _, _ =	vpop (xrf2)  }
0x493: {  	v1 =	vadd.f32 v9, v1;
	v3 =	vbroadcast v42, $0xF;
	v4 =	vbroadcast v43, $0xF  }
0x494: {  	v0 =	vadd.f32 v6, v0;
	(xrf2) =	vadd.scan.msk.f32 $0xffff, v2;
	v44 =	vpop (erf)  }
0x495: {  	(xrf2) =	vadd.scan.msk.f32 $0xffff, v1;
	v46, _, _ =	vpop (xrf2);
	v45 =	vmul.f32 v44, v3;
	v47 =	vmul.f32 v44, v4  }
0x496: {  	(xrf2) =	vadd.scan.msk.f32 $0xffff, v0;
	v48, _, _ =	vpop (xrf2);
	v5 =	vbroadcast v46, $0xF  }
0x497: {  	v2 =	vbroadcast v48, $0xF;
	v49 =	vadd.f32 v45, v45;
	v50 =	vadd.f32 v47, v47  }
0x498: {  	v1 =	vmul.f32 v45, v45;
	v0 =	vmul.f32 v47, v47  }
0x499: {  	v3 =	vmul.f32 v49, v3;
	v4 =	vmul.f32 v50, v4  }
0x49a: {  	v51 =	vmul.f32 v12, v12;
	v1 =	vmul.f32 v1, v8  }
0x49b: {  	v0 =	vmul.f32 v0, v8;
	v3 =	vsub.f32 v5, v3;
	v2 =	vsub.f32 v2, v4  }
0x49c: {  	v52 =	vmul.f32 $-6.249999840e-06, v51  }
0x49d: {  	v1 =	vadd.f32 v3, v1;
	v0 =	vadd.f32 v2, v0  }
0x49e: {  	v55 =	vadd.f32 v52, v39;
	v53, _, _ =	vpop (xrf2)  }
0x49f: {  	v54, _, _ =	vpop (xrf2);
	v5 =	vmul.f32 $9.999999740e-05, v53;
	v0 =	vadd.f32 v0, v1  }
0x4a0: {  	v57 =	vmul.f32 $6.250038950e-06, v55;
	v56, _, _ =	vpop (xrf2)  }
0x4a1: {  	v2 =	vadd.f32 v56, v54;
	v58 =	vbroadcast v5, $0xF;
	v0 =	vmul.f32 $5.000000000e-01, v0  }
0x4a2: {  	v59 =	vadd.f32 $-9.999000000e+03, v8;
	v60 =	vmul.f32 $6.249999840e-06, v8  }
0x4a3: {  	v1 =	vbroadcast v57, $0xF;
	v2 =	vmul.f32 $9.999999740e-05, v2;
	v0 =	vadd.f32 v0, v58  }
0x4a4: {  	v61 =	vmul.f32 v59, v59  }
0x4a5: {  	v62 =	vmul.f32 $1.000000010e-01, v60;
	v2 =	vbroadcast v2, $0xF;
	v0 =	vadd.f32 v0, v1;
	_ =	sdelay $0x1  }
0x4a6: {  	v63 =	vadd.f32 v62, v61;
	v0 =	vadd.f32 v0, v2;
	_ =	sdelay $0x1  }
0x4a7: {  	v0 =	vadd.f32 v0, v63;
	_ =	sdelay $0x1  }
0x4a8: {  	s2 =	simm.s32 $0x0;
	s3 =	simm.s32 $0x12E00;
	s31 =	simm.s32 $0x3;
	[tilespmem:$0x12E00] =	vst v0  }
0x4a9: {  	[hbm4b:s1+s2] =	stream.linear.scatter [tilespmem:s3], [sflag:$0x3], $0x80, $0x38;
	[tilespmem:$0x1A720] =	vst v63  }
0x4aa: {  	_ =	swait.ge [sflag:s31], $0x80  }
0x4ab: {  	[sflag:s31] =	ssyncset.done $0x0  }
0x4ac: {  	[sflag:s31] =	ssyncadd.s32 $0xFFFFFF80  }
0x4ad: {  	_ =	sfence.sel $0x180000  }
0x4ae: {  	[bflag:$0x0] =	sbarrier.arrive $0xFFFF  }
0x4af: {  	_ =	strace $0x90000047  }
0x4b0: {  	s0 =	sadd.s32 $0x100000, s0;
	[bflag:$0x2] =	sbarrier.arrive $0xFFFF  }
0x4b1: {  	[sflag:s0] =	ssyncadd.tile.s32 $0x1;
	_ =	shalt  }
.Lfunc_end2:
_tile_overlayer_lowered:
.L_overlay_start_2:
0x4b2: {  	(tag) =	ssettag $0x2  }
0x4b3: {  	s0 =	rddreg [dreg:$0x0];
	s2 =	stileid.u32  }
0x4b4: {  	s1 =	rddreg [dreg:$0x1];
	p0 =	sne.s32 s2, $0x0  }
0x4b5: {  	s3 =	rddreg [dreg:$0x2];
	[bflag:$0x3] =	sbarrier.arrive $0xFFFF;
	s2 =	simm.s32 @!p0 $0x1C03  }
0x4b6: {  	[timem:s3], [sflag:s2] =	dma.local @!p0 [hbm:s0], s1  }
0x4b7: {  	s0 =	simm.s32 @!p0 $0x3  }
0x4b8: {  	_ =	swait.ge @!p0 [sflag:s0], s1  }
0x4b9: {  	s1 =	ssub.s32 @!p0 $0x0, s1;
	[sflag:s0] =	ssyncset.done @!p0 $0x0  }
0x4ba: {  	[sflag:s0] =	ssyncadd.s32 @!p0 s1  }
0x4bb: {  	[bflag:$0x3] =	sbarrier.arrive $0xFFFF  }
0x4bc: {  	_ =	shalt  }

</sc_bundles>
